<compile_context>
chip_gen: v7x
topology: tpu7x:2x2x1
jax: 0.10.2.dev20260603
libtpu: 0.0.44.dev20260713+nightly
codegen_flags: <defaults>
</compile_context>

<pallas_src>
import functools

import jax
import jax.numpy as jnp
from jax import lax
from jax.experimental import pallas as pl
from jax.experimental.pallas import tpu as pltpu
from jax.experimental.pallas import tpu_sc as plsc

H = 128
_NC = 2
_NS = 16
_NW = _NC * _NS
_CH = 128

_f32 = jnp.float32
_bf16 = jnp.bfloat16


def _pad8(v):
    return jnp.pad(v.reshape(1, -1), ((0, 7), (0, 0)))


def _rep(shape):
    return pl.BlockSpec(shape, lambda i: tuple(0 for _ in shape))



def _sc_mesh():
    return plsc.VectorSubcoreMesh(core_axis_name="c", subcore_axis_name="s")


def _bgather_body(off, tbl_hbm, src_hbm, out_hbm, idx_v, row_v, sem):
    wid = lax.axis_index("s") * _NC + lax.axis_index("c")
    nch = pl.cdiv(out_hbm.shape[0], _CH)
    steps = pl.cdiv(nch, _NW)

    def chunk(i, carry):
        c = wid + i * _NW

        @pl.when(c < nch)
        def _():
            base = c * _CH
            pltpu.sync_copy(src_hbm.at[pl.ds(off + base, _CH)], idx_v)
            pltpu.async_copy(tbl_hbm.at[idx_v], row_v, sem).wait()
            pltpu.sync_copy(row_v, out_hbm.at[pl.ds(base, _CH)])

        return carry

    lax.fori_loop(0, steps, chunk, 0)


def _make_bgather(off, nrows):
    return pl.kernel(
        functools.partial(_bgather_body, off),
        out_type=jax.ShapeDtypeStruct((nrows, H), _f32),
        mesh=_sc_mesh(),
        scratch_types=[
            pltpu.VMEM((_CH,), jnp.int32),
            pltpu.VMEM((_CH, H), _f32),
            pltpu.SemaphoreType.DMA,
        ],
    )


def _agg_body(E, off, su_hbm, ein_hbm, out_hbm,
              idxA, idxB, accA, accB, sgA, sgB, saA, saB, swA, swB):
    wid = lax.axis_index("s") * _NC + lax.axis_index("c")
    nch = pl.cdiv(out_hbm.shape[0], _CH)
    steps = pl.cdiv(nch, _NW)
    bufs = ((idxA, accA, sgA, saA, swA), (idxB, accB, sgB, saB, swB))

    def halfiter(i, p):
        idx, acc, sg, sa, sw = bufs[p]
        idxp, accp, sgp, sap, swp = bufs[1 - p]
        c = wid + i * _NW
        cprev = c - _NW
        cdrain = c - 2 * _NW

        @pl.when(jnp.logical_and(i >= 2, cdrain < nch))
        def _():
            pltpu.make_async_copy(
                acc, out_hbm.at[pl.ds(cdrain * _CH, _CH)], sw).wait()

        @pl.when(c < nch)
        def _():
            gbase = off + c * _CH
            pltpu.sync_copy(ein_hbm.at[pl.ds(gbase, _CH)], idx.at[0])
            pltpu.sync_copy(ein_hbm.at[pl.ds(E + gbase, _CH)], idx.at[1])
            pltpu.sync_copy(ein_hbm.at[pl.ds(2 * E + gbase, _CH)], idx.at[2])
            pltpu.sync_copy(ein_hbm.at[pl.ds(3 * E + gbase, _CH)], idx.at[3])
            pltpu.async_copy(su_hbm.at[idx.at[0]], acc, sg)

        @pl.when(jnp.logical_and(i >= 1, cprev < nch))
        def _():
            pltpu.make_async_copy(su_hbm.at[idxp.at[0]], accp, sgp).wait()
            cp1 = pltpu.async_copy(su_hbm.at[idxp.at[1]], accp, sap, add=True)
            cp2 = pltpu.async_copy(su_hbm.at[idxp.at[2]], accp, sap, add=True)
            cp3 = pltpu.async_copy(su_hbm.at[idxp.at[3]], accp, sap, add=True)
            cp1.wait()
            cp2.wait()
            cp3.wait()
            pltpu.async_copy(accp, out_hbm.at[pl.ds(cprev * _CH, _CH)], swp)

    def pipe(i2, carry):
        halfiter(2 * i2, 0)
        halfiter(2 * i2 + 1, 1)
        return carry

    lax.fori_loop(0, (steps + 3) // 2 + 1, pipe, 0)


def _make_agg(E, off, nrows):
    return pl.kernel(
        functools.partial(_agg_body, E, off),
        out_type=jax.ShapeDtypeStruct((nrows, H), _f32),
        mesh=_sc_mesh(),
        scratch_types=[
            pltpu.VMEM((4, _CH), jnp.int32),
            pltpu.VMEM((4, _CH), jnp.int32),
            pltpu.VMEM((_CH, H), _f32),
            pltpu.VMEM((_CH, H), _f32),
            pltpu.SemaphoreType.DMA,
            pltpu.SemaphoreType.DMA,
            pltpu.SemaphoreType.DMA,
            pltpu.SemaphoreType.DMA,
            pltpu.SemaphoreType.DMA,
            pltpu.SemaphoreType.DMA,
        ],
    )



def _dot(x, w):
    return jnp.dot(x, w, preferred_element_type=_f32)


def _u_table(st, t0, aw1_r, aw2bc_r, mw1ext_r, aux2_r):
    uin = jnp.maximum(_dot(st, aw1_r[...]) + t0, 0.0)
    u = jnp.exp(jax.nn.sigmoid(_dot(uin, aw2bc_r[...]) + aux2_r[0:1]))
    return u * (_dot(st, mw1ext_r[...]) + aux2_r[1:2])


def _k1_body(aliased, *refs):
    if aliased:
        (g0_r, bout_r, j_r, pt_r, pm_r, mw2_r, mb2_r, mw3_r, mb3_r,
         wih_r, bih_r, bhh_r, aw1_r, aw2bc_r, mw1ext_r, aux2_r, _su_in,
         st_o, t0_o, ffm_o, su_o) = refs
    else:
        (g0_r, bout_r, j_r, pt_r, pm_r, mw2_r, mb2_r, mw3_r, mb3_r,
         wih_r, bih_r, bhh_r, aw1_r, aw2bc_r, mw1ext_r, aux2_r,
         st_o, t0_o, ffm_o, su_o) = refs
    g0 = g0_r[...]
    bout = bout_r[...]
    jv = j_r[...]
    pt = pt_r[...]
    pm = pm_r[...]
    t0 = g0[:, :64] + bout * pt[0:1] + jv * pt[1:2] + pt[2:3]
    ffm = g0[:, 64:] + bout * pm[0:1] + jv * pm[1:2] + pm[2:3]
    m = jnp.maximum(ffm, 0.0)
    m = jnp.maximum(_dot(m, mw2_r[...]) + mb2_r[0:1], 0.0)
    msg = _dot(m, mw3_r[...]) + mb3_r[0:1]
    gi = _dot(msg, wih_r[...]) + bih_r[0:1]
    bhh = bhh_r[0:1]
    r = jax.nn.sigmoid(gi[:, :H] + bhh[:, :H])
    z = jax.nn.sigmoid(gi[:, H:2 * H] + bhh[:, H:2 * H])
    n = jnp.tanh(gi[:, 2 * H:] + r * bhh[:, 2 * H:])
    st = (1.0 - z) * n
    st_o[...] = st
    t0_o[...] = t0.astype(_bf16)
    ffm_o[...] = ffm.astype(_bf16)
    su_o[...] = _u_table(st, t0, aw1_r, aw2bc_r, mw1ext_r, aux2_r)


def _prop_body(last, kacc, aliased, *refs):
    if last:
        (agg_r, stp_r, ffm_r, mw2_r, mb2_r, mw3_r, mb3_r,
         wih_r, bih_r, whh_r, bhh_r, gw1_r, gw2bc_r, ow1ext_r, aux2_r,
         auxg_r, acc_o) = refs
    elif aliased:
        (agg_r, stp_r, t0_r, ffm_r, mw2_r, mb2_r, mw3_r, mb3_r,
         wih_r, bih_r, whh_r, bhh_r, aw1_r, aw2bc_r, mw1ext_r, aux2_r,
         _su_in, st_o, su_o) = refs
    else:
        (agg_r, stp_r, t0_r, ffm_r, mw2_r, mb2_r, mw3_r, mb3_r,
         wih_r, bih_r, whh_r, bhh_r, aw1_r, aw2bc_r, mw1ext_r, aux2_r,
         st_o, su_o) = refs
    agg = agg_r[...]
    stp = stp_r[...]
    ffm = ffm_r[...].astype(_f32)
    m = jnp.maximum(agg[:, :64] / agg[:, 64:] + ffm, 0.0)
    m = jnp.maximum(_dot(m, mw2_r[...]) + mb2_r[0:1], 0.0)
    msg = _dot(m, mw3_r[...]) + mb3_r[0:1]
    gi = _dot(msg, wih_r[...]) + bih_r[0:1]
    gh = _dot(stp, whh_r[...]) + bhh_r[0:1]
    r = jax.nn.sigmoid(gi[:, :H] + gh[:, :H])
    z = jax.nn.sigmoid(gi[:, H:2 * H] + gh[:, H:2 * H])
    n = jnp.tanh(gi[:, 2 * H:] + r * gh[:, 2 * H:])
    st = (1.0 - z) * n + z * stp
    if last:
        auxg = auxg_r[...]
        aux2 = aux2_r[...]
        g = jnp.maximum(_dot(st, gw1_r[...]) + auxg[2:3], 0.0)
        ow = jnp.exp(jax.nn.sigmoid(_dot(g, gw2bc_r[...]) + aux2[2:3]))
        part = ow * (_dot(st, ow1ext_r[...]) + aux2[1:2])
        i = pl.program_id(0)

        @pl.when(i % kacc == 0)
        def _():
            acc_o[...] = part

        @pl.when(i % kacc != 0)
        def _():
            acc_o[...] += part
    else:
        st_o[...] = st
        su_o[...] = _u_table(st, t0_r[...].astype(_f32), aw1_r, aw2bc_r,
                             mw1ext_r, aux2_r)


def _k4_body(sa_r, sb_r, b_r, auxo_r, ow2_r, ob2_r, ow3_r, ob3_r, y_o):
    s = sa_r[...] + sb_r[...]
    auxo = auxo_r[...]
    bv = b_r[...]
    o = jnp.maximum(s[:, :64] / s[:, 64:] + bv * auxo[0:1] + auxo[1:2], 0.0)
    o = jnp.maximum(_dot(o, ow2_r[...]) + ob2_r[0:1], 0.0)
    y = _dot(o, ow3_r[...]) + ob3_r[0:1]
    lane = lax.broadcasted_iota(jnp.int32, y.shape, 1)
    valid = lane < 2
    ym = jnp.where(valid, y, -jnp.inf)
    mx = jnp.max(ym, axis=1, keepdims=True)
    e = jnp.where(valid, jnp.exp(y - mx), 0.0)
    lse = mx + jnp.log(jnp.sum(e, axis=1, keepdims=True))
    y_o[...] = y - lse



def kernel(J_msg, b, msg_node, idx_msg_edge, degree,
           mW1, mb1, mW2, mb2, mW3, mb3,
           aW1, ab1, aW2, ab2,
           Wih, Whh, bih, bhh,
           gW1, gb1, gW2, gb2,
           oW1, ob1, oW2, ob2, oW3, ob3):
    E = J_msg.shape[0]
    N = b.shape[0]
    K = E // N
    R = 2000
    grid_e = E // R
    nb = N // R
    half = E // 2
    gh = grid_e // 2
    kh = K // 2

    src = msg_node[:, 0]
    edge_in = idx_msg_edge[:, 0]

    def combo(W8):
        va = W8[:, 0] - W8[:, 1]
        vb = W8[:, 2] - W8[:, 3]
        vc = W8[:, 4] - W8[:, 5] - W8[:, 6] + W8[:, 7]
        return va, vb, vc

    va_a, vb_a, vc_a = combo(aW1[:, H:])
    va_m, vb_m, vc_m = combo(mW1[:, H:])
    TBLN = jnp.concatenate([b * va_a[None], b * va_m[None]], axis=1)
    PT = jnp.pad(jnp.stack([vb_a, vc_a, ab1], 0), ((0, 5), (0, 0)))
    PM = jnp.pad(jnp.stack([vb_m, vc_m, mb1], 0), ((0, 5), (0, 0)))
    aW1dT = aW1[:, :H].T
    mW1dT = mW1[:, :H].T
    mW2T = mW2.T
    mW3T = mW3.T
    WihT = Wih.T
    WhhT = Whh.T
    gW1T = gW1.T
    oW1dT = oW1[:, :H].T
    oW2T = oW2.T
    oW3p = jnp.zeros((64, 128), _f32).at[:, :2].set(oW3.T)
    vb_o = oW1[:, H] - oW1[:, H + 1]
    aW2bc = jnp.broadcast_to(aW2[0][:, None], (64, 128))
    gW2bc = jnp.broadcast_to(gW2[0][:, None], (64, 128))
    mW1ext = jnp.zeros((128, 128), _f32).at[:, :64].set(mW1dT)
    oW1ext = jnp.zeros((128, 128), _f32).at[:, :64].set(oW1dT)
    cext = jnp.concatenate([jnp.zeros((64,), _f32), jnp.ones((64,), _f32)])
    AUX2 = jnp.pad(jnp.stack([jnp.full((128,), ab2[0], _f32), cext,
                              jnp.full((128,), gb2[0], _f32)], 0),
                   ((0, 5), (0, 0)))
    AUXG = jnp.pad(jnp.stack([gW2[0], jnp.full((64,), gb2[0], _f32), gb1], 0),
                   ((0, 5), (0, 0)))
    AUXO = jnp.pad(jnp.stack([vb_o, ob1], 0), ((0, 6), (0, 0)))
    mb2p = _pad8(mb2)
    mb3p = _pad8(mb3)
    bihp = _pad8(bih)
    bhhp = _pad8(bhh)
    ob2p = _pad8(ob2)
    ob3p = jnp.zeros((8, 128), _f32).at[0, :2].set(ob3)

    def row(w, off=0):
        return pl.BlockSpec((R, w), lambda i, off=off: (i + off, 0))

    def bout_spec(off):
        return pl.BlockSpec((R, 1), lambda i, off=off: ((i + off) % nb, 0))

    wspecs = [_rep((64, 64)), _rep((8, 64)), _rep((64, 128)), _rep((8, 128)),
              _rep((128, 384)), _rep((8, 384)), _rep((128, 384)),
              _rep((8, 384)), _rep((128, 64)), _rep((64, 128)),
              _rep((128, 128)), _rep((8, 128))]
    wargs = (mW2T, mb2p, mW3T, mb3p, WihT, bihp, WhhT, bhhp,
             aW1dT, aW2bc, mW1ext, AUX2)

    g0a = _make_bgather(0, half)(TBLN, src)
    g0b = _make_bgather(half, half)(TBLN, src)

    k1_wspecs = [_rep((8, 64)), _rep((8, 64)), _rep((64, 64)), _rep((8, 64)),
                 _rep((64, 128)), _rep((8, 128)), _rep((128, 384)),
                 _rep((8, 384)), _rep((8, 384)), _rep((128, 64)),
                 _rep((64, 128)), _rep((128, 128)), _rep((8, 128))]
    k1_wargs = (PT, PM, mW2T, mb2p, mW3T, mb3p, WihT, bihp, bhhp,
                aW1dT, aW2bc, mW1ext, AUX2)

    k1a = pl.pallas_call(
        functools.partial(_k1_body, False),
        grid=(gh,),
        in_specs=[row(H), bout_spec(0), row(1)] + k1_wspecs,
        out_specs=[row(H), row(64), row(64), row(H)],
        out_shape=[jax.ShapeDtypeStruct((half, H), _f32),
                   jax.ShapeDtypeStruct((half, 64), _bf16),
                   jax.ShapeDtypeStruct((half, 64), _bf16),
                   jax.ShapeDtypeStruct((E, H), _f32)],
    )
    st1a, T0a, ffma, su = k1a(g0a, b, J_msg, *k1_wargs)

    k1b = pl.pallas_call(
        functools.partial(_k1_body, True),
        grid=(gh,),
        in_specs=[row(H), bout_spec(gh), row(1, gh)] + k1_wspecs +
                 [pl.BlockSpec(memory_space=pl.ANY)],
        out_specs=[row(H), row(64), row(64), row(H, gh)],
        out_shape=[jax.ShapeDtypeStruct((half, H), _f32),
                   jax.ShapeDtypeStruct((half, 64), _bf16),
                   jax.ShapeDtypeStruct((half, 64), _bf16),
                   jax.ShapeDtypeStruct((E, H), _f32)],
        input_output_aliases={16: 3},
    )
    st1b, T0b, ffmb, su = k1b(g0b, b, J_msg, *k1_wargs, su)

    agg_a = _make_agg(E, 0, half)
    agg_b = _make_agg(E, half, half)

    ga = agg_a(su, edge_in)
    gb = agg_b(su, edge_in)
    k2a = pl.pallas_call(
        functools.partial(_prop_body, False, None, False),
        grid=(gh,),
        in_specs=[row(H), row(H), row(64), row(64)] + wspecs,
        out_specs=[row(H), row(H)],
        out_shape=[jax.ShapeDtypeStruct((half, H), _f32),
                   jax.ShapeDtypeStruct((E, H), _f32)],
    )
    st2a, su2 = k2a(ga, st1a, T0a, ffma, *wargs)
    k2b = pl.pallas_call(
        functools.partial(_prop_body, False, None, True),
        grid=(gh,),
        in_specs=[row(H), row(H), row(64), row(64)] + wspecs +
                 [pl.BlockSpec(memory_space=pl.ANY)],
        out_specs=[row(H), row(H, gh)],
        out_shape=[jax.ShapeDtypeStruct((half, H), _f32),
                   jax.ShapeDtypeStruct((E, H), _f32)],
        input_output_aliases={16: 1},
    )
    st2b, su = k2b(gb, st1b, T0b, ffmb, *wargs, su2)

    ga = agg_a(su, edge_in)
    gb = agg_b(su, edge_in)
    bi = lambda j: (j % kh) * nb + j // kh
    erow = lambda w: pl.BlockSpec((R, w), lambda j: (bi(j), 0))
    k3 = pl.pallas_call(
        functools.partial(_prop_body, True, kh, False),
        grid=(gh,),
        in_specs=[erow(H), erow(H), erow(64),
                  _rep((64, 64)), _rep((8, 64)), _rep((64, 128)),
                  _rep((8, 128)), _rep((128, 384)), _rep((8, 384)),
                  _rep((128, 384)), _rep((8, 384)), _rep((128, 64)),
                  _rep((64, 128)), _rep((128, 128)), _rep((8, 128)),
                  _rep((8, 64))],
        out_specs=[pl.BlockSpec((R, H), lambda j: (j // kh, 0))],
        out_shape=[jax.ShapeDtypeStruct((N, H), _f32)],
    )
    k3_wargs = (mW2T, mb2p, mW3T, mb3p, WihT, bihp, WhhT, bhhp,
                gW1T, gW2bc, oW1ext, AUX2, AUXG)
    (s_a,) = k3(ga, st2a, ffma, *k3_wargs)
    (s_b,) = k3(gb, st2b, ffmb, *k3_wargs)

    k4 = pl.pallas_call(
        _k4_body,
        grid=(nb,),
        in_specs=[pl.BlockSpec((R, H), lambda i: (i, 0)),
                  pl.BlockSpec((R, H), lambda i: (i, 0)),
                  pl.BlockSpec((R, 1), lambda i: (i, 0)),
                  _rep((8, 64)), _rep((64, 64)), _rep((8, 64)),
                  _rep((64, 128)), _rep((8, 128))],
        out_specs=[pl.BlockSpec((R, 128), lambda i: (i, 0))],
        out_shape=[jax.ShapeDtypeStruct((N, 128), _f32)],
    )
    (ypad,) = k4(s_a, s_b, b, AUXO, oW2T, ob2p, oW3p, ob3p)
    return ypad[:, :2]

# --- scband reference (transcript-rebuilt; emitter-appended) ---
"""Pipeline reference for scband-msg-gnn-12395275616819 (READ-ONLY COPY).

The authoritative reference and input builder live on the scoring server;
editing this copy changes nothing except your own understanding.
"""

import jax, jax.numpy as jnp
import numpy as np

N = 10000
E = 160000
EM = 640000
H = 128
NUM_PROP = 3


def _xavier(key, out_dim, in_dim):
    limit = float(np.sqrt(6.0 / (in_dim + out_dim)))
    return jax.random.uniform(key, (out_dim, in_dim), minval=-limit, maxval=limit, dtype=jnp.float32)


def setup_inputs(seed: int = 0):
    key = jax.random.key(seed)
    ks = jax.random.split(key, 24)
    J_msg = jax.random.normal(ks[0], (E, 1), dtype=jnp.float32)
    b = jax.random.normal(ks[1], (N, 1), dtype=jnp.float32)
    src = jax.random.randint(ks[2], (E,), 0, N, dtype=jnp.int32)
    dst = jnp.arange(E, dtype=jnp.int32) % N
    msg_node = jnp.stack([src, dst], axis=1)
    edge_in = jax.random.randint(ks[3], (EM,), 0, E, dtype=jnp.int32)
    edge_out = jnp.arange(EM, dtype=jnp.int32) % E
    idx_msg_edge = jnp.stack([edge_in, edge_out], axis=1)
    degree = jax.random.randint(ks[4], (N, 1), 1, 64, dtype=jnp.int32)
    inp = {"J_msg": J_msg, "b": b, "msg_node": msg_node, "idx_msg_edge": idx_msg_edge, "degree": degree}
    inp.update({
        "mW1": _xavier(ks[5], 64, H + 8), "mb1": jnp.zeros((64,), jnp.float32),
        "mW2": _xavier(ks[6], 64, 64), "mb2": jnp.zeros((64,), jnp.float32),
        "mW3": _xavier(ks[7], H, 64), "mb3": jnp.zeros((H,), jnp.float32),
        "aW1": _xavier(ks[8], 64, H + 8), "ab1": jnp.zeros((64,), jnp.float32),
        "aW2": _xavier(ks[9], 1, 64), "ab2": jnp.zeros((1,), jnp.float32),
        "Wih": _xavier(ks[10], 3 * H, H), "Whh": _xavier(ks[11], 3 * H, H),
        "bih": jnp.zeros((3 * H,), jnp.float32), "bhh": jnp.zeros((3 * H,), jnp.float32),
        "gW1": _xavier(ks[12], 64, H), "gb1": jnp.zeros((64,), jnp.float32),
        "gW2": _xavier(ks[13], 1, 64), "gb2": jnp.zeros((1,), jnp.float32),
        "oW1": _xavier(ks[14], 64, H + 2), "ob1": jnp.zeros((64,), jnp.float32),
        "oW2": _xavier(ks[15], 64, 64), "ob2": jnp.zeros((64,), jnp.float32),
        "oW3": _xavier(ks[16], 2, 64), "ob3": jnp.zeros((2,), jnp.float32),
    })
    return inp


def _forward(J_msg, b, msg_node, idx_msg_edge,
             mW1, mb1, mW2, mb2, mW3, mb3,
             aW1, ab1, aW2, ab2,
             Wih, Whh, bih, bhh,
             gW1, gb1, gW2, gb2,
             oW1, ob1, oW2, ob2, oW3, ob3):
    num_node = b.shape[0]
    num_msg = msg_node.shape[0]
    b_in = b[msg_node[:, 0]].reshape(-1, 1)
    b_out = b[msg_node[:, 1]].reshape(-1, 1)
    edge_in = idx_msg_edge[:, 0]
    edge_out = idx_msg_edge[:, 1]
    ff_in = jnp.concatenate([b_in[edge_in], -b_in[edge_in], b_out[edge_in], -b_out[edge_in],
                             J_msg[edge_in], -J_msg[edge_in], -J_msg[edge_in], J_msg[edge_in]], axis=1)
    ff_out = jnp.concatenate([b_in, -b_in, b_out, -b_out, J_msg, -J_msg, -J_msg, J_msg], axis=1)

    def gru(x, h):
        gi = x @ Wih.T + bih
        gh = h @ Whh.T + bhh
        i_r, i_z, i_n = jnp.split(gi, 3, axis=1)
        h_r, h_z, h_n = jnp.split(gh, 3, axis=1)
        r = jax.nn.sigmoid(i_r + h_r)
        z = jax.nn.sigmoid(i_z + h_z)
        n = jnp.tanh(i_n + r * h_n)
        return (1.0 - z) * n + z * h

    state = jnp.zeros((num_msg, H), dtype=jnp.float32)
    for _ in range(NUM_PROP):
        state_in = state[edge_in]
        a = jax.nn.relu(jnp.concatenate([state_in, ff_in], axis=1) @ aW1.T + ab1)
        aw = jnp.exp(jax.nn.sigmoid(a @ aW2.T + ab2))
        norm = jnp.zeros((num_msg, 1), jnp.float32).at[edge_out].add(aw)
        aw = aw / norm[edge_out]
        state_agg = jnp.zeros((num_msg, H), jnp.float32).at[edge_out].add(aw * state_in)
        m = jax.nn.relu(jnp.concatenate([state_agg, ff_out], axis=1) @ mW1.T + mb1)
        m = jax.nn.relu(m @ mW2.T + mb2)
        msg = m @ mW3.T + mb3
        state = gru(msg, state)

    g = jax.nn.relu(state @ gW1.T + gb1)
    ow = jnp.exp(jax.nn.sigmoid(g @ gW2.T + gb2))
    onorm = jnp.zeros((num_node, 1), jnp.float32).at[msg_node[:, 1]].add(ow)
    ow = ow / onorm[msg_node[:, 1]]
    out_agg = jnp.zeros((num_node, H), jnp.float32).at[msg_node[:, 1]].add(ow * state)
    o = jax.nn.relu(jnp.concatenate([out_agg, b, -b], axis=1) @ oW1.T + ob1)
    o = jax.nn.relu(o @ oW2.T + ob2)
    y = o @ oW3.T + ob3
    return jax.nn.log_softmax(y, axis=1)


def reference(J_msg, b, msg_node, idx_msg_edge, degree,
              mW1, mb1, mW2, mb2, mW3, mb3,
              aW1, ab1, aW2, ab2,
              Wih, Whh, bih, bhh,
              gW1, gb1, gW2, gb2,
              oW1, ob1, oW2, ob2, oW3, ob3):
    return _forward(J_msg, b, msg_node, idx_msg_edge,
                    mW1, mb1, mW2, mb2, mW3, mb3,
                    aW1, ab1, aW2, ab2,
                    Wih, Whh, bih, bhh,
                    gW1, gb1, gW2, gb2,
                    oW1, ob1, oW2, ob2, oW3, ob3)

if __name__ == "__main__":
    import jax
    _d = setup_inputs()
    print(jax.jit(kernel)(*tuple(_d.values())))

</pallas_src>

<mosaic_0001>
#map = affine_map<(d0, d1) -> (0, 0)>
#map1 = affine_map<(d0, d1) -> (0)>
module attributes {stable_mosaic.version = 14 : i64} {
  func.func @_agg_body(%arg0: i32, %arg1: i32, %arg2: memref<160000x128xf32, #tpu.memory_space<hbm>>, %arg3: memref<640000xi32, #tpu.memory_space<hbm>>, %arg4: memref<80000x128xf32, #tpu.memory_space<hbm>>, %arg5: memref<4x128xi32, #tpu.memory_space<vmem>>, %arg6: memref<4x128xi32, #tpu.memory_space<vmem>>, %arg7: memref<128x128xf32, #tpu.memory_space<vmem>>, %arg8: memref<128x128xf32, #tpu.memory_space<vmem>>, %arg9: memref<!tpu.dma_semaphore, #tpu.memory_space<semaphore_mem>>, %arg10: memref<!tpu.dma_semaphore, #tpu.memory_space<semaphore_mem>>, %arg11: memref<!tpu.dma_semaphore, #tpu.memory_space<semaphore_mem>>, %arg12: memref<!tpu.dma_semaphore, #tpu.memory_space<semaphore_mem>>, %arg13: memref<!tpu.dma_semaphore, #tpu.memory_space<semaphore_mem>>, %arg14: memref<!tpu.dma_semaphore, #tpu.memory_space<semaphore_mem>>) attributes {dimension_semantics = [#tpu.dimension_semantics<core_parallel>, #tpu.dimension_semantics<subcore_parallel>], iteration_bounds = array<i64: 2, 16>, scalar_prefetch = 0 : i64, scratch_operands = 10 : i64, tpu.core_type = #tpu.core_type<sc_vector_subcore>, window_params = [{transform_indices = #map}, {transform_indices = #map1}, {transform_indices = #map}]} {
    %mul3A = arith.constant 2 : i32
    %mul3A_0 = arith.muli %arg1, %mul3A : i32
    %add3A = arith.addi %mul3A_0, %arg0 : i32
    %scan3A = arith.constant 0 : i32
    %scan3A_1 = arith.constant 0 : i32
    %scan3A_2 = arith.constant 12 : i32
    %scan3A_3 = arith.addi %scan3A_1, %scan3A_2 : i32
    %scan3A_4 = arith.constant 1 : i32
    scf.for %scan3A_6 = %scan3A_1 to %scan3A_3 step %scan3A_4  : i32 {
      %mul3A_7 = arith.constant 2 : i32
      %mul3A_8 = arith.muli %mul3A_7, %scan3A_6 : i32
      %mul3A_9 = arith.constant 32 : i32
      %mul3A_10 = arith.muli %mul3A_8, %mul3A_9 : i32
      %add3A_11 = arith.addi %add3A, %mul3A_10 : i32
      %sub3A = arith.constant 32 : i32
      %sub3A_12 = arith.subi %add3A_11, %sub3A : i32
      %sub3A_13 = arith.constant 64 : i32
      %sub3A_14 = arith.subi %add3A_11, %sub3A_13 : i32
      %ge3A = arith.constant 2 : i32
      %ge3A_15 = arith.cmpi sge, %mul3A_8, %ge3A : i32
      %lt3A = arith.constant 625 : i32
      %lt3A_16 = arith.cmpi slt, %sub3A_14, %lt3A : i32
      %and3A = arith.andi %ge3A_15, %lt3A_16 : i1
      %convert_element_type3A = arith.extui %and3A : i1 to i32
      %cond3A = arith.constant 0 : i32
      %cond3A_17 = arith.cmpi ne, %convert_element_type3A, %cond3A : i32
      scf.if %cond3A_17 {
        %mul3A_63 = arith.constant 128 : i32
        %mul3A_64 = arith.muli %sub3A_14, %mul3A_63 : i32
        %dma_wait3A = arith.constant 0 : i32
        %dma_wait3A_65 = tpu.memref_slice %arg4[%mul3A_64, %dma_wait3A] : memref<80000x128xf32, #tpu.memory_space<hbm>> -> memref<128x128xf32, #tpu.memory_space<hbm>>
        %dma_wait3A_66 = arith.constant 0 : i32
        %dma_wait3A_67 = tpu.memref_slice %arg4[%mul3A_64, %dma_wait3A_66] : memref<80000x128xf32, #tpu.memory_space<hbm>> -> memref<128x128xf32, #tpu.memory_space<hbm>>
        tpu.wait_dma2 semaphore(%arg13 : memref<!tpu.dma_semaphore, #tpu.memory_space<semaphore_mem>>) src(%arg7 : memref<128x128xf32, #tpu.memory_space<vmem>>) dst(%dma_wait3A_67 : memref<128x128xf32, #tpu.memory_space<hbm>>)
      } else {
      }
      %lt3A_18 = arith.constant 625 : i32
      %lt3A_19 = arith.cmpi slt, %add3A_11, %lt3A_18 : i32
      %convert_element_type3A_20 = arith.extui %lt3A_19 : i1 to i32
      %cond3A_21 = arith.constant 0 : i32
      %cond3A_22 = arith.cmpi ne, %convert_element_type3A_20, %cond3A_21 : i32
      scf.if %cond3A_22 {
        %mul3A_63 = arith.constant 128 : i32
        %mul3A_64 = arith.muli %add3A_11, %mul3A_63 : i32
        %add3A_65 = arith.constant 80000 : i32
        %add3A_66 = arith.addi %add3A_65, %mul3A_64 : i32
        %run_scoped3A = arith.constant 0 : i32
        "tpu.region"() ({
          %run_scoped3A_82 = tpu.sem_alloc : memref<!tpu.dma_semaphore, #tpu.memory_space<semaphore_mem>>
          %dma_start3A_83 = arith.constant 0 : i32
          %dma_start3A_84 = tpu.memref_slice %arg5[%run_scoped3A, %dma_start3A_83] : memref<4x128xi32, #tpu.memory_space<vmem>> -> memref<1x128xi32, #tpu.memory_space<vmem>>
          %dma_start3A_85 = tpu.memref_squeeze %dma_start3A_84 : memref<1x128xi32, #tpu.memory_space<vmem>> -> memref<128xi32, #tpu.memory_space<vmem>>
          %dma_start3A_86 = tpu.memref_slice %arg3[%add3A_66] : memref<640000xi32, #tpu.memory_space<hbm>> -> memref<128xi32, #tpu.memory_space<hbm>>
          %dma_start3A_87 = arith.constant 0 : i32
          %dma_start3A_88 = tpu.memref_slice %arg5[%run_scoped3A, %dma_start3A_87] : memref<4x128xi32, #tpu.memory_space<vmem>> -> memref<1x128xi32, #tpu.memory_space<vmem>>
          %dma_start3A_89 = tpu.memref_squeeze %dma_start3A_88 : memref<1x128xi32, #tpu.memory_space<vmem>> -> memref<128xi32, #tpu.memory_space<vmem>>
          %dma_start3A_90 = tpu.memref_slice %arg3[%add3A_66] : memref<640000xi32, #tpu.memory_space<hbm>> -> memref<128xi32, #tpu.memory_space<hbm>>
          tpu.enqueue_dma source(%dma_start3A_90 : memref<128xi32, #tpu.memory_space<hbm>>) target(%dma_start3A_89 : memref<128xi32, #tpu.memory_space<vmem>>) target_semaphore(%run_scoped3A_82 : memref<!tpu.dma_semaphore, #tpu.memory_space<semaphore_mem>>)
          %dma_wait3A = arith.constant 0 : i32
          %dma_wait3A_91 = tpu.memref_slice %arg5[%run_scoped3A, %dma_wait3A] : memref<4x128xi32, #tpu.memory_space<vmem>> -> memref<1x128xi32, #tpu.memory_space<vmem>>
          %dma_wait3A_92 = tpu.memref_squeeze %dma_wait3A_91 : memref<1x128xi32, #tpu.memory_space<vmem>> -> memref<128xi32, #tpu.memory_space<vmem>>
          %dma_wait3A_93 = tpu.memref_slice %arg3[%add3A_66] : memref<640000xi32, #tpu.memory_space<hbm>> -> memref<128xi32, #tpu.memory_space<hbm>>
          %dma_wait3A_94 = arith.constant 0 : i32
          %dma_wait3A_95 = tpu.memref_slice %arg5[%run_scoped3A, %dma_wait3A_94] : memref<4x128xi32, #tpu.memory_space<vmem>> -> memref<1x128xi32, #tpu.memory_space<vmem>>
          %dma_wait3A_96 = tpu.memref_squeeze %dma_wait3A_95 : memref<1x128xi32, #tpu.memory_space<vmem>> -> memref<128xi32, #tpu.memory_space<vmem>>
          %dma_wait3A_97 = tpu.memref_slice %arg3[%add3A_66] : memref<640000xi32, #tpu.memory_space<hbm>> -> memref<128xi32, #tpu.memory_space<hbm>>
          tpu.wait_dma2 semaphore(%run_scoped3A_82 : memref<!tpu.dma_semaphore, #tpu.memory_space<semaphore_mem>>) src(%dma_wait3A_97 : memref<128xi32, #tpu.memory_space<hbm>>) dst(%dma_wait3A_96 : memref<128xi32, #tpu.memory_space<vmem>>)
          tpu.yield
        }) : () -> ()
        %add3A_67 = arith.constant 160000 : i32
        %add3A_68 = arith.addi %add3A_67, %add3A_66 : i32
        %run_scoped3A_69 = arith.constant 1 : i32
        "tpu.region"() ({
          %run_scoped3A_82 = tpu.sem_alloc : memref<!tpu.dma_semaphore, #tpu.memory_space<semaphore_mem>>
          %dma_start3A_83 = arith.constant 0 : i32
          %dma_start3A_84 = tpu.memref_slice %arg5[%run_scoped3A_69, %dma_start3A_83] : memref<4x128xi32, #tpu.memory_space<vmem>> -> memref<1x128xi32, #tpu.memory_space<vmem>>
          %dma_start3A_85 = tpu.memref_squeeze %dma_start3A_84 : memref<1x128xi32, #tpu.memory_space<vmem>> -> memref<128xi32, #tpu.memory_space<vmem>>
          %dma_start3A_86 = tpu.memref_slice %arg3[%add3A_68] : memref<640000xi32, #tpu.memory_space<hbm>> -> memref<128xi32, #tpu.memory_space<hbm>>
          %dma_start3A_87 = arith.constant 0 : i32
          %dma_start3A_88 = tpu.memref_slice %arg5[%run_scoped3A_69, %dma_start3A_87] : memref<4x128xi32, #tpu.memory_space<vmem>> -> memref<1x128xi32, #tpu.memory_space<vmem>>
          %dma_start3A_89 = tpu.memref_squeeze %dma_start3A_88 : memref<1x128xi32, #tpu.memory_space<vmem>> -> memref<128xi32, #tpu.memory_space<vmem>>
          %dma_start3A_90 = tpu.memref_slice %arg3[%add3A_68] : memref<640000xi32, #tpu.memory_space<hbm>> -> memref<128xi32, #tpu.memory_space<hbm>>
          tpu.enqueue_dma source(%dma_start3A_90 : memref<128xi32, #tpu.memory_space<hbm>>) target(%dma_start3A_89 : memref<128xi32, #tpu.memory_space<vmem>>) target_semaphore(%run_scoped3A_82 : memref<!tpu.dma_semaphore, #tpu.memory_space<semaphore_mem>>)
          %dma_wait3A = arith.constant 0 : i32
          %dma_wait3A_91 = tpu.memref_slice %arg5[%run_scoped3A_69, %dma_wait3A] : memref<4x128xi32, #tpu.memory_space<vmem>> -> memref<1x128xi32, #tpu.memory_space<vmem>>
          %dma_wait3A_92 = tpu.memref_squeeze %dma_wait3A_91 : memref<1x128xi32, #tpu.memory_space<vmem>> -> memref<128xi32, #tpu.memory_space<vmem>>
          %dma_wait3A_93 = tpu.memref_slice %arg3[%add3A_68] : memref<640000xi32, #tpu.memory_space<hbm>> -> memref<128xi32, #tpu.memory_space<hbm>>
          %dma_wait3A_94 = arith.constant 0 : i32
          %dma_wait3A_95 = tpu.memref_slice %arg5[%run_scoped3A_69, %dma_wait3A_94] : memref<4x128xi32, #tpu.memory_space<vmem>> -> memref<1x128xi32, #tpu.memory_space<vmem>>
          %dma_wait3A_96 = tpu.memref_squeeze %dma_wait3A_95 : memref<1x128xi32, #tpu.memory_space<vmem>> -> memref<128xi32, #tpu.memory_space<vmem>>
          %dma_wait3A_97 = tpu.memref_slice %arg3[%add3A_68] : memref<640000xi32, #tpu.memory_space<hbm>> -> memref<128xi32, #tpu.memory_space<hbm>>
          tpu.wait_dma2 semaphore(%run_scoped3A_82 : memref<!tpu.dma_semaphore, #tpu.memory_space<semaphore_mem>>) src(%dma_wait3A_97 : memref<128xi32, #tpu.memory_space<hbm>>) dst(%dma_wait3A_96 : memref<128xi32, #tpu.memory_space<vmem>>)
          tpu.yield
        }) : () -> ()
        %add3A_70 = arith.constant 320000 : i32
        %add3A_71 = arith.addi %add3A_70, %add3A_66 : i32
        %run_scoped3A_72 = arith.constant 2 : i32
        "tpu.region"() ({
          %run_scoped3A_82 = tpu.sem_alloc : memref<!tpu.dma_semaphore, #tpu.memory_space<semaphore_mem>>
          %dma_start3A_83 = arith.constant 0 : i32
          %dma_start3A_84 = tpu.memref_slice %arg5[%run_scoped3A_72, %dma_start3A_83] : memref<4x128xi32, #tpu.memory_space<vmem>> -> memref<1x128xi32, #tpu.memory_space<vmem>>
          %dma_start3A_85 = tpu.memref_squeeze %dma_start3A_84 : memref<1x128xi32, #tpu.memory_space<vmem>> -> memref<128xi32, #tpu.memory_space<vmem>>
          %dma_start3A_86 = tpu.memref_slice %arg3[%add3A_71] : memref<640000xi32, #tpu.memory_space<hbm>> -> memref<128xi32, #tpu.memory_space<hbm>>
          %dma_start3A_87 = arith.constant 0 : i32
          %dma_start3A_88 = tpu.memref_slice %arg5[%run_scoped3A_72, %dma_start3A_87] : memref<4x128xi32, #tpu.memory_space<vmem>> -> memref<1x128xi32, #tpu.memory_space<vmem>>
          %dma_start3A_89 = tpu.memref_squeeze %dma_start3A_88 : memref<1x128xi32, #tpu.memory_space<vmem>> -> memref<128xi32, #tpu.memory_space<vmem>>
          %dma_start3A_90 = tpu.memref_slice %arg3[%add3A_71] : memref<640000xi32, #tpu.memory_space<hbm>> -> memref<128xi32, #tpu.memory_space<hbm>>
          tpu.enqueue_dma source(%dma_start3A_90 : memref<128xi32, #tpu.memory_space<hbm>>) target(%dma_start3A_89 : memref<128xi32, #tpu.memory_space<vmem>>) target_semaphore(%run_scoped3A_82 : memref<!tpu.dma_semaphore, #tpu.memory_space<semaphore_mem>>)
          %dma_wait3A = arith.constant 0 : i32
          %dma_wait3A_91 = tpu.memref_slice %arg5[%run_scoped3A_72, %dma_wait3A] : memref<4x128xi32, #tpu.memory_space<vmem>> -> memref<1x128xi32, #tpu.memory_space<vmem>>
          %dma_wait3A_92 = tpu.memref_squeeze %dma_wait3A_91 : memref<1x128xi32, #tpu.memory_space<vmem>> -> memref<128xi32, #tpu.memory_space<vmem>>
          %dma_wait3A_93 = tpu.memref_slice %arg3[%add3A_71] : memref<640000xi32, #tpu.memory_space<hbm>> -> memref<128xi32, #tpu.memory_space<hbm>>
          %dma_wait3A_94 = arith.constant 0 : i32
          %dma_wait3A_95 = tpu.memref_slice %arg5[%run_scoped3A_72, %dma_wait3A_94] : memref<4x128xi32, #tpu.memory_space<vmem>> -> memref<1x128xi32, #tpu.memory_space<vmem>>
          %dma_wait3A_96 = tpu.memref_squeeze %dma_wait3A_95 : memref<1x128xi32, #tpu.memory_space<vmem>> -> memref<128xi32, #tpu.memory_space<vmem>>
          %dma_wait3A_97 = tpu.memref_slice %arg3[%add3A_71] : memref<640000xi32, #tpu.memory_space<hbm>> -> memref<128xi32, #tpu.memory_space<hbm>>
          tpu.wait_dma2 semaphore(%run_scoped3A_82 : memref<!tpu.dma_semaphore, #tpu.memory_space<semaphore_mem>>) src(%dma_wait3A_97 : memref<128xi32, #tpu.memory_space<hbm>>) dst(%dma_wait3A_96 : memref<128xi32, #tpu.memory_space<vmem>>)
          tpu.yield
        }) : () -> ()
        %add3A_73 = arith.constant 480000 : i32
        %add3A_74 = arith.addi %add3A_73, %add3A_66 : i32
        %run_scoped3A_75 = arith.constant 3 : i32
        "tpu.region"() ({
          %run_scoped3A_82 = tpu.sem_alloc : memref<!tpu.dma_semaphore, #tpu.memory_space<semaphore_mem>>
          %dma_start3A_83 = arith.constant 0 : i32
          %dma_start3A_84 = tpu.memref_slice %arg5[%run_scoped3A_75, %dma_start3A_83] : memref<4x128xi32, #tpu.memory_space<vmem>> -> memref<1x128xi32, #tpu.memory_space<vmem>>
          %dma_start3A_85 = tpu.memref_squeeze %dma_start3A_84 : memref<1x128xi32, #tpu.memory_space<vmem>> -> memref<128xi32, #tpu.memory_space<vmem>>
          %dma_start3A_86 = tpu.memref_slice %arg3[%add3A_74] : memref<640000xi32, #tpu.memory_space<hbm>> -> memref<128xi32, #tpu.memory_space<hbm>>
          %dma_start3A_87 = arith.constant 0 : i32
          %dma_start3A_88 = tpu.memref_slice %arg5[%run_scoped3A_75, %dma_start3A_87] : memref<4x128xi32, #tpu.memory_space<vmem>> -> memref<1x128xi32, #tpu.memory_space<vmem>>
          %dma_start3A_89 = tpu.memref_squeeze %dma_start3A_88 : memref<1x128xi32, #tpu.memory_space<vmem>> -> memref<128xi32, #tpu.memory_space<vmem>>
          %dma_start3A_90 = tpu.memref_slice %arg3[%add3A_74] : memref<640000xi32, #tpu.memory_space<hbm>> -> memref<128xi32, #tpu.memory_space<hbm>>
          tpu.enqueue_dma source(%dma_start3A_90 : memref<128xi32, #tpu.memory_space<hbm>>) target(%dma_start3A_89 : memref<128xi32, #tpu.memory_space<vmem>>) target_semaphore(%run_scoped3A_82 : memref<!tpu.dma_semaphore, #tpu.memory_space<semaphore_mem>>)
          %dma_wait3A = arith.constant 0 : i32
          %dma_wait3A_91 = tpu.memref_slice %arg5[%run_scoped3A_75, %dma_wait3A] : memref<4x128xi32, #tpu.memory_space<vmem>> -> memref<1x128xi32, #tpu.memory_space<vmem>>
          %dma_wait3A_92 = tpu.memref_squeeze %dma_wait3A_91 : memref<1x128xi32, #tpu.memory_space<vmem>> -> memref<128xi32, #tpu.memory_space<vmem>>
          %dma_wait3A_93 = tpu.memref_slice %arg3[%add3A_74] : memref<640000xi32, #tpu.memory_space<hbm>> -> memref<128xi32, #tpu.memory_space<hbm>>
          %dma_wait3A_94 = arith.constant 0 : i32
          %dma_wait3A_95 = tpu.memref_slice %arg5[%run_scoped3A_75, %dma_wait3A_94] : memref<4x128xi32, #tpu.memory_space<vmem>> -> memref<1x128xi32, #tpu.memory_space<vmem>>
          %dma_wait3A_96 = tpu.memref_squeeze %dma_wait3A_95 : memref<1x128xi32, #tpu.memory_space<vmem>> -> memref<128xi32, #tpu.memory_space<vmem>>
          %dma_wait3A_97 = tpu.memref_slice %arg3[%add3A_74] : memref<640000xi32, #tpu.memory_space<hbm>> -> memref<128xi32, #tpu.memory_space<hbm>>
          tpu.wait_dma2 semaphore(%run_scoped3A_82 : memref<!tpu.dma_semaphore, #tpu.memory_space<semaphore_mem>>) src(%dma_wait3A_97 : memref<128xi32, #tpu.memory_space<hbm>>) dst(%dma_wait3A_96 : memref<128xi32, #tpu.memory_space<vmem>>)
          tpu.yield
        }) : () -> ()
        %dma_start3A = arith.constant 0 : i32
        %dma_start3A_76 = arith.constant 0 : i32
        %dma_start3A_77 = tpu.memref_slice %arg5[%dma_start3A, %dma_start3A_76] : memref<4x128xi32, #tpu.memory_space<vmem>> -> memref<1x128xi32, #tpu.memory_space<vmem>>
        %dma_start3A_78 = tpu.memref_squeeze %dma_start3A_77 : memref<1x128xi32, #tpu.memory_space<vmem>> -> memref<128xi32, #tpu.memory_space<vmem>>
        %dma_start3A_79 = arith.constant 0 : i32
        %dma_start3A_80 = arith.constant 0 : i32
        %dma_start3A_81 = tpu.memref_slice %arg2[%dma_start3A_79, %dma_start3A_80] : memref<160000x128xf32, #tpu.memory_space<hbm>> -> memref<160000x128xf32, #tpu.memory_space<hbm>>
        tpu.enqueue_indirect_dma source(%dma_start3A_81 : memref<160000x128xf32, #tpu.memory_space<hbm>>) target(%arg7 : memref<128x128xf32, #tpu.memory_space<vmem>>) offsets(%dma_start3A_78 : memref<128xi32, #tpu.memory_space<vmem>>) semaphore(%arg9 : memref<!tpu.dma_semaphore, #tpu.memory_space<semaphore_mem>>)
      } else {
      }
      %ge3A_23 = arith.constant 1 : i32
      %ge3A_24 = arith.cmpi sge, %mul3A_8, %ge3A_23 : i32
      %lt3A_25 = arith.constant 625 : i32
      %lt3A_26 = arith.cmpi slt, %sub3A_12, %lt3A_25 : i32
      %and3A_27 = arith.andi %ge3A_24, %lt3A_26 : i1
      %convert_element_type3A_28 = arith.extui %and3A_27 : i1 to i32
      %cond3A_29 = arith.constant 0 : i32
      %cond3A_30 = arith.cmpi ne, %convert_element_type3A_28, %cond3A_29 : i32
      scf.if %cond3A_30 {
        %dma_wait3A = arith.constant 0 : i32
        %dma_wait3A_63 = arith.constant 0 : i32
        %dma_wait3A_64 = tpu.memref_slice %arg6[%dma_wait3A, %dma_wait3A_63] : memref<4x128xi32, #tpu.memory_space<vmem>> -> memref<1x128xi32, #tpu.memory_space<vmem>>
        %dma_wait3A_65 = tpu.memref_squeeze %dma_wait3A_64 : memref<1x128xi32, #tpu.memory_space<vmem>> -> memref<128xi32, #tpu.memory_space<vmem>>
        %dma_wait3A_66 = arith.constant 0 : i32
        %dma_wait3A_67 = arith.constant 0 : i32
        %dma_wait3A_68 = tpu.memref_slice %arg2[%dma_wait3A_66, %dma_wait3A_67] : memref<160000x128xf32, #tpu.memory_space<hbm>> -> memref<160000x128xf32, #tpu.memory_space<hbm>>
        tpu.wait_indirect_dma semaphore(%arg10 : memref<!tpu.dma_semaphore, #tpu.memory_space<semaphore_mem>>) src(%dma_wait3A_68 : memref<160000x128xf32, #tpu.memory_space<hbm>>) dst(%arg8 : memref<128x128xf32, #tpu.memory_space<vmem>>)
        %dma_start3A = arith.constant 1 : i32
        %dma_start3A_69 = arith.constant 0 : i32
        %dma_start3A_70 = tpu.memref_slice %arg6[%dma_start3A, %dma_start3A_69] : memref<4x128xi32, #tpu.memory_space<vmem>> -> memref<1x128xi32, #tpu.memory_space<vmem>>
        %dma_start3A_71 = tpu.memref_squeeze %dma_start3A_70 : memref<1x128xi32, #tpu.memory_space<vmem>> -> memref<128xi32, #tpu.memory_space<vmem>>
        %dma_start3A_72 = arith.constant 0 : i32
        %dma_start3A_73 = arith.constant 0 : i32
        %dma_start3A_74 = tpu.memref_slice %arg2[%dma_start3A_72, %dma_start3A_73] : memref<160000x128xf32, #tpu.memory_space<hbm>> -> memref<160000x128xf32, #tpu.memory_space<hbm>>
        tpu.enqueue_indirect_dma source(%dma_start3A_74 : memref<160000x128xf32, #tpu.memory_space<hbm>>) target(%arg8 : memref<128x128xf32, #tpu.memory_space<vmem>>) offsets(%dma_start3A_71 : memref<128xi32, #tpu.memory_space<vmem>>) semaphore(%arg12 : memref<!tpu.dma_semaphore, #tpu.memory_space<semaphore_mem>>) {add = true}
        %dma_start3A_75 = arith.constant 2 : i32
        %dma_start3A_76 = arith.constant 0 : i32
        %dma_start3A_77 = tpu.memref_slice %arg6[%dma_start3A_75, %dma_start3A_76] : memref<4x128xi32, #tpu.memory_space<vmem>> -> memref<1x128xi32, #tpu.memory_space<vmem>>
        %dma_start3A_78 = tpu.memref_squeeze %dma_start3A_77 : memref<1x128xi32, #tpu.memory_space<vmem>> -> memref<128xi32, #tpu.memory_space<vmem>>
        %dma_start3A_79 = arith.constant 0 : i32
        %dma_start3A_80 = arith.constant 0 : i32
        %dma_start3A_81 = tpu.memref_slice %arg2[%dma_start3A_79, %dma_start3A_80] : memref<160000x128xf32, #tpu.memory_space<hbm>> -> memref<160000x128xf32, #tpu.memory_space<hbm>>
        tpu.enqueue_indirect_dma source(%dma_start3A_81 : memref<160000x128xf32, #tpu.memory_space<hbm>>) target(%arg8 : memref<128x128xf32, #tpu.memory_space<vmem>>) offsets(%dma_start3A_78 : memref<128xi32, #tpu.memory_space<vmem>>) semaphore(%arg12 : memref<!tpu.dma_semaphore, #tpu.memory_space<semaphore_mem>>) {add = true}
        %dma_start3A_82 = arith.constant 3 : i32
        %dma_start3A_83 = arith.constant 0 : i32
        %dma_start3A_84 = tpu.memref_slice %arg6[%dma_start3A_82, %dma_start3A_83] : memref<4x128xi32, #tpu.memory_space<vmem>> -> memref<1x128xi32, #tpu.memory_space<vmem>>
        %dma_start3A_85 = tpu.memref_squeeze %dma_start3A_84 : memref<1x128xi32, #tpu.memory_space<vmem>> -> memref<128xi32, #tpu.memory_space<vmem>>
        %dma_start3A_86 = arith.constant 0 : i32
        %dma_start3A_87 = arith.constant 0 : i32
        %dma_start3A_88 = tpu.memref_slice %arg2[%dma_start3A_86, %dma_start3A_87] : memref<160000x128xf32, #tpu.memory_space<hbm>> -> memref<160000x128xf32, #tpu.memory_space<hbm>>
        tpu.enqueue_indirect_dma source(%dma_start3A_88 : memref<160000x128xf32, #tpu.memory_space<hbm>>) target(%arg8 : memref<128x128xf32, #tpu.memory_space<vmem>>) offsets(%dma_start3A_85 : memref<128xi32, #tpu.memory_space<vmem>>) semaphore(%arg12 : memref<!tpu.dma_semaphore, #tpu.memory_space<semaphore_mem>>) {add = true}
        %dma_wait3A_89 = arith.constant 1 : i32
        %dma_wait3A_90 = arith.constant 0 : i32
        %dma_wait3A_91 = tpu.memref_slice %arg6[%dma_wait3A_89, %dma_wait3A_90] : memref<4x128xi32, #tpu.memory_space<vmem>> -> memref<1x128xi32, #tpu.memory_space<vmem>>
        %dma_wait3A_92 = tpu.memref_squeeze %dma_wait3A_91 : memref<1x128xi32, #tpu.memory_space<vmem>> -> memref<128xi32, #tpu.memory_space<vmem>>
        %dma_wait3A_93 = arith.constant 0 : i32
        %dma_wait3A_94 = arith.constant 0 : i32
        %dma_wait3A_95 = tpu.memref_slice %arg2[%dma_wait3A_93, %dma_wait3A_94] : memref<160000x128xf32, #tpu.memory_space<hbm>> -> memref<160000x128xf32, #tpu.memory_space<hbm>>
        tpu.wait_indirect_dma semaphore(%arg12 : memref<!tpu.dma_semaphore, #tpu.memory_space<semaphore_mem>>) src(%dma_wait3A_95 : memref<160000x128xf32, #tpu.memory_space<hbm>>) dst(%arg8 : memref<128x128xf32, #tpu.memory_space<vmem>>)
        %dma_wait3A_96 = arith.constant 2 : i32
        %dma_wait3A_97 = arith.constant 0 : i32
        %dma_wait3A_98 = tpu.memref_slice %arg6[%dma_wait3A_96, %dma_wait3A_97] : memref<4x128xi32, #tpu.memory_space<vmem>> -> memref<1x128xi32, #tpu.memory_space<vmem>>
        %dma_wait3A_99 = tpu.memref_squeeze %dma_wait3A_98 : memref<1x128xi32, #tpu.memory_space<vmem>> -> memref<128xi32, #tpu.memory_space<vmem>>
        %dma_wait3A_100 = arith.constant 0 : i32
        %dma_wait3A_101 = arith.constant 0 : i32
        %dma_wait3A_102 = tpu.memref_slice %arg2[%dma_wait3A_100, %dma_wait3A_101] : memref<160000x128xf32, #tpu.memory_space<hbm>> -> memref<160000x128xf32, #tpu.memory_space<hbm>>
        tpu.wait_indirect_dma semaphore(%arg12 : memref<!tpu.dma_semaphore, #tpu.memory_space<semaphore_mem>>) src(%dma_wait3A_102 : memref<160000x128xf32, #tpu.memory_space<hbm>>) dst(%arg8 : memref<128x128xf32, #tpu.memory_space<vmem>>)
        %dma_wait3A_103 = arith.constant 3 : i32
        %dma_wait3A_104 = arith.constant 0 : i32
        %dma_wait3A_105 = tpu.memref_slice %arg6[%dma_wait3A_103, %dma_wait3A_104] : memref<4x128xi32, #tpu.memory_space<vmem>> -> memref<1x128xi32, #tpu.memory_space<vmem>>
        %dma_wait3A_106 = tpu.memref_squeeze %dma_wait3A_105 : memref<1x128xi32, #tpu.memory_space<vmem>> -> memref<128xi32, #tpu.memory_space<vmem>>
        %dma_wait3A_107 = arith.constant 0 : i32
        %dma_wait3A_108 = arith.constant 0 : i32
        %dma_wait3A_109 = tpu.memref_slice %arg2[%dma_wait3A_107, %dma_wait3A_108] : memref<160000x128xf32, #tpu.memory_space<hbm>> -> memref<160000x128xf32, #tpu.memory_space<hbm>>
        tpu.wait_indirect_dma semaphore(%arg12 : memref<!tpu.dma_semaphore, #tpu.memory_space<semaphore_mem>>) src(%dma_wait3A_109 : memref<160000x128xf32, #tpu.memory_space<hbm>>) dst(%arg8 : memref<128x128xf32, #tpu.memory_space<vmem>>)
        %mul3A_110 = arith.constant 128 : i32
        %mul3A_111 = arith.muli %sub3A_12, %mul3A_110 : i32
        %dma_start3A_112 = arith.constant 0 : i32
        %dma_start3A_113 = tpu.memref_slice %arg4[%mul3A_111, %dma_start3A_112] : memref<80000x128xf32, #tpu.memory_space<hbm>> -> memref<128x128xf32, #tpu.memory_space<hbm>>
        %dma_start3A_114 = arith.constant 0 : i32
        %dma_start3A_115 = tpu.memref_slice %arg4[%mul3A_111, %dma_start3A_114] : memref<80000x128xf32, #tpu.memory_space<hbm>> -> memref<128x128xf32, #tpu.memory_space<hbm>>
        tpu.enqueue_dma source(%arg8 : memref<128x128xf32, #tpu.memory_space<vmem>>) target(%dma_start3A_115 : memref<128x128xf32, #tpu.memory_space<hbm>>) target_semaphore(%arg14 : memref<!tpu.dma_semaphore, #tpu.memory_space<semaphore_mem>>)
      } else {
      }
      %mul3A_31 = arith.constant 2 : i32
      %mul3A_32 = arith.muli %mul3A_31, %scan3A_6 : i32
      %add3A_33 = arith.constant 1 : i32
      %add3A_34 = arith.addi %mul3A_32, %add3A_33 : i32
      %mul3A_35 = arith.constant 32 : i32
      %mul3A_36 = arith.muli %add3A_34, %mul3A_35 : i32
      %add3A_37 = arith.addi %add3A, %mul3A_36 : i32
      %sub3A_38 = arith.constant 32 : i32
      %sub3A_39 = arith.subi %add3A_37, %sub3A_38 : i32
      %sub3A_40 = arith.constant 64 : i32
      %sub3A_41 = arith.subi %add3A_37, %sub3A_40 : i32
      %ge3A_42 = arith.constant 2 : i32
      %ge3A_43 = arith.cmpi sge, %add3A_34, %ge3A_42 : i32
      %lt3A_44 = arith.constant 625 : i32
      %lt3A_45 = arith.cmpi slt, %sub3A_41, %lt3A_44 : i32
      %and3A_46 = arith.andi %ge3A_43, %lt3A_45 : i1
      %convert_element_type3A_47 = arith.extui %and3A_46 : i1 to i32
      %cond3A_48 = arith.constant 0 : i32
      %cond3A_49 = arith.cmpi ne, %convert_element_type3A_47, %cond3A_48 : i32
      scf.if %cond3A_49 {
        %mul3A_63 = arith.constant 128 : i32
        %mul3A_64 = arith.muli %sub3A_41, %mul3A_63 : i32
        %dma_wait3A = arith.constant 0 : i32
        %dma_wait3A_65 = tpu.memref_slice %arg4[%mul3A_64, %dma_wait3A] : memref<80000x128xf32, #tpu.memory_space<hbm>> -> memref<128x128xf32, #tpu.memory_space<hbm>>
        %dma_wait3A_66 = arith.constant 0 : i32
        %dma_wait3A_67 = tpu.memref_slice %arg4[%mul3A_64, %dma_wait3A_66] : memref<80000x128xf32, #tpu.memory_space<hbm>> -> memref<128x128xf32, #tpu.memory_space<hbm>>
        tpu.wait_dma2 semaphore(%arg14 : memref<!tpu.dma_semaphore, #tpu.memory_space<semaphore_mem>>) src(%arg8 : memref<128x128xf32, #tpu.memory_space<vmem>>) dst(%dma_wait3A_67 : memref<128x128xf32, #tpu.memory_space<hbm>>)
      } else {
      }
      %lt3A_50 = arith.constant 625 : i32
      %lt3A_51 = arith.cmpi slt, %add3A_37, %lt3A_50 : i32
      %convert_element_type3A_52 = arith.extui %lt3A_51 : i1 to i32
      %cond3A_53 = arith.constant 0 : i32
      %cond3A_54 = arith.cmpi ne, %convert_element_type3A_52, %cond3A_53 : i32
      scf.if %cond3A_54 {
        %mul3A_63 = arith.constant 128 : i32
        %mul3A_64 = arith.muli %add3A_37, %mul3A_63 : i32
        %add3A_65 = arith.constant 80000 : i32
        %add3A_66 = arith.addi %add3A_65, %mul3A_64 : i32
        %run_scoped3A = arith.constant 0 : i32
        "tpu.region"() ({
          %run_scoped3A_82 = tpu.sem_alloc : memref<!tpu.dma_semaphore, #tpu.memory_space<semaphore_mem>>
          %dma_start3A_83 = arith.constant 0 : i32
          %dma_start3A_84 = tpu.memref_slice %arg6[%run_scoped3A, %dma_start3A_83] : memref<4x128xi32, #tpu.memory_space<vmem>> -> memref<1x128xi32, #tpu.memory_space<vmem>>
          %dma_start3A_85 = tpu.memref_squeeze %dma_start3A_84 : memref<1x128xi32, #tpu.memory_space<vmem>> -> memref<128xi32, #tpu.memory_space<vmem>>
          %dma_start3A_86 = tpu.memref_slice %arg3[%add3A_66] : memref<640000xi32, #tpu.memory_space<hbm>> -> memref<128xi32, #tpu.memory_space<hbm>>
          %dma_start3A_87 = arith.constant 0 : i32
          %dma_start3A_88 = tpu.memref_slice %arg6[%run_scoped3A, %dma_start3A_87] : memref<4x128xi32, #tpu.memory_space<vmem>> -> memref<1x128xi32, #tpu.memory_space<vmem>>
          %dma_start3A_89 = tpu.memref_squeeze %dma_start3A_88 : memref<1x128xi32, #tpu.memory_space<vmem>> -> memref<128xi32, #tpu.memory_space<vmem>>
          %dma_start3A_90 = tpu.memref_slice %arg3[%add3A_66] : memref<640000xi32, #tpu.memory_space<hbm>> -> memref<128xi32, #tpu.memory_space<hbm>>
          tpu.enqueue_dma source(%dma_start3A_90 : memref<128xi32, #tpu.memory_space<hbm>>) target(%dma_start3A_89 : memref<128xi32, #tpu.memory_space<vmem>>) target_semaphore(%run_scoped3A_82 : memref<!tpu.dma_semaphore, #tpu.memory_space<semaphore_mem>>)
          %dma_wait3A = arith.constant 0 : i32
          %dma_wait3A_91 = tpu.memref_slice %arg6[%run_scoped3A, %dma_wait3A] : memref<4x128xi32, #tpu.memory_space<vmem>> -> memref<1x128xi32, #tpu.memory_space<vmem>>
          %dma_wait3A_92 = tpu.memref_squeeze %dma_wait3A_91 : memref<1x128xi32, #tpu.memory_space<vmem>> -> memref<128xi32, #tpu.memory_space<vmem>>
          %dma_wait3A_93 = tpu.memref_slice %arg3[%add3A_66] : memref<640000xi32, #tpu.memory_space<hbm>> -> memref<128xi32, #tpu.memory_space<hbm>>
          %dma_wait3A_94 = arith.constant 0 : i32
          %dma_wait3A_95 = tpu.memref_slice %arg6[%run_scoped3A, %dma_wait3A_94] : memref<4x128xi32, #tpu.memory_space<vmem>> -> memref<1x128xi32, #tpu.memory_space<vmem>>
          %dma_wait3A_96 = tpu.memref_squeeze %dma_wait3A_95 : memref<1x128xi32, #tpu.memory_space<vmem>> -> memref<128xi32, #tpu.memory_space<vmem>>
          %dma_wait3A_97 = tpu.memref_slice %arg3[%add3A_66] : memref<640000xi32, #tpu.memory_space<hbm>> -> memref<128xi32, #tpu.memory_space<hbm>>
          tpu.wait_dma2 semaphore(%run_scoped3A_82 : memref<!tpu.dma_semaphore, #tpu.memory_space<semaphore_mem>>) src(%dma_wait3A_97 : memref<128xi32, #tpu.memory_space<hbm>>) dst(%dma_wait3A_96 : memref<128xi32, #tpu.memory_space<vmem>>)
          tpu.yield
        }) : () -> ()
        %add3A_67 = arith.constant 160000 : i32
        %add3A_68 = arith.addi %add3A_67, %add3A_66 : i32
        %run_scoped3A_69 = arith.constant 1 : i32
        "tpu.region"() ({
          %run_scoped3A_82 = tpu.sem_alloc : memref<!tpu.dma_semaphore, #tpu.memory_space<semaphore_mem>>
          %dma_start3A_83 = arith.constant 0 : i32
          %dma_start3A_84 = tpu.memref_slice %arg6[%run_scoped3A_69, %dma_start3A_83] : memref<4x128xi32, #tpu.memory_space<vmem>> -> memref<1x128xi32, #tpu.memory_space<vmem>>
          %dma_start3A_85 = tpu.memref_squeeze %dma_start3A_84 : memref<1x128xi32, #tpu.memory_space<vmem>> -> memref<128xi32, #tpu.memory_space<vmem>>
          %dma_start3A_86 = tpu.memref_slice %arg3[%add3A_68] : memref<640000xi32, #tpu.memory_space<hbm>> -> memref<128xi32, #tpu.memory_space<hbm>>
          %dma_start3A_87 = arith.constant 0 : i32
          %dma_start3A_88 = tpu.memref_slice %arg6[%run_scoped3A_69, %dma_start3A_87] : memref<4x128xi32, #tpu.memory_space<vmem>> -> memref<1x128xi32, #tpu.memory_space<vmem>>
          %dma_start3A_89 = tpu.memref_squeeze %dma_start3A_88 : memref<1x128xi32, #tpu.memory_space<vmem>> -> memref<128xi32, #tpu.memory_space<vmem>>
          %dma_start3A_90 = tpu.memref_slice %arg3[%add3A_68] : memref<640000xi32, #tpu.memory_space<hbm>> -> memref<128xi32, #tpu.memory_space<hbm>>
          tpu.enqueue_dma source(%dma_start3A_90 : memref<128xi32, #tpu.memory_space<hbm>>) target(%dma_start3A_89 : memref<128xi32, #tpu.memory_space<vmem>>) target_semaphore(%run_scoped3A_82 : memref<!tpu.dma_semaphore, #tpu.memory_space<semaphore_mem>>)
          %dma_wait3A = arith.constant 0 : i32
          %dma_wait3A_91 = tpu.memref_slice %arg6[%run_scoped3A_69, %dma_wait3A] : memref<4x128xi32, #tpu.memory_space<vmem>> -> memref<1x128xi32, #tpu.memory_space<vmem>>
          %dma_wait3A_92 = tpu.memref_squeeze %dma_wait3A_91 : memref<1x128xi32, #tpu.memory_space<vmem>> -> memref<128xi32, #tpu.memory_space<vmem>>
          %dma_wait3A_93 = tpu.memref_slice %arg3[%add3A_68] : memref<640000xi32, #tpu.memory_space<hbm>> -> memref<128xi32, #tpu.memory_space<hbm>>
          %dma_wait3A_94 = arith.constant 0 : i32
          %dma_wait3A_95 = tpu.memref_slice %arg6[%run_scoped3A_69, %dma_wait3A_94] : memref<4x128xi32, #tpu.memory_space<vmem>> -> memref<1x128xi32, #tpu.memory_space<vmem>>
          %dma_wait3A_96 = tpu.memref_squeeze %dma_wait3A_95 : memref<1x128xi32, #tpu.memory_space<vmem>> -> memref<128xi32, #tpu.memory_space<vmem>>
          %dma_wait3A_97 = tpu.memref_slice %arg3[%add3A_68] : memref<640000xi32, #tpu.memory_space<hbm>> -> memref<128xi32, #tpu.memory_space<hbm>>
          tpu.wait_dma2 semaphore(%run_scoped3A_82 : memref<!tpu.dma_semaphore, #tpu.memory_space<semaphore_mem>>) src(%dma_wait3A_97 : memref<128xi32, #tpu.memory_space<hbm>>) dst(%dma_wait3A_96 : memref<128xi32, #tpu.memory_space<vmem>>)
          tpu.yield
        }) : () -> ()
        %add3A_70 = arith.constant 320000 : i32
        %add3A_71 = arith.addi %add3A_70, %add3A_66 : i32
        %run_scoped3A_72 = arith.constant 2 : i32
        "tpu.region"() ({
          %run_scoped3A_82 = tpu.sem_alloc : memref<!tpu.dma_semaphore, #tpu.memory_space<semaphore_mem>>
          %dma_start3A_83 = arith.constant 0 : i32
          %dma_start3A_84 = tpu.memref_slice %arg6[%run_scoped3A_72, %dma_start3A_83] : memref<4x128xi32, #tpu.memory_space<vmem>> -> memref<1x128xi32, #tpu.memory_space<vmem>>
          %dma_start3A_85 = tpu.memref_squeeze %dma_start3A_84 : memref<1x128xi32, #tpu.memory_space<vmem>> -> memref<128xi32, #tpu.memory_space<vmem>>
          %dma_start3A_86 = tpu.memref_slice %arg3[%add3A_71] : memref<640000xi32, #tpu.memory_space<hbm>> -> memref<128xi32, #tpu.memory_space<hbm>>
          %dma_start3A_87 = arith.constant 0 : i32
          %dma_start3A_88 = tpu.memref_slice %arg6[%run_scoped3A_72, %dma_start3A_87] : memref<4x128xi32, #tpu.memory_space<vmem>> -> memref<1x128xi32, #tpu.memory_space<vmem>>
          %dma_start3A_89 = tpu.memref_squeeze %dma_start3A_88 : memref<1x128xi32, #tpu.memory_space<vmem>> -> memref<128xi32, #tpu.memory_space<vmem>>
          %dma_start3A_90 = tpu.memref_slice %arg3[%add3A_71] : memref<640000xi32, #tpu.memory_space<hbm>> -> memref<128xi32, #tpu.memory_space<hbm>>
          tpu.enqueue_dma source(%dma_start3A_90 : memref<128xi32, #tpu.memory_space<hbm>>) target(%dma_start3A_89 : memref<128xi32, #tpu.memory_space<vmem>>) target_semaphore(%run_scoped3A_82 : memref<!tpu.dma_semaphore, #tpu.memory_space<semaphore_mem>>)
          %dma_wait3A = arith.constant 0 : i32
          %dma_wait3A_91 = tpu.memref_slice %arg6[%run_scoped3A_72, %dma_wait3A] : memref<4x128xi32, #tpu.memory_space<vmem>> -> memref<1x128xi32, #tpu.memory_space<vmem>>
          %dma_wait3A_92 = tpu.memref_squeeze %dma_wait3A_91 : memref<1x128xi32, #tpu.memory_space<vmem>> -> memref<128xi32, #tpu.memory_space<vmem>>
          %dma_wait3A_93 = tpu.memref_slice %arg3[%add3A_71] : memref<640000xi32, #tpu.memory_space<hbm>> -> memref<128xi32, #tpu.memory_space<hbm>>
          %dma_wait3A_94 = arith.constant 0 : i32
          %dma_wait3A_95 = tpu.memref_slice %arg6[%run_scoped3A_72, %dma_wait3A_94] : memref<4x128xi32, #tpu.memory_space<vmem>> -> memref<1x128xi32, #tpu.memory_space<vmem>>
          %dma_wait3A_96 = tpu.memref_squeeze %dma_wait3A_95 : memref<1x128xi32, #tpu.memory_space<vmem>> -> memref<128xi32, #tpu.memory_space<vmem>>
          %dma_wait3A_97 = tpu.memref_slice %arg3[%add3A_71] : memref<640000xi32, #tpu.memory_space<hbm>> -> memref<128xi32, #tpu.memory_space<hbm>>
          tpu.wait_dma2 semaphore(%run_scoped3A_82 : memref<!tpu.dma_semaphore, #tpu.memory_space<semaphore_mem>>) src(%dma_wait3A_97 : memref<128xi32, #tpu.memory_space<hbm>>) dst(%dma_wait3A_96 : memref<128xi32, #tpu.memory_space<vmem>>)
          tpu.yield
        }) : () -> ()
        %add3A_73 = arith.constant 480000 : i32
        %add3A_74 = arith.addi %add3A_73, %add3A_66 : i32
        %run_scoped3A_75 = arith.constant 3 : i32
        "tpu.region"() ({
          %run_scoped3A_82 = tpu.sem_alloc : memref<!tpu.dma_semaphore, #tpu.memory_space<semaphore_mem>>
          %dma_start3A_83 = arith.constant 0 : i32
          %dma_start3A_84 = tpu.memref_slice %arg6[%run_scoped3A_75, %dma_start3A_83] : memref<4x128xi32, #tpu.memory_space<vmem>> -> memref<1x128xi32, #tpu.memory_space<vmem>>
          %dma_start3A_85 = tpu.memref_squeeze %dma_start3A_84 : memref<1x128xi32, #tpu.memory_space<vmem>> -> memref<128xi32, #tpu.memory_space<vmem>>
          %dma_start3A_86 = tpu.memref_slice %arg3[%add3A_74] : memref<640000xi32, #tpu.memory_space<hbm>> -> memref<128xi32, #tpu.memory_space<hbm>>
          %dma_start3A_87 = arith.constant 0 : i32
          %dma_start3A_88 = tpu.memref_slice %arg6[%run_scoped3A_75, %dma_start3A_87] : memref<4x128xi32, #tpu.memory_space<vmem>> -> memref<1x128xi32, #tpu.memory_space<vmem>>
          %dma_start3A_89 = tpu.memref_squeeze %dma_start3A_88 : memref<1x128xi32, #tpu.memory_space<vmem>> -> memref<128xi32, #tpu.memory_space<vmem>>
          %dma_start3A_90 = tpu.memref_slice %arg3[%add3A_74] : memref<640000xi32, #tpu.memory_space<hbm>> -> memref<128xi32, #tpu.memory_space<hbm>>
          tpu.enqueue_dma source(%dma_start3A_90 : memref<128xi32, #tpu.memory_space<hbm>>) target(%dma_start3A_89 : memref<128xi32, #tpu.memory_space<vmem>>) target_semaphore(%run_scoped3A_82 : memref<!tpu.dma_semaphore, #tpu.memory_space<semaphore_mem>>)
          %dma_wait3A = arith.constant 0 : i32
          %dma_wait3A_91 = tpu.memref_slice %arg6[%run_scoped3A_75, %dma_wait3A] : memref<4x128xi32, #tpu.memory_space<vmem>> -> memref<1x128xi32, #tpu.memory_space<vmem>>
          %dma_wait3A_92 = tpu.memref_squeeze %dma_wait3A_91 : memref<1x128xi32, #tpu.memory_space<vmem>> -> memref<128xi32, #tpu.memory_space<vmem>>
          %dma_wait3A_93 = tpu.memref_slice %arg3[%add3A_74] : memref<640000xi32, #tpu.memory_space<hbm>> -> memref<128xi32, #tpu.memory_space<hbm>>
          %dma_wait3A_94 = arith.constant 0 : i32
          %dma_wait3A_95 = tpu.memref_slice %arg6[%run_scoped3A_75, %dma_wait3A_94] : memref<4x128xi32, #tpu.memory_space<vmem>> -> memref<1x128xi32, #tpu.memory_space<vmem>>
          %dma_wait3A_96 = tpu.memref_squeeze %dma_wait3A_95 : memref<1x128xi32, #tpu.memory_space<vmem>> -> memref<128xi32, #tpu.memory_space<vmem>>
          %dma_wait3A_97 = tpu.memref_slice %arg3[%add3A_74] : memref<640000xi32, #tpu.memory_space<hbm>> -> memref<128xi32, #tpu.memory_space<hbm>>
          tpu.wait_dma2 semaphore(%run_scoped3A_82 : memref<!tpu.dma_semaphore, #tpu.memory_space<semaphore_mem>>) src(%dma_wait3A_97 : memref<128xi32, #tpu.memory_space<hbm>>) dst(%dma_wait3A_96 : memref<128xi32, #tpu.memory_space<vmem>>)
          tpu.yield
        }) : () -> ()
        %dma_start3A = arith.constant 0 : i32
        %dma_start3A_76 = arith.constant 0 : i32
        %dma_start3A_77 = tpu.memref_slice %arg6[%dma_start3A, %dma_start3A_76] : memref<4x128xi32, #tpu.memory_space<vmem>> -> memref<1x128xi32, #tpu.memory_space<vmem>>
        %dma_start3A_78 = tpu.memref_squeeze %dma_start3A_77 : memref<1x128xi32, #tpu.memory_space<vmem>> -> memref<128xi32, #tpu.memory_space<vmem>>
        %dma_start3A_79 = arith.constant 0 : i32
        %dma_start3A_80 = arith.constant 0 : i32
        %dma_start3A_81 = tpu.memref_slice %arg2[%dma_start3A_79, %dma_start3A_80] : memref<160000x128xf32, #tpu.memory_space<hbm>> -> memref<160000x128xf32, #tpu.memory_space<hbm>>
        tpu.enqueue_indirect_dma source(%dma_start3A_81 : memref<160000x128xf32, #tpu.memory_space<hbm>>) target(%arg8 : memref<128x128xf32, #tpu.memory_space<vmem>>) offsets(%dma_start3A_78 : memref<128xi32, #tpu.memory_space<vmem>>) semaphore(%arg10 : memref<!tpu.dma_semaphore, #tpu.memory_space<semaphore_mem>>)
      } else {
      }
      %ge3A_55 = arith.constant 1 : i32
      %ge3A_56 = arith.cmpi sge, %add3A_34, %ge3A_55 : i32
      %lt3A_57 = arith.constant 625 : i32
      %lt3A_58 = arith.cmpi slt, %sub3A_39, %lt3A_57 : i32
      %and3A_59 = arith.andi %ge3A_56, %lt3A_58 : i1
      %convert_element_type3A_60 = arith.extui %and3A_59 : i1 to i32
      %cond3A_61 = arith.constant 0 : i32
      %cond3A_62 = arith.cmpi ne, %convert_element_type3A_60, %cond3A_61 : i32
      scf.if %cond3A_62 {
        %dma_wait3A = arith.constant 0 : i32
        %dma_wait3A_63 = arith.constant 0 : i32
        %dma_wait3A_64 = tpu.memref_slice %arg5[%dma_wait3A, %dma_wait3A_63] : memref<4x128xi32, #tpu.memory_space<vmem>> -> memref<1x128xi32, #tpu.memory_space<vmem>>
        %dma_wait3A_65 = tpu.memref_squeeze %dma_wait3A_64 : memref<1x128xi32, #tpu.memory_space<vmem>> -> memref<128xi32, #tpu.memory_space<vmem>>
        %dma_wait3A_66 = arith.constant 0 : i32
        %dma_wait3A_67 = arith.constant 0 : i32
        %dma_wait3A_68 = tpu.memref_slice %arg2[%dma_wait3A_66, %dma_wait3A_67] : memref<160000x128xf32, #tpu.memory_space<hbm>> -> memref<160000x128xf32, #tpu.memory_space<hbm>>
        tpu.wait_indirect_dma semaphore(%arg9 : memref<!tpu.dma_semaphore, #tpu.memory_space<semaphore_mem>>) src(%dma_wait3A_68 : memref<160000x128xf32, #tpu.memory_space<hbm>>) dst(%arg7 : memref<128x128xf32, #tpu.memory_space<vmem>>)
        %dma_start3A = arith.constant 1 : i32
        %dma_start3A_69 = arith.constant 0 : i32
        %dma_start3A_70 = tpu.memref_slice %arg5[%dma_start3A, %dma_start3A_69] : memref<4x128xi32, #tpu.memory_space<vmem>> -> memref<1x128xi32, #tpu.memory_space<vmem>>
        %dma_start3A_71 = tpu.memref_squeeze %dma_start3A_70 : memref<1x128xi32, #tpu.memory_space<vmem>> -> memref<128xi32, #tpu.memory_space<vmem>>
        %dma_start3A_72 = arith.constant 0 : i32
        %dma_start3A_73 = arith.constant 0 : i32
        %dma_start3A_74 = tpu.memref_slice %arg2[%dma_start3A_72, %dma_start3A_73] : memref<160000x128xf32, #tpu.memory_space<hbm>> -> memref<160000x128xf32, #tpu.memory_space<hbm>>
        tpu.enqueue_indirect_dma source(%dma_start3A_74 : memref<160000x128xf32, #tpu.memory_space<hbm>>) target(%arg7 : memref<128x128xf32, #tpu.memory_space<vmem>>) offsets(%dma_start3A_71 : memref<128xi32, #tpu.memory_space<vmem>>) semaphore(%arg11 : memref<!tpu.dma_semaphore, #tpu.memory_space<semaphore_mem>>) {add = true}
        %dma_start3A_75 = arith.constant 2 : i32
        %dma_start3A_76 = arith.constant 0 : i32
        %dma_start3A_77 = tpu.memref_slice %arg5[%dma_start3A_75, %dma_start3A_76] : memref<4x128xi32, #tpu.memory_space<vmem>> -> memref<1x128xi32, #tpu.memory_space<vmem>>
        %dma_start3A_78 = tpu.memref_squeeze %dma_start3A_77 : memref<1x128xi32, #tpu.memory_space<vmem>> -> memref<128xi32, #tpu.memory_space<vmem>>
        %dma_start3A_79 = arith.constant 0 : i32
        %dma_start3A_80 = arith.constant 0 : i32
        %dma_start3A_81 = tpu.memref_slice %arg2[%dma_start3A_79, %dma_start3A_80] : memref<160000x128xf32, #tpu.memory_space<hbm>> -> memref<160000x128xf32, #tpu.memory_space<hbm>>
        tpu.enqueue_indirect_dma source(%dma_start3A_81 : memref<160000x128xf32, #tpu.memory_space<hbm>>) target(%arg7 : memref<128x128xf32, #tpu.memory_space<vmem>>) offsets(%dma_start3A_78 : memref<128xi32, #tpu.memory_space<vmem>>) semaphore(%arg11 : memref<!tpu.dma_semaphore, #tpu.memory_space<semaphore_mem>>) {add = true}
        %dma_start3A_82 = arith.constant 3 : i32
        %dma_start3A_83 = arith.constant 0 : i32
        %dma_start3A_84 = tpu.memref_slice %arg5[%dma_start3A_82, %dma_start3A_83] : memref<4x128xi32, #tpu.memory_space<vmem>> -> memref<1x128xi32, #tpu.memory_space<vmem>>
        %dma_start3A_85 = tpu.memref_squeeze %dma_start3A_84 : memref<1x128xi32, #tpu.memory_space<vmem>> -> memref<128xi32, #tpu.memory_space<vmem>>
        %dma_start3A_86 = arith.constant 0 : i32
        %dma_start3A_87 = arith.constant 0 : i32
        %dma_start3A_88 = tpu.memref_slice %arg2[%dma_start3A_86, %dma_start3A_87] : memref<160000x128xf32, #tpu.memory_space<hbm>> -> memref<160000x128xf32, #tpu.memory_space<hbm>>
        tpu.enqueue_indirect_dma source(%dma_start3A_88 : memref<160000x128xf32, #tpu.memory_space<hbm>>) target(%arg7 : memref<128x128xf32, #tpu.memory_space<vmem>>) offsets(%dma_start3A_85 : memref<128xi32, #tpu.memory_space<vmem>>) semaphore(%arg11 : memref<!tpu.dma_semaphore, #tpu.memory_space<semaphore_mem>>) {add = true}
        %dma_wait3A_89 = arith.constant 1 : i32
        %dma_wait3A_90 = arith.constant 0 : i32
        %dma_wait3A_91 = tpu.memref_slice %arg5[%dma_wait3A_89, %dma_wait3A_90] : memref<4x128xi32, #tpu.memory_space<vmem>> -> memref<1x128xi32, #tpu.memory_space<vmem>>
        %dma_wait3A_92 = tpu.memref_squeeze %dma_wait3A_91 : memref<1x128xi32, #tpu.memory_space<vmem>> -> memref<128xi32, #tpu.memory_space<vmem>>
        %dma_wait3A_93 = arith.constant 0 : i32
        %dma_wait3A_94 = arith.constant 0 : i32
        %dma_wait3A_95 = tpu.memref_slice %arg2[%dma_wait3A_93, %dma_wait3A_94] : memref<160000x128xf32, #tpu.memory_space<hbm>> -> memref<160000x128xf32, #tpu.memory_space<hbm>>
        tpu.wait_indirect_dma semaphore(%arg11 : memref<!tpu.dma_semaphore, #tpu.memory_space<semaphore_mem>>) src(%dma_wait3A_95 : memref<160000x128xf32, #tpu.memory_space<hbm>>) dst(%arg7 : memref<128x128xf32, #tpu.memory_space<vmem>>)
        %dma_wait3A_96 = arith.constant 2 : i32
        %dma_wait3A_97 = arith.constant 0 : i32
        %dma_wait3A_98 = tpu.memref_slice %arg5[%dma_wait3A_96, %dma_wait3A_97] : memref<4x128xi32, #tpu.memory_space<vmem>> -> memref<1x128xi32, #tpu.memory_space<vmem>>
        %dma_wait3A_99 = tpu.memref_squeeze %dma_wait3A_98 : memref<1x128xi32, #tpu.memory_space<vmem>> -> memref<128xi32, #tpu.memory_space<vmem>>
        %dma_wait3A_100 = arith.constant 0 : i32
        %dma_wait3A_101 = arith.constant 0 : i32
        %dma_wait3A_102 = tpu.memref_slice %arg2[%dma_wait3A_100, %dma_wait3A_101] : memref<160000x128xf32, #tpu.memory_space<hbm>> -> memref<160000x128xf32, #tpu.memory_space<hbm>>
        tpu.wait_indirect_dma semaphore(%arg11 : memref<!tpu.dma_semaphore, #tpu.memory_space<semaphore_mem>>) src(%dma_wait3A_102 : memref<160000x128xf32, #tpu.memory_space<hbm>>) dst(%arg7 : memref<128x128xf32, #tpu.memory_space<vmem>>)
        %dma_wait3A_103 = arith.constant 3 : i32
        %dma_wait3A_104 = arith.constant 0 : i32
        %dma_wait3A_105 = tpu.memref_slice %arg5[%dma_wait3A_103, %dma_wait3A_104] : memref<4x128xi32, #tpu.memory_space<vmem>> -> memref<1x128xi32, #tpu.memory_space<vmem>>
        %dma_wait3A_106 = tpu.memref_squeeze %dma_wait3A_105 : memref<1x128xi32, #tpu.memory_space<vmem>> -> memref<128xi32, #tpu.memory_space<vmem>>
        %dma_wait3A_107 = arith.constant 0 : i32
        %dma_wait3A_108 = arith.constant 0 : i32
        %dma_wait3A_109 = tpu.memref_slice %arg2[%dma_wait3A_107, %dma_wait3A_108] : memref<160000x128xf32, #tpu.memory_space<hbm>> -> memref<160000x128xf32, #tpu.memory_space<hbm>>
        tpu.wait_indirect_dma semaphore(%arg11 : memref<!tpu.dma_semaphore, #tpu.memory_space<semaphore_mem>>) src(%dma_wait3A_109 : memref<160000x128xf32, #tpu.memory_space<hbm>>) dst(%arg7 : memref<128x128xf32, #tpu.memory_space<vmem>>)
        %mul3A_110 = arith.constant 128 : i32
        %mul3A_111 = arith.muli %sub3A_39, %mul3A_110 : i32
        %dma_start3A_112 = arith.constant 0 : i32
        %dma_start3A_113 = tpu.memref_slice %arg4[%mul3A_111, %dma_start3A_112] : memref<80000x128xf32, #tpu.memory_space<hbm>> -> memref<128x128xf32, #tpu.memory_space<hbm>>
        %dma_start3A_114 = arith.constant 0 : i32
        %dma_start3A_115 = tpu.memref_slice %arg4[%mul3A_111, %dma_start3A_114] : memref<80000x128xf32, #tpu.memory_space<hbm>> -> memref<128x128xf32, #tpu.memory_space<hbm>>
        tpu.enqueue_dma source(%arg7 : memref<128x128xf32, #tpu.memory_space<vmem>>) target(%dma_start3A_115 : memref<128x128xf32, #tpu.memory_space<hbm>>) target_semaphore(%arg13 : memref<!tpu.dma_semaphore, #tpu.memory_space<semaphore_mem>>)
      } else {
      }
    }
    %scan3A_5 = arith.constant 12 : i32
    return
  }
}

#map = affine_map<(d0, d1) -> (0, 0)>
#map1 = affine_map<(d0, d1) -> (0)>
module attributes {stable_mosaic.version = 14 : i64} {
  func.func @_bgather_body(%arg0: i32, %arg1: i32, %arg2: memref<10000x128xf32, #tpu.memory_space<hbm>>, %arg3: memref<160000xi32, #tpu.memory_space<hbm>>, %arg4: memref<80000x128xf32, #tpu.memory_space<hbm>>, %arg5: memref<128xi32, #tpu.memory_space<vmem>>, %arg6: memref<128x128xf32, #tpu.memory_space<vmem>>, %arg7: memref<!tpu.dma_semaphore, #tpu.memory_space<semaphore_mem>>) attributes {dimension_semantics = [#tpu.dimension_semantics<core_parallel>, #tpu.dimension_semantics<subcore_parallel>], iteration_bounds = array<i64: 2, 16>, scalar_prefetch = 0 : i64, scratch_operands = 3 : i64, tpu.core_type = #tpu.core_type<sc_vector_subcore>, window_params = [{transform_indices = #map}, {transform_indices = #map1}, {transform_indices = #map}]} {
    %mul3A = arith.constant 2 : i32
    %mul3A_0 = arith.muli %arg1, %mul3A : i32
    %add3A = arith.addi %mul3A_0, %arg0 : i32
    %scan3A = arith.constant 0 : i32
    %scan3A_1 = arith.constant 0 : i32
    %scan3A_2 = arith.constant 20 : i32
    %scan3A_3 = arith.addi %scan3A_1, %scan3A_2 : i32
    %scan3A_4 = arith.constant 1 : i32
    scf.for %scan3A_6 = %scan3A_1 to %scan3A_3 step %scan3A_4  : i32 {
      %mul3A_7 = arith.constant 32 : i32
      %mul3A_8 = arith.muli %scan3A_6, %mul3A_7 : i32
      %add3A_9 = arith.addi %add3A, %mul3A_8 : i32
      %lt3A = arith.constant 625 : i32
      %lt3A_10 = arith.cmpi slt, %add3A_9, %lt3A : i32
      %convert_element_type3A = arith.extui %lt3A_10 : i1 to i32
      %cond3A = arith.constant 0 : i32
      %cond3A_11 = arith.cmpi ne, %convert_element_type3A, %cond3A : i32
      scf.if %cond3A_11 {
        %mul3A_12 = arith.constant 128 : i32
        %mul3A_13 = arith.muli %add3A_9, %mul3A_12 : i32
        %add3A_14 = arith.constant 0 : i32
        %add3A_15 = arith.addi %add3A_14, %mul3A_13 : i32
        "tpu.region"() ({
          %run_scoped3A = tpu.sem_alloc : memref<!tpu.dma_semaphore, #tpu.memory_space<semaphore_mem>>
          %dma_start3A_20 = tpu.memref_slice %arg3[%add3A_15] : memref<160000xi32, #tpu.memory_space<hbm>> -> memref<128xi32, #tpu.memory_space<hbm>>
          %dma_start3A_21 = tpu.memref_slice %arg3[%add3A_15] : memref<160000xi32, #tpu.memory_space<hbm>> -> memref<128xi32, #tpu.memory_space<hbm>>
          tpu.enqueue_dma source(%dma_start3A_21 : memref<128xi32, #tpu.memory_space<hbm>>) target(%arg5 : memref<128xi32, #tpu.memory_space<vmem>>) target_semaphore(%run_scoped3A : memref<!tpu.dma_semaphore, #tpu.memory_space<semaphore_mem>>)
          %dma_wait3A_22 = tpu.memref_slice %arg3[%add3A_15] : memref<160000xi32, #tpu.memory_space<hbm>> -> memref<128xi32, #tpu.memory_space<hbm>>
          %dma_wait3A_23 = tpu.memref_slice %arg3[%add3A_15] : memref<160000xi32, #tpu.memory_space<hbm>> -> memref<128xi32, #tpu.memory_space<hbm>>
          tpu.wait_dma2 semaphore(%run_scoped3A : memref<!tpu.dma_semaphore, #tpu.memory_space<semaphore_mem>>) src(%dma_wait3A_23 : memref<128xi32, #tpu.memory_space<hbm>>) dst(%arg5 : memref<128xi32, #tpu.memory_space<vmem>>)
          tpu.yield
        }) : () -> ()
        %dma_start3A = arith.constant 0 : i32
        %dma_start3A_16 = arith.constant 0 : i32
        %dma_start3A_17 = tpu.memref_slice %arg2[%dma_start3A, %dma_start3A_16] : memref<10000x128xf32, #tpu.memory_space<hbm>> -> memref<10000x128xf32, #tpu.memory_space<hbm>>
        tpu.enqueue_indirect_dma source(%dma_start3A_17 : memref<10000x128xf32, #tpu.memory_space<hbm>>) target(%arg6 : memref<128x128xf32, #tpu.memory_space<vmem>>) offsets(%arg5 : memref<128xi32, #tpu.memory_space<vmem>>) semaphore(%arg7 : memref<!tpu.dma_semaphore, #tpu.memory_space<semaphore_mem>>)
        %dma_wait3A = arith.constant 0 : i32
        %dma_wait3A_18 = arith.constant 0 : i32
        %dma_wait3A_19 = tpu.memref_slice %arg2[%dma_wait3A, %dma_wait3A_18] : memref<10000x128xf32, #tpu.memory_space<hbm>> -> memref<10000x128xf32, #tpu.memory_space<hbm>>
        tpu.wait_indirect_dma semaphore(%arg7 : memref<!tpu.dma_semaphore, #tpu.memory_space<semaphore_mem>>) src(%dma_wait3A_19 : memref<10000x128xf32, #tpu.memory_space<hbm>>) dst(%arg6 : memref<128x128xf32, #tpu.memory_space<vmem>>)
        "tpu.region"() ({
          %run_scoped3A = tpu.sem_alloc : memref<!tpu.dma_semaphore, #tpu.memory_space<semaphore_mem>>
          %dma_start3A_20 = arith.constant 0 : i32
          %dma_start3A_21 = tpu.memref_slice %arg4[%mul3A_13, %dma_start3A_20] : memref<80000x128xf32, #tpu.memory_space<hbm>> -> memref<128x128xf32, #tpu.memory_space<hbm>>
          %dma_start3A_22 = arith.constant 0 : i32
          %dma_start3A_23 = tpu.memref_slice %arg4[%mul3A_13, %dma_start3A_22] : memref<80000x128xf32, #tpu.memory_space<hbm>> -> memref<128x128xf32, #tpu.memory_space<hbm>>
          tpu.enqueue_dma source(%arg6 : memref<128x128xf32, #tpu.memory_space<vmem>>) target(%dma_start3A_23 : memref<128x128xf32, #tpu.memory_space<hbm>>) target_semaphore(%run_scoped3A : memref<!tpu.dma_semaphore, #tpu.memory_space<semaphore_mem>>)
          %dma_wait3A_24 = arith.constant 0 : i32
          %dma_wait3A_25 = tpu.memref_slice %arg4[%mul3A_13, %dma_wait3A_24] : memref<80000x128xf32, #tpu.memory_space<hbm>> -> memref<128x128xf32, #tpu.memory_space<hbm>>
          %dma_wait3A_26 = arith.constant 0 : i32
          %dma_wait3A_27 = tpu.memref_slice %arg4[%mul3A_13, %dma_wait3A_26] : memref<80000x128xf32, #tpu.memory_space<hbm>> -> memref<128x128xf32, #tpu.memory_space<hbm>>
          tpu.wait_dma2 semaphore(%run_scoped3A : memref<!tpu.dma_semaphore, #tpu.memory_space<semaphore_mem>>) src(%arg6 : memref<128x128xf32, #tpu.memory_space<vmem>>) dst(%dma_wait3A_27 : memref<128x128xf32, #tpu.memory_space<hbm>>)
          tpu.yield
        }) : () -> ()
      } else {
      }
    }
    %scan3A_5 = arith.constant 20 : i32
    return
  }
}

#map = affine_map<(d0, d1) -> (0, 0)>
#map1 = affine_map<(d0, d1) -> (0)>
module attributes {stable_mosaic.version = 14 : i64} {
  func.func @_bgather_body(%arg0: i32, %arg1: i32, %arg2: memref<10000x128xf32, #tpu.memory_space<hbm>>, %arg3: memref<160000xi32, #tpu.memory_space<hbm>>, %arg4: memref<80000x128xf32, #tpu.memory_space<hbm>>, %arg5: memref<128xi32, #tpu.memory_space<vmem>>, %arg6: memref<128x128xf32, #tpu.memory_space<vmem>>, %arg7: memref<!tpu.dma_semaphore, #tpu.memory_space<semaphore_mem>>) attributes {dimension_semantics = [#tpu.dimension_semantics<core_parallel>, #tpu.dimension_semantics<subcore_parallel>], iteration_bounds = array<i64: 2, 16>, scalar_prefetch = 0 : i64, scratch_operands = 3 : i64, tpu.core_type = #tpu.core_type<sc_vector_subcore>, window_params = [{transform_indices = #map}, {transform_indices = #map1}, {transform_indices = #map}]} {
    %mul3A = arith.constant 2 : i32
    %mul3A_0 = arith.muli %arg1, %mul3A : i32
    %add3A = arith.addi %mul3A_0, %arg0 : i32
    %scan3A = arith.constant 0 : i32
    %scan3A_1 = arith.constant 0 : i32
    %scan3A_2 = arith.constant 20 : i32
    %scan3A_3 = arith.addi %scan3A_1, %scan3A_2 : i32
    %scan3A_4 = arith.constant 1 : i32
    scf.for %scan3A_6 = %scan3A_1 to %scan3A_3 step %scan3A_4  : i32 {
      %mul3A_7 = arith.constant 32 : i32
      %mul3A_8 = arith.muli %scan3A_6, %mul3A_7 : i32
      %add3A_9 = arith.addi %add3A, %mul3A_8 : i32
      %lt3A = arith.constant 625 : i32
      %lt3A_10 = arith.cmpi slt, %add3A_9, %lt3A : i32
      %convert_element_type3A = arith.extui %lt3A_10 : i1 to i32
      %cond3A = arith.constant 0 : i32
      %cond3A_11 = arith.cmpi ne, %convert_element_type3A, %cond3A : i32
      scf.if %cond3A_11 {
        %mul3A_12 = arith.constant 128 : i32
        %mul3A_13 = arith.muli %add3A_9, %mul3A_12 : i32
        %add3A_14 = arith.constant 80000 : i32
        %add3A_15 = arith.addi %add3A_14, %mul3A_13 : i32
        "tpu.region"() ({
          %run_scoped3A = tpu.sem_alloc : memref<!tpu.dma_semaphore, #tpu.memory_space<semaphore_mem>>
          %dma_start3A_20 = tpu.memref_slice %arg3[%add3A_15] : memref<160000xi32, #tpu.memory_space<hbm>> -> memref<128xi32, #tpu.memory_space<hbm>>
          %dma_start3A_21 = tpu.memref_slice %arg3[%add3A_15] : memref<160000xi32, #tpu.memory_space<hbm>> -> memref<128xi32, #tpu.memory_space<hbm>>
          tpu.enqueue_dma source(%dma_start3A_21 : memref<128xi32, #tpu.memory_space<hbm>>) target(%arg5 : memref<128xi32, #tpu.memory_space<vmem>>) target_semaphore(%run_scoped3A : memref<!tpu.dma_semaphore, #tpu.memory_space<semaphore_mem>>)
          %dma_wait3A_22 = tpu.memref_slice %arg3[%add3A_15] : memref<160000xi32, #tpu.memory_space<hbm>> -> memref<128xi32, #tpu.memory_space<hbm>>
          %dma_wait3A_23 = tpu.memref_slice %arg3[%add3A_15] : memref<160000xi32, #tpu.memory_space<hbm>> -> memref<128xi32, #tpu.memory_space<hbm>>
          tpu.wait_dma2 semaphore(%run_scoped3A : memref<!tpu.dma_semaphore, #tpu.memory_space<semaphore_mem>>) src(%dma_wait3A_23 : memref<128xi32, #tpu.memory_space<hbm>>) dst(%arg5 : memref<128xi32, #tpu.memory_space<vmem>>)
          tpu.yield
        }) : () -> ()
        %dma_start3A = arith.constant 0 : i32
        %dma_start3A_16 = arith.constant 0 : i32
        %dma_start3A_17 = tpu.memref_slice %arg2[%dma_start3A, %dma_start3A_16] : memref<10000x128xf32, #tpu.memory_space<hbm>> -> memref<10000x128xf32, #tpu.memory_space<hbm>>
        tpu.enqueue_indirect_dma source(%dma_start3A_17 : memref<10000x128xf32, #tpu.memory_space<hbm>>) target(%arg6 : memref<128x128xf32, #tpu.memory_space<vmem>>) offsets(%arg5 : memref<128xi32, #tpu.memory_space<vmem>>) semaphore(%arg7 : memref<!tpu.dma_semaphore, #tpu.memory_space<semaphore_mem>>)
        %dma_wait3A = arith.constant 0 : i32
        %dma_wait3A_18 = arith.constant 0 : i32
        %dma_wait3A_19 = tpu.memref_slice %arg2[%dma_wait3A, %dma_wait3A_18] : memref<10000x128xf32, #tpu.memory_space<hbm>> -> memref<10000x128xf32, #tpu.memory_space<hbm>>
        tpu.wait_indirect_dma semaphore(%arg7 : memref<!tpu.dma_semaphore, #tpu.memory_space<semaphore_mem>>) src(%dma_wait3A_19 : memref<10000x128xf32, #tpu.memory_space<hbm>>) dst(%arg6 : memref<128x128xf32, #tpu.memory_space<vmem>>)
        "tpu.region"() ({
          %run_scoped3A = tpu.sem_alloc : memref<!tpu.dma_semaphore, #tpu.memory_space<semaphore_mem>>
          %dma_start3A_20 = arith.constant 0 : i32
          %dma_start3A_21 = tpu.memref_slice %arg4[%mul3A_13, %dma_start3A_20] : memref<80000x128xf32, #tpu.memory_space<hbm>> -> memref<128x128xf32, #tpu.memory_space<hbm>>
          %dma_start3A_22 = arith.constant 0 : i32
          %dma_start3A_23 = tpu.memref_slice %arg4[%mul3A_13, %dma_start3A_22] : memref<80000x128xf32, #tpu.memory_space<hbm>> -> memref<128x128xf32, #tpu.memory_space<hbm>>
          tpu.enqueue_dma source(%arg6 : memref<128x128xf32, #tpu.memory_space<vmem>>) target(%dma_start3A_23 : memref<128x128xf32, #tpu.memory_space<hbm>>) target_semaphore(%run_scoped3A : memref<!tpu.dma_semaphore, #tpu.memory_space<semaphore_mem>>)
          %dma_wait3A_24 = arith.constant 0 : i32
          %dma_wait3A_25 = tpu.memref_slice %arg4[%mul3A_13, %dma_wait3A_24] : memref<80000x128xf32, #tpu.memory_space<hbm>> -> memref<128x128xf32, #tpu.memory_space<hbm>>
          %dma_wait3A_26 = arith.constant 0 : i32
          %dma_wait3A_27 = tpu.memref_slice %arg4[%mul3A_13, %dma_wait3A_26] : memref<80000x128xf32, #tpu.memory_space<hbm>> -> memref<128x128xf32, #tpu.memory_space<hbm>>
          tpu.wait_dma2 semaphore(%run_scoped3A : memref<!tpu.dma_semaphore, #tpu.memory_space<semaphore_mem>>) src(%arg6 : memref<128x128xf32, #tpu.memory_space<vmem>>) dst(%dma_wait3A_27 : memref<128x128xf32, #tpu.memory_space<hbm>>)
          tpu.yield
        }) : () -> ()
      } else {
      }
    }
    %scan3A_5 = arith.constant 20 : i32
    return
  }
}

#map = affine_map<(d0, d1) -> (0, 0)>
#map1 = affine_map<(d0, d1) -> (0)>
module attributes {stable_mosaic.version = 14 : i64} {
  func.func @_agg_body(%arg0: i32, %arg1: i32, %arg2: memref<160000x128xf32, #tpu.memory_space<hbm>>, %arg3: memref<640000xi32, #tpu.memory_space<hbm>>, %arg4: memref<80000x128xf32, #tpu.memory_space<hbm>>, %arg5: memref<4x128xi32, #tpu.memory_space<vmem>>, %arg6: memref<4x128xi32, #tpu.memory_space<vmem>>, %arg7: memref<128x128xf32, #tpu.memory_space<vmem>>, %arg8: memref<128x128xf32, #tpu.memory_space<vmem>>, %arg9: memref<!tpu.dma_semaphore, #tpu.memory_space<semaphore_mem>>, %arg10: memref<!tpu.dma_semaphore, #tpu.memory_space<semaphore_mem>>, %arg11: memref<!tpu.dma_semaphore, #tpu.memory_space<semaphore_mem>>, %arg12: memref<!tpu.dma_semaphore, #tpu.memory_space<semaphore_mem>>, %arg13: memref<!tpu.dma_semaphore, #tpu.memory_space<semaphore_mem>>, %arg14: memref<!tpu.dma_semaphore, #tpu.memory_space<semaphore_mem>>) attributes {dimension_semantics = [#tpu.dimension_semantics<core_parallel>, #tpu.dimension_semantics<subcore_parallel>], iteration_bounds = array<i64: 2, 16>, scalar_prefetch = 0 : i64, scratch_operands = 10 : i64, tpu.core_type = #tpu.core_type<sc_vector_subcore>, window_params = [{transform_indices = #map}, {transform_indices = #map1}, {transform_indices = #map}]} {
    %mul3A = arith.constant 2 : i32
    %mul3A_0 = arith.muli %arg1, %mul3A : i32
    %add3A = arith.addi %mul3A_0, %arg0 : i32
    %scan3A = arith.constant 0 : i32
    %scan3A_1 = arith.constant 0 : i32
    %scan3A_2 = arith.constant 12 : i32
    %scan3A_3 = arith.addi %scan3A_1, %scan3A_2 : i32
    %scan3A_4 = arith.constant 1 : i32
    scf.for %scan3A_6 = %scan3A_1 to %scan3A_3 step %scan3A_4  : i32 {
      %mul3A_7 = arith.constant 2 : i32
      %mul3A_8 = arith.muli %mul3A_7, %scan3A_6 : i32
      %mul3A_9 = arith.constant 32 : i32
      %mul3A_10 = arith.muli %mul3A_8, %mul3A_9 : i32
      %add3A_11 = arith.addi %add3A, %mul3A_10 : i32
      %sub3A = arith.constant 32 : i32
      %sub3A_12 = arith.subi %add3A_11, %sub3A : i32
      %sub3A_13 = arith.constant 64 : i32
      %sub3A_14 = arith.subi %add3A_11, %sub3A_13 : i32
      %ge3A = arith.constant 2 : i32
      %ge3A_15 = arith.cmpi sge, %mul3A_8, %ge3A : i32
      %lt3A = arith.constant 625 : i32
      %lt3A_16 = arith.cmpi slt, %sub3A_14, %lt3A : i32
      %and3A = arith.andi %ge3A_15, %lt3A_16 : i1
      %convert_element_type3A = arith.extui %and3A : i1 to i32
      %cond3A = arith.constant 0 : i32
      %cond3A_17 = arith.cmpi ne, %convert_element_type3A, %cond3A : i32
      scf.if %cond3A_17 {
        %mul3A_63 = arith.constant 128 : i32
        %mul3A_64 = arith.muli %sub3A_14, %mul3A_63 : i32
        %dma_wait3A = arith.constant 0 : i32
        %dma_wait3A_65 = tpu.memref_slice %arg4[%mul3A_64, %dma_wait3A] : memref<80000x128xf32, #tpu.memory_space<hbm>> -> memref<128x128xf32, #tpu.memory_space<hbm>>
        %dma_wait3A_66 = arith.constant 0 : i32
        %dma_wait3A_67 = tpu.memref_slice %arg4[%mul3A_64, %dma_wait3A_66] : memref<80000x128xf32, #tpu.memory_space<hbm>> -> memref<128x128xf32, #tpu.memory_space<hbm>>
        tpu.wait_dma2 semaphore(%arg13 : memref<!tpu.dma_semaphore, #tpu.memory_space<semaphore_mem>>) src(%arg7 : memref<128x128xf32, #tpu.memory_space<vmem>>) dst(%dma_wait3A_67 : memref<128x128xf32, #tpu.memory_space<hbm>>)
      } else {
      }
      %lt3A_18 = arith.constant 625 : i32
      %lt3A_19 = arith.cmpi slt, %add3A_11, %lt3A_18 : i32
      %convert_element_type3A_20 = arith.extui %lt3A_19 : i1 to i32
      %cond3A_21 = arith.constant 0 : i32
      %cond3A_22 = arith.cmpi ne, %convert_element_type3A_20, %cond3A_21 : i32
      scf.if %cond3A_22 {
        %mul3A_63 = arith.constant 128 : i32
        %mul3A_64 = arith.muli %add3A_11, %mul3A_63 : i32
        %add3A_65 = arith.constant 0 : i32
        %add3A_66 = arith.addi %add3A_65, %mul3A_64 : i32
        %run_scoped3A = arith.constant 0 : i32
        "tpu.region"() ({
          %run_scoped3A_82 = tpu.sem_alloc : memref<!tpu.dma_semaphore, #tpu.memory_space<semaphore_mem>>
          %dma_start3A_83 = arith.constant 0 : i32
          %dma_start3A_84 = tpu.memref_slice %arg5[%run_scoped3A, %dma_start3A_83] : memref<4x128xi32, #tpu.memory_space<vmem>> -> memref<1x128xi32, #tpu.memory_space<vmem>>
          %dma_start3A_85 = tpu.memref_squeeze %dma_start3A_84 : memref<1x128xi32, #tpu.memory_space<vmem>> -> memref<128xi32, #tpu.memory_space<vmem>>
          %dma_start3A_86 = tpu.memref_slice %arg3[%add3A_66] : memref<640000xi32, #tpu.memory_space<hbm>> -> memref<128xi32, #tpu.memory_space<hbm>>
          %dma_start3A_87 = arith.constant 0 : i32
          %dma_start3A_88 = tpu.memref_slice %arg5[%run_scoped3A, %dma_start3A_87] : memref<4x128xi32, #tpu.memory_space<vmem>> -> memref<1x128xi32, #tpu.memory_space<vmem>>
          %dma_start3A_89 = tpu.memref_squeeze %dma_start3A_88 : memref<1x128xi32, #tpu.memory_space<vmem>> -> memref<128xi32, #tpu.memory_space<vmem>>
          %dma_start3A_90 = tpu.memref_slice %arg3[%add3A_66] : memref<640000xi32, #tpu.memory_space<hbm>> -> memref<128xi32, #tpu.memory_space<hbm>>
          tpu.enqueue_dma source(%dma_start3A_90 : memref<128xi32, #tpu.memory_space<hbm>>) target(%dma_start3A_89 : memref<128xi32, #tpu.memory_space<vmem>>) target_semaphore(%run_scoped3A_82 : memref<!tpu.dma_semaphore, #tpu.memory_space<semaphore_mem>>)
          %dma_wait3A = arith.constant 0 : i32
          %dma_wait3A_91 = tpu.memref_slice %arg5[%run_scoped3A, %dma_wait3A] : memref<4x128xi32, #tpu.memory_space<vmem>> -> memref<1x128xi32, #tpu.memory_space<vmem>>
          %dma_wait3A_92 = tpu.memref_squeeze %dma_wait3A_91 : memref<1x128xi32, #tpu.memory_space<vmem>> -> memref<128xi32, #tpu.memory_space<vmem>>
          %dma_wait3A_93 = tpu.memref_slice %arg3[%add3A_66] : memref<640000xi32, #tpu.memory_space<hbm>> -> memref<128xi32, #tpu.memory_space<hbm>>
          %dma_wait3A_94 = arith.constant 0 : i32
          %dma_wait3A_95 = tpu.memref_slice %arg5[%run_scoped3A, %dma_wait3A_94] : memref<4x128xi32, #tpu.memory_space<vmem>> -> memref<1x128xi32, #tpu.memory_space<vmem>>
          %dma_wait3A_96 = tpu.memref_squeeze %dma_wait3A_95 : memref<1x128xi32, #tpu.memory_space<vmem>> -> memref<128xi32, #tpu.memory_space<vmem>>
          %dma_wait3A_97 = tpu.memref_slice %arg3[%add3A_66] : memref<640000xi32, #tpu.memory_space<hbm>> -> memref<128xi32, #tpu.memory_space<hbm>>
          tpu.wait_dma2 semaphore(%run_scoped3A_82 : memref<!tpu.dma_semaphore, #tpu.memory_space<semaphore_mem>>) src(%dma_wait3A_97 : memref<128xi32, #tpu.memory_space<hbm>>) dst(%dma_wait3A_96 : memref<128xi32, #tpu.memory_space<vmem>>)
          tpu.yield
        }) : () -> ()
        %add3A_67 = arith.constant 160000 : i32
        %add3A_68 = arith.addi %add3A_67, %add3A_66 : i32
        %run_scoped3A_69 = arith.constant 1 : i32
        "tpu.region"() ({
          %run_scoped3A_82 = tpu.sem_alloc : memref<!tpu.dma_semaphore, #tpu.memory_space<semaphore_mem>>
          %dma_start3A_83 = arith.constant 0 : i32
          %dma_start3A_84 = tpu.memref_slice %arg5[%run_scoped3A_69, %dma_start3A_83] : memref<4x128xi32, #tpu.memory_space<vmem>> -> memref<1x128xi32, #tpu.memory_space<vmem>>
          %dma_start3A_85 = tpu.memref_squeeze %dma_start3A_84 : memref<1x128xi32, #tpu.memory_space<vmem>> -> memref<128xi32, #tpu.memory_space<vmem>>
          %dma_start3A_86 = tpu.memref_slice %arg3[%add3A_68] : memref<640000xi32, #tpu.memory_space<hbm>> -> memref<128xi32, #tpu.memory_space<hbm>>
          %dma_start3A_87 = arith.constant 0 : i32
          %dma_start3A_88 = tpu.memref_slice %arg5[%run_scoped3A_69, %dma_start3A_87] : memref<4x128xi32, #tpu.memory_space<vmem>> -> memref<1x128xi32, #tpu.memory_space<vmem>>
          %dma_start3A_89 = tpu.memref_squeeze %dma_start3A_88 : memref<1x128xi32, #tpu.memory_space<vmem>> -> memref<128xi32, #tpu.memory_space<vmem>>
          %dma_start3A_90 = tpu.memref_slice %arg3[%add3A_68] : memref<640000xi32, #tpu.memory_space<hbm>> -> memref<128xi32, #tpu.memory_space<hbm>>
          tpu.enqueue_dma source(%dma_start3A_90 : memref<128xi32, #tpu.memory_space<hbm>>) target(%dma_start3A_89 : memref<128xi32, #tpu.memory_space<vmem>>) target_semaphore(%run_scoped3A_82 : memref<!tpu.dma_semaphore, #tpu.memory_space<semaphore_mem>>)
          %dma_wait3A = arith.constant 0 : i32
          %dma_wait3A_91 = tpu.memref_slice %arg5[%run_scoped3A_69, %dma_wait3A] : memref<4x128xi32, #tpu.memory_space<vmem>> -> memref<1x128xi32, #tpu.memory_space<vmem>>
          %dma_wait3A_92 = tpu.memref_squeeze %dma_wait3A_91 : memref<1x128xi32, #tpu.memory_space<vmem>> -> memref<128xi32, #tpu.memory_space<vmem>>
          %dma_wait3A_93 = tpu.memref_slice %arg3[%add3A_68] : memref<640000xi32, #tpu.memory_space<hbm>> -> memref<128xi32, #tpu.memory_space<hbm>>
          %dma_wait3A_94 = arith.constant 0 : i32
          %dma_wait3A_95 = tpu.memref_slice %arg5[%run_scoped3A_69, %dma_wait3A_94] : memref<4x128xi32, #tpu.memory_space<vmem>> -> memref<1x128xi32, #tpu.memory_space<vmem>>
          %dma_wait3A_96 = tpu.memref_squeeze %dma_wait3A_95 : memref<1x128xi32, #tpu.memory_space<vmem>> -> memref<128xi32, #tpu.memory_space<vmem>>
          %dma_wait3A_97 = tpu.memref_slice %arg3[%add3A_68] : memref<640000xi32, #tpu.memory_space<hbm>> -> memref<128xi32, #tpu.memory_space<hbm>>
          tpu.wait_dma2 semaphore(%run_scoped3A_82 : memref<!tpu.dma_semaphore, #tpu.memory_space<semaphore_mem>>) src(%dma_wait3A_97 : memref<128xi32, #tpu.memory_space<hbm>>) dst(%dma_wait3A_96 : memref<128xi32, #tpu.memory_space<vmem>>)
          tpu.yield
        }) : () -> ()
        %add3A_70 = arith.constant 320000 : i32
        %add3A_71 = arith.addi %add3A_70, %add3A_66 : i32
        %run_scoped3A_72 = arith.constant 2 : i32
        "tpu.region"() ({
          %run_scoped3A_82 = tpu.sem_alloc : memref<!tpu.dma_semaphore, #tpu.memory_space<semaphore_mem>>
          %dma_start3A_83 = arith.constant 0 : i32
          %dma_start3A_84 = tpu.memref_slice %arg5[%run_scoped3A_72, %dma_start3A_83] : memref<4x128xi32, #tpu.memory_space<vmem>> -> memref<1x128xi32, #tpu.memory_space<vmem>>
          %dma_start3A_85 = tpu.memref_squeeze %dma_start3A_84 : memref<1x128xi32, #tpu.memory_space<vmem>> -> memref<128xi32, #tpu.memory_space<vmem>>
          %dma_start3A_86 = tpu.memref_slice %arg3[%add3A_71] : memref<640000xi32, #tpu.memory_space<hbm>> -> memref<128xi32, #tpu.memory_space<hbm>>
          %dma_start3A_87 = arith.constant 0 : i32
          %dma_start3A_88 = tpu.memref_slice %arg5[%run_scoped3A_72, %dma_start3A_87] : memref<4x128xi32, #tpu.memory_space<vmem>> -> memref<1x128xi32, #tpu.memory_space<vmem>>
          %dma_start3A_89 = tpu.memref_squeeze %dma_start3A_88 : memref<1x128xi32, #tpu.memory_space<vmem>> -> memref<128xi32, #tpu.memory_space<vmem>>
          %dma_start3A_90 = tpu.memref_slice %arg3[%add3A_71] : memref<640000xi32, #tpu.memory_space<hbm>> -> memref<128xi32, #tpu.memory_space<hbm>>
          tpu.enqueue_dma source(%dma_start3A_90 : memref<128xi32, #tpu.memory_space<hbm>>) target(%dma_start3A_89 : memref<128xi32, #tpu.memory_space<vmem>>) target_semaphore(%run_scoped3A_82 : memref<!tpu.dma_semaphore, #tpu.memory_space<semaphore_mem>>)
          %dma_wait3A = arith.constant 0 : i32
          %dma_wait3A_91 = tpu.memref_slice %arg5[%run_scoped3A_72, %dma_wait3A] : memref<4x128xi32, #tpu.memory_space<vmem>> -> memref<1x128xi32, #tpu.memory_space<vmem>>
          %dma_wait3A_92 = tpu.memref_squeeze %dma_wait3A_91 : memref<1x128xi32, #tpu.memory_space<vmem>> -> memref<128xi32, #tpu.memory_space<vmem>>
          %dma_wait3A_93 = tpu.memref_slice %arg3[%add3A_71] : memref<640000xi32, #tpu.memory_space<hbm>> -> memref<128xi32, #tpu.memory_space<hbm>>
          %dma_wait3A_94 = arith.constant 0 : i32
          %dma_wait3A_95 = tpu.memref_slice %arg5[%run_scoped3A_72, %dma_wait3A_94] : memref<4x128xi32, #tpu.memory_space<vmem>> -> memref<1x128xi32, #tpu.memory_space<vmem>>
          %dma_wait3A_96 = tpu.memref_squeeze %dma_wait3A_95 : memref<1x128xi32, #tpu.memory_space<vmem>> -> memref<128xi32, #tpu.memory_space<vmem>>
          %dma_wait3A_97 = tpu.memref_slice %arg3[%add3A_71] : memref<640000xi32, #tpu.memory_space<hbm>> -> memref<128xi32, #tpu.memory_space<hbm>>
          tpu.wait_dma2 semaphore(%run_scoped3A_82 : memref<!tpu.dma_semaphore, #tpu.memory_space<semaphore_mem>>) src(%dma_wait3A_97 : memref<128xi32, #tpu.memory_space<hbm>>) dst(%dma_wait3A_96 : memref<128xi32, #tpu.memory_space<vmem>>)
          tpu.yield
        }) : () -> ()
        %add3A_73 = arith.constant 480000 : i32
        %add3A_74 = arith.addi %add3A_73, %add3A_66 : i32
        %run_scoped3A_75 = arith.constant 3 : i32
        "tpu.region"() ({
          %run_scoped3A_82 = tpu.sem_alloc : memref<!tpu.dma_semaphore, #tpu.memory_space<semaphore_mem>>
          %dma_start3A_83 = arith.constant 0 : i32
          %dma_start3A_84 = tpu.memref_slice %arg5[%run_scoped3A_75, %dma_start3A_83] : memref<4x128xi32, #tpu.memory_space<vmem>> -> memref<1x128xi32, #tpu.memory_space<vmem>>
          %dma_start3A_85 = tpu.memref_squeeze %dma_start3A_84 : memref<1x128xi32, #tpu.memory_space<vmem>> -> memref<128xi32, #tpu.memory_space<vmem>>
          %dma_start3A_86 = tpu.memref_slice %arg3[%add3A_74] : memref<640000xi32, #tpu.memory_space<hbm>> -> memref<128xi32, #tpu.memory_space<hbm>>
          %dma_start3A_87 = arith.constant 0 : i32
          %dma_start3A_88 = tpu.memref_slice %arg5[%run_scoped3A_75, %dma_start3A_87] : memref<4x128xi32, #tpu.memory_space<vmem>> -> memref<1x128xi32, #tpu.memory_space<vmem>>
          %dma_start3A_89 = tpu.memref_squeeze %dma_start3A_88 : memref<1x128xi32, #tpu.memory_space<vmem>> -> memref<128xi32, #tpu.memory_space<vmem>>
          %dma_start3A_90 = tpu.memref_slice %arg3[%add3A_74] : memref<640000xi32, #tpu.memory_space<hbm>> -> memref<128xi32, #tpu.memory_space<hbm>>
          tpu.enqueue_dma source(%dma_start3A_90 : memref<128xi32, #tpu.memory_space<hbm>>) target(%dma_start3A_89 : memref<128xi32, #tpu.memory_space<vmem>>) target_semaphore(%run_scoped3A_82 : memref<!tpu.dma_semaphore, #tpu.memory_space<semaphore_mem>>)
          %dma_wait3A = arith.constant 0 : i32
          %dma_wait3A_91 = tpu.memref_slice %arg5[%run_scoped3A_75, %dma_wait3A] : memref<4x128xi32, #tpu.memory_space<vmem>> -> memref<1x128xi32, #tpu.memory_space<vmem>>
          %dma_wait3A_92 = tpu.memref_squeeze %dma_wait3A_91 : memref<1x128xi32, #tpu.memory_space<vmem>> -> memref<128xi32, #tpu.memory_space<vmem>>
          %dma_wait3A_93 = tpu.memref_slice %arg3[%add3A_74] : memref<640000xi32, #tpu.memory_space<hbm>> -> memref<128xi32, #tpu.memory_space<hbm>>
          %dma_wait3A_94 = arith.constant 0 : i32
          %dma_wait3A_95 = tpu.memref_slice %arg5[%run_scoped3A_75, %dma_wait3A_94] : memref<4x128xi32, #tpu.memory_space<vmem>> -> memref<1x128xi32, #tpu.memory_space<vmem>>
          %dma_wait3A_96 = tpu.memref_squeeze %dma_wait3A_95 : memref<1x128xi32, #tpu.memory_space<vmem>> -> memref<128xi32, #tpu.memory_space<vmem>>
          %dma_wait3A_97 = tpu.memref_slice %arg3[%add3A_74] : memref<640000xi32, #tpu.memory_space<hbm>> -> memref<128xi32, #tpu.memory_space<hbm>>
          tpu.wait_dma2 semaphore(%run_scoped3A_82 : memref<!tpu.dma_semaphore, #tpu.memory_space<semaphore_mem>>) src(%dma_wait3A_97 : memref<128xi32, #tpu.memory_space<hbm>>) dst(%dma_wait3A_96 : memref<128xi32, #tpu.memory_space<vmem>>)
          tpu.yield
        }) : () -> ()
        %dma_start3A = arith.constant 0 : i32
        %dma_start3A_76 = arith.constant 0 : i32
        %dma_start3A_77 = tpu.memref_slice %arg5[%dma_start3A, %dma_start3A_76] : memref<4x128xi32, #tpu.memory_space<vmem>> -> memref<1x128xi32, #tpu.memory_space<vmem>>
        %dma_start3A_78 = tpu.memref_squeeze %dma_start3A_77 : memref<1x128xi32, #tpu.memory_space<vmem>> -> memref<128xi32, #tpu.memory_space<vmem>>
        %dma_start3A_79 = arith.constant 0 : i32
        %dma_start3A_80 = arith.constant 0 : i32
        %dma_start3A_81 = tpu.memref_slice %arg2[%dma_start3A_79, %dma_start3A_80] : memref<160000x128xf32, #tpu.memory_space<hbm>> -> memref<160000x128xf32, #tpu.memory_space<hbm>>
        tpu.enqueue_indirect_dma source(%dma_start3A_81 : memref<160000x128xf32, #tpu.memory_space<hbm>>) target(%arg7 : memref<128x128xf32, #tpu.memory_space<vmem>>) offsets(%dma_start3A_78 : memref<128xi32, #tpu.memory_space<vmem>>) semaphore(%arg9 : memref<!tpu.dma_semaphore, #tpu.memory_space<semaphore_mem>>)
      } else {
      }
      %ge3A_23 = arith.constant 1 : i32
      %ge3A_24 = arith.cmpi sge, %mul3A_8, %ge3A_23 : i32
      %lt3A_25 = arith.constant 625 : i32
      %lt3A_26 = arith.cmpi slt, %sub3A_12, %lt3A_25 : i32
      %and3A_27 = arith.andi %ge3A_24, %lt3A_26 : i1
      %convert_element_type3A_28 = arith.extui %and3A_27 : i1 to i32
      %cond3A_29 = arith.constant 0 : i32
      %cond3A_30 = arith.cmpi ne, %convert_element_type3A_28, %cond3A_29 : i32
      scf.if %cond3A_30 {
        %dma_wait3A = arith.constant 0 : i32
        %dma_wait3A_63 = arith.constant 0 : i32
        %dma_wait3A_64 = tpu.memref_slice %arg6[%dma_wait3A, %dma_wait3A_63] : memref<4x128xi32, #tpu.memory_space<vmem>> -> memref<1x128xi32, #tpu.memory_space<vmem>>
        %dma_wait3A_65 = tpu.memref_squeeze %dma_wait3A_64 : memref<1x128xi32, #tpu.memory_space<vmem>> -> memref<128xi32, #tpu.memory_space<vmem>>
        %dma_wait3A_66 = arith.constant 0 : i32
        %dma_wait3A_67 = arith.constant 0 : i32
        %dma_wait3A_68 = tpu.memref_slice %arg2[%dma_wait3A_66, %dma_wait3A_67] : memref<160000x128xf32, #tpu.memory_space<hbm>> -> memref<160000x128xf32, #tpu.memory_space<hbm>>
        tpu.wait_indirect_dma semaphore(%arg10 : memref<!tpu.dma_semaphore, #tpu.memory_space<semaphore_mem>>) src(%dma_wait3A_68 : memref<160000x128xf32, #tpu.memory_space<hbm>>) dst(%arg8 : memref<128x128xf32, #tpu.memory_space<vmem>>)
        %dma_start3A = arith.constant 1 : i32
        %dma_start3A_69 = arith.constant 0 : i32
        %dma_start3A_70 = tpu.memref_slice %arg6[%dma_start3A, %dma_start3A_69] : memref<4x128xi32, #tpu.memory_space<vmem>> -> memref<1x128xi32, #tpu.memory_space<vmem>>
        %dma_start3A_71 = tpu.memref_squeeze %dma_start3A_70 : memref<1x128xi32, #tpu.memory_space<vmem>> -> memref<128xi32, #tpu.memory_space<vmem>>
        %dma_start3A_72 = arith.constant 0 : i32
        %dma_start3A_73 = arith.constant 0 : i32
        %dma_start3A_74 = tpu.memref_slice %arg2[%dma_start3A_72, %dma_start3A_73] : memref<160000x128xf32, #tpu.memory_space<hbm>> -> memref<160000x128xf32, #tpu.memory_space<hbm>>
        tpu.enqueue_indirect_dma source(%dma_start3A_74 : memref<160000x128xf32, #tpu.memory_space<hbm>>) target(%arg8 : memref<128x128xf32, #tpu.memory_space<vmem>>) offsets(%dma_start3A_71 : memref<128xi32, #tpu.memory_space<vmem>>) semaphore(%arg12 : memref<!tpu.dma_semaphore, #tpu.memory_space<semaphore_mem>>) {add = true}
        %dma_start3A_75 = arith.constant 2 : i32
        %dma_start3A_76 = arith.constant 0 : i32
        %dma_start3A_77 = tpu.memref_slice %arg6[%dma_start3A_75, %dma_start3A_76] : memref<4x128xi32, #tpu.memory_space<vmem>> -> memref<1x128xi32, #tpu.memory_space<vmem>>
        %dma_start3A_78 = tpu.memref_squeeze %dma_start3A_77 : memref<1x128xi32, #tpu.memory_space<vmem>> -> memref<128xi32, #tpu.memory_space<vmem>>
        %dma_start3A_79 = arith.constant 0 : i32
        %dma_start3A_80 = arith.constant 0 : i32
        %dma_start3A_81 = tpu.memref_slice %arg2[%dma_start3A_79, %dma_start3A_80] : memref<160000x128xf32, #tpu.memory_space<hbm>> -> memref<160000x128xf32, #tpu.memory_space<hbm>>
        tpu.enqueue_indirect_dma source(%dma_start3A_81 : memref<160000x128xf32, #tpu.memory_space<hbm>>) target(%arg8 : memref<128x128xf32, #tpu.memory_space<vmem>>) offsets(%dma_start3A_78 : memref<128xi32, #tpu.memory_space<vmem>>) semaphore(%arg12 : memref<!tpu.dma_semaphore, #tpu.memory_space<semaphore_mem>>) {add = true}
        %dma_start3A_82 = arith.constant 3 : i32
        %dma_start3A_83 = arith.constant 0 : i32
        %dma_start3A_84 = tpu.memref_slice %arg6[%dma_start3A_82, %dma_start3A_83] : memref<4x128xi32, #tpu.memory_space<vmem>> -> memref<1x128xi32, #tpu.memory_space<vmem>>
        %dma_start3A_85 = tpu.memref_squeeze %dma_start3A_84 : memref<1x128xi32, #tpu.memory_space<vmem>> -> memref<128xi32, #tpu.memory_space<vmem>>
        %dma_start3A_86 = arith.constant 0 : i32
        %dma_start3A_87 = arith.constant 0 : i32
        %dma_start3A_88 = tpu.memref_slice %arg2[%dma_start3A_86, %dma_start3A_87] : memref<160000x128xf32, #tpu.memory_space<hbm>> -> memref<160000x128xf32, #tpu.memory_space<hbm>>
        tpu.enqueue_indirect_dma source(%dma_start3A_88 : memref<160000x128xf32, #tpu.memory_space<hbm>>) target(%arg8 : memref<128x128xf32, #tpu.memory_space<vmem>>) offsets(%dma_start3A_85 : memref<128xi32, #tpu.memory_space<vmem>>) semaphore(%arg12 : memref<!tpu.dma_semaphore, #tpu.memory_space<semaphore_mem>>) {add = true}
        %dma_wait3A_89 = arith.constant 1 : i32
        %dma_wait3A_90 = arith.constant 0 : i32
        %dma_wait3A_91 = tpu.memref_slice %arg6[%dma_wait3A_89, %dma_wait3A_90] : memref<4x128xi32, #tpu.memory_space<vmem>> -> memref<1x128xi32, #tpu.memory_space<vmem>>
        %dma_wait3A_92 = tpu.memref_squeeze %dma_wait3A_91 : memref<1x128xi32, #tpu.memory_space<vmem>> -> memref<128xi32, #tpu.memory_space<vmem>>
        %dma_wait3A_93 = arith.constant 0 : i32
        %dma_wait3A_94 = arith.constant 0 : i32
        %dma_wait3A_95 = tpu.memref_slice %arg2[%dma_wait3A_93, %dma_wait3A_94] : memref<160000x128xf32, #tpu.memory_space<hbm>> -> memref<160000x128xf32, #tpu.memory_space<hbm>>
        tpu.wait_indirect_dma semaphore(%arg12 : memref<!tpu.dma_semaphore, #tpu.memory_space<semaphore_mem>>) src(%dma_wait3A_95 : memref<160000x128xf32, #tpu.memory_space<hbm>>) dst(%arg8 : memref<128x128xf32, #tpu.memory_space<vmem>>)
        %dma_wait3A_96 = arith.constant 2 : i32
        %dma_wait3A_97 = arith.constant 0 : i32
        %dma_wait3A_98 = tpu.memref_slice %arg6[%dma_wait3A_96, %dma_wait3A_97] : memref<4x128xi32, #tpu.memory_space<vmem>> -> memref<1x128xi32, #tpu.memory_space<vmem>>
        %dma_wait3A_99 = tpu.memref_squeeze %dma_wait3A_98 : memref<1x128xi32, #tpu.memory_space<vmem>> -> memref<128xi32, #tpu.memory_space<vmem>>
        %dma_wait3A_100 = arith.constant 0 : i32
        %dma_wait3A_101 = arith.constant 0 : i32
        %dma_wait3A_102 = tpu.memref_slice %arg2[%dma_wait3A_100, %dma_wait3A_101] : memref<160000x128xf32, #tpu.memory_space<hbm>> -> memref<160000x128xf32, #tpu.memory_space<hbm>>
        tpu.wait_indirect_dma semaphore(%arg12 : memref<!tpu.dma_semaphore, #tpu.memory_space<semaphore_mem>>) src(%dma_wait3A_102 : memref<160000x128xf32, #tpu.memory_space<hbm>>) dst(%arg8 : memref<128x128xf32, #tpu.memory_space<vmem>>)
        %dma_wait3A_103 = arith.constant 3 : i32
        %dma_wait3A_104 = arith.constant 0 : i32
        %dma_wait3A_105 = tpu.memref_slice %arg6[%dma_wait3A_103, %dma_wait3A_104] : memref<4x128xi32, #tpu.memory_space<vmem>> -> memref<1x128xi32, #tpu.memory_space<vmem>>
        %dma_wait3A_106 = tpu.memref_squeeze %dma_wait3A_105 : memref<1x128xi32, #tpu.memory_space<vmem>> -> memref<128xi32, #tpu.memory_space<vmem>>
        %dma_wait3A_107 = arith.constant 0 : i32
        %dma_wait3A_108 = arith.constant 0 : i32
        %dma_wait3A_109 = tpu.memref_slice %arg2[%dma_wait3A_107, %dma_wait3A_108] : memref<160000x128xf32, #tpu.memory_space<hbm>> -> memref<160000x128xf32, #tpu.memory_space<hbm>>
        tpu.wait_indirect_dma semaphore(%arg12 : memref<!tpu.dma_semaphore, #tpu.memory_space<semaphore_mem>>) src(%dma_wait3A_109 : memref<160000x128xf32, #tpu.memory_space<hbm>>) dst(%arg8 : memref<128x128xf32, #tpu.memory_space<vmem>>)
        %mul3A_110 = arith.constant 128 : i32
        %mul3A_111 = arith.muli %sub3A_12, %mul3A_110 : i32
        %dma_start3A_112 = arith.constant 0 : i32
        %dma_start3A_113 = tpu.memref_slice %arg4[%mul3A_111, %dma_start3A_112] : memref<80000x128xf32, #tpu.memory_space<hbm>> -> memref<128x128xf32, #tpu.memory_space<hbm>>
        %dma_start3A_114 = arith.constant 0 : i32
        %dma_start3A_115 = tpu.memref_slice %arg4[%mul3A_111, %dma_start3A_114] : memref<80000x128xf32, #tpu.memory_space<hbm>> -> memref<128x128xf32, #tpu.memory_space<hbm>>
        tpu.enqueue_dma source(%arg8 : memref<128x128xf32, #tpu.memory_space<vmem>>) target(%dma_start3A_115 : memref<128x128xf32, #tpu.memory_space<hbm>>) target_semaphore(%arg14 : memref<!tpu.dma_semaphore, #tpu.memory_space<semaphore_mem>>)
      } else {
      }
      %mul3A_31 = arith.constant 2 : i32
      %mul3A_32 = arith.muli %mul3A_31, %scan3A_6 : i32
      %add3A_33 = arith.constant 1 : i32
      %add3A_34 = arith.addi %mul3A_32, %add3A_33 : i32
      %mul3A_35 = arith.constant 32 : i32
      %mul3A_36 = arith.muli %add3A_34, %mul3A_35 : i32
      %add3A_37 = arith.addi %add3A, %mul3A_36 : i32
      %sub3A_38 = arith.constant 32 : i32
      %sub3A_39 = arith.subi %add3A_37, %sub3A_38 : i32
      %sub3A_40 = arith.constant 64 : i32
      %sub3A_41 = arith.subi %add3A_37, %sub3A_40 : i32
      %ge3A_42 = arith.constant 2 : i32
      %ge3A_43 = arith.cmpi sge, %add3A_34, %ge3A_42 : i32
      %lt3A_44 = arith.constant 625 : i32
      %lt3A_45 = arith.cmpi slt, %sub3A_41, %lt3A_44 : i32
      %and3A_46 = arith.andi %ge3A_43, %lt3A_45 : i1
      %convert_element_type3A_47 = arith.extui %and3A_46 : i1 to i32
      %cond3A_48 = arith.constant 0 : i32
      %cond3A_49 = arith.cmpi ne, %convert_element_type3A_47, %cond3A_48 : i32
      scf.if %cond3A_49 {
        %mul3A_63 = arith.constant 128 : i32
        %mul3A_64 = arith.muli %sub3A_41, %mul3A_63 : i32
        %dma_wait3A = arith.constant 0 : i32
        %dma_wait3A_65 = tpu.memref_slice %arg4[%mul3A_64, %dma_wait3A] : memref<80000x128xf32, #tpu.memory_space<hbm>> -> memref<128x128xf32, #tpu.memory_space<hbm>>
        %dma_wait3A_66 = arith.constant 0 : i32
        %dma_wait3A_67 = tpu.memref_slice %arg4[%mul3A_64, %dma_wait3A_66] : memref<80000x128xf32, #tpu.memory_space<hbm>> -> memref<128x128xf32, #tpu.memory_space<hbm>>
        tpu.wait_dma2 semaphore(%arg14 : memref<!tpu.dma_semaphore, #tpu.memory_space<semaphore_mem>>) src(%arg8 : memref<128x128xf32, #tpu.memory_space<vmem>>) dst(%dma_wait3A_67 : memref<128x128xf32, #tpu.memory_space<hbm>>)
      } else {
      }
      %lt3A_50 = arith.constant 625 : i32
      %lt3A_51 = arith.cmpi slt, %add3A_37, %lt3A_50 : i32
      %convert_element_type3A_52 = arith.extui %lt3A_51 : i1 to i32
      %cond3A_53 = arith.constant 0 : i32
      %cond3A_54 = arith.cmpi ne, %convert_element_type3A_52, %cond3A_53 : i32
      scf.if %cond3A_54 {
        %mul3A_63 = arith.constant 128 : i32
        %mul3A_64 = arith.muli %add3A_37, %mul3A_63 : i32
        %add3A_65 = arith.constant 0 : i32
        %add3A_66 = arith.addi %add3A_65, %mul3A_64 : i32
        %run_scoped3A = arith.constant 0 : i32
        "tpu.region"() ({
          %run_scoped3A_82 = tpu.sem_alloc : memref<!tpu.dma_semaphore, #tpu.memory_space<semaphore_mem>>
          %dma_start3A_83 = arith.constant 0 : i32
          %dma_start3A_84 = tpu.memref_slice %arg6[%run_scoped3A, %dma_start3A_83] : memref<4x128xi32, #tpu.memory_space<vmem>> -> memref<1x128xi32, #tpu.memory_space<vmem>>
          %dma_start3A_85 = tpu.memref_squeeze %dma_start3A_84 : memref<1x128xi32, #tpu.memory_space<vmem>> -> memref<128xi32, #tpu.memory_space<vmem>>
          %dma_start3A_86 = tpu.memref_slice %arg3[%add3A_66] : memref<640000xi32, #tpu.memory_space<hbm>> -> memref<128xi32, #tpu.memory_space<hbm>>
          %dma_start3A_87 = arith.constant 0 : i32
          %dma_start3A_88 = tpu.memref_slice %arg6[%run_scoped3A, %dma_start3A_87] : memref<4x128xi32, #tpu.memory_space<vmem>> -> memref<1x128xi32, #tpu.memory_space<vmem>>
          %dma_start3A_89 = tpu.memref_squeeze %dma_start3A_88 : memref<1x128xi32, #tpu.memory_space<vmem>> -> memref<128xi32, #tpu.memory_space<vmem>>
          %dma_start3A_90 = tpu.memref_slice %arg3[%add3A_66] : memref<640000xi32, #tpu.memory_space<hbm>> -> memref<128xi32, #tpu.memory_space<hbm>>
          tpu.enqueue_dma source(%dma_start3A_90 : memref<128xi32, #tpu.memory_space<hbm>>) target(%dma_start3A_89 : memref<128xi32, #tpu.memory_space<vmem>>) target_semaphore(%run_scoped3A_82 : memref<!tpu.dma_semaphore, #tpu.memory_space<semaphore_mem>>)
          %dma_wait3A = arith.constant 0 : i32
          %dma_wait3A_91 = tpu.memref_slice %arg6[%run_scoped3A, %dma_wait3A] : memref<4x128xi32, #tpu.memory_space<vmem>> -> memref<1x128xi32, #tpu.memory_space<vmem>>
          %dma_wait3A_92 = tpu.memref_squeeze %dma_wait3A_91 : memref<1x128xi32, #tpu.memory_space<vmem>> -> memref<128xi32, #tpu.memory_space<vmem>>
          %dma_wait3A_93 = tpu.memref_slice %arg3[%add3A_66] : memref<640000xi32, #tpu.memory_space<hbm>> -> memref<128xi32, #tpu.memory_space<hbm>>
          %dma_wait3A_94 = arith.constant 0 : i32
          %dma_wait3A_95 = tpu.memref_slice %arg6[%run_scoped3A, %dma_wait3A_94] : memref<4x128xi32, #tpu.memory_space<vmem>> -> memref<1x128xi32, #tpu.memory_space<vmem>>
          %dma_wait3A_96 = tpu.memref_squeeze %dma_wait3A_95 : memref<1x128xi32, #tpu.memory_space<vmem>> -> memref<128xi32, #tpu.memory_space<vmem>>
          %dma_wait3A_97 = tpu.memref_slice %arg3[%add3A_66] : memref<640000xi32, #tpu.memory_space<hbm>> -> memref<128xi32, #tpu.memory_space<hbm>>
          tpu.wait_dma2 semaphore(%run_scoped3A_82 : memref<!tpu.dma_semaphore, #tpu.memory_space<semaphore_mem>>) src(%dma_wait3A_97 : memref<128xi32, #tpu.memory_space<hbm>>) dst(%dma_wait3A_96 : memref<128xi32, #tpu.memory_space<vmem>>)
          tpu.yield
        }) : () -> ()
        %add3A_67 = arith.constant 160000 : i32
        %add3A_68 = arith.addi %add3A_67, %add3A_66 : i32
        %run_scoped3A_69 = arith.constant 1 : i32
        "tpu.region"() ({
          %run_scoped3A_82 = tpu.sem_alloc : memref<!tpu.dma_semaphore, #tpu.memory_space<semaphore_mem>>
          %dma_start3A_83 = arith.constant 0 : i32
          %dma_start3A_84 = tpu.memref_slice %arg6[%run_scoped3A_69, %dma_start3A_83] : memref<4x128xi32, #tpu.memory_space<vmem>> -> memref<1x128xi32, #tpu.memory_space<vmem>>
          %dma_start3A_85 = tpu.memref_squeeze %dma_start3A_84 : memref<1x128xi32, #tpu.memory_space<vmem>> -> memref<128xi32, #tpu.memory_space<vmem>>
          %dma_start3A_86 = tpu.memref_slice %arg3[%add3A_68] : memref<640000xi32, #tpu.memory_space<hbm>> -> memref<128xi32, #tpu.memory_space<hbm>>
          %dma_start3A_87 = arith.constant 0 : i32
          %dma_start3A_88 = tpu.memref_slice %arg6[%run_scoped3A_69, %dma_start3A_87] : memref<4x128xi32, #tpu.memory_space<vmem>> -> memref<1x128xi32, #tpu.memory_space<vmem>>
          %dma_start3A_89 = tpu.memref_squeeze %dma_start3A_88 : memref<1x128xi32, #tpu.memory_space<vmem>> -> memref<128xi32, #tpu.memory_space<vmem>>
          %dma_start3A_90 = tpu.memref_slice %arg3[%add3A_68] : memref<640000xi32, #tpu.memory_space<hbm>> -> memref<128xi32, #tpu.memory_space<hbm>>
          tpu.enqueue_dma source(%dma_start3A_90 : memref<128xi32, #tpu.memory_space<hbm>>) target(%dma_start3A_89 : memref<128xi32, #tpu.memory_space<vmem>>) target_semaphore(%run_scoped3A_82 : memref<!tpu.dma_semaphore, #tpu.memory_space<semaphore_mem>>)
          %dma_wait3A = arith.constant 0 : i32
          %dma_wait3A_91 = tpu.memref_slice %arg6[%run_scoped3A_69, %dma_wait3A] : memref<4x128xi32, #tpu.memory_space<vmem>> -> memref<1x128xi32, #tpu.memory_space<vmem>>
          %dma_wait3A_92 = tpu.memref_squeeze %dma_wait3A_91 : memref<1x128xi32, #tpu.memory_space<vmem>> -> memref<128xi32, #tpu.memory_space<vmem>>
          %dma_wait3A_93 = tpu.memref_slice %arg3[%add3A_68] : memref<640000xi32, #tpu.memory_space<hbm>> -> memref<128xi32, #tpu.memory_space<hbm>>
          %dma_wait3A_94 = arith.constant 0 : i32
          %dma_wait3A_95 = tpu.memref_slice %arg6[%run_scoped3A_69, %dma_wait3A_94] : memref<4x128xi32, #tpu.memory_space<vmem>> -> memref<1x128xi32, #tpu.memory_space<vmem>>
          %dma_wait3A_96 = tpu.memref_squeeze %dma_wait3A_95 : memref<1x128xi32, #tpu.memory_space<vmem>> -> memref<128xi32, #tpu.memory_space<vmem>>
          %dma_wait3A_97 = tpu.memref_slice %arg3[%add3A_68] : memref<640000xi32, #tpu.memory_space<hbm>> -> memref<128xi32, #tpu.memory_space<hbm>>
          tpu.wait_dma2 semaphore(%run_scoped3A_82 : memref<!tpu.dma_semaphore, #tpu.memory_space<semaphore_mem>>) src(%dma_wait3A_97 : memref<128xi32, #tpu.memory_space<hbm>>) dst(%dma_wait3A_96 : memref<128xi32, #tpu.memory_space<vmem>>)
          tpu.yield
        }) : () -> ()
        %add3A_70 = arith.constant 320000 : i32
        %add3A_71 = arith.addi %add3A_70, %add3A_66 : i32
        %run_scoped3A_72 = arith.constant 2 : i32
        "tpu.region"() ({
          %run_scoped3A_82 = tpu.sem_alloc : memref<!tpu.dma_semaphore, #tpu.memory_space<semaphore_mem>>
          %dma_start3A_83 = arith.constant 0 : i32
          %dma_start3A_84 = tpu.memref_slice %arg6[%run_scoped3A_72, %dma_start3A_83] : memref<4x128xi32, #tpu.memory_space<vmem>> -> memref<1x128xi32, #tpu.memory_space<vmem>>
          %dma_start3A_85 = tpu.memref_squeeze %dma_start3A_84 : memref<1x128xi32, #tpu.memory_space<vmem>> -> memref<128xi32, #tpu.memory_space<vmem>>
          %dma_start3A_86 = tpu.memref_slice %arg3[%add3A_71] : memref<640000xi32, #tpu.memory_space<hbm>> -> memref<128xi32, #tpu.memory_space<hbm>>
          %dma_start3A_87 = arith.constant 0 : i32
          %dma_start3A_88 = tpu.memref_slice %arg6[%run_scoped3A_72, %dma_start3A_87] : memref<4x128xi32, #tpu.memory_space<vmem>> -> memref<1x128xi32, #tpu.memory_space<vmem>>
          %dma_start3A_89 = tpu.memref_squeeze %dma_start3A_88 : memref<1x128xi32, #tpu.memory_space<vmem>> -> memref<128xi32, #tpu.memory_space<vmem>>
          %dma_start3A_90 = tpu.memref_slice %arg3[%add3A_71] : memref<640000xi32, #tpu.memory_space<hbm>> -> memref<128xi32, #tpu.memory_space<hbm>>
          tpu.enqueue_dma source(%dma_start3A_90 : memref<128xi32, #tpu.memory_space<hbm>>) target(%dma_start3A_89 : memref<128xi32, #tpu.memory_space<vmem>>) target_semaphore(%run_scoped3A_82 : memref<!tpu.dma_semaphore, #tpu.memory_space<semaphore_mem>>)
          %dma_wait3A = arith.constant 0 : i32
          %dma_wait3A_91 = tpu.memref_slice %arg6[%run_scoped3A_72, %dma_wait3A] : memref<4x128xi32, #tpu.memory_space<vmem>> -> memref<1x128xi32, #tpu.memory_space<vmem>>
          %dma_wait3A_92 = tpu.memref_squeeze %dma_wait3A_91 : memref<1x128xi32, #tpu.memory_space<vmem>> -> memref<128xi32, #tpu.memory_space<vmem>>
          %dma_wait3A_93 = tpu.memref_slice %arg3[%add3A_71] : memref<640000xi32, #tpu.memory_space<hbm>> -> memref<128xi32, #tpu.memory_space<hbm>>
          %dma_wait3A_94 = arith.constant 0 : i32
          %dma_wait3A_95 = tpu.memref_slice %arg6[%run_scoped3A_72, %dma_wait3A_94] : memref<4x128xi32, #tpu.memory_space<vmem>> -> memref<1x128xi32, #tpu.memory_space<vmem>>
          %dma_wait3A_96 = tpu.memref_squeeze %dma_wait3A_95 : memref<1x128xi32, #tpu.memory_space<vmem>> -> memref<128xi32, #tpu.memory_space<vmem>>
          %dma_wait3A_97 = tpu.memref_slice %arg3[%add3A_71] : memref<640000xi32, #tpu.memory_space<hbm>> -> memref<128xi32, #tpu.memory_space<hbm>>
          tpu.wait_dma2 semaphore(%run_scoped3A_82 : memref<!tpu.dma_semaphore, #tpu.memory_space<semaphore_mem>>) src(%dma_wait3A_97 : memref<128xi32, #tpu.memory_space<hbm>>) dst(%dma_wait3A_96 : memref<128xi32, #tpu.memory_space<vmem>>)
          tpu.yield
        }) : () -> ()
        %add3A_73 = arith.constant 480000 : i32
        %add3A_74 = arith.addi %add3A_73, %add3A_66 : i32
        %run_scoped3A_75 = arith.constant 3 : i32
        "tpu.region"() ({
          %run_scoped3A_82 = tpu.sem_alloc : memref<!tpu.dma_semaphore, #tpu.memory_space<semaphore_mem>>
          %dma_start3A_83 = arith.constant 0 : i32
          %dma_start3A_84 = tpu.memref_slice %arg6[%run_scoped3A_75, %dma_start3A_83] : memref<4x128xi32, #tpu.memory_space<vmem>> -> memref<1x128xi32, #tpu.memory_space<vmem>>
          %dma_start3A_85 = tpu.memref_squeeze %dma_start3A_84 : memref<1x128xi32, #tpu.memory_space<vmem>> -> memref<128xi32, #tpu.memory_space<vmem>>
          %dma_start3A_86 = tpu.memref_slice %arg3[%add3A_74] : memref<640000xi32, #tpu.memory_space<hbm>> -> memref<128xi32, #tpu.memory_space<hbm>>
          %dma_start3A_87 = arith.constant 0 : i32
          %dma_start3A_88 = tpu.memref_slice %arg6[%run_scoped3A_75, %dma_start3A_87] : memref<4x128xi32, #tpu.memory_space<vmem>> -> memref<1x128xi32, #tpu.memory_space<vmem>>
          %dma_start3A_89 = tpu.memref_squeeze %dma_start3A_88 : memref<1x128xi32, #tpu.memory_space<vmem>> -> memref<128xi32, #tpu.memory_space<vmem>>
          %dma_start3A_90 = tpu.memref_slice %arg3[%add3A_74] : memref<640000xi32, #tpu.memory_space<hbm>> -> memref<128xi32, #tpu.memory_space<hbm>>
          tpu.enqueue_dma source(%dma_start3A_90 : memref<128xi32, #tpu.memory_space<hbm>>) target(%dma_start3A_89 : memref<128xi32, #tpu.memory_space<vmem>>) target_semaphore(%run_scoped3A_82 : memref<!tpu.dma_semaphore, #tpu.memory_space<semaphore_mem>>)
          %dma_wait3A = arith.constant 0 : i32
          %dma_wait3A_91 = tpu.memref_slice %arg6[%run_scoped3A_75, %dma_wait3A] : memref<4x128xi32, #tpu.memory_space<vmem>> -> memref<1x128xi32, #tpu.memory_space<vmem>>
          %dma_wait3A_92 = tpu.memref_squeeze %dma_wait3A_91 : memref<1x128xi32, #tpu.memory_space<vmem>> -> memref<128xi32, #tpu.memory_space<vmem>>
          %dma_wait3A_93 = tpu.memref_slice %arg3[%add3A_74] : memref<640000xi32, #tpu.memory_space<hbm>> -> memref<128xi32, #tpu.memory_space<hbm>>
          %dma_wait3A_94 = arith.constant 0 : i32
          %dma_wait3A_95 = tpu.memref_slice %arg6[%run_scoped3A_75, %dma_wait3A_94] : memref<4x128xi32, #tpu.memory_space<vmem>> -> memref<1x128xi32, #tpu.memory_space<vmem>>
          %dma_wait3A_96 = tpu.memref_squeeze %dma_wait3A_95 : memref<1x128xi32, #tpu.memory_space<vmem>> -> memref<128xi32, #tpu.memory_space<vmem>>
          %dma_wait3A_97 = tpu.memref_slice %arg3[%add3A_74] : memref<640000xi32, #tpu.memory_space<hbm>> -> memref<128xi32, #tpu.memory_space<hbm>>
          tpu.wait_dma2 semaphore(%run_scoped3A_82 : memref<!tpu.dma_semaphore, #tpu.memory_space<semaphore_mem>>) src(%dma_wait3A_97 : memref<128xi32, #tpu.memory_space<hbm>>) dst(%dma_wait3A_96 : memref<128xi32, #tpu.memory_space<vmem>>)
          tpu.yield
        }) : () -> ()
        %dma_start3A = arith.constant 0 : i32
        %dma_start3A_76 = arith.constant 0 : i32
        %dma_start3A_77 = tpu.memref_slice %arg6[%dma_start3A, %dma_start3A_76] : memref<4x128xi32, #tpu.memory_space<vmem>> -> memref<1x128xi32, #tpu.memory_space<vmem>>
        %dma_start3A_78 = tpu.memref_squeeze %dma_start3A_77 : memref<1x128xi32, #tpu.memory_space<vmem>> -> memref<128xi32, #tpu.memory_space<vmem>>
        %dma_start3A_79 = arith.constant 0 : i32
        %dma_start3A_80 = arith.constant 0 : i32
        %dma_start3A_81 = tpu.memref_slice %arg2[%dma_start3A_79, %dma_start3A_80] : memref<160000x128xf32, #tpu.memory_space<hbm>> -> memref<160000x128xf32, #tpu.memory_space<hbm>>
        tpu.enqueue_indirect_dma source(%dma_start3A_81 : memref<160000x128xf32, #tpu.memory_space<hbm>>) target(%arg8 : memref<128x128xf32, #tpu.memory_space<vmem>>) offsets(%dma_start3A_78 : memref<128xi32, #tpu.memory_space<vmem>>) semaphore(%arg10 : memref<!tpu.dma_semaphore, #tpu.memory_space<semaphore_mem>>)
      } else {
      }
      %ge3A_55 = arith.constant 1 : i32
      %ge3A_56 = arith.cmpi sge, %add3A_34, %ge3A_55 : i32
      %lt3A_57 = arith.constant 625 : i32
      %lt3A_58 = arith.cmpi slt, %sub3A_39, %lt3A_57 : i32
      %and3A_59 = arith.andi %ge3A_56, %lt3A_58 : i1
      %convert_element_type3A_60 = arith.extui %and3A_59 : i1 to i32
      %cond3A_61 = arith.constant 0 : i32
      %cond3A_62 = arith.cmpi ne, %convert_element_type3A_60, %cond3A_61 : i32
      scf.if %cond3A_62 {
        %dma_wait3A = arith.constant 0 : i32
        %dma_wait3A_63 = arith.constant 0 : i32
        %dma_wait3A_64 = tpu.memref_slice %arg5[%dma_wait3A, %dma_wait3A_63] : memref<4x128xi32, #tpu.memory_space<vmem>> -> memref<1x128xi32, #tpu.memory_space<vmem>>
        %dma_wait3A_65 = tpu.memref_squeeze %dma_wait3A_64 : memref<1x128xi32, #tpu.memory_space<vmem>> -> memref<128xi32, #tpu.memory_space<vmem>>
        %dma_wait3A_66 = arith.constant 0 : i32
        %dma_wait3A_67 = arith.constant 0 : i32
        %dma_wait3A_68 = tpu.memref_slice %arg2[%dma_wait3A_66, %dma_wait3A_67] : memref<160000x128xf32, #tpu.memory_space<hbm>> -> memref<160000x128xf32, #tpu.memory_space<hbm>>
        tpu.wait_indirect_dma semaphore(%arg9 : memref<!tpu.dma_semaphore, #tpu.memory_space<semaphore_mem>>) src(%dma_wait3A_68 : memref<160000x128xf32, #tpu.memory_space<hbm>>) dst(%arg7 : memref<128x128xf32, #tpu.memory_space<vmem>>)
        %dma_start3A = arith.constant 1 : i32
        %dma_start3A_69 = arith.constant 0 : i32
        %dma_start3A_70 = tpu.memref_slice %arg5[%dma_start3A, %dma_start3A_69] : memref<4x128xi32, #tpu.memory_space<vmem>> -> memref<1x128xi32, #tpu.memory_space<vmem>>
        %dma_start3A_71 = tpu.memref_squeeze %dma_start3A_70 : memref<1x128xi32, #tpu.memory_space<vmem>> -> memref<128xi32, #tpu.memory_space<vmem>>
        %dma_start3A_72 = arith.constant 0 : i32
        %dma_start3A_73 = arith.constant 0 : i32
        %dma_start3A_74 = tpu.memref_slice %arg2[%dma_start3A_72, %dma_start3A_73] : memref<160000x128xf32, #tpu.memory_space<hbm>> -> memref<160000x128xf32, #tpu.memory_space<hbm>>
        tpu.enqueue_indirect_dma source(%dma_start3A_74 : memref<160000x128xf32, #tpu.memory_space<hbm>>) target(%arg7 : memref<128x128xf32, #tpu.memory_space<vmem>>) offsets(%dma_start3A_71 : memref<128xi32, #tpu.memory_space<vmem>>) semaphore(%arg11 : memref<!tpu.dma_semaphore, #tpu.memory_space<semaphore_mem>>) {add = true}
        %dma_start3A_75 = arith.constant 2 : i32
        %dma_start3A_76 = arith.constant 0 : i32
        %dma_start3A_77 = tpu.memref_slice %arg5[%dma_start3A_75, %dma_start3A_76] : memref<4x128xi32, #tpu.memory_space<vmem>> -> memref<1x128xi32, #tpu.memory_space<vmem>>
        %dma_start3A_78 = tpu.memref_squeeze %dma_start3A_77 : memref<1x128xi32, #tpu.memory_space<vmem>> -> memref<128xi32, #tpu.memory_space<vmem>>
        %dma_start3A_79 = arith.constant 0 : i32
        %dma_start3A_80 = arith.constant 0 : i32
        %dma_start3A_81 = tpu.memref_slice %arg2[%dma_start3A_79, %dma_start3A_80] : memref<160000x128xf32, #tpu.memory_space<hbm>> -> memref<160000x128xf32, #tpu.memory_space<hbm>>
        tpu.enqueue_indirect_dma source(%dma_start3A_81 : memref<160000x128xf32, #tpu.memory_space<hbm>>) target(%arg7 : memref<128x128xf32, #tpu.memory_space<vmem>>) offsets(%dma_start3A_78 : memref<128xi32, #tpu.memory_space<vmem>>) semaphore(%arg11 : memref<!tpu.dma_semaphore, #tpu.memory_space<semaphore_mem>>) {add = true}
        %dma_start3A_82 = arith.constant 3 : i32
        %dma_start3A_83 = arith.constant 0 : i32
        %dma_start3A_84 = tpu.memref_slice %arg5[%dma_start3A_82, %dma_start3A_83] : memref<4x128xi32, #tpu.memory_space<vmem>> -> memref<1x128xi32, #tpu.memory_space<vmem>>
        %dma_start3A_85 = tpu.memref_squeeze %dma_start3A_84 : memref<1x128xi32, #tpu.memory_space<vmem>> -> memref<128xi32, #tpu.memory_space<vmem>>
        %dma_start3A_86 = arith.constant 0 : i32
        %dma_start3A_87 = arith.constant 0 : i32
        %dma_start3A_88 = tpu.memref_slice %arg2[%dma_start3A_86, %dma_start3A_87] : memref<160000x128xf32, #tpu.memory_space<hbm>> -> memref<160000x128xf32, #tpu.memory_space<hbm>>
        tpu.enqueue_indirect_dma source(%dma_start3A_88 : memref<160000x128xf32, #tpu.memory_space<hbm>>) target(%arg7 : memref<128x128xf32, #tpu.memory_space<vmem>>) offsets(%dma_start3A_85 : memref<128xi32, #tpu.memory_space<vmem>>) semaphore(%arg11 : memref<!tpu.dma_semaphore, #tpu.memory_space<semaphore_mem>>) {add = true}
        %dma_wait3A_89 = arith.constant 1 : i32
        %dma_wait3A_90 = arith.constant 0 : i32
        %dma_wait3A_91 = tpu.memref_slice %arg5[%dma_wait3A_89, %dma_wait3A_90] : memref<4x128xi32, #tpu.memory_space<vmem>> -> memref<1x128xi32, #tpu.memory_space<vmem>>
        %dma_wait3A_92 = tpu.memref_squeeze %dma_wait3A_91 : memref<1x128xi32, #tpu.memory_space<vmem>> -> memref<128xi32, #tpu.memory_space<vmem>>
        %dma_wait3A_93 = arith.constant 0 : i32
        %dma_wait3A_94 = arith.constant 0 : i32
        %dma_wait3A_95 = tpu.memref_slice %arg2[%dma_wait3A_93, %dma_wait3A_94] : memref<160000x128xf32, #tpu.memory_space<hbm>> -> memref<160000x128xf32, #tpu.memory_space<hbm>>
        tpu.wait_indirect_dma semaphore(%arg11 : memref<!tpu.dma_semaphore, #tpu.memory_space<semaphore_mem>>) src(%dma_wait3A_95 : memref<160000x128xf32, #tpu.memory_space<hbm>>) dst(%arg7 : memref<128x128xf32, #tpu.memory_space<vmem>>)
        %dma_wait3A_96 = arith.constant 2 : i32
        %dma_wait3A_97 = arith.constant 0 : i32
        %dma_wait3A_98 = tpu.memref_slice %arg5[%dma_wait3A_96, %dma_wait3A_97] : memref<4x128xi32, #tpu.memory_space<vmem>> -> memref<1x128xi32, #tpu.memory_space<vmem>>
        %dma_wait3A_99 = tpu.memref_squeeze %dma_wait3A_98 : memref<1x128xi32, #tpu.memory_space<vmem>> -> memref<128xi32, #tpu.memory_space<vmem>>
        %dma_wait3A_100 = arith.constant 0 : i32
        %dma_wait3A_101 = arith.constant 0 : i32
        %dma_wait3A_102 = tpu.memref_slice %arg2[%dma_wait3A_100, %dma_wait3A_101] : memref<160000x128xf32, #tpu.memory_space<hbm>> -> memref<160000x128xf32, #tpu.memory_space<hbm>>
        tpu.wait_indirect_dma semaphore(%arg11 : memref<!tpu.dma_semaphore, #tpu.memory_space<semaphore_mem>>) src(%dma_wait3A_102 : memref<160000x128xf32, #tpu.memory_space<hbm>>) dst(%arg7 : memref<128x128xf32, #tpu.memory_space<vmem>>)
        %dma_wait3A_103 = arith.constant 3 : i32
        %dma_wait3A_104 = arith.constant 0 : i32
        %dma_wait3A_105 = tpu.memref_slice %arg5[%dma_wait3A_103, %dma_wait3A_104] : memref<4x128xi32, #tpu.memory_space<vmem>> -> memref<1x128xi32, #tpu.memory_space<vmem>>
        %dma_wait3A_106 = tpu.memref_squeeze %dma_wait3A_105 : memref<1x128xi32, #tpu.memory_space<vmem>> -> memref<128xi32, #tpu.memory_space<vmem>>
        %dma_wait3A_107 = arith.constant 0 : i32
        %dma_wait3A_108 = arith.constant 0 : i32
        %dma_wait3A_109 = tpu.memref_slice %arg2[%dma_wait3A_107, %dma_wait3A_108] : memref<160000x128xf32, #tpu.memory_space<hbm>> -> memref<160000x128xf32, #tpu.memory_space<hbm>>
        tpu.wait_indirect_dma semaphore(%arg11 : memref<!tpu.dma_semaphore, #tpu.memory_space<semaphore_mem>>) src(%dma_wait3A_109 : memref<160000x128xf32, #tpu.memory_space<hbm>>) dst(%arg7 : memref<128x128xf32, #tpu.memory_space<vmem>>)
        %mul3A_110 = arith.constant 128 : i32
        %mul3A_111 = arith.muli %sub3A_39, %mul3A_110 : i32
        %dma_start3A_112 = arith.constant 0 : i32
        %dma_start3A_113 = tpu.memref_slice %arg4[%mul3A_111, %dma_start3A_112] : memref<80000x128xf32, #tpu.memory_space<hbm>> -> memref<128x128xf32, #tpu.memory_space<hbm>>
        %dma_start3A_114 = arith.constant 0 : i32
        %dma_start3A_115 = tpu.memref_slice %arg4[%mul3A_111, %dma_start3A_114] : memref<80000x128xf32, #tpu.memory_space<hbm>> -> memref<128x128xf32, #tpu.memory_space<hbm>>
        tpu.enqueue_dma source(%arg7 : memref<128x128xf32, #tpu.memory_space<vmem>>) target(%dma_start3A_115 : memref<128x128xf32, #tpu.memory_space<hbm>>) target_semaphore(%arg13 : memref<!tpu.dma_semaphore, #tpu.memory_space<semaphore_mem>>)
      } else {
      }
    }
    %scan3A_5 = arith.constant 12 : i32
    return
  }
}

#map = affine_map<(d0, d1) -> (0, 0)>
#map1 = affine_map<(d0, d1) -> (0)>
module attributes {stable_mosaic.version = 14 : i64} {
  func.func @_agg_body(%arg0: i32, %arg1: i32, %arg2: memref<160000x128xf32, #tpu.memory_space<hbm>>, %arg3: memref<640000xi32, #tpu.memory_space<hbm>>, %arg4: memref<80000x128xf32, #tpu.memory_space<hbm>>, %arg5: memref<4x128xi32, #tpu.memory_space<vmem>>, %arg6: memref<4x128xi32, #tpu.memory_space<vmem>>, %arg7: memref<128x128xf32, #tpu.memory_space<vmem>>, %arg8: memref<128x128xf32, #tpu.memory_space<vmem>>, %arg9: memref<!tpu.dma_semaphore, #tpu.memory_space<semaphore_mem>>, %arg10: memref<!tpu.dma_semaphore, #tpu.memory_space<semaphore_mem>>, %arg11: memref<!tpu.dma_semaphore, #tpu.memory_space<semaphore_mem>>, %arg12: memref<!tpu.dma_semaphore, #tpu.memory_space<semaphore_mem>>, %arg13: memref<!tpu.dma_semaphore, #tpu.memory_space<semaphore_mem>>, %arg14: memref<!tpu.dma_semaphore, #tpu.memory_space<semaphore_mem>>) attributes {dimension_semantics = [#tpu.dimension_semantics<core_parallel>, #tpu.dimension_semantics<subcore_parallel>], iteration_bounds = array<i64: 2, 16>, scalar_prefetch = 0 : i64, scratch_operands = 10 : i64, tpu.core_type = #tpu.core_type<sc_vector_subcore>, window_params = [{transform_indices = #map}, {transform_indices = #map1}, {transform_indices = #map}]} {
    %mul3A = arith.constant 2 : i32
    %mul3A_0 = arith.muli %arg1, %mul3A : i32
    %add3A = arith.addi %mul3A_0, %arg0 : i32
    %scan3A = arith.constant 0 : i32
    %scan3A_1 = arith.constant 0 : i32
    %scan3A_2 = arith.constant 12 : i32
    %scan3A_3 = arith.addi %scan3A_1, %scan3A_2 : i32
    %scan3A_4 = arith.constant 1 : i32
    scf.for %scan3A_6 = %scan3A_1 to %scan3A_3 step %scan3A_4  : i32 {
      %mul3A_7 = arith.constant 2 : i32
      %mul3A_8 = arith.muli %mul3A_7, %scan3A_6 : i32
      %mul3A_9 = arith.constant 32 : i32
      %mul3A_10 = arith.muli %mul3A_8, %mul3A_9 : i32
      %add3A_11 = arith.addi %add3A, %mul3A_10 : i32
      %sub3A = arith.constant 32 : i32
      %sub3A_12 = arith.subi %add3A_11, %sub3A : i32
      %sub3A_13 = arith.constant 64 : i32
      %sub3A_14 = arith.subi %add3A_11, %sub3A_13 : i32
      %ge3A = arith.constant 2 : i32
      %ge3A_15 = arith.cmpi sge, %mul3A_8, %ge3A : i32
      %lt3A = arith.constant 625 : i32
      %lt3A_16 = arith.cmpi slt, %sub3A_14, %lt3A : i32
      %and3A = arith.andi %ge3A_15, %lt3A_16 : i1
      %convert_element_type3A = arith.extui %and3A : i1 to i32
      %cond3A = arith.constant 0 : i32
      %cond3A_17 = arith.cmpi ne, %convert_element_type3A, %cond3A : i32
      scf.if %cond3A_17 {
        %mul3A_63 = arith.constant 128 : i32
        %mul3A_64 = arith.muli %sub3A_14, %mul3A_63 : i32
        %dma_wait3A = arith.constant 0 : i32
        %dma_wait3A_65 = tpu.memref_slice %arg4[%mul3A_64, %dma_wait3A] : memref<80000x128xf32, #tpu.memory_space<hbm>> -> memref<128x128xf32, #tpu.memory_space<hbm>>
        %dma_wait3A_66 = arith.constant 0 : i32
        %dma_wait3A_67 = tpu.memref_slice %arg4[%mul3A_64, %dma_wait3A_66] : memref<80000x128xf32, #tpu.memory_space<hbm>> -> memref<128x128xf32, #tpu.memory_space<hbm>>
        tpu.wait_dma2 semaphore(%arg13 : memref<!tpu.dma_semaphore, #tpu.memory_space<semaphore_mem>>) src(%arg7 : memref<128x128xf32, #tpu.memory_space<vmem>>) dst(%dma_wait3A_67 : memref<128x128xf32, #tpu.memory_space<hbm>>)
      } else {
      }
      %lt3A_18 = arith.constant 625 : i32
      %lt3A_19 = arith.cmpi slt, %add3A_11, %lt3A_18 : i32
      %convert_element_type3A_20 = arith.extui %lt3A_19 : i1 to i32
      %cond3A_21 = arith.constant 0 : i32
      %cond3A_22 = arith.cmpi ne, %convert_element_type3A_20, %cond3A_21 : i32
      scf.if %cond3A_22 {
        %mul3A_63 = arith.constant 128 : i32
        %mul3A_64 = arith.muli %add3A_11, %mul3A_63 : i32
        %add3A_65 = arith.constant 80000 : i32
        %add3A_66 = arith.addi %add3A_65, %mul3A_64 : i32
        %run_scoped3A = arith.constant 0 : i32
        "tpu.region"() ({
          %run_scoped3A_82 = tpu.sem_alloc : memref<!tpu.dma_semaphore, #tpu.memory_space<semaphore_mem>>
          %dma_start3A_83 = arith.constant 0 : i32
          %dma_start3A_84 = tpu.memref_slice %arg5[%run_scoped3A, %dma_start3A_83] : memref<4x128xi32, #tpu.memory_space<vmem>> -> memref<1x128xi32, #tpu.memory_space<vmem>>
          %dma_start3A_85 = tpu.memref_squeeze %dma_start3A_84 : memref<1x128xi32, #tpu.memory_space<vmem>> -> memref<128xi32, #tpu.memory_space<vmem>>
          %dma_start3A_86 = tpu.memref_slice %arg3[%add3A_66] : memref<640000xi32, #tpu.memory_space<hbm>> -> memref<128xi32, #tpu.memory_space<hbm>>
          %dma_start3A_87 = arith.constant 0 : i32
          %dma_start3A_88 = tpu.memref_slice %arg5[%run_scoped3A, %dma_start3A_87] : memref<4x128xi32, #tpu.memory_space<vmem>> -> memref<1x128xi32, #tpu.memory_space<vmem>>
          %dma_start3A_89 = tpu.memref_squeeze %dma_start3A_88 : memref<1x128xi32, #tpu.memory_space<vmem>> -> memref<128xi32, #tpu.memory_space<vmem>>
          %dma_start3A_90 = tpu.memref_slice %arg3[%add3A_66] : memref<640000xi32, #tpu.memory_space<hbm>> -> memref<128xi32, #tpu.memory_space<hbm>>
          tpu.enqueue_dma source(%dma_start3A_90 : memref<128xi32, #tpu.memory_space<hbm>>) target(%dma_start3A_89 : memref<128xi32, #tpu.memory_space<vmem>>) target_semaphore(%run_scoped3A_82 : memref<!tpu.dma_semaphore, #tpu.memory_space<semaphore_mem>>)
          %dma_wait3A = arith.constant 0 : i32
          %dma_wait3A_91 = tpu.memref_slice %arg5[%run_scoped3A, %dma_wait3A] : memref<4x128xi32, #tpu.memory_space<vmem>> -> memref<1x128xi32, #tpu.memory_space<vmem>>
          %dma_wait3A_92 = tpu.memref_squeeze %dma_wait3A_91 : memref<1x128xi32, #tpu.memory_space<vmem>> -> memref<128xi32, #tpu.memory_space<vmem>>
          %dma_wait3A_93 = tpu.memref_slice %arg3[%add3A_66] : memref<640000xi32, #tpu.memory_space<hbm>> -> memref<128xi32, #tpu.memory_space<hbm>>
          %dma_wait3A_94 = arith.constant 0 : i32
          %dma_wait3A_95 = tpu.memref_slice %arg5[%run_scoped3A, %dma_wait3A_94] : memref<4x128xi32, #tpu.memory_space<vmem>> -> memref<1x128xi32, #tpu.memory_space<vmem>>
          %dma_wait3A_96 = tpu.memref_squeeze %dma_wait3A_95 : memref<1x128xi32, #tpu.memory_space<vmem>> -> memref<128xi32, #tpu.memory_space<vmem>>
          %dma_wait3A_97 = tpu.memref_slice %arg3[%add3A_66] : memref<640000xi32, #tpu.memory_space<hbm>> -> memref<128xi32, #tpu.memory_space<hbm>>
          tpu.wait_dma2 semaphore(%run_scoped3A_82 : memref<!tpu.dma_semaphore, #tpu.memory_space<semaphore_mem>>) src(%dma_wait3A_97 : memref<128xi32, #tpu.memory_space<hbm>>) dst(%dma_wait3A_96 : memref<128xi32, #tpu.memory_space<vmem>>)
          tpu.yield
        }) : () -> ()
        %add3A_67 = arith.constant 160000 : i32
        %add3A_68 = arith.addi %add3A_67, %add3A_66 : i32
        %run_scoped3A_69 = arith.constant 1 : i32
        "tpu.region"() ({
          %run_scoped3A_82 = tpu.sem_alloc : memref<!tpu.dma_semaphore, #tpu.memory_space<semaphore_mem>>
          %dma_start3A_83 = arith.constant 0 : i32
          %dma_start3A_84 = tpu.memref_slice %arg5[%run_scoped3A_69, %dma_start3A_83] : memref<4x128xi32, #tpu.memory_space<vmem>> -> memref<1x128xi32, #tpu.memory_space<vmem>>
          %dma_start3A_85 = tpu.memref_squeeze %dma_start3A_84 : memref<1x128xi32, #tpu.memory_space<vmem>> -> memref<128xi32, #tpu.memory_space<vmem>>
          %dma_start3A_86 = tpu.memref_slice %arg3[%add3A_68] : memref<640000xi32, #tpu.memory_space<hbm>> -> memref<128xi32, #tpu.memory_space<hbm>>
          %dma_start3A_87 = arith.constant 0 : i32
          %dma_start3A_88 = tpu.memref_slice %arg5[%run_scoped3A_69, %dma_start3A_87] : memref<4x128xi32, #tpu.memory_space<vmem>> -> memref<1x128xi32, #tpu.memory_space<vmem>>
          %dma_start3A_89 = tpu.memref_squeeze %dma_start3A_88 : memref<1x128xi32, #tpu.memory_space<vmem>> -> memref<128xi32, #tpu.memory_space<vmem>>
          %dma_start3A_90 = tpu.memref_slice %arg3[%add3A_68] : memref<640000xi32, #tpu.memory_space<hbm>> -> memref<128xi32, #tpu.memory_space<hbm>>
          tpu.enqueue_dma source(%dma_start3A_90 : memref<128xi32, #tpu.memory_space<hbm>>) target(%dma_start3A_89 : memref<128xi32, #tpu.memory_space<vmem>>) target_semaphore(%run_scoped3A_82 : memref<!tpu.dma_semaphore, #tpu.memory_space<semaphore_mem>>)
          %dma_wait3A = arith.constant 0 : i32
          %dma_wait3A_91 = tpu.memref_slice %arg5[%run_scoped3A_69, %dma_wait3A] : memref<4x128xi32, #tpu.memory_space<vmem>> -> memref<1x128xi32, #tpu.memory_space<vmem>>
          %dma_wait3A_92 = tpu.memref_squeeze %dma_wait3A_91 : memref<1x128xi32, #tpu.memory_space<vmem>> -> memref<128xi32, #tpu.memory_space<vmem>>
          %dma_wait3A_93 = tpu.memref_slice %arg3[%add3A_68] : memref<640000xi32, #tpu.memory_space<hbm>> -> memref<128xi32, #tpu.memory_space<hbm>>
          %dma_wait3A_94 = arith.constant 0 : i32
          %dma_wait3A_95 = tpu.memref_slice %arg5[%run_scoped3A_69, %dma_wait3A_94] : memref<4x128xi32, #tpu.memory_space<vmem>> -> memref<1x128xi32, #tpu.memory_space<vmem>>
          %dma_wait3A_96 = tpu.memref_squeeze %dma_wait3A_95 : memref<1x128xi32, #tpu.memory_space<vmem>> -> memref<128xi32, #tpu.memory_space<vmem>>
          %dma_wait3A_97 = tpu.memref_slice %arg3[%add3A_68] : memref<640000xi32, #tpu.memory_space<hbm>> -> memref<128xi32, #tpu.memory_space<hbm>>
          tpu.wait_dma2 semaphore(%run_scoped3A_82 : memref<!tpu.dma_semaphore, #tpu.memory_space<semaphore_mem>>) src(%dma_wait3A_97 : memref<128xi32, #tpu.memory_space<hbm>>) dst(%dma_wait3A_96 : memref<128xi32, #tpu.memory_space<vmem>>)
          tpu.yield
        }) : () -> ()
        %add3A_70 = arith.constant 320000 : i32
        %add3A_71 = arith.addi %add3A_70, %add3A_66 : i32
        %run_scoped3A_72 = arith.constant 2 : i32
        "tpu.region"() ({
          %run_scoped3A_82 = tpu.sem_alloc : memref<!tpu.dma_semaphore, #tpu.memory_space<semaphore_mem>>
          %dma_start3A_83 = arith.constant 0 : i32
          %dma_start3A_84 = tpu.memref_slice %arg5[%run_scoped3A_72, %dma_start3A_83] : memref<4x128xi32, #tpu.memory_space<vmem>> -> memref<1x128xi32, #tpu.memory_space<vmem>>
          %dma_start3A_85 = tpu.memref_squeeze %dma_start3A_84 : memref<1x128xi32, #tpu.memory_space<vmem>> -> memref<128xi32, #tpu.memory_space<vmem>>
          %dma_start3A_86 = tpu.memref_slice %arg3[%add3A_71] : memref<640000xi32, #tpu.memory_space<hbm>> -> memref<128xi32, #tpu.memory_space<hbm>>
          %dma_start3A_87 = arith.constant 0 : i32
          %dma_start3A_88 = tpu.memref_slice %arg5[%run_scoped3A_72, %dma_start3A_87] : memref<4x128xi32, #tpu.memory_space<vmem>> -> memref<1x128xi32, #tpu.memory_space<vmem>>
          %dma_start3A_89 = tpu.memref_squeeze %dma_start3A_88 : memref<1x128xi32, #tpu.memory_space<vmem>> -> memref<128xi32, #tpu.memory_space<vmem>>
          %dma_start3A_90 = tpu.memref_slice %arg3[%add3A_71] : memref<640000xi32, #tpu.memory_space<hbm>> -> memref<128xi32, #tpu.memory_space<hbm>>
          tpu.enqueue_dma source(%dma_start3A_90 : memref<128xi32, #tpu.memory_space<hbm>>) target(%dma_start3A_89 : memref<128xi32, #tpu.memory_space<vmem>>) target_semaphore(%run_scoped3A_82 : memref<!tpu.dma_semaphore, #tpu.memory_space<semaphore_mem>>)
          %dma_wait3A = arith.constant 0 : i32
          %dma_wait3A_91 = tpu.memref_slice %arg5[%run_scoped3A_72, %dma_wait3A] : memref<4x128xi32, #tpu.memory_space<vmem>> -> memref<1x128xi32, #tpu.memory_space<vmem>>
          %dma_wait3A_92 = tpu.memref_squeeze %dma_wait3A_91 : memref<1x128xi32, #tpu.memory_space<vmem>> -> memref<128xi32, #tpu.memory_space<vmem>>
          %dma_wait3A_93 = tpu.memref_slice %arg3[%add3A_71] : memref<640000xi32, #tpu.memory_space<hbm>> -> memref<128xi32, #tpu.memory_space<hbm>>
          %dma_wait3A_94 = arith.constant 0 : i32
          %dma_wait3A_95 = tpu.memref_slice %arg5[%run_scoped3A_72, %dma_wait3A_94] : memref<4x128xi32, #tpu.memory_space<vmem>> -> memref<1x128xi32, #tpu.memory_space<vmem>>
          %dma_wait3A_96 = tpu.memref_squeeze %dma_wait3A_95 : memref<1x128xi32, #tpu.memory_space<vmem>> -> memref<128xi32, #tpu.memory_space<vmem>>
          %dma_wait3A_97 = tpu.memref_slice %arg3[%add3A_71] : memref<640000xi32, #tpu.memory_space<hbm>> -> memref<128xi32, #tpu.memory_space<hbm>>
          tpu.wait_dma2 semaphore(%run_scoped3A_82 : memref<!tpu.dma_semaphore, #tpu.memory_space<semaphore_mem>>) src(%dma_wait3A_97 : memref<128xi32, #tpu.memory_space<hbm>>) dst(%dma_wait3A_96 : memref<128xi32, #tpu.memory_space<vmem>>)
          tpu.yield
        }) : () -> ()
        %add3A_73 = arith.constant 480000 : i32
        %add3A_74 = arith.addi %add3A_73, %add3A_66 : i32
        %run_scoped3A_75 = arith.constant 3 : i32
        "tpu.region"() ({
          %run_scoped3A_82 = tpu.sem_alloc : memref<!tpu.dma_semaphore, #tpu.memory_space<semaphore_mem>>
          %dma_start3A_83 = arith.constant 0 : i32
          %dma_start3A_84 = tpu.memref_slice %arg5[%run_scoped3A_75, %dma_start3A_83] : memref<4x128xi32, #tpu.memory_space<vmem>> -> memref<1x128xi32, #tpu.memory_space<vmem>>
          %dma_start3A_85 = tpu.memref_squeeze %dma_start3A_84 : memref<1x128xi32, #tpu.memory_space<vmem>> -> memref<128xi32, #tpu.memory_space<vmem>>
          %dma_start3A_86 = tpu.memref_slice %arg3[%add3A_74] : memref<640000xi32, #tpu.memory_space<hbm>> -> memref<128xi32, #tpu.memory_space<hbm>>
          %dma_start3A_87 = arith.constant 0 : i32
          %dma_start3A_88 = tpu.memref_slice %arg5[%run_scoped3A_75, %dma_start3A_87] : memref<4x128xi32, #tpu.memory_space<vmem>> -> memref<1x128xi32, #tpu.memory_space<vmem>>
          %dma_start3A_89 = tpu.memref_squeeze %dma_start3A_88 : memref<1x128xi32, #tpu.memory_space<vmem>> -> memref<128xi32, #tpu.memory_space<vmem>>
          %dma_start3A_90 = tpu.memref_slice %arg3[%add3A_74] : memref<640000xi32, #tpu.memory_space<hbm>> -> memref<128xi32, #tpu.memory_space<hbm>>
          tpu.enqueue_dma source(%dma_start3A_90 : memref<128xi32, #tpu.memory_space<hbm>>) target(%dma_start3A_89 : memref<128xi32, #tpu.memory_space<vmem>>) target_semaphore(%run_scoped3A_82 : memref<!tpu.dma_semaphore, #tpu.memory_space<semaphore_mem>>)
          %dma_wait3A = arith.constant 0 : i32
          %dma_wait3A_91 = tpu.memref_slice %arg5[%run_scoped3A_75, %dma_wait3A] : memref<4x128xi32, #tpu.memory_space<vmem>> -> memref<1x128xi32, #tpu.memory_space<vmem>>
          %dma_wait3A_92 = tpu.memref_squeeze %dma_wait3A_91 : memref<1x128xi32, #tpu.memory_space<vmem>> -> memref<128xi32, #tpu.memory_space<vmem>>
          %dma_wait3A_93 = tpu.memref_slice %arg3[%add3A_74] : memref<640000xi32, #tpu.memory_space<hbm>> -> memref<128xi32, #tpu.memory_space<hbm>>
          %dma_wait3A_94 = arith.constant 0 : i32
          %dma_wait3A_95 = tpu.memref_slice %arg5[%run_scoped3A_75, %dma_wait3A_94] : memref<4x128xi32, #tpu.memory_space<vmem>> -> memref<1x128xi32, #tpu.memory_space<vmem>>
          %dma_wait3A_96 = tpu.memref_squeeze %dma_wait3A_95 : memref<1x128xi32, #tpu.memory_space<vmem>> -> memref<128xi32, #tpu.memory_space<vmem>>
          %dma_wait3A_97 = tpu.memref_slice %arg3[%add3A_74] : memref<640000xi32, #tpu.memory_space<hbm>> -> memref<128xi32, #tpu.memory_space<hbm>>
          tpu.wait_dma2 semaphore(%run_scoped3A_82 : memref<!tpu.dma_semaphore, #tpu.memory_space<semaphore_mem>>) src(%dma_wait3A_97 : memref<128xi32, #tpu.memory_space<hbm>>) dst(%dma_wait3A_96 : memref<128xi32, #tpu.memory_space<vmem>>)
          tpu.yield
        }) : () -> ()
        %dma_start3A = arith.constant 0 : i32
        %dma_start3A_76 = arith.constant 0 : i32
        %dma_start3A_77 = tpu.memref_slice %arg5[%dma_start3A, %dma_start3A_76] : memref<4x128xi32, #tpu.memory_space<vmem>> -> memref<1x128xi32, #tpu.memory_space<vmem>>
        %dma_start3A_78 = tpu.memref_squeeze %dma_start3A_77 : memref<1x128xi32, #tpu.memory_space<vmem>> -> memref<128xi32, #tpu.memory_space<vmem>>
        %dma_start3A_79 = arith.constant 0 : i32
        %dma_start3A_80 = arith.constant 0 : i32
        %dma_start3A_81 = tpu.memref_slice %arg2[%dma_start3A_79, %dma_start3A_80] : memref<160000x128xf32, #tpu.memory_space<hbm>> -> memref<160000x128xf32, #tpu.memory_space<hbm>>
        tpu.enqueue_indirect_dma source(%dma_start3A_81 : memref<160000x128xf32, #tpu.memory_space<hbm>>) target(%arg7 : memref<128x128xf32, #tpu.memory_space<vmem>>) offsets(%dma_start3A_78 : memref<128xi32, #tpu.memory_space<vmem>>) semaphore(%arg9 : memref<!tpu.dma_semaphore, #tpu.memory_space<semaphore_mem>>)
      } else {
      }
      %ge3A_23 = arith.constant 1 : i32
      %ge3A_24 = arith.cmpi sge, %mul3A_8, %ge3A_23 : i32
      %lt3A_25 = arith.constant 625 : i32
      %lt3A_26 = arith.cmpi slt, %sub3A_12, %lt3A_25 : i32
      %and3A_27 = arith.andi %ge3A_24, %lt3A_26 : i1
      %convert_element_type3A_28 = arith.extui %and3A_27 : i1 to i32
      %cond3A_29 = arith.constant 0 : i32
      %cond3A_30 = arith.cmpi ne, %convert_element_type3A_28, %cond3A_29 : i32
      scf.if %cond3A_30 {
        %dma_wait3A = arith.constant 0 : i32
        %dma_wait3A_63 = arith.constant 0 : i32
        %dma_wait3A_64 = tpu.memref_slice %arg6[%dma_wait3A, %dma_wait3A_63] : memref<4x128xi32, #tpu.memory_space<vmem>> -> memref<1x128xi32, #tpu.memory_space<vmem>>
        %dma_wait3A_65 = tpu.memref_squeeze %dma_wait3A_64 : memref<1x128xi32, #tpu.memory_space<vmem>> -> memref<128xi32, #tpu.memory_space<vmem>>
        %dma_wait3A_66 = arith.constant 0 : i32
        %dma_wait3A_67 = arith.constant 0 : i32
        %dma_wait3A_68 = tpu.memref_slice %arg2[%dma_wait3A_66, %dma_wait3A_67] : memref<160000x128xf32, #tpu.memory_space<hbm>> -> memref<160000x128xf32, #tpu.memory_space<hbm>>
        tpu.wait_indirect_dma semaphore(%arg10 : memref<!tpu.dma_semaphore, #tpu.memory_space<semaphore_mem>>) src(%dma_wait3A_68 : memref<160000x128xf32, #tpu.memory_space<hbm>>) dst(%arg8 : memref<128x128xf32, #tpu.memory_space<vmem>>)
        %dma_start3A = arith.constant 1 : i32
        %dma_start3A_69 = arith.constant 0 : i32
        %dma_start3A_70 = tpu.memref_slice %arg6[%dma_start3A, %dma_start3A_69] : memref<4x128xi32, #tpu.memory_space<vmem>> -> memref<1x128xi32, #tpu.memory_space<vmem>>
        %dma_start3A_71 = tpu.memref_squeeze %dma_start3A_70 : memref<1x128xi32, #tpu.memory_space<vmem>> -> memref<128xi32, #tpu.memory_space<vmem>>
        %dma_start3A_72 = arith.constant 0 : i32
        %dma_start3A_73 = arith.constant 0 : i32
        %dma_start3A_74 = tpu.memref_slice %arg2[%dma_start3A_72, %dma_start3A_73] : memref<160000x128xf32, #tpu.memory_space<hbm>> -> memref<160000x128xf32, #tpu.memory_space<hbm>>
        tpu.enqueue_indirect_dma source(%dma_start3A_74 : memref<160000x128xf32, #tpu.memory_space<hbm>>) target(%arg8 : memref<128x128xf32, #tpu.memory_space<vmem>>) offsets(%dma_start3A_71 : memref<128xi32, #tpu.memory_space<vmem>>) semaphore(%arg12 : memref<!tpu.dma_semaphore, #tpu.memory_space<semaphore_mem>>) {add = true}
        %dma_start3A_75 = arith.constant 2 : i32
        %dma_start3A_76 = arith.constant 0 : i32
        %dma_start3A_77 = tpu.memref_slice %arg6[%dma_start3A_75, %dma_start3A_76] : memref<4x128xi32, #tpu.memory_space<vmem>> -> memref<1x128xi32, #tpu.memory_space<vmem>>
        %dma_start3A_78 = tpu.memref_squeeze %dma_start3A_77 : memref<1x128xi32, #tpu.memory_space<vmem>> -> memref<128xi32, #tpu.memory_space<vmem>>
        %dma_start3A_79 = arith.constant 0 : i32
        %dma_start3A_80 = arith.constant 0 : i32
        %dma_start3A_81 = tpu.memref_slice %arg2[%dma_start3A_79, %dma_start3A_80] : memref<160000x128xf32, #tpu.memory_space<hbm>> -> memref<160000x128xf32, #tpu.memory_space<hbm>>
        tpu.enqueue_indirect_dma source(%dma_start3A_81 : memref<160000x128xf32, #tpu.memory_space<hbm>>) target(%arg8 : memref<128x128xf32, #tpu.memory_space<vmem>>) offsets(%dma_start3A_78 : memref<128xi32, #tpu.memory_space<vmem>>) semaphore(%arg12 : memref<!tpu.dma_semaphore, #tpu.memory_space<semaphore_mem>>) {add = true}
        %dma_start3A_82 = arith.constant 3 : i32
        %dma_start3A_83 = arith.constant 0 : i32
        %dma_start3A_84 = tpu.memref_slice %arg6[%dma_start3A_82, %dma_start3A_83] : memref<4x128xi32, #tpu.memory_space<vmem>> -> memref<1x128xi32, #tpu.memory_space<vmem>>
        %dma_start3A_85 = tpu.memref_squeeze %dma_start3A_84 : memref<1x128xi32, #tpu.memory_space<vmem>> -> memref<128xi32, #tpu.memory_space<vmem>>
        %dma_start3A_86 = arith.constant 0 : i32
        %dma_start3A_87 = arith.constant 0 : i32
        %dma_start3A_88 = tpu.memref_slice %arg2[%dma_start3A_86, %dma_start3A_87] : memref<160000x128xf32, #tpu.memory_space<hbm>> -> memref<160000x128xf32, #tpu.memory_space<hbm>>
        tpu.enqueue_indirect_dma source(%dma_start3A_88 : memref<160000x128xf32, #tpu.memory_space<hbm>>) target(%arg8 : memref<128x128xf32, #tpu.memory_space<vmem>>) offsets(%dma_start3A_85 : memref<128xi32, #tpu.memory_space<vmem>>) semaphore(%arg12 : memref<!tpu.dma_semaphore, #tpu.memory_space<semaphore_mem>>) {add = true}
        %dma_wait3A_89 = arith.constant 1 : i32
        %dma_wait3A_90 = arith.constant 0 : i32
        %dma_wait3A_91 = tpu.memref_slice %arg6[%dma_wait3A_89, %dma_wait3A_90] : memref<4x128xi32, #tpu.memory_space<vmem>> -> memref<1x128xi32, #tpu.memory_space<vmem>>
        %dma_wait3A_92 = tpu.memref_squeeze %dma_wait3A_91 : memref<1x128xi32, #tpu.memory_space<vmem>> -> memref<128xi32, #tpu.memory_space<vmem>>
        %dma_wait3A_93 = arith.constant 0 : i32
        %dma_wait3A_94 = arith.constant 0 : i32
        %dma_wait3A_95 = tpu.memref_slice %arg2[%dma_wait3A_93, %dma_wait3A_94] : memref<160000x128xf32, #tpu.memory_space<hbm>> -> memref<160000x128xf32, #tpu.memory_space<hbm>>
        tpu.wait_indirect_dma semaphore(%arg12 : memref<!tpu.dma_semaphore, #tpu.memory_space<semaphore_mem>>) src(%dma_wait3A_95 : memref<160000x128xf32, #tpu.memory_space<hbm>>) dst(%arg8 : memref<128x128xf32, #tpu.memory_space<vmem>>)
        %dma_wait3A_96 = arith.constant 2 : i32
        %dma_wait3A_97 = arith.constant 0 : i32
        %dma_wait3A_98 = tpu.memref_slice %arg6[%dma_wait3A_96, %dma_wait3A_97] : memref<4x128xi32, #tpu.memory_space<vmem>> -> memref<1x128xi32, #tpu.memory_space<vmem>>
        %dma_wait3A_99 = tpu.memref_squeeze %dma_wait3A_98 : memref<1x128xi32, #tpu.memory_space<vmem>> -> memref<128xi32, #tpu.memory_space<vmem>>
        %dma_wait3A_100 = arith.constant 0 : i32
        %dma_wait3A_101 = arith.constant 0 : i32
        %dma_wait3A_102 = tpu.memref_slice %arg2[%dma_wait3A_100, %dma_wait3A_101] : memref<160000x128xf32, #tpu.memory_space<hbm>> -> memref<160000x128xf32, #tpu.memory_space<hbm>>
        tpu.wait_indirect_dma semaphore(%arg12 : memref<!tpu.dma_semaphore, #tpu.memory_space<semaphore_mem>>) src(%dma_wait3A_102 : memref<160000x128xf32, #tpu.memory_space<hbm>>) dst(%arg8 : memref<128x128xf32, #tpu.memory_space<vmem>>)
        %dma_wait3A_103 = arith.constant 3 : i32
        %dma_wait3A_104 = arith.constant 0 : i32
        %dma_wait3A_105 = tpu.memref_slice %arg6[%dma_wait3A_103, %dma_wait3A_104] : memref<4x128xi32, #tpu.memory_space<vmem>> -> memref<1x128xi32, #tpu.memory_space<vmem>>
        %dma_wait3A_106 = tpu.memref_squeeze %dma_wait3A_105 : memref<1x128xi32, #tpu.memory_space<vmem>> -> memref<128xi32, #tpu.memory_space<vmem>>
        %dma_wait3A_107 = arith.constant 0 : i32
        %dma_wait3A_108 = arith.constant 0 : i32
        %dma_wait3A_109 = tpu.memref_slice %arg2[%dma_wait3A_107, %dma_wait3A_108] : memref<160000x128xf32, #tpu.memory_space<hbm>> -> memref<160000x128xf32, #tpu.memory_space<hbm>>
        tpu.wait_indirect_dma semaphore(%arg12 : memref<!tpu.dma_semaphore, #tpu.memory_space<semaphore_mem>>) src(%dma_wait3A_109 : memref<160000x128xf32, #tpu.memory_space<hbm>>) dst(%arg8 : memref<128x128xf32, #tpu.memory_space<vmem>>)
        %mul3A_110 = arith.constant 128 : i32
        %mul3A_111 = arith.muli %sub3A_12, %mul3A_110 : i32
        %dma_start3A_112 = arith.constant 0 : i32
        %dma_start3A_113 = tpu.memref_slice %arg4[%mul3A_111, %dma_start3A_112] : memref<80000x128xf32, #tpu.memory_space<hbm>> -> memref<128x128xf32, #tpu.memory_space<hbm>>
        %dma_start3A_114 = arith.constant 0 : i32
        %dma_start3A_115 = tpu.memref_slice %arg4[%mul3A_111, %dma_start3A_114] : memref<80000x128xf32, #tpu.memory_space<hbm>> -> memref<128x128xf32, #tpu.memory_space<hbm>>
        tpu.enqueue_dma source(%arg8 : memref<128x128xf32, #tpu.memory_space<vmem>>) target(%dma_start3A_115 : memref<128x128xf32, #tpu.memory_space<hbm>>) target_semaphore(%arg14 : memref<!tpu.dma_semaphore, #tpu.memory_space<semaphore_mem>>)
      } else {
      }
      %mul3A_31 = arith.constant 2 : i32
      %mul3A_32 = arith.muli %mul3A_31, %scan3A_6 : i32
      %add3A_33 = arith.constant 1 : i32
      %add3A_34 = arith.addi %mul3A_32, %add3A_33 : i32
      %mul3A_35 = arith.constant 32 : i32
      %mul3A_36 = arith.muli %add3A_34, %mul3A_35 : i32
      %add3A_37 = arith.addi %add3A, %mul3A_36 : i32
      %sub3A_38 = arith.constant 32 : i32
      %sub3A_39 = arith.subi %add3A_37, %sub3A_38 : i32
      %sub3A_40 = arith.constant 64 : i32
      %sub3A_41 = arith.subi %add3A_37, %sub3A_40 : i32
      %ge3A_42 = arith.constant 2 : i32
      %ge3A_43 = arith.cmpi sge, %add3A_34, %ge3A_42 : i32
      %lt3A_44 = arith.constant 625 : i32
      %lt3A_45 = arith.cmpi slt, %sub3A_41, %lt3A_44 : i32
      %and3A_46 = arith.andi %ge3A_43, %lt3A_45 : i1
      %convert_element_type3A_47 = arith.extui %and3A_46 : i1 to i32
      %cond3A_48 = arith.constant 0 : i32
      %cond3A_49 = arith.cmpi ne, %convert_element_type3A_47, %cond3A_48 : i32
      scf.if %cond3A_49 {
        %mul3A_63 = arith.constant 128 : i32
        %mul3A_64 = arith.muli %sub3A_41, %mul3A_63 : i32
        %dma_wait3A = arith.constant 0 : i32
        %dma_wait3A_65 = tpu.memref_slice %arg4[%mul3A_64, %dma_wait3A] : memref<80000x128xf32, #tpu.memory_space<hbm>> -> memref<128x128xf32, #tpu.memory_space<hbm>>
        %dma_wait3A_66 = arith.constant 0 : i32
        %dma_wait3A_67 = tpu.memref_slice %arg4[%mul3A_64, %dma_wait3A_66] : memref<80000x128xf32, #tpu.memory_space<hbm>> -> memref<128x128xf32, #tpu.memory_space<hbm>>
        tpu.wait_dma2 semaphore(%arg14 : memref<!tpu.dma_semaphore, #tpu.memory_space<semaphore_mem>>) src(%arg8 : memref<128x128xf32, #tpu.memory_space<vmem>>) dst(%dma_wait3A_67 : memref<128x128xf32, #tpu.memory_space<hbm>>)
      } else {
      }
      %lt3A_50 = arith.constant 625 : i32
      %lt3A_51 = arith.cmpi slt, %add3A_37, %lt3A_50 : i32
      %convert_element_type3A_52 = arith.extui %lt3A_51 : i1 to i32
      %cond3A_53 = arith.constant 0 : i32
      %cond3A_54 = arith.cmpi ne, %convert_element_type3A_52, %cond3A_53 : i32
      scf.if %cond3A_54 {
        %mul3A_63 = arith.constant 128 : i32
        %mul3A_64 = arith.muli %add3A_37, %mul3A_63 : i32
        %add3A_65 = arith.constant 80000 : i32
        %add3A_66 = arith.addi %add3A_65, %mul3A_64 : i32
        %run_scoped3A = arith.constant 0 : i32
        "tpu.region"() ({
          %run_scoped3A_82 = tpu.sem_alloc : memref<!tpu.dma_semaphore, #tpu.memory_space<semaphore_mem>>
          %dma_start3A_83 = arith.constant 0 : i32
          %dma_start3A_84 = tpu.memref_slice %arg6[%run_scoped3A, %dma_start3A_83] : memref<4x128xi32, #tpu.memory_space<vmem>> -> memref<1x128xi32, #tpu.memory_space<vmem>>
          %dma_start3A_85 = tpu.memref_squeeze %dma_start3A_84 : memref<1x128xi32, #tpu.memory_space<vmem>> -> memref<128xi32, #tpu.memory_space<vmem>>
          %dma_start3A_86 = tpu.memref_slice %arg3[%add3A_66] : memref<640000xi32, #tpu.memory_space<hbm>> -> memref<128xi32, #tpu.memory_space<hbm>>
          %dma_start3A_87 = arith.constant 0 : i32
          %dma_start3A_88 = tpu.memref_slice %arg6[%run_scoped3A, %dma_start3A_87] : memref<4x128xi32, #tpu.memory_space<vmem>> -> memref<1x128xi32, #tpu.memory_space<vmem>>
          %dma_start3A_89 = tpu.memref_squeeze %dma_start3A_88 : memref<1x128xi32, #tpu.memory_space<vmem>> -> memref<128xi32, #tpu.memory_space<vmem>>
          %dma_start3A_90 = tpu.memref_slice %arg3[%add3A_66] : memref<640000xi32, #tpu.memory_space<hbm>> -> memref<128xi32, #tpu.memory_space<hbm>>
          tpu.enqueue_dma source(%dma_start3A_90 : memref<128xi32, #tpu.memory_space<hbm>>) target(%dma_start3A_89 : memref<128xi32, #tpu.memory_space<vmem>>) target_semaphore(%run_scoped3A_82 : memref<!tpu.dma_semaphore, #tpu.memory_space<semaphore_mem>>)
          %dma_wait3A = arith.constant 0 : i32
          %dma_wait3A_91 = tpu.memref_slice %arg6[%run_scoped3A, %dma_wait3A] : memref<4x128xi32, #tpu.memory_space<vmem>> -> memref<1x128xi32, #tpu.memory_space<vmem>>
          %dma_wait3A_92 = tpu.memref_squeeze %dma_wait3A_91 : memref<1x128xi32, #tpu.memory_space<vmem>> -> memref<128xi32, #tpu.memory_space<vmem>>
          %dma_wait3A_93 = tpu.memref_slice %arg3[%add3A_66] : memref<640000xi32, #tpu.memory_space<hbm>> -> memref<128xi32, #tpu.memory_space<hbm>>
          %dma_wait3A_94 = arith.constant 0 : i32
          %dma_wait3A_95 = tpu.memref_slice %arg6[%run_scoped3A, %dma_wait3A_94] : memref<4x128xi32, #tpu.memory_space<vmem>> -> memref<1x128xi32, #tpu.memory_space<vmem>>
          %dma_wait3A_96 = tpu.memref_squeeze %dma_wait3A_95 : memref<1x128xi32, #tpu.memory_space<vmem>> -> memref<128xi32, #tpu.memory_space<vmem>>
          %dma_wait3A_97 = tpu.memref_slice %arg3[%add3A_66] : memref<640000xi32, #tpu.memory_space<hbm>> -> memref<128xi32, #tpu.memory_space<hbm>>
          tpu.wait_dma2 semaphore(%run_scoped3A_82 : memref<!tpu.dma_semaphore, #tpu.memory_space<semaphore_mem>>) src(%dma_wait3A_97 : memref<128xi32, #tpu.memory_space<hbm>>) dst(%dma_wait3A_96 : memref<128xi32, #tpu.memory_space<vmem>>)
          tpu.yield
        }) : () -> ()
        %add3A_67 = arith.constant 160000 : i32
        %add3A_68 = arith.addi %add3A_67, %add3A_66 : i32
        %run_scoped3A_69 = arith.constant 1 : i32
        "tpu.region"() ({
          %run_scoped3A_82 = tpu.sem_alloc : memref<!tpu.dma_semaphore, #tpu.memory_space<semaphore_mem>>
          %dma_start3A_83 = arith.constant 0 : i32
          %dma_start3A_84 = tpu.memref_slice %arg6[%run_scoped3A_69, %dma_start3A_83] : memref<4x128xi32, #tpu.memory_space<vmem>> -> memref<1x128xi32, #tpu.memory_space<vmem>>
          %dma_start3A_85 = tpu.memref_squeeze %dma_start3A_84 : memref<1x128xi32, #tpu.memory_space<vmem>> -> memref<128xi32, #tpu.memory_space<vmem>>
          %dma_start3A_86 = tpu.memref_slice %arg3[%add3A_68] : memref<640000xi32, #tpu.memory_space<hbm>> -> memref<128xi32, #tpu.memory_space<hbm>>
          %dma_start3A_87 = arith.constant 0 : i32
          %dma_start3A_88 = tpu.memref_slice %arg6[%run_scoped3A_69, %dma_start3A_87] : memref<4x128xi32, #tpu.memory_space<vmem>> -> memref<1x128xi32, #tpu.memory_space<vmem>>
          %dma_start3A_89 = tpu.memref_squeeze %dma_start3A_88 : memref<1x128xi32, #tpu.memory_space<vmem>> -> memref<128xi32, #tpu.memory_space<vmem>>
          %dma_start3A_90 = tpu.memref_slice %arg3[%add3A_68] : memref<640000xi32, #tpu.memory_space<hbm>> -> memref<128xi32, #tpu.memory_space<hbm>>
          tpu.enqueue_dma source(%dma_start3A_90 : memref<128xi32, #tpu.memory_space<hbm>>) target(%dma_start3A_89 : memref<128xi32, #tpu.memory_space<vmem>>) target_semaphore(%run_scoped3A_82 : memref<!tpu.dma_semaphore, #tpu.memory_space<semaphore_mem>>)
          %dma_wait3A = arith.constant 0 : i32
          %dma_wait3A_91 = tpu.memref_slice %arg6[%run_scoped3A_69, %dma_wait3A] : memref<4x128xi32, #tpu.memory_space<vmem>> -> memref<1x128xi32, #tpu.memory_space<vmem>>
          %dma_wait3A_92 = tpu.memref_squeeze %dma_wait3A_91 : memref<1x128xi32, #tpu.memory_space<vmem>> -> memref<128xi32, #tpu.memory_space<vmem>>
          %dma_wait3A_93 = tpu.memref_slice %arg3[%add3A_68] : memref<640000xi32, #tpu.memory_space<hbm>> -> memref<128xi32, #tpu.memory_space<hbm>>
          %dma_wait3A_94 = arith.constant 0 : i32
          %dma_wait3A_95 = tpu.memref_slice %arg6[%run_scoped3A_69, %dma_wait3A_94] : memref<4x128xi32, #tpu.memory_space<vmem>> -> memref<1x128xi32, #tpu.memory_space<vmem>>
          %dma_wait3A_96 = tpu.memref_squeeze %dma_wait3A_95 : memref<1x128xi32, #tpu.memory_space<vmem>> -> memref<128xi32, #tpu.memory_space<vmem>>
          %dma_wait3A_97 = tpu.memref_slice %arg3[%add3A_68] : memref<640000xi32, #tpu.memory_space<hbm>> -> memref<128xi32, #tpu.memory_space<hbm>>
          tpu.wait_dma2 semaphore(%run_scoped3A_82 : memref<!tpu.dma_semaphore, #tpu.memory_space<semaphore_mem>>) src(%dma_wait3A_97 : memref<128xi32, #tpu.memory_space<hbm>>) dst(%dma_wait3A_96 : memref<128xi32, #tpu.memory_space<vmem>>)
          tpu.yield
        }) : () -> ()
        %add3A_70 = arith.constant 320000 : i32
        %add3A_71 = arith.addi %add3A_70, %add3A_66 : i32
        %run_scoped3A_72 = arith.constant 2 : i32
        "tpu.region"() ({
          %run_scoped3A_82 = tpu.sem_alloc : memref<!tpu.dma_semaphore, #tpu.memory_space<semaphore_mem>>
          %dma_start3A_83 = arith.constant 0 : i32
          %dma_start3A_84 = tpu.memref_slice %arg6[%run_scoped3A_72, %dma_start3A_83] : memref<4x128xi32, #tpu.memory_space<vmem>> -> memref<1x128xi32, #tpu.memory_space<vmem>>
          %dma_start3A_85 = tpu.memref_squeeze %dma_start3A_84 : memref<1x128xi32, #tpu.memory_space<vmem>> -> memref<128xi32, #tpu.memory_space<vmem>>
          %dma_start3A_86 = tpu.memref_slice %arg3[%add3A_71] : memref<640000xi32, #tpu.memory_space<hbm>> -> memref<128xi32, #tpu.memory_space<hbm>>
          %dma_start3A_87 = arith.constant 0 : i32
          %dma_start3A_88 = tpu.memref_slice %arg6[%run_scoped3A_72, %dma_start3A_87] : memref<4x128xi32, #tpu.memory_space<vmem>> -> memref<1x128xi32, #tpu.memory_space<vmem>>
          %dma_start3A_89 = tpu.memref_squeeze %dma_start3A_88 : memref<1x128xi32, #tpu.memory_space<vmem>> -> memref<128xi32, #tpu.memory_space<vmem>>
          %dma_start3A_90 = tpu.memref_slice %arg3[%add3A_71] : memref<640000xi32, #tpu.memory_space<hbm>> -> memref<128xi32, #tpu.memory_space<hbm>>
          tpu.enqueue_dma source(%dma_start3A_90 : memref<128xi32, #tpu.memory_space<hbm>>) target(%dma_start3A_89 : memref<128xi32, #tpu.memory_space<vmem>>) target_semaphore(%run_scoped3A_82 : memref<!tpu.dma_semaphore, #tpu.memory_space<semaphore_mem>>)
          %dma_wait3A = arith.constant 0 : i32
          %dma_wait3A_91 = tpu.memref_slice %arg6[%run_scoped3A_72, %dma_wait3A] : memref<4x128xi32, #tpu.memory_space<vmem>> -> memref<1x128xi32, #tpu.memory_space<vmem>>
          %dma_wait3A_92 = tpu.memref_squeeze %dma_wait3A_91 : memref<1x128xi32, #tpu.memory_space<vmem>> -> memref<128xi32, #tpu.memory_space<vmem>>
          %dma_wait3A_93 = tpu.memref_slice %arg3[%add3A_71] : memref<640000xi32, #tpu.memory_space<hbm>> -> memref<128xi32, #tpu.memory_space<hbm>>
          %dma_wait3A_94 = arith.constant 0 : i32
          %dma_wait3A_95 = tpu.memref_slice %arg6[%run_scoped3A_72, %dma_wait3A_94] : memref<4x128xi32, #tpu.memory_space<vmem>> -> memref<1x128xi32, #tpu.memory_space<vmem>>
          %dma_wait3A_96 = tpu.memref_squeeze %dma_wait3A_95 : memref<1x128xi32, #tpu.memory_space<vmem>> -> memref<128xi32, #tpu.memory_space<vmem>>
          %dma_wait3A_97 = tpu.memref_slice %arg3[%add3A_71] : memref<640000xi32, #tpu.memory_space<hbm>> -> memref<128xi32, #tpu.memory_space<hbm>>
          tpu.wait_dma2 semaphore(%run_scoped3A_82 : memref<!tpu.dma_semaphore, #tpu.memory_space<semaphore_mem>>) src(%dma_wait3A_97 : memref<128xi32, #tpu.memory_space<hbm>>) dst(%dma_wait3A_96 : memref<128xi32, #tpu.memory_space<vmem>>)
          tpu.yield
        }) : () -> ()
        %add3A_73 = arith.constant 480000 : i32
        %add3A_74 = arith.addi %add3A_73, %add3A_66 : i32
        %run_scoped3A_75 = arith.constant 3 : i32
        "tpu.region"() ({
          %run_scoped3A_82 = tpu.sem_alloc : memref<!tpu.dma_semaphore, #tpu.memory_space<semaphore_mem>>
          %dma_start3A_83 = arith.constant 0 : i32
          %dma_start3A_84 = tpu.memref_slice %arg6[%run_scoped3A_75, %dma_start3A_83] : memref<4x128xi32, #tpu.memory_space<vmem>> -> memref<1x128xi32, #tpu.memory_space<vmem>>
          %dma_start3A_85 = tpu.memref_squeeze %dma_start3A_84 : memref<1x128xi32, #tpu.memory_space<vmem>> -> memref<128xi32, #tpu.memory_space<vmem>>
          %dma_start3A_86 = tpu.memref_slice %arg3[%add3A_74] : memref<640000xi32, #tpu.memory_space<hbm>> -> memref<128xi32, #tpu.memory_space<hbm>>
          %dma_start3A_87 = arith.constant 0 : i32
          %dma_start3A_88 = tpu.memref_slice %arg6[%run_scoped3A_75, %dma_start3A_87] : memref<4x128xi32, #tpu.memory_space<vmem>> -> memref<1x128xi32, #tpu.memory_space<vmem>>
          %dma_start3A_89 = tpu.memref_squeeze %dma_start3A_88 : memref<1x128xi32, #tpu.memory_space<vmem>> -> memref<128xi32, #tpu.memory_space<vmem>>
          %dma_start3A_90 = tpu.memref_slice %arg3[%add3A_74] : memref<640000xi32, #tpu.memory_space<hbm>> -> memref<128xi32, #tpu.memory_space<hbm>>
          tpu.enqueue_dma source(%dma_start3A_90 : memref<128xi32, #tpu.memory_space<hbm>>) target(%dma_start3A_89 : memref<128xi32, #tpu.memory_space<vmem>>) target_semaphore(%run_scoped3A_82 : memref<!tpu.dma_semaphore, #tpu.memory_space<semaphore_mem>>)
          %dma_wait3A = arith.constant 0 : i32
          %dma_wait3A_91 = tpu.memref_slice %arg6[%run_scoped3A_75, %dma_wait3A] : memref<4x128xi32, #tpu.memory_space<vmem>> -> memref<1x128xi32, #tpu.memory_space<vmem>>
          %dma_wait3A_92 = tpu.memref_squeeze %dma_wait3A_91 : memref<1x128xi32, #tpu.memory_space<vmem>> -> memref<128xi32, #tpu.memory_space<vmem>>
          %dma_wait3A_93 = tpu.memref_slice %arg3[%add3A_74] : memref<640000xi32, #tpu.memory_space<hbm>> -> memref<128xi32, #tpu.memory_space<hbm>>
          %dma_wait3A_94 = arith.constant 0 : i32
          %dma_wait3A_95 = tpu.memref_slice %arg6[%run_scoped3A_75, %dma_wait3A_94] : memref<4x128xi32, #tpu.memory_space<vmem>> -> memref<1x128xi32, #tpu.memory_space<vmem>>
          %dma_wait3A_96 = tpu.memref_squeeze %dma_wait3A_95 : memref<1x128xi32, #tpu.memory_space<vmem>> -> memref<128xi32, #tpu.memory_space<vmem>>
          %dma_wait3A_97 = tpu.memref_slice %arg3[%add3A_74] : memref<640000xi32, #tpu.memory_space<hbm>> -> memref<128xi32, #tpu.memory_space<hbm>>
          tpu.wait_dma2 semaphore(%run_scoped3A_82 : memref<!tpu.dma_semaphore, #tpu.memory_space<semaphore_mem>>) src(%dma_wait3A_97 : memref<128xi32, #tpu.memory_space<hbm>>) dst(%dma_wait3A_96 : memref<128xi32, #tpu.memory_space<vmem>>)
          tpu.yield
        }) : () -> ()
        %dma_start3A = arith.constant 0 : i32
        %dma_start3A_76 = arith.constant 0 : i32
        %dma_start3A_77 = tpu.memref_slice %arg6[%dma_start3A, %dma_start3A_76] : memref<4x128xi32, #tpu.memory_space<vmem>> -> memref<1x128xi32, #tpu.memory_space<vmem>>
        %dma_start3A_78 = tpu.memref_squeeze %dma_start3A_77 : memref<1x128xi32, #tpu.memory_space<vmem>> -> memref<128xi32, #tpu.memory_space<vmem>>
        %dma_start3A_79 = arith.constant 0 : i32
        %dma_start3A_80 = arith.constant 0 : i32
        %dma_start3A_81 = tpu.memref_slice %arg2[%dma_start3A_79, %dma_start3A_80] : memref<160000x128xf32, #tpu.memory_space<hbm>> -> memref<160000x128xf32, #tpu.memory_space<hbm>>
        tpu.enqueue_indirect_dma source(%dma_start3A_81 : memref<160000x128xf32, #tpu.memory_space<hbm>>) target(%arg8 : memref<128x128xf32, #tpu.memory_space<vmem>>) offsets(%dma_start3A_78 : memref<128xi32, #tpu.memory_space<vmem>>) semaphore(%arg10 : memref<!tpu.dma_semaphore, #tpu.memory_space<semaphore_mem>>)
      } else {
      }
      %ge3A_55 = arith.constant 1 : i32
      %ge3A_56 = arith.cmpi sge, %add3A_34, %ge3A_55 : i32
      %lt3A_57 = arith.constant 625 : i32
      %lt3A_58 = arith.cmpi slt, %sub3A_39, %lt3A_57 : i32
      %and3A_59 = arith.andi %ge3A_56, %lt3A_58 : i1
      %convert_element_type3A_60 = arith.extui %and3A_59 : i1 to i32
      %cond3A_61 = arith.constant 0 : i32
      %cond3A_62 = arith.cmpi ne, %convert_element_type3A_60, %cond3A_61 : i32
      scf.if %cond3A_62 {
        %dma_wait3A = arith.constant 0 : i32
        %dma_wait3A_63 = arith.constant 0 : i32
        %dma_wait3A_64 = tpu.memref_slice %arg5[%dma_wait3A, %dma_wait3A_63] : memref<4x128xi32, #tpu.memory_space<vmem>> -> memref<1x128xi32, #tpu.memory_space<vmem>>
        %dma_wait3A_65 = tpu.memref_squeeze %dma_wait3A_64 : memref<1x128xi32, #tpu.memory_space<vmem>> -> memref<128xi32, #tpu.memory_space<vmem>>
        %dma_wait3A_66 = arith.constant 0 : i32
        %dma_wait3A_67 = arith.constant 0 : i32
        %dma_wait3A_68 = tpu.memref_slice %arg2[%dma_wait3A_66, %dma_wait3A_67] : memref<160000x128xf32, #tpu.memory_space<hbm>> -> memref<160000x128xf32, #tpu.memory_space<hbm>>
        tpu.wait_indirect_dma semaphore(%arg9 : memref<!tpu.dma_semaphore, #tpu.memory_space<semaphore_mem>>) src(%dma_wait3A_68 : memref<160000x128xf32, #tpu.memory_space<hbm>>) dst(%arg7 : memref<128x128xf32, #tpu.memory_space<vmem>>)
        %dma_start3A = arith.constant 1 : i32
        %dma_start3A_69 = arith.constant 0 : i32
        %dma_start3A_70 = tpu.memref_slice %arg5[%dma_start3A, %dma_start3A_69] : memref<4x128xi32, #tpu.memory_space<vmem>> -> memref<1x128xi32, #tpu.memory_space<vmem>>
        %dma_start3A_71 = tpu.memref_squeeze %dma_start3A_70 : memref<1x128xi32, #tpu.memory_space<vmem>> -> memref<128xi32, #tpu.memory_space<vmem>>
        %dma_start3A_72 = arith.constant 0 : i32
        %dma_start3A_73 = arith.constant 0 : i32
        %dma_start3A_74 = tpu.memref_slice %arg2[%dma_start3A_72, %dma_start3A_73] : memref<160000x128xf32, #tpu.memory_space<hbm>> -> memref<160000x128xf32, #tpu.memory_space<hbm>>
        tpu.enqueue_indirect_dma source(%dma_start3A_74 : memref<160000x128xf32, #tpu.memory_space<hbm>>) target(%arg7 : memref<128x128xf32, #tpu.memory_space<vmem>>) offsets(%dma_start3A_71 : memref<128xi32, #tpu.memory_space<vmem>>) semaphore(%arg11 : memref<!tpu.dma_semaphore, #tpu.memory_space<semaphore_mem>>) {add = true}
        %dma_start3A_75 = arith.constant 2 : i32
        %dma_start3A_76 = arith.constant 0 : i32
        %dma_start3A_77 = tpu.memref_slice %arg5[%dma_start3A_75, %dma_start3A_76] : memref<4x128xi32, #tpu.memory_space<vmem>> -> memref<1x128xi32, #tpu.memory_space<vmem>>
        %dma_start3A_78 = tpu.memref_squeeze %dma_start3A_77 : memref<1x128xi32, #tpu.memory_space<vmem>> -> memref<128xi32, #tpu.memory_space<vmem>>
        %dma_start3A_79 = arith.constant 0 : i32
        %dma_start3A_80 = arith.constant 0 : i32
        %dma_start3A_81 = tpu.memref_slice %arg2[%dma_start3A_79, %dma_start3A_80] : memref<160000x128xf32, #tpu.memory_space<hbm>> -> memref<160000x128xf32, #tpu.memory_space<hbm>>
        tpu.enqueue_indirect_dma source(%dma_start3A_81 : memref<160000x128xf32, #tpu.memory_space<hbm>>) target(%arg7 : memref<128x128xf32, #tpu.memory_space<vmem>>) offsets(%dma_start3A_78 : memref<128xi32, #tpu.memory_space<vmem>>) semaphore(%arg11 : memref<!tpu.dma_semaphore, #tpu.memory_space<semaphore_mem>>) {add = true}
        %dma_start3A_82 = arith.constant 3 : i32
        %dma_start3A_83 = arith.constant 0 : i32
        %dma_start3A_84 = tpu.memref_slice %arg5[%dma_start3A_82, %dma_start3A_83] : memref<4x128xi32, #tpu.memory_space<vmem>> -> memref<1x128xi32, #tpu.memory_space<vmem>>
        %dma_start3A_85 = tpu.memref_squeeze %dma_start3A_84 : memref<1x128xi32, #tpu.memory_space<vmem>> -> memref<128xi32, #tpu.memory_space<vmem>>
        %dma_start3A_86 = arith.constant 0 : i32
        %dma_start3A_87 = arith.constant 0 : i32
        %dma_start3A_88 = tpu.memref_slice %arg2[%dma_start3A_86, %dma_start3A_87] : memref<160000x128xf32, #tpu.memory_space<hbm>> -> memref<160000x128xf32, #tpu.memory_space<hbm>>
        tpu.enqueue_indirect_dma source(%dma_start3A_88 : memref<160000x128xf32, #tpu.memory_space<hbm>>) target(%arg7 : memref<128x128xf32, #tpu.memory_space<vmem>>) offsets(%dma_start3A_85 : memref<128xi32, #tpu.memory_space<vmem>>) semaphore(%arg11 : memref<!tpu.dma_semaphore, #tpu.memory_space<semaphore_mem>>) {add = true}
        %dma_wait3A_89 = arith.constant 1 : i32
        %dma_wait3A_90 = arith.constant 0 : i32
        %dma_wait3A_91 = tpu.memref_slice %arg5[%dma_wait3A_89, %dma_wait3A_90] : memref<4x128xi32, #tpu.memory_space<vmem>> -> memref<1x128xi32, #tpu.memory_space<vmem>>
        %dma_wait3A_92 = tpu.memref_squeeze %dma_wait3A_91 : memref<1x128xi32, #tpu.memory_space<vmem>> -> memref<128xi32, #tpu.memory_space<vmem>>
        %dma_wait3A_93 = arith.constant 0 : i32
        %dma_wait3A_94 = arith.constant 0 : i32
        %dma_wait3A_95 = tpu.memref_slice %arg2[%dma_wait3A_93, %dma_wait3A_94] : memref<160000x128xf32, #tpu.memory_space<hbm>> -> memref<160000x128xf32, #tpu.memory_space<hbm>>
        tpu.wait_indirect_dma semaphore(%arg11 : memref<!tpu.dma_semaphore, #tpu.memory_space<semaphore_mem>>) src(%dma_wait3A_95 : memref<160000x128xf32, #tpu.memory_space<hbm>>) dst(%arg7 : memref<128x128xf32, #tpu.memory_space<vmem>>)
        %dma_wait3A_96 = arith.constant 2 : i32
        %dma_wait3A_97 = arith.constant 0 : i32
        %dma_wait3A_98 = tpu.memref_slice %arg5[%dma_wait3A_96, %dma_wait3A_97] : memref<4x128xi32, #tpu.memory_space<vmem>> -> memref<1x128xi32, #tpu.memory_space<vmem>>
        %dma_wait3A_99 = tpu.memref_squeeze %dma_wait3A_98 : memref<1x128xi32, #tpu.memory_space<vmem>> -> memref<128xi32, #tpu.memory_space<vmem>>
        %dma_wait3A_100 = arith.constant 0 : i32
        %dma_wait3A_101 = arith.constant 0 : i32
        %dma_wait3A_102 = tpu.memref_slice %arg2[%dma_wait3A_100, %dma_wait3A_101] : memref<160000x128xf32, #tpu.memory_space<hbm>> -> memref<160000x128xf32, #tpu.memory_space<hbm>>
        tpu.wait_indirect_dma semaphore(%arg11 : memref<!tpu.dma_semaphore, #tpu.memory_space<semaphore_mem>>) src(%dma_wait3A_102 : memref<160000x128xf32, #tpu.memory_space<hbm>>) dst(%arg7 : memref<128x128xf32, #tpu.memory_space<vmem>>)
        %dma_wait3A_103 = arith.constant 3 : i32
        %dma_wait3A_104 = arith.constant 0 : i32
        %dma_wait3A_105 = tpu.memref_slice %arg5[%dma_wait3A_103, %dma_wait3A_104] : memref<4x128xi32, #tpu.memory_space<vmem>> -> memref<1x128xi32, #tpu.memory_space<vmem>>
        %dma_wait3A_106 = tpu.memref_squeeze %dma_wait3A_105 : memref<1x128xi32, #tpu.memory_space<vmem>> -> memref<128xi32, #tpu.memory_space<vmem>>
        %dma_wait3A_107 = arith.constant 0 : i32
        %dma_wait3A_108 = arith.constant 0 : i32
        %dma_wait3A_109 = tpu.memref_slice %arg2[%dma_wait3A_107, %dma_wait3A_108] : memref<160000x128xf32, #tpu.memory_space<hbm>> -> memref<160000x128xf32, #tpu.memory_space<hbm>>
        tpu.wait_indirect_dma semaphore(%arg11 : memref<!tpu.dma_semaphore, #tpu.memory_space<semaphore_mem>>) src(%dma_wait3A_109 : memref<160000x128xf32, #tpu.memory_space<hbm>>) dst(%arg7 : memref<128x128xf32, #tpu.memory_space<vmem>>)
        %mul3A_110 = arith.constant 128 : i32
        %mul3A_111 = arith.muli %sub3A_39, %mul3A_110 : i32
        %dma_start3A_112 = arith.constant 0 : i32
        %dma_start3A_113 = tpu.memref_slice %arg4[%mul3A_111, %dma_start3A_112] : memref<80000x128xf32, #tpu.memory_space<hbm>> -> memref<128x128xf32, #tpu.memory_space<hbm>>
        %dma_start3A_114 = arith.constant 0 : i32
        %dma_start3A_115 = tpu.memref_slice %arg4[%mul3A_111, %dma_start3A_114] : memref<80000x128xf32, #tpu.memory_space<hbm>> -> memref<128x128xf32, #tpu.memory_space<hbm>>
        tpu.enqueue_dma source(%arg7 : memref<128x128xf32, #tpu.memory_space<vmem>>) target(%dma_start3A_115 : memref<128x128xf32, #tpu.memory_space<hbm>>) target_semaphore(%arg13 : memref<!tpu.dma_semaphore, #tpu.memory_space<semaphore_mem>>)
      } else {
      }
    }
    %scan3A_5 = arith.constant 12 : i32
    return
  }
}

#map = affine_map<(d0, d1) -> (0, 0)>
#map1 = affine_map<(d0, d1) -> (0)>
module attributes {stable_mosaic.version = 14 : i64} {
  func.func @_agg_body(%arg0: i32, %arg1: i32, %arg2: memref<160000x128xf32, #tpu.memory_space<hbm>>, %arg3: memref<640000xi32, #tpu.memory_space<hbm>>, %arg4: memref<80000x128xf32, #tpu.memory_space<hbm>>, %arg5: memref<4x128xi32, #tpu.memory_space<vmem>>, %arg6: memref<4x128xi32, #tpu.memory_space<vmem>>, %arg7: memref<128x128xf32, #tpu.memory_space<vmem>>, %arg8: memref<128x128xf32, #tpu.memory_space<vmem>>, %arg9: memref<!tpu.dma_semaphore, #tpu.memory_space<semaphore_mem>>, %arg10: memref<!tpu.dma_semaphore, #tpu.memory_space<semaphore_mem>>, %arg11: memref<!tpu.dma_semaphore, #tpu.memory_space<semaphore_mem>>, %arg12: memref<!tpu.dma_semaphore, #tpu.memory_space<semaphore_mem>>, %arg13: memref<!tpu.dma_semaphore, #tpu.memory_space<semaphore_mem>>, %arg14: memref<!tpu.dma_semaphore, #tpu.memory_space<semaphore_mem>>) attributes {dimension_semantics = [#tpu.dimension_semantics<core_parallel>, #tpu.dimension_semantics<subcore_parallel>], iteration_bounds = array<i64: 2, 16>, scalar_prefetch = 0 : i64, scratch_operands = 10 : i64, tpu.core_type = #tpu.core_type<sc_vector_subcore>, window_params = [{transform_indices = #map}, {transform_indices = #map1}, {transform_indices = #map}]} {
    %mul3A = arith.constant 2 : i32
    %mul3A_0 = arith.muli %arg1, %mul3A : i32
    %add3A = arith.addi %mul3A_0, %arg0 : i32
    %scan3A = arith.constant 0 : i32
    %scan3A_1 = arith.constant 0 : i32
    %scan3A_2 = arith.constant 12 : i32
    %scan3A_3 = arith.addi %scan3A_1, %scan3A_2 : i32
    %scan3A_4 = arith.constant 1 : i32
    scf.for %scan3A_6 = %scan3A_1 to %scan3A_3 step %scan3A_4  : i32 {
      %mul3A_7 = arith.constant 2 : i32
      %mul3A_8 = arith.muli %mul3A_7, %scan3A_6 : i32
      %mul3A_9 = arith.constant 32 : i32
      %mul3A_10 = arith.muli %mul3A_8, %mul3A_9 : i32
      %add3A_11 = arith.addi %add3A, %mul3A_10 : i32
      %sub3A = arith.constant 32 : i32
      %sub3A_12 = arith.subi %add3A_11, %sub3A : i32
      %sub3A_13 = arith.constant 64 : i32
      %sub3A_14 = arith.subi %add3A_11, %sub3A_13 : i32
      %ge3A = arith.constant 2 : i32
      %ge3A_15 = arith.cmpi sge, %mul3A_8, %ge3A : i32
      %lt3A = arith.constant 625 : i32
      %lt3A_16 = arith.cmpi slt, %sub3A_14, %lt3A : i32
      %and3A = arith.andi %ge3A_15, %lt3A_16 : i1
      %convert_element_type3A = arith.extui %and3A : i1 to i32
      %cond3A = arith.constant 0 : i32
      %cond3A_17 = arith.cmpi ne, %convert_element_type3A, %cond3A : i32
      scf.if %cond3A_17 {
        %mul3A_63 = arith.constant 128 : i32
        %mul3A_64 = arith.muli %sub3A_14, %mul3A_63 : i32
        %dma_wait3A = arith.constant 0 : i32
        %dma_wait3A_65 = tpu.memref_slice %arg4[%mul3A_64, %dma_wait3A] : memref<80000x128xf32, #tpu.memory_space<hbm>> -> memref<128x128xf32, #tpu.memory_space<hbm>>
        %dma_wait3A_66 = arith.constant 0 : i32
        %dma_wait3A_67 = tpu.memref_slice %arg4[%mul3A_64, %dma_wait3A_66] : memref<80000x128xf32, #tpu.memory_space<hbm>> -> memref<128x128xf32, #tpu.memory_space<hbm>>
        tpu.wait_dma2 semaphore(%arg13 : memref<!tpu.dma_semaphore, #tpu.memory_space<semaphore_mem>>) src(%arg7 : memref<128x128xf32, #tpu.memory_space<vmem>>) dst(%dma_wait3A_67 : memref<128x128xf32, #tpu.memory_space<hbm>>)
      } else {
      }
      %lt3A_18 = arith.constant 625 : i32
      %lt3A_19 = arith.cmpi slt, %add3A_11, %lt3A_18 : i32
      %convert_element_type3A_20 = arith.extui %lt3A_19 : i1 to i32
      %cond3A_21 = arith.constant 0 : i32
      %cond3A_22 = arith.cmpi ne, %convert_element_type3A_20, %cond3A_21 : i32
      scf.if %cond3A_22 {
        %mul3A_63 = arith.constant 128 : i32
        %mul3A_64 = arith.muli %add3A_11, %mul3A_63 : i32
        %add3A_65 = arith.constant 0 : i32
        %add3A_66 = arith.addi %add3A_65, %mul3A_64 : i32
        %run_scoped3A = arith.constant 0 : i32
        "tpu.region"() ({
          %run_scoped3A_82 = tpu.sem_alloc : memref<!tpu.dma_semaphore, #tpu.memory_space<semaphore_mem>>
          %dma_start3A_83 = arith.constant 0 : i32
          %dma_start3A_84 = tpu.memref_slice %arg5[%run_scoped3A, %dma_start3A_83] : memref<4x128xi32, #tpu.memory_space<vmem>> -> memref<1x128xi32, #tpu.memory_space<vmem>>
          %dma_start3A_85 = tpu.memref_squeeze %dma_start3A_84 : memref<1x128xi32, #tpu.memory_space<vmem>> -> memref<128xi32, #tpu.memory_space<vmem>>
          %dma_start3A_86 = tpu.memref_slice %arg3[%add3A_66] : memref<640000xi32, #tpu.memory_space<hbm>> -> memref<128xi32, #tpu.memory_space<hbm>>
          %dma_start3A_87 = arith.constant 0 : i32
          %dma_start3A_88 = tpu.memref_slice %arg5[%run_scoped3A, %dma_start3A_87] : memref<4x128xi32, #tpu.memory_space<vmem>> -> memref<1x128xi32, #tpu.memory_space<vmem>>
          %dma_start3A_89 = tpu.memref_squeeze %dma_start3A_88 : memref<1x128xi32, #tpu.memory_space<vmem>> -> memref<128xi32, #tpu.memory_space<vmem>>
          %dma_start3A_90 = tpu.memref_slice %arg3[%add3A_66] : memref<640000xi32, #tpu.memory_space<hbm>> -> memref<128xi32, #tpu.memory_space<hbm>>
          tpu.enqueue_dma source(%dma_start3A_90 : memref<128xi32, #tpu.memory_space<hbm>>) target(%dma_start3A_89 : memref<128xi32, #tpu.memory_space<vmem>>) target_semaphore(%run_scoped3A_82 : memref<!tpu.dma_semaphore, #tpu.memory_space<semaphore_mem>>)
          %dma_wait3A = arith.constant 0 : i32
          %dma_wait3A_91 = tpu.memref_slice %arg5[%run_scoped3A, %dma_wait3A] : memref<4x128xi32, #tpu.memory_space<vmem>> -> memref<1x128xi32, #tpu.memory_space<vmem>>
          %dma_wait3A_92 = tpu.memref_squeeze %dma_wait3A_91 : memref<1x128xi32, #tpu.memory_space<vmem>> -> memref<128xi32, #tpu.memory_space<vmem>>
          %dma_wait3A_93 = tpu.memref_slice %arg3[%add3A_66] : memref<640000xi32, #tpu.memory_space<hbm>> -> memref<128xi32, #tpu.memory_space<hbm>>
          %dma_wait3A_94 = arith.constant 0 : i32
          %dma_wait3A_95 = tpu.memref_slice %arg5[%run_scoped3A, %dma_wait3A_94] : memref<4x128xi32, #tpu.memory_space<vmem>> -> memref<1x128xi32, #tpu.memory_space<vmem>>
          %dma_wait3A_96 = tpu.memref_squeeze %dma_wait3A_95 : memref<1x128xi32, #tpu.memory_space<vmem>> -> memref<128xi32, #tpu.memory_space<vmem>>
          %dma_wait3A_97 = tpu.memref_slice %arg3[%add3A_66] : memref<640000xi32, #tpu.memory_space<hbm>> -> memref<128xi32, #tpu.memory_space<hbm>>
          tpu.wait_dma2 semaphore(%run_scoped3A_82 : memref<!tpu.dma_semaphore, #tpu.memory_space<semaphore_mem>>) src(%dma_wait3A_97 : memref<128xi32, #tpu.memory_space<hbm>>) dst(%dma_wait3A_96 : memref<128xi32, #tpu.memory_space<vmem>>)
          tpu.yield
        }) : () -> ()
        %add3A_67 = arith.constant 160000 : i32
        %add3A_68 = arith.addi %add3A_67, %add3A_66 : i32
        %run_scoped3A_69 = arith.constant 1 : i32
        "tpu.region"() ({
          %run_scoped3A_82 = tpu.sem_alloc : memref<!tpu.dma_semaphore, #tpu.memory_space<semaphore_mem>>
          %dma_start3A_83 = arith.constant 0 : i32
          %dma_start3A_84 = tpu.memref_slice %arg5[%run_scoped3A_69, %dma_start3A_83] : memref<4x128xi32, #tpu.memory_space<vmem>> -> memref<1x128xi32, #tpu.memory_space<vmem>>
          %dma_start3A_85 = tpu.memref_squeeze %dma_start3A_84 : memref<1x128xi32, #tpu.memory_space<vmem>> -> memref<128xi32, #tpu.memory_space<vmem>>
          %dma_start3A_86 = tpu.memref_slice %arg3[%add3A_68] : memref<640000xi32, #tpu.memory_space<hbm>> -> memref<128xi32, #tpu.memory_space<hbm>>
          %dma_start3A_87 = arith.constant 0 : i32
          %dma_start3A_88 = tpu.memref_slice %arg5[%run_scoped3A_69, %dma_start3A_87] : memref<4x128xi32, #tpu.memory_space<vmem>> -> memref<1x128xi32, #tpu.memory_space<vmem>>
          %dma_start3A_89 = tpu.memref_squeeze %dma_start3A_88 : memref<1x128xi32, #tpu.memory_space<vmem>> -> memref<128xi32, #tpu.memory_space<vmem>>
          %dma_start3A_90 = tpu.memref_slice %arg3[%add3A_68] : memref<640000xi32, #tpu.memory_space<hbm>> -> memref<128xi32, #tpu.memory_space<hbm>>
          tpu.enqueue_dma source(%dma_start3A_90 : memref<128xi32, #tpu.memory_space<hbm>>) target(%dma_start3A_89 : memref<128xi32, #tpu.memory_space<vmem>>) target_semaphore(%run_scoped3A_82 : memref<!tpu.dma_semaphore, #tpu.memory_space<semaphore_mem>>)
          %dma_wait3A = arith.constant 0 : i32
          %dma_wait3A_91 = tpu.memref_slice %arg5[%run_scoped3A_69, %dma_wait3A] : memref<4x128xi32, #tpu.memory_space<vmem>> -> memref<1x128xi32, #tpu.memory_space<vmem>>
          %dma_wait3A_92 = tpu.memref_squeeze %dma_wait3A_91 : memref<1x128xi32, #tpu.memory_space<vmem>> -> memref<128xi32, #tpu.memory_space<vmem>>
          %dma_wait3A_93 = tpu.memref_slice %arg3[%add3A_68] : memref<640000xi32, #tpu.memory_space<hbm>> -> memref<128xi32, #tpu.memory_space<hbm>>
          %dma_wait3A_94 = arith.constant 0 : i32
          %dma_wait3A_95 = tpu.memref_slice %arg5[%run_scoped3A_69, %dma_wait3A_94] : memref<4x128xi32, #tpu.memory_space<vmem>> -> memref<1x128xi32, #tpu.memory_space<vmem>>
          %dma_wait3A_96 = tpu.memref_squeeze %dma_wait3A_95 : memref<1x128xi32, #tpu.memory_space<vmem>> -> memref<128xi32, #tpu.memory_space<vmem>>
          %dma_wait3A_97 = tpu.memref_slice %arg3[%add3A_68] : memref<640000xi32, #tpu.memory_space<hbm>> -> memref<128xi32, #tpu.memory_space<hbm>>
          tpu.wait_dma2 semaphore(%run_scoped3A_82 : memref<!tpu.dma_semaphore, #tpu.memory_space<semaphore_mem>>) src(%dma_wait3A_97 : memref<128xi32, #tpu.memory_space<hbm>>) dst(%dma_wait3A_96 : memref<128xi32, #tpu.memory_space<vmem>>)
          tpu.yield
        }) : () -> ()
        %add3A_70 = arith.constant 320000 : i32
        %add3A_71 = arith.addi %add3A_70, %add3A_66 : i32
        %run_scoped3A_72 = arith.constant 2 : i32
        "tpu.region"() ({
          %run_scoped3A_82 = tpu.sem_alloc : memref<!tpu.dma_semaphore, #tpu.memory_space<semaphore_mem>>
          %dma_start3A_83 = arith.constant 0 : i32
          %dma_start3A_84 = tpu.memref_slice %arg5[%run_scoped3A_72, %dma_start3A_83] : memref<4x128xi32, #tpu.memory_space<vmem>> -> memref<1x128xi32, #tpu.memory_space<vmem>>
          %dma_start3A_85 = tpu.memref_squeeze %dma_start3A_84 : memref<1x128xi32, #tpu.memory_space<vmem>> -> memref<128xi32, #tpu.memory_space<vmem>>
          %dma_start3A_86 = tpu.memref_slice %arg3[%add3A_71] : memref<640000xi32, #tpu.memory_space<hbm>> -> memref<128xi32, #tpu.memory_space<hbm>>
          %dma_start3A_87 = arith.constant 0 : i32
          %dma_start3A_88 = tpu.memref_slice %arg5[%run_scoped3A_72, %dma_start3A_87] : memref<4x128xi32, #tpu.memory_space<vmem>> -> memref<1x128xi32, #tpu.memory_space<vmem>>
          %dma_start3A_89 = tpu.memref_squeeze %dma_start3A_88 : memref<1x128xi32, #tpu.memory_space<vmem>> -> memref<128xi32, #tpu.memory_space<vmem>>
          %dma_start3A_90 = tpu.memref_slice %arg3[%add3A_71] : memref<640000xi32, #tpu.memory_space<hbm>> -> memref<128xi32, #tpu.memory_space<hbm>>
          tpu.enqueue_dma source(%dma_start3A_90 : memref<128xi32, #tpu.memory_space<hbm>>) target(%dma_start3A_89 : memref<128xi32, #tpu.memory_space<vmem>>) target_semaphore(%run_scoped3A_82 : memref<!tpu.dma_semaphore, #tpu.memory_space<semaphore_mem>>)
          %dma_wait3A = arith.constant 0 : i32
          %dma_wait3A_91 = tpu.memref_slice %arg5[%run_scoped3A_72, %dma_wait3A] : memref<4x128xi32, #tpu.memory_space<vmem>> -> memref<1x128xi32, #tpu.memory_space<vmem>>
          %dma_wait3A_92 = tpu.memref_squeeze %dma_wait3A_91 : memref<1x128xi32, #tpu.memory_space<vmem>> -> memref<128xi32, #tpu.memory_space<vmem>>
          %dma_wait3A_93 = tpu.memref_slice %arg3[%add3A_71] : memref<640000xi32, #tpu.memory_space<hbm>> -> memref<128xi32, #tpu.memory_space<hbm>>
          %dma_wait3A_94 = arith.constant 0 : i32
          %dma_wait3A_95 = tpu.memref_slice %arg5[%run_scoped3A_72, %dma_wait3A_94] : memref<4x128xi32, #tpu.memory_space<vmem>> -> memref<1x128xi32, #tpu.memory_space<vmem>>
          %dma_wait3A_96 = tpu.memref_squeeze %dma_wait3A_95 : memref<1x128xi32, #tpu.memory_space<vmem>> -> memref<128xi32, #tpu.memory_space<vmem>>
          %dma_wait3A_97 = tpu.memref_slice %arg3[%add3A_71] : memref<640000xi32, #tpu.memory_space<hbm>> -> memref<128xi32, #tpu.memory_space<hbm>>
          tpu.wait_dma2 semaphore(%run_scoped3A_82 : memref<!tpu.dma_semaphore, #tpu.memory_space<semaphore_mem>>) src(%dma_wait3A_97 : memref<128xi32, #tpu.memory_space<hbm>>) dst(%dma_wait3A_96 : memref<128xi32, #tpu.memory_space<vmem>>)
          tpu.yield
        }) : () -> ()
        %add3A_73 = arith.constant 480000 : i32
        %add3A_74 = arith.addi %add3A_73, %add3A_66 : i32
        %run_scoped3A_75 = arith.constant 3 : i32
        "tpu.region"() ({
          %run_scoped3A_82 = tpu.sem_alloc : memref<!tpu.dma_semaphore, #tpu.memory_space<semaphore_mem>>
          %dma_start3A_83 = arith.constant 0 : i32
          %dma_start3A_84 = tpu.memref_slice %arg5[%run_scoped3A_75, %dma_start3A_83] : memref<4x128xi32, #tpu.memory_space<vmem>> -> memref<1x128xi32, #tpu.memory_space<vmem>>
          %dma_start3A_85 = tpu.memref_squeeze %dma_start3A_84 : memref<1x128xi32, #tpu.memory_space<vmem>> -> memref<128xi32, #tpu.memory_space<vmem>>
          %dma_start3A_86 = tpu.memref_slice %arg3[%add3A_74] : memref<640000xi32, #tpu.memory_space<hbm>> -> memref<128xi32, #tpu.memory_space<hbm>>
          %dma_start3A_87 = arith.constant 0 : i32
          %dma_start3A_88 = tpu.memref_slice %arg5[%run_scoped3A_75, %dma_start3A_87] : memref<4x128xi32, #tpu.memory_space<vmem>> -> memref<1x128xi32, #tpu.memory_space<vmem>>
          %dma_start3A_89 = tpu.memref_squeeze %dma_start3A_88 : memref<1x128xi32, #tpu.memory_space<vmem>> -> memref<128xi32, #tpu.memory_space<vmem>>
          %dma_start3A_90 = tpu.memref_slice %arg3[%add3A_74] : memref<640000xi32, #tpu.memory_space<hbm>> -> memref<128xi32, #tpu.memory_space<hbm>>
          tpu.enqueue_dma source(%dma_start3A_90 : memref<128xi32, #tpu.memory_space<hbm>>) target(%dma_start3A_89 : memref<128xi32, #tpu.memory_space<vmem>>) target_semaphore(%run_scoped3A_82 : memref<!tpu.dma_semaphore, #tpu.memory_space<semaphore_mem>>)
          %dma_wait3A = arith.constant 0 : i32
          %dma_wait3A_91 = tpu.memref_slice %arg5[%run_scoped3A_75, %dma_wait3A] : memref<4x128xi32, #tpu.memory_space<vmem>> -> memref<1x128xi32, #tpu.memory_space<vmem>>
          %dma_wait3A_92 = tpu.memref_squeeze %dma_wait3A_91 : memref<1x128xi32, #tpu.memory_space<vmem>> -> memref<128xi32, #tpu.memory_space<vmem>>
          %dma_wait3A_93 = tpu.memref_slice %arg3[%add3A_74] : memref<640000xi32, #tpu.memory_space<hbm>> -> memref<128xi32, #tpu.memory_space<hbm>>
          %dma_wait3A_94 = arith.constant 0 : i32
          %dma_wait3A_95 = tpu.memref_slice %arg5[%run_scoped3A_75, %dma_wait3A_94] : memref<4x128xi32, #tpu.memory_space<vmem>> -> memref<1x128xi32, #tpu.memory_space<vmem>>
          %dma_wait3A_96 = tpu.memref_squeeze %dma_wait3A_95 : memref<1x128xi32, #tpu.memory_space<vmem>> -> memref<128xi32, #tpu.memory_space<vmem>>
          %dma_wait3A_97 = tpu.memref_slice %arg3[%add3A_74] : memref<640000xi32, #tpu.memory_space<hbm>> -> memref<128xi32, #tpu.memory_space<hbm>>
          tpu.wait_dma2 semaphore(%run_scoped3A_82 : memref<!tpu.dma_semaphore, #tpu.memory_space<semaphore_mem>>) src(%dma_wait3A_97 : memref<128xi32, #tpu.memory_space<hbm>>) dst(%dma_wait3A_96 : memref<128xi32, #tpu.memory_space<vmem>>)
          tpu.yield
        }) : () -> ()
        %dma_start3A = arith.constant 0 : i32
        %dma_start3A_76 = arith.constant 0 : i32
        %dma_start3A_77 = tpu.memref_slice %arg5[%dma_start3A, %dma_start3A_76] : memref<4x128xi32, #tpu.memory_space<vmem>> -> memref<1x128xi32, #tpu.memory_space<vmem>>
        %dma_start3A_78 = tpu.memref_squeeze %dma_start3A_77 : memref<1x128xi32, #tpu.memory_space<vmem>> -> memref<128xi32, #tpu.memory_space<vmem>>
        %dma_start3A_79 = arith.constant 0 : i32
        %dma_start3A_80 = arith.constant 0 : i32
        %dma_start3A_81 = tpu.memref_slice %arg2[%dma_start3A_79, %dma_start3A_80] : memref<160000x128xf32, #tpu.memory_space<hbm>> -> memref<160000x128xf32, #tpu.memory_space<hbm>>
        tpu.enqueue_indirect_dma source(%dma_start3A_81 : memref<160000x128xf32, #tpu.memory_space<hbm>>) target(%arg7 : memref<128x128xf32, #tpu.memory_space<vmem>>) offsets(%dma_start3A_78 : memref<128xi32, #tpu.memory_space<vmem>>) semaphore(%arg9 : memref<!tpu.dma_semaphore, #tpu.memory_space<semaphore_mem>>)
      } else {
      }
      %ge3A_23 = arith.constant 1 : i32
      %ge3A_24 = arith.cmpi sge, %mul3A_8, %ge3A_23 : i32
      %lt3A_25 = arith.constant 625 : i32
      %lt3A_26 = arith.cmpi slt, %sub3A_12, %lt3A_25 : i32
      %and3A_27 = arith.andi %ge3A_24, %lt3A_26 : i1
      %convert_element_type3A_28 = arith.extui %and3A_27 : i1 to i32
      %cond3A_29 = arith.constant 0 : i32
      %cond3A_30 = arith.cmpi ne, %convert_element_type3A_28, %cond3A_29 : i32
      scf.if %cond3A_30 {
        %dma_wait3A = arith.constant 0 : i32
        %dma_wait3A_63 = arith.constant 0 : i32
        %dma_wait3A_64 = tpu.memref_slice %arg6[%dma_wait3A, %dma_wait3A_63] : memref<4x128xi32, #tpu.memory_space<vmem>> -> memref<1x128xi32, #tpu.memory_space<vmem>>
        %dma_wait3A_65 = tpu.memref_squeeze %dma_wait3A_64 : memref<1x128xi32, #tpu.memory_space<vmem>> -> memref<128xi32, #tpu.memory_space<vmem>>
        %dma_wait3A_66 = arith.constant 0 : i32
        %dma_wait3A_67 = arith.constant 0 : i32
        %dma_wait3A_68 = tpu.memref_slice %arg2[%dma_wait3A_66, %dma_wait3A_67] : memref<160000x128xf32, #tpu.memory_space<hbm>> -> memref<160000x128xf32, #tpu.memory_space<hbm>>
        tpu.wait_indirect_dma semaphore(%arg10 : memref<!tpu.dma_semaphore, #tpu.memory_space<semaphore_mem>>) src(%dma_wait3A_68 : memref<160000x128xf32, #tpu.memory_space<hbm>>) dst(%arg8 : memref<128x128xf32, #tpu.memory_space<vmem>>)
        %dma_start3A = arith.constant 1 : i32
        %dma_start3A_69 = arith.constant 0 : i32
        %dma_start3A_70 = tpu.memref_slice %arg6[%dma_start3A, %dma_start3A_69] : memref<4x128xi32, #tpu.memory_space<vmem>> -> memref<1x128xi32, #tpu.memory_space<vmem>>
        %dma_start3A_71 = tpu.memref_squeeze %dma_start3A_70 : memref<1x128xi32, #tpu.memory_space<vmem>> -> memref<128xi32, #tpu.memory_space<vmem>>
        %dma_start3A_72 = arith.constant 0 : i32
        %dma_start3A_73 = arith.constant 0 : i32
        %dma_start3A_74 = tpu.memref_slice %arg2[%dma_start3A_72, %dma_start3A_73] : memref<160000x128xf32, #tpu.memory_space<hbm>> -> memref<160000x128xf32, #tpu.memory_space<hbm>>
        tpu.enqueue_indirect_dma source(%dma_start3A_74 : memref<160000x128xf32, #tpu.memory_space<hbm>>) target(%arg8 : memref<128x128xf32, #tpu.memory_space<vmem>>) offsets(%dma_start3A_71 : memref<128xi32, #tpu.memory_space<vmem>>) semaphore(%arg12 : memref<!tpu.dma_semaphore, #tpu.memory_space<semaphore_mem>>) {add = true}
        %dma_start3A_75 = arith.constant 2 : i32
        %dma_start3A_76 = arith.constant 0 : i32
        %dma_start3A_77 = tpu.memref_slice %arg6[%dma_start3A_75, %dma_start3A_76] : memref<4x128xi32, #tpu.memory_space<vmem>> -> memref<1x128xi32, #tpu.memory_space<vmem>>
        %dma_start3A_78 = tpu.memref_squeeze %dma_start3A_77 : memref<1x128xi32, #tpu.memory_space<vmem>> -> memref<128xi32, #tpu.memory_space<vmem>>
        %dma_start3A_79 = arith.constant 0 : i32
        %dma_start3A_80 = arith.constant 0 : i32
        %dma_start3A_81 = tpu.memref_slice %arg2[%dma_start3A_79, %dma_start3A_80] : memref<160000x128xf32, #tpu.memory_space<hbm>> -> memref<160000x128xf32, #tpu.memory_space<hbm>>
        tpu.enqueue_indirect_dma source(%dma_start3A_81 : memref<160000x128xf32, #tpu.memory_space<hbm>>) target(%arg8 : memref<128x128xf32, #tpu.memory_space<vmem>>) offsets(%dma_start3A_78 : memref<128xi32, #tpu.memory_space<vmem>>) semaphore(%arg12 : memref<!tpu.dma_semaphore, #tpu.memory_space<semaphore_mem>>) {add = true}
        %dma_start3A_82 = arith.constant 3 : i32
        %dma_start3A_83 = arith.constant 0 : i32
        %dma_start3A_84 = tpu.memref_slice %arg6[%dma_start3A_82, %dma_start3A_83] : memref<4x128xi32, #tpu.memory_space<vmem>> -> memref<1x128xi32, #tpu.memory_space<vmem>>
        %dma_start3A_85 = tpu.memref_squeeze %dma_start3A_84 : memref<1x128xi32, #tpu.memory_space<vmem>> -> memref<128xi32, #tpu.memory_space<vmem>>
        %dma_start3A_86 = arith.constant 0 : i32
        %dma_start3A_87 = arith.constant 0 : i32
        %dma_start3A_88 = tpu.memref_slice %arg2[%dma_start3A_86, %dma_start3A_87] : memref<160000x128xf32, #tpu.memory_space<hbm>> -> memref<160000x128xf32, #tpu.memory_space<hbm>>
        tpu.enqueue_indirect_dma source(%dma_start3A_88 : memref<160000x128xf32, #tpu.memory_space<hbm>>) target(%arg8 : memref<128x128xf32, #tpu.memory_space<vmem>>) offsets(%dma_start3A_85 : memref<128xi32, #tpu.memory_space<vmem>>) semaphore(%arg12 : memref<!tpu.dma_semaphore, #tpu.memory_space<semaphore_mem>>) {add = true}
        %dma_wait3A_89 = arith.constant 1 : i32
        %dma_wait3A_90 = arith.constant 0 : i32
        %dma_wait3A_91 = tpu.memref_slice %arg6[%dma_wait3A_89, %dma_wait3A_90] : memref<4x128xi32, #tpu.memory_space<vmem>> -> memref<1x128xi32, #tpu.memory_space<vmem>>
        %dma_wait3A_92 = tpu.memref_squeeze %dma_wait3A_91 : memref<1x128xi32, #tpu.memory_space<vmem>> -> memref<128xi32, #tpu.memory_space<vmem>>
        %dma_wait3A_93 = arith.constant 0 : i32
        %dma_wait3A_94 = arith.constant 0 : i32
        %dma_wait3A_95 = tpu.memref_slice %arg2[%dma_wait3A_93, %dma_wait3A_94] : memref<160000x128xf32, #tpu.memory_space<hbm>> -> memref<160000x128xf32, #tpu.memory_space<hbm>>
        tpu.wait_indirect_dma semaphore(%arg12 : memref<!tpu.dma_semaphore, #tpu.memory_space<semaphore_mem>>) src(%dma_wait3A_95 : memref<160000x128xf32, #tpu.memory_space<hbm>>) dst(%arg8 : memref<128x128xf32, #tpu.memory_space<vmem>>)
        %dma_wait3A_96 = arith.constant 2 : i32
        %dma_wait3A_97 = arith.constant 0 : i32
        %dma_wait3A_98 = tpu.memref_slice %arg6[%dma_wait3A_96, %dma_wait3A_97] : memref<4x128xi32, #tpu.memory_space<vmem>> -> memref<1x128xi32, #tpu.memory_space<vmem>>
        %dma_wait3A_99 = tpu.memref_squeeze %dma_wait3A_98 : memref<1x128xi32, #tpu.memory_space<vmem>> -> memref<128xi32, #tpu.memory_space<vmem>>
        %dma_wait3A_100 = arith.constant 0 : i32
        %dma_wait3A_101 = arith.constant 0 : i32
        %dma_wait3A_102 = tpu.memref_slice %arg2[%dma_wait3A_100, %dma_wait3A_101] : memref<160000x128xf32, #tpu.memory_space<hbm>> -> memref<160000x128xf32, #tpu.memory_space<hbm>>
        tpu.wait_indirect_dma semaphore(%arg12 : memref<!tpu.dma_semaphore, #tpu.memory_space<semaphore_mem>>) src(%dma_wait3A_102 : memref<160000x128xf32, #tpu.memory_space<hbm>>) dst(%arg8 : memref<128x128xf32, #tpu.memory_space<vmem>>)
        %dma_wait3A_103 = arith.constant 3 : i32
        %dma_wait3A_104 = arith.constant 0 : i32
        %dma_wait3A_105 = tpu.memref_slice %arg6[%dma_wait3A_103, %dma_wait3A_104] : memref<4x128xi32, #tpu.memory_space<vmem>> -> memref<1x128xi32, #tpu.memory_space<vmem>>
        %dma_wait3A_106 = tpu.memref_squeeze %dma_wait3A_105 : memref<1x128xi32, #tpu.memory_space<vmem>> -> memref<128xi32, #tpu.memory_space<vmem>>
        %dma_wait3A_107 = arith.constant 0 : i32
        %dma_wait3A_108 = arith.constant 0 : i32
        %dma_wait3A_109 = tpu.memref_slice %arg2[%dma_wait3A_107, %dma_wait3A_108] : memref<160000x128xf32, #tpu.memory_space<hbm>> -> memref<160000x128xf32, #tpu.memory_space<hbm>>
        tpu.wait_indirect_dma semaphore(%arg12 : memref<!tpu.dma_semaphore, #tpu.memory_space<semaphore_mem>>) src(%dma_wait3A_109 : memref<160000x128xf32, #tpu.memory_space<hbm>>) dst(%arg8 : memref<128x128xf32, #tpu.memory_space<vmem>>)
        %mul3A_110 = arith.constant 128 : i32
        %mul3A_111 = arith.muli %sub3A_12, %mul3A_110 : i32
        %dma_start3A_112 = arith.constant 0 : i32
        %dma_start3A_113 = tpu.memref_slice %arg4[%mul3A_111, %dma_start3A_112] : memref<80000x128xf32, #tpu.memory_space<hbm>> -> memref<128x128xf32, #tpu.memory_space<hbm>>
        %dma_start3A_114 = arith.constant 0 : i32
        %dma_start3A_115 = tpu.memref_slice %arg4[%mul3A_111, %dma_start3A_114] : memref<80000x128xf32, #tpu.memory_space<hbm>> -> memref<128x128xf32, #tpu.memory_space<hbm>>
        tpu.enqueue_dma source(%arg8 : memref<128x128xf32, #tpu.memory_space<vmem>>) target(%dma_start3A_115 : memref<128x128xf32, #tpu.memory_space<hbm>>) target_semaphore(%arg14 : memref<!tpu.dma_semaphore, #tpu.memory_space<semaphore_mem>>)
      } else {
      }
      %mul3A_31 = arith.constant 2 : i32
      %mul3A_32 = arith.muli %mul3A_31, %scan3A_6 : i32
      %add3A_33 = arith.constant 1 : i32
      %add3A_34 = arith.addi %mul3A_32, %add3A_33 : i32
      %mul3A_35 = arith.constant 32 : i32
      %mul3A_36 = arith.muli %add3A_34, %mul3A_35 : i32
      %add3A_37 = arith.addi %add3A, %mul3A_36 : i32
      %sub3A_38 = arith.constant 32 : i32
      %sub3A_39 = arith.subi %add3A_37, %sub3A_38 : i32
      %sub3A_40 = arith.constant 64 : i32
      %sub3A_41 = arith.subi %add3A_37, %sub3A_40 : i32
      %ge3A_42 = arith.constant 2 : i32
      %ge3A_43 = arith.cmpi sge, %add3A_34, %ge3A_42 : i32
      %lt3A_44 = arith.constant 625 : i32
      %lt3A_45 = arith.cmpi slt, %sub3A_41, %lt3A_44 : i32
      %and3A_46 = arith.andi %ge3A_43, %lt3A_45 : i1
      %convert_element_type3A_47 = arith.extui %and3A_46 : i1 to i32
      %cond3A_48 = arith.constant 0 : i32
      %cond3A_49 = arith.cmpi ne, %convert_element_type3A_47, %cond3A_48 : i32
      scf.if %cond3A_49 {
        %mul3A_63 = arith.constant 128 : i32
        %mul3A_64 = arith.muli %sub3A_41, %mul3A_63 : i32
        %dma_wait3A = arith.constant 0 : i32
        %dma_wait3A_65 = tpu.memref_slice %arg4[%mul3A_64, %dma_wait3A] : memref<80000x128xf32, #tpu.memory_space<hbm>> -> memref<128x128xf32, #tpu.memory_space<hbm>>
        %dma_wait3A_66 = arith.constant 0 : i32
        %dma_wait3A_67 = tpu.memref_slice %arg4[%mul3A_64, %dma_wait3A_66] : memref<80000x128xf32, #tpu.memory_space<hbm>> -> memref<128x128xf32, #tpu.memory_space<hbm>>
        tpu.wait_dma2 semaphore(%arg14 : memref<!tpu.dma_semaphore, #tpu.memory_space<semaphore_mem>>) src(%arg8 : memref<128x128xf32, #tpu.memory_space<vmem>>) dst(%dma_wait3A_67 : memref<128x128xf32, #tpu.memory_space<hbm>>)
      } else {
      }
      %lt3A_50 = arith.constant 625 : i32
      %lt3A_51 = arith.cmpi slt, %add3A_37, %lt3A_50 : i32
      %convert_element_type3A_52 = arith.extui %lt3A_51 : i1 to i32
      %cond3A_53 = arith.constant 0 : i32
      %cond3A_54 = arith.cmpi ne, %convert_element_type3A_52, %cond3A_53 : i32
      scf.if %cond3A_54 {
        %mul3A_63 = arith.constant 128 : i32
        %mul3A_64 = arith.muli %add3A_37, %mul3A_63 : i32
        %add3A_65 = arith.constant 0 : i32
        %add3A_66 = arith.addi %add3A_65, %mul3A_64 : i32
        %run_scoped3A = arith.constant 0 : i32
        "tpu.region"() ({
          %run_scoped3A_82 = tpu.sem_alloc : memref<!tpu.dma_semaphore, #tpu.memory_space<semaphore_mem>>
          %dma_start3A_83 = arith.constant 0 : i32
          %dma_start3A_84 = tpu.memref_slice %arg6[%run_scoped3A, %dma_start3A_83] : memref<4x128xi32, #tpu.memory_space<vmem>> -> memref<1x128xi32, #tpu.memory_space<vmem>>
          %dma_start3A_85 = tpu.memref_squeeze %dma_start3A_84 : memref<1x128xi32, #tpu.memory_space<vmem>> -> memref<128xi32, #tpu.memory_space<vmem>>
          %dma_start3A_86 = tpu.memref_slice %arg3[%add3A_66] : memref<640000xi32, #tpu.memory_space<hbm>> -> memref<128xi32, #tpu.memory_space<hbm>>
          %dma_start3A_87 = arith.constant 0 : i32
          %dma_start3A_88 = tpu.memref_slice %arg6[%run_scoped3A, %dma_start3A_87] : memref<4x128xi32, #tpu.memory_space<vmem>> -> memref<1x128xi32, #tpu.memory_space<vmem>>
          %dma_start3A_89 = tpu.memref_squeeze %dma_start3A_88 : memref<1x128xi32, #tpu.memory_space<vmem>> -> memref<128xi32, #tpu.memory_space<vmem>>
          %dma_start3A_90 = tpu.memref_slice %arg3[%add3A_66] : memref<640000xi32, #tpu.memory_space<hbm>> -> memref<128xi32, #tpu.memory_space<hbm>>
          tpu.enqueue_dma source(%dma_start3A_90 : memref<128xi32, #tpu.memory_space<hbm>>) target(%dma_start3A_89 : memref<128xi32, #tpu.memory_space<vmem>>) target_semaphore(%run_scoped3A_82 : memref<!tpu.dma_semaphore, #tpu.memory_space<semaphore_mem>>)
          %dma_wait3A = arith.constant 0 : i32
          %dma_wait3A_91 = tpu.memref_slice %arg6[%run_scoped3A, %dma_wait3A] : memref<4x128xi32, #tpu.memory_space<vmem>> -> memref<1x128xi32, #tpu.memory_space<vmem>>
          %dma_wait3A_92 = tpu.memref_squeeze %dma_wait3A_91 : memref<1x128xi32, #tpu.memory_space<vmem>> -> memref<128xi32, #tpu.memory_space<vmem>>
          %dma_wait3A_93 = tpu.memref_slice %arg3[%add3A_66] : memref<640000xi32, #tpu.memory_space<hbm>> -> memref<128xi32, #tpu.memory_space<hbm>>
          %dma_wait3A_94 = arith.constant 0 : i32
          %dma_wait3A_95 = tpu.memref_slice %arg6[%run_scoped3A, %dma_wait3A_94] : memref<4x128xi32, #tpu.memory_space<vmem>> -> memref<1x128xi32, #tpu.memory_space<vmem>>
          %dma_wait3A_96 = tpu.memref_squeeze %dma_wait3A_95 : memref<1x128xi32, #tpu.memory_space<vmem>> -> memref<128xi32, #tpu.memory_space<vmem>>
          %dma_wait3A_97 = tpu.memref_slice %arg3[%add3A_66] : memref<640000xi32, #tpu.memory_space<hbm>> -> memref<128xi32, #tpu.memory_space<hbm>>
          tpu.wait_dma2 semaphore(%run_scoped3A_82 : memref<!tpu.dma_semaphore, #tpu.memory_space<semaphore_mem>>) src(%dma_wait3A_97 : memref<128xi32, #tpu.memory_space<hbm>>) dst(%dma_wait3A_96 : memref<128xi32, #tpu.memory_space<vmem>>)
          tpu.yield
        }) : () -> ()
        %add3A_67 = arith.constant 160000 : i32
        %add3A_68 = arith.addi %add3A_67, %add3A_66 : i32
        %run_scoped3A_69 = arith.constant 1 : i32
        "tpu.region"() ({
          %run_scoped3A_82 = tpu.sem_alloc : memref<!tpu.dma_semaphore, #tpu.memory_space<semaphore_mem>>
          %dma_start3A_83 = arith.constant 0 : i32
          %dma_start3A_84 = tpu.memref_slice %arg6[%run_scoped3A_69, %dma_start3A_83] : memref<4x128xi32, #tpu.memory_space<vmem>> -> memref<1x128xi32, #tpu.memory_space<vmem>>
          %dma_start3A_85 = tpu.memref_squeeze %dma_start3A_84 : memref<1x128xi32, #tpu.memory_space<vmem>> -> memref<128xi32, #tpu.memory_space<vmem>>
          %dma_start3A_86 = tpu.memref_slice %arg3[%add3A_68] : memref<640000xi32, #tpu.memory_space<hbm>> -> memref<128xi32, #tpu.memory_space<hbm>>
          %dma_start3A_87 = arith.constant 0 : i32
          %dma_start3A_88 = tpu.memref_slice %arg6[%run_scoped3A_69, %dma_start3A_87] : memref<4x128xi32, #tpu.memory_space<vmem>> -> memref<1x128xi32, #tpu.memory_space<vmem>>
          %dma_start3A_89 = tpu.memref_squeeze %dma_start3A_88 : memref<1x128xi32, #tpu.memory_space<vmem>> -> memref<128xi32, #tpu.memory_space<vmem>>
          %dma_start3A_90 = tpu.memref_slice %arg3[%add3A_68] : memref<640000xi32, #tpu.memory_space<hbm>> -> memref<128xi32, #tpu.memory_space<hbm>>
          tpu.enqueue_dma source(%dma_start3A_90 : memref<128xi32, #tpu.memory_space<hbm>>) target(%dma_start3A_89 : memref<128xi32, #tpu.memory_space<vmem>>) target_semaphore(%run_scoped3A_82 : memref<!tpu.dma_semaphore, #tpu.memory_space<semaphore_mem>>)
          %dma_wait3A = arith.constant 0 : i32
          %dma_wait3A_91 = tpu.memref_slice %arg6[%run_scoped3A_69, %dma_wait3A] : memref<4x128xi32, #tpu.memory_space<vmem>> -> memref<1x128xi32, #tpu.memory_space<vmem>>
          %dma_wait3A_92 = tpu.memref_squeeze %dma_wait3A_91 : memref<1x128xi32, #tpu.memory_space<vmem>> -> memref<128xi32, #tpu.memory_space<vmem>>
          %dma_wait3A_93 = tpu.memref_slice %arg3[%add3A_68] : memref<640000xi32, #tpu.memory_space<hbm>> -> memref<128xi32, #tpu.memory_space<hbm>>
          %dma_wait3A_94 = arith.constant 0 : i32
          %dma_wait3A_95 = tpu.memref_slice %arg6[%run_scoped3A_69, %dma_wait3A_94] : memref<4x128xi32, #tpu.memory_space<vmem>> -> memref<1x128xi32, #tpu.memory_space<vmem>>
          %dma_wait3A_96 = tpu.memref_squeeze %dma_wait3A_95 : memref<1x128xi32, #tpu.memory_space<vmem>> -> memref<128xi32, #tpu.memory_space<vmem>>
          %dma_wait3A_97 = tpu.memref_slice %arg3[%add3A_68] : memref<640000xi32, #tpu.memory_space<hbm>> -> memref<128xi32, #tpu.memory_space<hbm>>
          tpu.wait_dma2 semaphore(%run_scoped3A_82 : memref<!tpu.dma_semaphore, #tpu.memory_space<semaphore_mem>>) src(%dma_wait3A_97 : memref<128xi32, #tpu.memory_space<hbm>>) dst(%dma_wait3A_96 : memref<128xi32, #tpu.memory_space<vmem>>)
          tpu.yield
        }) : () -> ()
        %add3A_70 = arith.constant 320000 : i32
        %add3A_71 = arith.addi %add3A_70, %add3A_66 : i32
        %run_scoped3A_72 = arith.constant 2 : i32
        "tpu.region"() ({
          %run_scoped3A_82 = tpu.sem_alloc : memref<!tpu.dma_semaphore, #tpu.memory_space<semaphore_mem>>
          %dma_start3A_83 = arith.constant 0 : i32
          %dma_start3A_84 = tpu.memref_slice %arg6[%run_scoped3A_72, %dma_start3A_83] : memref<4x128xi32, #tpu.memory_space<vmem>> -> memref<1x128xi32, #tpu.memory_space<vmem>>
          %dma_start3A_85 = tpu.memref_squeeze %dma_start3A_84 : memref<1x128xi32, #tpu.memory_space<vmem>> -> memref<128xi32, #tpu.memory_space<vmem>>
          %dma_start3A_86 = tpu.memref_slice %arg3[%add3A_71] : memref<640000xi32, #tpu.memory_space<hbm>> -> memref<128xi32, #tpu.memory_space<hbm>>
          %dma_start3A_87 = arith.constant 0 : i32
          %dma_start3A_88 = tpu.memref_slice %arg6[%run_scoped3A_72, %dma_start3A_87] : memref<4x128xi32, #tpu.memory_space<vmem>> -> memref<1x128xi32, #tpu.memory_space<vmem>>
          %dma_start3A_89 = tpu.memref_squeeze %dma_start3A_88 : memref<1x128xi32, #tpu.memory_space<vmem>> -> memref<128xi32, #tpu.memory_space<vmem>>
          %dma_start3A_90 = tpu.memref_slice %arg3[%add3A_71] : memref<640000xi32, #tpu.memory_space<hbm>> -> memref<128xi32, #tpu.memory_space<hbm>>
          tpu.enqueue_dma source(%dma_start3A_90 : memref<128xi32, #tpu.memory_space<hbm>>) target(%dma_start3A_89 : memref<128xi32, #tpu.memory_space<vmem>>) target_semaphore(%run_scoped3A_82 : memref<!tpu.dma_semaphore, #tpu.memory_space<semaphore_mem>>)
          %dma_wait3A = arith.constant 0 : i32
          %dma_wait3A_91 = tpu.memref_slice %arg6[%run_scoped3A_72, %dma_wait3A] : memref<4x128xi32, #tpu.memory_space<vmem>> -> memref<1x128xi32, #tpu.memory_space<vmem>>
          %dma_wait3A_92 = tpu.memref_squeeze %dma_wait3A_91 : memref<1x128xi32, #tpu.memory_space<vmem>> -> memref<128xi32, #tpu.memory_space<vmem>>
          %dma_wait3A_93 = tpu.memref_slice %arg3[%add3A_71] : memref<640000xi32, #tpu.memory_space<hbm>> -> memref<128xi32, #tpu.memory_space<hbm>>
          %dma_wait3A_94 = arith.constant 0 : i32
          %dma_wait3A_95 = tpu.memref_slice %arg6[%run_scoped3A_72, %dma_wait3A_94] : memref<4x128xi32, #tpu.memory_space<vmem>> -> memref<1x128xi32, #tpu.memory_space<vmem>>
          %dma_wait3A_96 = tpu.memref_squeeze %dma_wait3A_95 : memref<1x128xi32, #tpu.memory_space<vmem>> -> memref<128xi32, #tpu.memory_space<vmem>>
          %dma_wait3A_97 = tpu.memref_slice %arg3[%add3A_71] : memref<640000xi32, #tpu.memory_space<hbm>> -> memref<128xi32, #tpu.memory_space<hbm>>
          tpu.wait_dma2 semaphore(%run_scoped3A_82 : memref<!tpu.dma_semaphore, #tpu.memory_space<semaphore_mem>>) src(%dma_wait3A_97 : memref<128xi32, #tpu.memory_space<hbm>>) dst(%dma_wait3A_96 : memref<128xi32, #tpu.memory_space<vmem>>)
          tpu.yield
        }) : () -> ()
        %add3A_73 = arith.constant 480000 : i32
        %add3A_74 = arith.addi %add3A_73, %add3A_66 : i32
        %run_scoped3A_75 = arith.constant 3 : i32
        "tpu.region"() ({
          %run_scoped3A_82 = tpu.sem_alloc : memref<!tpu.dma_semaphore, #tpu.memory_space<semaphore_mem>>
          %dma_start3A_83 = arith.constant 0 : i32
          %dma_start3A_84 = tpu.memref_slice %arg6[%run_scoped3A_75, %dma_start3A_83] : memref<4x128xi32, #tpu.memory_space<vmem>> -> memref<1x128xi32, #tpu.memory_space<vmem>>
          %dma_start3A_85 = tpu.memref_squeeze %dma_start3A_84 : memref<1x128xi32, #tpu.memory_space<vmem>> -> memref<128xi32, #tpu.memory_space<vmem>>
          %dma_start3A_86 = tpu.memref_slice %arg3[%add3A_74] : memref<640000xi32, #tpu.memory_space<hbm>> -> memref<128xi32, #tpu.memory_space<hbm>>
          %dma_start3A_87 = arith.constant 0 : i32
          %dma_start3A_88 = tpu.memref_slice %arg6[%run_scoped3A_75, %dma_start3A_87] : memref<4x128xi32, #tpu.memory_space<vmem>> -> memref<1x128xi32, #tpu.memory_space<vmem>>
          %dma_start3A_89 = tpu.memref_squeeze %dma_start3A_88 : memref<1x128xi32, #tpu.memory_space<vmem>> -> memref<128xi32, #tpu.memory_space<vmem>>
          %dma_start3A_90 = tpu.memref_slice %arg3[%add3A_74] : memref<640000xi32, #tpu.memory_space<hbm>> -> memref<128xi32, #tpu.memory_space<hbm>>
          tpu.enqueue_dma source(%dma_start3A_90 : memref<128xi32, #tpu.memory_space<hbm>>) target(%dma_start3A_89 : memref<128xi32, #tpu.memory_space<vmem>>) target_semaphore(%run_scoped3A_82 : memref<!tpu.dma_semaphore, #tpu.memory_space<semaphore_mem>>)
          %dma_wait3A = arith.constant 0 : i32
          %dma_wait3A_91 = tpu.memref_slice %arg6[%run_scoped3A_75, %dma_wait3A] : memref<4x128xi32, #tpu.memory_space<vmem>> -> memref<1x128xi32, #tpu.memory_space<vmem>>
          %dma_wait3A_92 = tpu.memref_squeeze %dma_wait3A_91 : memref<1x128xi32, #tpu.memory_space<vmem>> -> memref<128xi32, #tpu.memory_space<vmem>>
          %dma_wait3A_93 = tpu.memref_slice %arg3[%add3A_74] : memref<640000xi32, #tpu.memory_space<hbm>> -> memref<128xi32, #tpu.memory_space<hbm>>
          %dma_wait3A_94 = arith.constant 0 : i32
          %dma_wait3A_95 = tpu.memref_slice %arg6[%run_scoped3A_75, %dma_wait3A_94] : memref<4x128xi32, #tpu.memory_space<vmem>> -> memref<1x128xi32, #tpu.memory_space<vmem>>
          %dma_wait3A_96 = tpu.memref_squeeze %dma_wait3A_95 : memref<1x128xi32, #tpu.memory_space<vmem>> -> memref<128xi32, #tpu.memory_space<vmem>>
          %dma_wait3A_97 = tpu.memref_slice %arg3[%add3A_74] : memref<640000xi32, #tpu.memory_space<hbm>> -> memref<128xi32, #tpu.memory_space<hbm>>
          tpu.wait_dma2 semaphore(%run_scoped3A_82 : memref<!tpu.dma_semaphore, #tpu.memory_space<semaphore_mem>>) src(%dma_wait3A_97 : memref<128xi32, #tpu.memory_space<hbm>>) dst(%dma_wait3A_96 : memref<128xi32, #tpu.memory_space<vmem>>)
          tpu.yield
        }) : () -> ()
        %dma_start3A = arith.constant 0 : i32
        %dma_start3A_76 = arith.constant 0 : i32
        %dma_start3A_77 = tpu.memref_slice %arg6[%dma_start3A, %dma_start3A_76] : memref<4x128xi32, #tpu.memory_space<vmem>> -> memref<1x128xi32, #tpu.memory_space<vmem>>
        %dma_start3A_78 = tpu.memref_squeeze %dma_start3A_77 : memref<1x128xi32, #tpu.memory_space<vmem>> -> memref<128xi32, #tpu.memory_space<vmem>>
        %dma_start3A_79 = arith.constant 0 : i32
        %dma_start3A_80 = arith.constant 0 : i32
        %dma_start3A_81 = tpu.memref_slice %arg2[%dma_start3A_79, %dma_start3A_80] : memref<160000x128xf32, #tpu.memory_space<hbm>> -> memref<160000x128xf32, #tpu.memory_space<hbm>>
        tpu.enqueue_indirect_dma source(%dma_start3A_81 : memref<160000x128xf32, #tpu.memory_space<hbm>>) target(%arg8 : memref<128x128xf32, #tpu.memory_space<vmem>>) offsets(%dma_start3A_78 : memref<128xi32, #tpu.memory_space<vmem>>) semaphore(%arg10 : memref<!tpu.dma_semaphore, #tpu.memory_space<semaphore_mem>>)
      } else {
      }
      %ge3A_55 = arith.constant 1 : i32
      %ge3A_56 = arith.cmpi sge, %add3A_34, %ge3A_55 : i32
      %lt3A_57 = arith.constant 625 : i32
      %lt3A_58 = arith.cmpi slt, %sub3A_39, %lt3A_57 : i32
      %and3A_59 = arith.andi %ge3A_56, %lt3A_58 : i1
      %convert_element_type3A_60 = arith.extui %and3A_59 : i1 to i32
      %cond3A_61 = arith.constant 0 : i32
      %cond3A_62 = arith.cmpi ne, %convert_element_type3A_60, %cond3A_61 : i32
      scf.if %cond3A_62 {
        %dma_wait3A = arith.constant 0 : i32
        %dma_wait3A_63 = arith.constant 0 : i32
        %dma_wait3A_64 = tpu.memref_slice %arg5[%dma_wait3A, %dma_wait3A_63] : memref<4x128xi32, #tpu.memory_space<vmem>> -> memref<1x128xi32, #tpu.memory_space<vmem>>
        %dma_wait3A_65 = tpu.memref_squeeze %dma_wait3A_64 : memref<1x128xi32, #tpu.memory_space<vmem>> -> memref<128xi32, #tpu.memory_space<vmem>>
        %dma_wait3A_66 = arith.constant 0 : i32
        %dma_wait3A_67 = arith.constant 0 : i32
        %dma_wait3A_68 = tpu.memref_slice %arg2[%dma_wait3A_66, %dma_wait3A_67] : memref<160000x128xf32, #tpu.memory_space<hbm>> -> memref<160000x128xf32, #tpu.memory_space<hbm>>
        tpu.wait_indirect_dma semaphore(%arg9 : memref<!tpu.dma_semaphore, #tpu.memory_space<semaphore_mem>>) src(%dma_wait3A_68 : memref<160000x128xf32, #tpu.memory_space<hbm>>) dst(%arg7 : memref<128x128xf32, #tpu.memory_space<vmem>>)
        %dma_start3A = arith.constant 1 : i32
        %dma_start3A_69 = arith.constant 0 : i32
        %dma_start3A_70 = tpu.memref_slice %arg5[%dma_start3A, %dma_start3A_69] : memref<4x128xi32, #tpu.memory_space<vmem>> -> memref<1x128xi32, #tpu.memory_space<vmem>>
        %dma_start3A_71 = tpu.memref_squeeze %dma_start3A_70 : memref<1x128xi32, #tpu.memory_space<vmem>> -> memref<128xi32, #tpu.memory_space<vmem>>
        %dma_start3A_72 = arith.constant 0 : i32
        %dma_start3A_73 = arith.constant 0 : i32
        %dma_start3A_74 = tpu.memref_slice %arg2[%dma_start3A_72, %dma_start3A_73] : memref<160000x128xf32, #tpu.memory_space<hbm>> -> memref<160000x128xf32, #tpu.memory_space<hbm>>
        tpu.enqueue_indirect_dma source(%dma_start3A_74 : memref<160000x128xf32, #tpu.memory_space<hbm>>) target(%arg7 : memref<128x128xf32, #tpu.memory_space<vmem>>) offsets(%dma_start3A_71 : memref<128xi32, #tpu.memory_space<vmem>>) semaphore(%arg11 : memref<!tpu.dma_semaphore, #tpu.memory_space<semaphore_mem>>) {add = true}
        %dma_start3A_75 = arith.constant 2 : i32
        %dma_start3A_76 = arith.constant 0 : i32
        %dma_start3A_77 = tpu.memref_slice %arg5[%dma_start3A_75, %dma_start3A_76] : memref<4x128xi32, #tpu.memory_space<vmem>> -> memref<1x128xi32, #tpu.memory_space<vmem>>
        %dma_start3A_78 = tpu.memref_squeeze %dma_start3A_77 : memref<1x128xi32, #tpu.memory_space<vmem>> -> memref<128xi32, #tpu.memory_space<vmem>>
        %dma_start3A_79 = arith.constant 0 : i32
        %dma_start3A_80 = arith.constant 0 : i32
        %dma_start3A_81 = tpu.memref_slice %arg2[%dma_start3A_79, %dma_start3A_80] : memref<160000x128xf32, #tpu.memory_space<hbm>> -> memref<160000x128xf32, #tpu.memory_space<hbm>>
        tpu.enqueue_indirect_dma source(%dma_start3A_81 : memref<160000x128xf32, #tpu.memory_space<hbm>>) target(%arg7 : memref<128x128xf32, #tpu.memory_space<vmem>>) offsets(%dma_start3A_78 : memref<128xi32, #tpu.memory_space<vmem>>) semaphore(%arg11 : memref<!tpu.dma_semaphore, #tpu.memory_space<semaphore_mem>>) {add = true}
        %dma_start3A_82 = arith.constant 3 : i32
        %dma_start3A_83 = arith.constant 0 : i32
        %dma_start3A_84 = tpu.memref_slice %arg5[%dma_start3A_82, %dma_start3A_83] : memref<4x128xi32, #tpu.memory_space<vmem>> -> memref<1x128xi32, #tpu.memory_space<vmem>>
        %dma_start3A_85 = tpu.memref_squeeze %dma_start3A_84 : memref<1x128xi32, #tpu.memory_space<vmem>> -> memref<128xi32, #tpu.memory_space<vmem>>
        %dma_start3A_86 = arith.constant 0 : i32
        %dma_start3A_87 = arith.constant 0 : i32
        %dma_start3A_88 = tpu.memref_slice %arg2[%dma_start3A_86, %dma_start3A_87] : memref<160000x128xf32, #tpu.memory_space<hbm>> -> memref<160000x128xf32, #tpu.memory_space<hbm>>
        tpu.enqueue_indirect_dma source(%dma_start3A_88 : memref<160000x128xf32, #tpu.memory_space<hbm>>) target(%arg7 : memref<128x128xf32, #tpu.memory_space<vmem>>) offsets(%dma_start3A_85 : memref<128xi32, #tpu.memory_space<vmem>>) semaphore(%arg11 : memref<!tpu.dma_semaphore, #tpu.memory_space<semaphore_mem>>) {add = true}
        %dma_wait3A_89 = arith.constant 1 : i32
        %dma_wait3A_90 = arith.constant 0 : i32
        %dma_wait3A_91 = tpu.memref_slice %arg5[%dma_wait3A_89, %dma_wait3A_90] : memref<4x128xi32, #tpu.memory_space<vmem>> -> memref<1x128xi32, #tpu.memory_space<vmem>>
        %dma_wait3A_92 = tpu.memref_squeeze %dma_wait3A_91 : memref<1x128xi32, #tpu.memory_space<vmem>> -> memref<128xi32, #tpu.memory_space<vmem>>
        %dma_wait3A_93 = arith.constant 0 : i32
        %dma_wait3A_94 = arith.constant 0 : i32
        %dma_wait3A_95 = tpu.memref_slice %arg2[%dma_wait3A_93, %dma_wait3A_94] : memref<160000x128xf32, #tpu.memory_space<hbm>> -> memref<160000x128xf32, #tpu.memory_space<hbm>>
        tpu.wait_indirect_dma semaphore(%arg11 : memref<!tpu.dma_semaphore, #tpu.memory_space<semaphore_mem>>) src(%dma_wait3A_95 : memref<160000x128xf32, #tpu.memory_space<hbm>>) dst(%arg7 : memref<128x128xf32, #tpu.memory_space<vmem>>)
        %dma_wait3A_96 = arith.constant 2 : i32
        %dma_wait3A_97 = arith.constant 0 : i32
        %dma_wait3A_98 = tpu.memref_slice %arg5[%dma_wait3A_96, %dma_wait3A_97] : memref<4x128xi32, #tpu.memory_space<vmem>> -> memref<1x128xi32, #tpu.memory_space<vmem>>
        %dma_wait3A_99 = tpu.memref_squeeze %dma_wait3A_98 : memref<1x128xi32, #tpu.memory_space<vmem>> -> memref<128xi32, #tpu.memory_space<vmem>>
        %dma_wait3A_100 = arith.constant 0 : i32
        %dma_wait3A_101 = arith.constant 0 : i32
        %dma_wait3A_102 = tpu.memref_slice %arg2[%dma_wait3A_100, %dma_wait3A_101] : memref<160000x128xf32, #tpu.memory_space<hbm>> -> memref<160000x128xf32, #tpu.memory_space<hbm>>
        tpu.wait_indirect_dma semaphore(%arg11 : memref<!tpu.dma_semaphore, #tpu.memory_space<semaphore_mem>>) src(%dma_wait3A_102 : memref<160000x128xf32, #tpu.memory_space<hbm>>) dst(%arg7 : memref<128x128xf32, #tpu.memory_space<vmem>>)
        %dma_wait3A_103 = arith.constant 3 : i32
        %dma_wait3A_104 = arith.constant 0 : i32
        %dma_wait3A_105 = tpu.memref_slice %arg5[%dma_wait3A_103, %dma_wait3A_104] : memref<4x128xi32, #tpu.memory_space<vmem>> -> memref<1x128xi32, #tpu.memory_space<vmem>>
        %dma_wait3A_106 = tpu.memref_squeeze %dma_wait3A_105 : memref<1x128xi32, #tpu.memory_space<vmem>> -> memref<128xi32, #tpu.memory_space<vmem>>
        %dma_wait3A_107 = arith.constant 0 : i32
        %dma_wait3A_108 = arith.constant 0 : i32
        %dma_wait3A_109 = tpu.memref_slice %arg2[%dma_wait3A_107, %dma_wait3A_108] : memref<160000x128xf32, #tpu.memory_space<hbm>> -> memref<160000x128xf32, #tpu.memory_space<hbm>>
        tpu.wait_indirect_dma semaphore(%arg11 : memref<!tpu.dma_semaphore, #tpu.memory_space<semaphore_mem>>) src(%dma_wait3A_109 : memref<160000x128xf32, #tpu.memory_space<hbm>>) dst(%arg7 : memref<128x128xf32, #tpu.memory_space<vmem>>)
        %mul3A_110 = arith.constant 128 : i32
        %mul3A_111 = arith.muli %sub3A_39, %mul3A_110 : i32
        %dma_start3A_112 = arith.constant 0 : i32
        %dma_start3A_113 = tpu.memref_slice %arg4[%mul3A_111, %dma_start3A_112] : memref<80000x128xf32, #tpu.memory_space<hbm>> -> memref<128x128xf32, #tpu.memory_space<hbm>>
        %dma_start3A_114 = arith.constant 0 : i32
        %dma_start3A_115 = tpu.memref_slice %arg4[%mul3A_111, %dma_start3A_114] : memref<80000x128xf32, #tpu.memory_space<hbm>> -> memref<128x128xf32, #tpu.memory_space<hbm>>
        tpu.enqueue_dma source(%arg7 : memref<128x128xf32, #tpu.memory_space<vmem>>) target(%dma_start3A_115 : memref<128x128xf32, #tpu.memory_space<hbm>>) target_semaphore(%arg13 : memref<!tpu.dma_semaphore, #tpu.memory_space<semaphore_mem>>)
      } else {
      }
    }
    %scan3A_5 = arith.constant 12 : i32
    return
  }
}

module attributes {stable_mosaic.version = 14 : i64} {
  func.func @_k1_body(%arg0: i32, %arg1: memref<2000x128xf32, #tpu.memory_space<vmem>>, %arg2: memref<2000x1xf32, #tpu.memory_space<vmem>>, %arg3: memref<2000x1xf32, #tpu.memory_space<vmem>>, %arg4: memref<8x64xf32, #tpu.memory_space<vmem>>, %arg5: memref<8x64xf32, #tpu.memory_space<vmem>>, %arg6: memref<64x64xf32, #tpu.memory_space<vmem>>, %arg7: memref<8x64xf32, #tpu.memory_space<vmem>>, %arg8: memref<64x128xf32, #tpu.memory_space<vmem>>, %arg9: memref<8x128xf32, #tpu.memory_space<vmem>>, %arg10: memref<128x384xf32, #tpu.memory_space<vmem>>, %arg11: memref<8x384xf32, #tpu.memory_space<vmem>>, %arg12: memref<8x384xf32, #tpu.memory_space<vmem>>, %arg13: memref<128x64xf32, #tpu.memory_space<vmem>>, %arg14: memref<64x128xf32, #tpu.memory_space<vmem>>, %arg15: memref<128x128xf32, #tpu.memory_space<vmem>>, %arg16: memref<8x128xf32, #tpu.memory_space<vmem>>, %arg17: memref<2000x128xf32, #tpu.memory_space<vmem>>, %arg18: memref<2000x64xbf16, #tpu.memory_space<vmem>>, %arg19: memref<2000x64xbf16, #tpu.memory_space<vmem>>, %arg20: memref<2000x128xf32, #tpu.memory_space<vmem>>) attributes {dimension_semantics = [#tpu.dimension_semantics<arbitrary>], iteration_bounds = array<i64: 40>, scalar_prefetch = 0 : i64, scratch_operands = 0 : i64, tpu.core_type = #tpu.core_type<tc>, window_params = [{transform_indices = @transform_0, window_bounds = array<i64: 2000, 128>}, {transform_indices = @transform_1, window_bounds = array<i64: 2000, 1>}, {transform_indices = @transform_2, window_bounds = array<i64: 2000, 1>}, {pipeline_mode = #tpu.pipeline_mode<synchronous>, transform_indices = @transform_3, window_bounds = array<i64: 8, 64>}, {pipeline_mode = #tpu.pipeline_mode<synchronous>, transform_indices = @transform_4, window_bounds = array<i64: 8, 64>}, {pipeline_mode = #tpu.pipeline_mode<synchronous>, transform_indices = @transform_5, window_bounds = array<i64: 64, 64>}, {pipeline_mode = #tpu.pipeline_mode<synchronous>, transform_indices = @transform_6, window_bounds = array<i64: 8, 64>}, {pipeline_mode = #tpu.pipeline_mode<synchronous>, transform_indices = @transform_7, window_bounds = array<i64: 64, 128>}, {pipeline_mode = #tpu.pipeline_mode<synchronous>, transform_indices = @transform_8, window_bounds = array<i64: 8, 128>}, {pipeline_mode = #tpu.pipeline_mode<synchronous>, transform_indices = @transform_9, window_bounds = array<i64: 128, 384>}, {pipeline_mode = #tpu.pipeline_mode<synchronous>, transform_indices = @transform_10, window_bounds = array<i64: 8, 384>}, {pipeline_mode = #tpu.pipeline_mode<synchronous>, transform_indices = @transform_11, window_bounds = array<i64: 8, 384>}, {pipeline_mode = #tpu.pipeline_mode<synchronous>, transform_indices = @transform_12, window_bounds = array<i64: 128, 64>}, {pipeline_mode = #tpu.pipeline_mode<synchronous>, transform_indices = @transform_13, window_bounds = array<i64: 64, 128>}, {pipeline_mode = #tpu.pipeline_mode<synchronous>, transform_indices = @transform_14, window_bounds = array<i64: 128, 128>}, {pipeline_mode = #tpu.pipeline_mode<synchronous>, transform_indices = @transform_15, window_bounds = array<i64: 8, 128>}, {transform_indices = @transform_16, window_bounds = array<i64: 2000, 128>}, {transform_indices = @transform_17, window_bounds = array<i64: 2000, 64>}, {transform_indices = @transform_18, window_bounds = array<i64: 2000, 64>}, {transform_indices = @transform_19, window_bounds = array<i64: 2000, 128>}]} {
    %get3A = arith.constant 0 : index
    %get3A_0 = arith.constant 0 : index
    %get3A_1 = vector.load %arg1[%get3A, %get3A_0] : memref<2000x128xf32, #tpu.memory_space<vmem>>, vector<2000x128xf32>
    %get3A_2 = arith.constant 0 : index
    %get3A_3 = arith.constant 0 : index
    %get3A_4 = vector.load %arg2[%get3A_2, %get3A_3] : memref<2000x1xf32, #tpu.memory_space<vmem>>, vector<2000x1xf32>
    %get3A_5 = arith.constant 0 : index
    %get3A_6 = arith.constant 0 : index
    %get3A_7 = vector.load %arg3[%get3A_5, %get3A_6] : memref<2000x1xf32, #tpu.memory_space<vmem>>, vector<2000x1xf32>
    %get3A_8 = arith.constant 0 : index
    %get3A_9 = arith.constant 0 : index
    %get3A_10 = vector.load %arg4[%get3A_8, %get3A_9] : memref<8x64xf32, #tpu.memory_space<vmem>>, vector<8x64xf32>
    %get3A_11 = arith.constant 0 : index
    %get3A_12 = arith.constant 0 : index
    %get3A_13 = vector.load %arg5[%get3A_11, %get3A_12] : memref<8x64xf32, #tpu.memory_space<vmem>>, vector<8x64xf32>
    %slice3A = vector.extract_strided_slice %get3A_1 {offsets = [0, 0], sizes = [2000, 64], strides = [1, 1]} : vector<2000x128xf32> to vector<2000x64xf32>
    %slice3A_14 = vector.extract_strided_slice %get3A_10 {offsets = [0, 0], sizes = [1, 64], strides = [1, 1]} : vector<8x64xf32> to vector<1x64xf32>
    %mul3A = vector.broadcast %get3A_4 : vector<2000x1xf32> to vector<2000x64xf32>
    %mul3A_15 = vector.broadcast %slice3A_14 : vector<1x64xf32> to vector<2000x64xf32>
    %mul3A_16 = arith.mulf %mul3A, %mul3A_15 : vector<2000x64xf32>
    %add3A = arith.addf %slice3A, %mul3A_16 : vector<2000x64xf32>
    %slice3A_17 = vector.extract_strided_slice %get3A_10 {offsets = [1, 0], sizes = [1, 64], strides = [1, 1]} : vector<8x64xf32> to vector<1x64xf32>
    %mul3A_18 = vector.broadcast %get3A_7 : vector<2000x1xf32> to vector<2000x64xf32>
    %mul3A_19 = vector.broadcast %slice3A_17 : vector<1x64xf32> to vector<2000x64xf32>
    %mul3A_20 = arith.mulf %mul3A_18, %mul3A_19 : vector<2000x64xf32>
    %add3A_21 = arith.addf %add3A, %mul3A_20 : vector<2000x64xf32>
    %slice3A_22 = vector.extract_strided_slice %get3A_10 {offsets = [2, 0], sizes = [1, 64], strides = [1, 1]} : vector<8x64xf32> to vector<1x64xf32>
    %add3A_23 = vector.broadcast %slice3A_22 : vector<1x64xf32> to vector<2000x64xf32>
    %add3A_24 = arith.addf %add3A_21, %add3A_23 : vector<2000x64xf32>
    %slice3A_25 = vector.extract_strided_slice %get3A_1 {offsets = [0, 64], sizes = [2000, 64], strides = [1, 1]} : vector<2000x128xf32> to vector<2000x64xf32>
    %slice3A_26 = vector.extract_strided_slice %get3A_13 {offsets = [0, 0], sizes = [1, 64], strides = [1, 1]} : vector<8x64xf32> to vector<1x64xf32>
    %mul3A_27 = vector.broadcast %get3A_4 : vector<2000x1xf32> to vector<2000x64xf32>
    %mul3A_28 = vector.broadcast %slice3A_26 : vector<1x64xf32> to vector<2000x64xf32>
    %mul3A_29 = arith.mulf %mul3A_27, %mul3A_28 : vector<2000x64xf32>
    %add3A_30 = arith.addf %slice3A_25, %mul3A_29 : vector<2000x64xf32>
    %slice3A_31 = vector.extract_strided_slice %get3A_13 {offsets = [1, 0], sizes = [1, 64], strides = [1, 1]} : vector<8x64xf32> to vector<1x64xf32>
    %mul3A_32 = vector.broadcast %get3A_7 : vector<2000x1xf32> to vector<2000x64xf32>
    %mul3A_33 = vector.broadcast %slice3A_31 : vector<1x64xf32> to vector<2000x64xf32>
    %mul3A_34 = arith.mulf %mul3A_32, %mul3A_33 : vector<2000x64xf32>
    %add3A_35 = arith.addf %add3A_30, %mul3A_34 : vector<2000x64xf32>
    %slice3A_36 = vector.extract_strided_slice %get3A_13 {offsets = [2, 0], sizes = [1, 64], strides = [1, 1]} : vector<8x64xf32> to vector<1x64xf32>
    %add3A_37 = vector.broadcast %slice3A_36 : vector<1x64xf32> to vector<2000x64xf32>
    %add3A_38 = arith.addf %add3A_35, %add3A_37 : vector<2000x64xf32>
    %max3A = arith.constant 0.000000e+00 : f32
    %max3A_39 = vector.broadcast %max3A : f32 to vector<2000x64xf32>
    %max3A_40 = arith.maximumf %add3A_38, %max3A_39 : vector<2000x64xf32>
    %get3A_41 = arith.constant 0 : index
    %get3A_42 = arith.constant 0 : index
    %get3A_43 = vector.load %arg6[%get3A_41, %get3A_42] : memref<64x64xf32, #tpu.memory_space<vmem>>, vector<64x64xf32>
    %dot_general3A = arith.constant dense<0.000000e+00> : vector<2000x64xf32>
    %dot_general3A_44 = tpu.matmul %max3A_40, %get3A_43, %dot_general3A {dimension_numbers = #tpu.dot_dimension_numbers<[1], [0], [0], [1], [0, 0, 1, 1], [], []>, transpose_lhs_hint = false} : vector<2000x64xf32>, vector<64x64xf32>, vector<2000x64xf32> -> vector<2000x64xf32>
    %get3A_45 = arith.constant 0 : index
    %get3A_46 = arith.constant 0 : index
    %get3A_47 = vector.load %arg7[%get3A_45, %get3A_46] : memref<8x64xf32, #tpu.memory_space<vmem>>, vector<1x64xf32>
    %add3A_48 = vector.broadcast %get3A_47 : vector<1x64xf32> to vector<2000x64xf32>
    %add3A_49 = arith.addf %dot_general3A_44, %add3A_48 : vector<2000x64xf32>
    %max3A_50 = arith.constant 0.000000e+00 : f32
    %max3A_51 = vector.broadcast %max3A_50 : f32 to vector<2000x64xf32>
    %max3A_52 = arith.maximumf %add3A_49, %max3A_51 : vector<2000x64xf32>
    %get3A_53 = arith.constant 0 : index
    %get3A_54 = arith.constant 0 : index
    %get3A_55 = vector.load %arg8[%get3A_53, %get3A_54] : memref<64x128xf32, #tpu.memory_space<vmem>>, vector<64x128xf32>
    %dot_general3A_56 = arith.constant dense<0.000000e+00> : vector<2000x128xf32>
    %dot_general3A_57 = tpu.matmul %max3A_52, %get3A_55, %dot_general3A_56 {dimension_numbers = #tpu.dot_dimension_numbers<[1], [0], [0], [1], [0, 0, 1, 1], [], []>, transpose_lhs_hint = false} : vector<2000x64xf32>, vector<64x128xf32>, vector<2000x128xf32> -> vector<2000x128xf32>
    %get3A_58 = arith.constant 0 : index
    %get3A_59 = arith.constant 0 : index
    %get3A_60 = vector.load %arg9[%get3A_58, %get3A_59] : memref<8x128xf32, #tpu.memory_space<vmem>>, vector<1x128xf32>
    %add3A_61 = vector.broadcast %get3A_60 : vector<1x128xf32> to vector<2000x128xf32>
    %add3A_62 = arith.addf %dot_general3A_57, %add3A_61 : vector<2000x128xf32>
    %get3A_63 = arith.constant 0 : index
    %get3A_64 = arith.constant 0 : index
    %get3A_65 = vector.load %arg10[%get3A_63, %get3A_64] : memref<128x384xf32, #tpu.memory_space<vmem>>, vector<128x384xf32>
    %dot_general3A_66 = arith.constant dense<0.000000e+00> : vector<2000x384xf32>
    %dot_general3A_67 = tpu.matmul %add3A_62, %get3A_65, %dot_general3A_66 {dimension_numbers = #tpu.dot_dimension_numbers<[1], [0], [0], [1], [0, 0, 1, 1], [], []>, transpose_lhs_hint = false} : vector<2000x128xf32>, vector<128x384xf32>, vector<2000x384xf32> -> vector<2000x384xf32>
    %get3A_68 = arith.constant 0 : index
    %get3A_69 = arith.constant 0 : index
    %get3A_70 = vector.load %arg11[%get3A_68, %get3A_69] : memref<8x384xf32, #tpu.memory_space<vmem>>, vector<1x384xf32>
    %add3A_71 = vector.broadcast %get3A_70 : vector<1x384xf32> to vector<2000x384xf32>
    %add3A_72 = arith.addf %dot_general3A_67, %add3A_71 : vector<2000x384xf32>
    %get3A_73 = arith.constant 0 : index
    %get3A_74 = arith.constant 0 : index
    %get3A_75 = vector.load %arg12[%get3A_73, %get3A_74] : memref<8x384xf32, #tpu.memory_space<vmem>>, vector<1x384xf32>
    %slice3A_76 = vector.extract_strided_slice %add3A_72 {offsets = [0, 0], sizes = [2000, 128], strides = [1, 1]} : vector<2000x384xf32> to vector<2000x128xf32>
    %slice3A_77 = vector.extract_strided_slice %get3A_75 {offsets = [0, 0], sizes = [1, 128], strides = [1, 1]} : vector<1x384xf32> to vector<1x128xf32>
    %add3A_78 = vector.broadcast %slice3A_77 : vector<1x128xf32> to vector<2000x128xf32>
    %add3A_79 = arith.addf %slice3A_76, %add3A_78 : vector<2000x128xf32>
    %logistic3A = arith.negf %add3A_79 : vector<2000x128xf32>
    %logistic3A_80 = math.exp %logistic3A : vector<2000x128xf32>
    %logistic3A_81 = arith.constant 1.000000e+00 : f32
    %logistic3A_82 = vector.broadcast %logistic3A_81 : f32 to vector<2000x128xf32>
    %logistic3A_83 = arith.addf %logistic3A_82, %logistic3A_80 : vector<2000x128xf32>
    %logistic3A_84 = arith.divf %logistic3A_82, %logistic3A_83 : vector<2000x128xf32>
    %slice3A_85 = vector.extract_strided_slice %add3A_72 {offsets = [0, 128], sizes = [2000, 128], strides = [1, 1]} : vector<2000x384xf32> to vector<2000x128xf32>
    %slice3A_86 = vector.extract_strided_slice %get3A_75 {offsets = [0, 128], sizes = [1, 128], strides = [1, 1]} : vector<1x384xf32> to vector<1x128xf32>
    %add3A_87 = vector.broadcast %slice3A_86 : vector<1x128xf32> to vector<2000x128xf32>
    %add3A_88 = arith.addf %slice3A_85, %add3A_87 : vector<2000x128xf32>
    %logistic3A_89 = arith.negf %add3A_88 : vector<2000x128xf32>
    %logistic3A_90 = math.exp %logistic3A_89 : vector<2000x128xf32>
    %logistic3A_91 = arith.constant 1.000000e+00 : f32
    %logistic3A_92 = vector.broadcast %logistic3A_91 : f32 to vector<2000x128xf32>
    %logistic3A_93 = arith.addf %logistic3A_92, %logistic3A_90 : vector<2000x128xf32>
    %logistic3A_94 = arith.divf %logistic3A_92, %logistic3A_93 : vector<2000x128xf32>
    %slice3A_95 = vector.extract_strided_slice %add3A_72 {offsets = [0, 256], sizes = [2000, 128], strides = [1, 1]} : vector<2000x384xf32> to vector<2000x128xf32>
    %slice3A_96 = vector.extract_strided_slice %get3A_75 {offsets = [0, 256], sizes = [1, 128], strides = [1, 1]} : vector<1x384xf32> to vector<1x128xf32>
    %mul3A_97 = vector.broadcast %slice3A_96 : vector<1x128xf32> to vector<2000x128xf32>
    %mul3A_98 = arith.mulf %logistic3A_84, %mul3A_97 : vector<2000x128xf32>
    %add3A_99 = arith.addf %slice3A_95, %mul3A_98 : vector<2000x128xf32>
    %tanh3A = math.tanh %add3A_99 : vector<2000x128xf32>
    %sub3A = arith.constant 1.000000e+00 : f32
    %sub3A_100 = vector.broadcast %sub3A : f32 to vector<2000x128xf32>
    %sub3A_101 = arith.subf %sub3A_100, %logistic3A_94 : vector<2000x128xf32>
    %mul3A_102 = arith.mulf %sub3A_101, %tanh3A : vector<2000x128xf32>
    %swap3A = arith.constant 0 : index
    %swap3A_103 = arith.constant 0 : index
    %swap3A_104 = vector.load %arg17[%swap3A, %swap3A_103] : memref<2000x128xf32, #tpu.memory_space<vmem>>, vector<2000x128xf32>
    tpu.vector_store %arg17[%swap3A, %swap3A_103], %mul3A_102 {strides = array<i32>} : memref<2000x128xf32, #tpu.memory_space<vmem>>, vector<2000x128xf32>,
    %convert_element_type3A = arith.truncf %add3A_24 : vector<2000x64xf32> to vector<2000x64xbf16>
    %swap3A_105 = arith.constant 0 : index
    %swap3A_106 = arith.constant 0 : index
    %swap3A_107 = vector.load %arg18[%swap3A_105, %swap3A_106] : memref<2000x64xbf16, #tpu.memory_space<vmem>>, vector<2000x64xbf16>
    tpu.vector_store %arg18[%swap3A_105, %swap3A_106], %convert_element_type3A {strides = array<i32>} : memref<2000x64xbf16, #tpu.memory_space<vmem>>, vector<2000x64xbf16>,
    %convert_element_type3A_108 = arith.truncf %add3A_38 : vector<2000x64xf32> to vector<2000x64xbf16>
    %swap3A_109 = arith.constant 0 : index
    %swap3A_110 = arith.constant 0 : index
    %swap3A_111 = vector.load %arg19[%swap3A_109, %swap3A_110] : memref<2000x64xbf16, #tpu.memory_space<vmem>>, vector<2000x64xbf16>
    tpu.vector_store %arg19[%swap3A_109, %swap3A_110], %convert_element_type3A_108 {strides = array<i32>} : memref<2000x64xbf16, #tpu.memory_space<vmem>>, vector<2000x64xbf16>,
    %get3A_112 = arith.constant 0 : index
    %get3A_113 = arith.constant 0 : index
    %get3A_114 = vector.load %arg13[%get3A_112, %get3A_113] : memref<128x64xf32, #tpu.memory_space<vmem>>, vector<128x64xf32>
    %dot_general3A_115 = arith.constant dense<0.000000e+00> : vector<2000x64xf32>
    %dot_general3A_116 = tpu.matmul %mul3A_102, %get3A_114, %dot_general3A_115 {dimension_numbers = #tpu.dot_dimension_numbers<[1], [0], [0], [1], [0, 0, 1, 1], [], []>, transpose_lhs_hint = false} : vector<2000x128xf32>, vector<128x64xf32>, vector<2000x64xf32> -> vector<2000x64xf32>
    %add3A_117 = arith.addf %dot_general3A_116, %add3A_24 : vector<2000x64xf32>
    %max3A_118 = arith.constant 0.000000e+00 : f32
    %max3A_119 = vector.broadcast %max3A_118 : f32 to vector<2000x64xf32>
    %max3A_120 = arith.maximumf %add3A_117, %max3A_119 : vector<2000x64xf32>
    %get3A_121 = arith.constant 0 : index
    %get3A_122 = arith.constant 0 : index
    %get3A_123 = vector.load %arg14[%get3A_121, %get3A_122] : memref<64x128xf32, #tpu.memory_space<vmem>>, vector<64x128xf32>
    %dot_general3A_124 = arith.constant dense<0.000000e+00> : vector<2000x128xf32>
    %dot_general3A_125 = tpu.matmul %max3A_120, %get3A_123, %dot_general3A_124 {dimension_numbers = #tpu.dot_dimension_numbers<[1], [0], [0], [1], [0, 0, 1, 1], [], []>, transpose_lhs_hint = false} : vector<2000x64xf32>, vector<64x128xf32>, vector<2000x128xf32> -> vector<2000x128xf32>
    %get3A_126 = arith.constant 0 : index
    %get3A_127 = arith.constant 0 : index
    %get3A_128 = vector.load %arg16[%get3A_126, %get3A_127] : memref<8x128xf32, #tpu.memory_space<vmem>>, vector<1x128xf32>
    %add3A_129 = vector.broadcast %get3A_128 : vector<1x128xf32> to vector<2000x128xf32>
    %add3A_130 = arith.addf %dot_general3A_125, %add3A_129 : vector<2000x128xf32>
    %logistic3A_131 = arith.negf %add3A_130 : vector<2000x128xf32>
    %logistic3A_132 = math.exp %logistic3A_131 : vector<2000x128xf32>
    %logistic3A_133 = arith.constant 1.000000e+00 : f32
    %logistic3A_134 = vector.broadcast %logistic3A_133 : f32 to vector<2000x128xf32>
    %logistic3A_135 = arith.addf %logistic3A_134, %logistic3A_132 : vector<2000x128xf32>
    %logistic3A_136 = arith.divf %logistic3A_134, %logistic3A_135 : vector<2000x128xf32>
    %exp3A = math.exp %logistic3A_136 : vector<2000x128xf32>
    %get3A_137 = arith.constant 0 : index
    %get3A_138 = arith.constant 0 : index
    %get3A_139 = vector.load %arg15[%get3A_137, %get3A_138] : memref<128x128xf32, #tpu.memory_space<vmem>>, vector<128x128xf32>
    %dot_general3A_140 = arith.constant dense<0.000000e+00> : vector<2000x128xf32>
    %dot_general3A_141 = tpu.matmul %mul3A_102, %get3A_139, %dot_general3A_140 {dimension_numbers = #tpu.dot_dimension_numbers<[1], [0], [0], [1], [0, 0, 1, 1], [], []>, transpose_lhs_hint = false} : vector<2000x128xf32>, vector<128x128xf32>, vector<2000x128xf32> -> vector<2000x128xf32>
    %get3A_142 = arith.constant 1 : index
    %get3A_143 = arith.constant 0 : index
    %get3A_144 = vector.load %arg16[%get3A_142, %get3A_143] : memref<8x128xf32, #tpu.memory_space<vmem>>, vector<1x128xf32>
    %add3A_145 = vector.broadcast %get3A_144 : vector<1x128xf32> to vector<2000x128xf32>
    %add3A_146 = arith.addf %dot_general3A_141, %add3A_145 : vector<2000x128xf32>
    %mul3A_147 = arith.mulf %exp3A, %add3A_146 : vector<2000x128xf32>
    %swap3A_148 = arith.constant 0 : index
    %swap3A_149 = arith.constant 0 : index
    %swap3A_150 = vector.load %arg20[%swap3A_148, %swap3A_149] : memref<2000x128xf32, #tpu.memory_space<vmem>>, vector<2000x128xf32>
    tpu.vector_store %arg20[%swap3A_148, %swap3A_149], %mul3A_147 {strides = array<i32>} : memref<2000x128xf32, #tpu.memory_space<vmem>>, vector<2000x128xf32>,
    return
  }
  func.func @transform_0(%arg0: i32) -> (i32, i32) {
    %add3A = arith.constant 0 : i32
    %add3A_0 = arith.addi %arg0, %add3A : i32
    %c0_i32 = arith.constant 0 : i32
    %c0_i32_1 = arith.constant 0 : i32
    return %add3A_0, %c0_i32 : i32, i32
  }
  func.func @transform_1(%arg0: i32) -> (i32, i32) {
    %add3A = arith.constant 0 : i32
    %add3A_0 = arith.addi %arg0, %add3A : i32
    %jit3A = arith.constant 5 : i32
    %eq3A = arith.constant 0 : i32
    %eq3A_1 = arith.cmpi eq, %jit3A, %eq3A : i32
    %jit3A_2 = arith.constant 1 : i32
    %select_n3A = arith.select %eq3A_1, %jit3A_2, %jit3A : i32
    %rem3A = arith.remsi %add3A_0, %select_n3A : i32
    %ne3A = arith.constant 0 : i32
    %ne3A_3 = arith.cmpi ne, %rem3A, %ne3A : i32
    %lt3A = arith.constant 0 : i32
    %lt3A_4 = arith.cmpi slt, %rem3A, %lt3A : i32
    %lt3A_5 = arith.constant 0 : i32
    %lt3A_6 = arith.cmpi slt, %select_n3A, %lt3A_5 : i32
    %ne3A_7 = arith.xori %lt3A_4, %lt3A_6 : i1
    %and3A = arith.andi %ne3A_7, %ne3A_3 : i1
    %add3A_8 = arith.addi %rem3A, %select_n3A : i32
    %select_n3A_9 = arith.select %and3A, %add3A_8, %rem3A : i32
    %c0_i32 = arith.constant 0 : i32
    %c0_i32_10 = arith.constant 0 : i32
    return %select_n3A_9, %c0_i32 : i32, i32
  }
  func.func @transform_2(%arg0: i32) -> (i32, i32) {
    %add3A = arith.constant 0 : i32
    %add3A_0 = arith.addi %arg0, %add3A : i32
    %c0_i32 = arith.constant 0 : i32
    %c0_i32_1 = arith.constant 0 : i32
    return %add3A_0, %c0_i32 : i32, i32
  }
  func.func @transform_3(%arg0: i32) -> (i32, i32) {
    %c0_i32 = arith.constant 0 : i32
    %c0_i32_0 = arith.constant 0 : i32
    %c0_i32_1 = arith.constant 0 : i32
    return %c0_i32, %c0_i32_0 : i32, i32
  }
  func.func @transform_4(%arg0: i32) -> (i32, i32) {
    %c0_i32 = arith.constant 0 : i32
    %c0_i32_0 = arith.constant 0 : i32
    %c0_i32_1 = arith.constant 0 : i32
    return %c0_i32, %c0_i32_0 : i32, i32
  }
  func.func @transform_5(%arg0: i32) -> (i32, i32) {
    %c0_i32 = arith.constant 0 : i32
    %c0_i32_0 = arith.constant 0 : i32
    %c0_i32_1 = arith.constant 0 : i32
    return %c0_i32, %c0_i32_0 : i32, i32
  }
  func.func @transform_6(%arg0: i32) -> (i32, i32) {
    %c0_i32 = arith.constant 0 : i32
    %c0_i32_0 = arith.constant 0 : i32
    %c0_i32_1 = arith.constant 0 : i32
    return %c0_i32, %c0_i32_0 : i32, i32
  }
  func.func @transform_7(%arg0: i32) -> (i32, i32) {
    %c0_i32 = arith.constant 0 : i32
    %c0_i32_0 = arith.constant 0 : i32
    %c0_i32_1 = arith.constant 0 : i32
    return %c0_i32, %c0_i32_0 : i32, i32
  }
  func.func @transform_8(%arg0: i32) -> (i32, i32) {
    %c0_i32 = arith.constant 0 : i32
    %c0_i32_0 = arith.constant 0 : i32
    %c0_i32_1 = arith.constant 0 : i32
    return %c0_i32, %c0_i32_0 : i32, i32
  }
  func.func @transform_9(%arg0: i32) -> (i32, i32) {
    %c0_i32 = arith.constant 0 : i32
    %c0_i32_0 = arith.constant 0 : i32
    %c0_i32_1 = arith.constant 0 : i32
    return %c0_i32, %c0_i32_0 : i32, i32
  }
  func.func @transform_10(%arg0: i32) -> (i32, i32) {
    %c0_i32 = arith.constant 0 : i32
    %c0_i32_0 = arith.constant 0 : i32
    %c0_i32_1 = arith.constant 0 : i32
    return %c0_i32, %c0_i32_0 : i32, i32
  }
  func.func @transform_11(%arg0: i32) -> (i32, i32) {
    %c0_i32 = arith.constant 0 : i32
    %c0_i32_0 = arith.constant 0 : i32
    %c0_i32_1 = arith.constant 0 : i32
    return %c0_i32, %c0_i32_0 : i32, i32
  }
  func.func @transform_12(%arg0: i32) -> (i32, i32) {
    %c0_i32 = arith.constant 0 : i32
    %c0_i32_0 = arith.constant 0 : i32
    %c0_i32_1 = arith.constant 0 : i32
    return %c0_i32, %c0_i32_0 : i32, i32
  }
  func.func @transform_13(%arg0: i32) -> (i32, i32) {
    %c0_i32 = arith.constant 0 : i32
    %c0_i32_0 = arith.constant 0 : i32
    %c0_i32_1 = arith.constant 0 : i32
    return %c0_i32, %c0_i32_0 : i32, i32
  }
  func.func @transform_14(%arg0: i32) -> (i32, i32) {
    %c0_i32 = arith.constant 0 : i32
    %c0_i32_0 = arith.constant 0 : i32
    %c0_i32_1 = arith.constant 0 : i32
    return %c0_i32, %c0_i32_0 : i32, i32
  }
  func.func @transform_15(%arg0: i32) -> (i32, i32) {
    %c0_i32 = arith.constant 0 : i32
    %c0_i32_0 = arith.constant 0 : i32
    %c0_i32_1 = arith.constant 0 : i32
    return %c0_i32, %c0_i32_0 : i32, i32
  }
  func.func @transform_16(%arg0: i32) -> (i32, i32) {
    %add3A = arith.constant 0 : i32
    %add3A_0 = arith.addi %arg0, %add3A : i32
    %c0_i32 = arith.constant 0 : i32
    %c0_i32_1 = arith.constant 0 : i32
    return %add3A_0, %c0_i32 : i32, i32
  }
  func.func @transform_17(%arg0: i32) -> (i32, i32) {
    %add3A = arith.constant 0 : i32
    %add3A_0 = arith.addi %arg0, %add3A : i32
    %c0_i32 = arith.constant 0 : i32
    %c0_i32_1 = arith.constant 0 : i32
    return %add3A_0, %c0_i32 : i32, i32
  }
  func.func @transform_18(%arg0: i32) -> (i32, i32) {
    %add3A = arith.constant 0 : i32
    %add3A_0 = arith.addi %arg0, %add3A : i32
    %c0_i32 = arith.constant 0 : i32
    %c0_i32_1 = arith.constant 0 : i32
    return %add3A_0, %c0_i32 : i32, i32
  }
  func.func @transform_19(%arg0: i32) -> (i32, i32) {
    %add3A = arith.constant 0 : i32
    %add3A_0 = arith.addi %arg0, %add3A : i32
    %c0_i32 = arith.constant 0 : i32
    %c0_i32_1 = arith.constant 0 : i32
    return %add3A_0, %c0_i32 : i32, i32
  }
}

module attributes {stable_mosaic.version = 14 : i64} {
  func.func @_k1_body(%arg0: i32, %arg1: memref<2000x128xf32, #tpu.memory_space<vmem>>, %arg2: memref<2000x1xf32, #tpu.memory_space<vmem>>, %arg3: memref<2000x1xf32, #tpu.memory_space<vmem>>, %arg4: memref<8x64xf32, #tpu.memory_space<vmem>>, %arg5: memref<8x64xf32, #tpu.memory_space<vmem>>, %arg6: memref<64x64xf32, #tpu.memory_space<vmem>>, %arg7: memref<8x64xf32, #tpu.memory_space<vmem>>, %arg8: memref<64x128xf32, #tpu.memory_space<vmem>>, %arg9: memref<8x128xf32, #tpu.memory_space<vmem>>, %arg10: memref<128x384xf32, #tpu.memory_space<vmem>>, %arg11: memref<8x384xf32, #tpu.memory_space<vmem>>, %arg12: memref<8x384xf32, #tpu.memory_space<vmem>>, %arg13: memref<128x64xf32, #tpu.memory_space<vmem>>, %arg14: memref<64x128xf32, #tpu.memory_space<vmem>>, %arg15: memref<128x128xf32, #tpu.memory_space<vmem>>, %arg16: memref<8x128xf32, #tpu.memory_space<vmem>>, %arg17: memref<160000x128xf32, #tpu.memory_space<any>>, %arg18: memref<2000x128xf32, #tpu.memory_space<vmem>>, %arg19: memref<2000x64xbf16, #tpu.memory_space<vmem>>, %arg20: memref<2000x64xbf16, #tpu.memory_space<vmem>>, %arg21: memref<2000x128xf32, #tpu.memory_space<vmem>>) attributes {dimension_semantics = [#tpu.dimension_semantics<arbitrary>], iteration_bounds = array<i64: 40>, scalar_prefetch = 0 : i64, scratch_operands = 0 : i64, tpu.core_type = #tpu.core_type<tc>, window_params = [{transform_indices = @transform_0, window_bounds = array<i64: 2000, 128>}, {transform_indices = @transform_1, window_bounds = array<i64: 2000, 1>}, {transform_indices = @transform_2, window_bounds = array<i64: 2000, 1>}, {pipeline_mode = #tpu.pipeline_mode<synchronous>, transform_indices = @transform_3, window_bounds = array<i64: 8, 64>}, {pipeline_mode = #tpu.pipeline_mode<synchronous>, transform_indices = @transform_4, window_bounds = array<i64: 8, 64>}, {pipeline_mode = #tpu.pipeline_mode<synchronous>, transform_indices = @transform_5, window_bounds = array<i64: 64, 64>}, {pipeline_mode = #tpu.pipeline_mode<synchronous>, transform_indices = @transform_6, window_bounds = array<i64: 8, 64>}, {pipeline_mode = #tpu.pipeline_mode<synchronous>, transform_indices = @transform_7, window_bounds = array<i64: 64, 128>}, {pipeline_mode = #tpu.pipeline_mode<synchronous>, transform_indices = @transform_8, window_bounds = array<i64: 8, 128>}, {pipeline_mode = #tpu.pipeline_mode<synchronous>, transform_indices = @transform_9, window_bounds = array<i64: 128, 384>}, {pipeline_mode = #tpu.pipeline_mode<synchronous>, transform_indices = @transform_10, window_bounds = array<i64: 8, 384>}, {pipeline_mode = #tpu.pipeline_mode<synchronous>, transform_indices = @transform_11, window_bounds = array<i64: 8, 384>}, {pipeline_mode = #tpu.pipeline_mode<synchronous>, transform_indices = @transform_12, window_bounds = array<i64: 128, 64>}, {pipeline_mode = #tpu.pipeline_mode<synchronous>, transform_indices = @transform_13, window_bounds = array<i64: 64, 128>}, {pipeline_mode = #tpu.pipeline_mode<synchronous>, transform_indices = @transform_14, window_bounds = array<i64: 128, 128>}, {pipeline_mode = #tpu.pipeline_mode<synchronous>, transform_indices = @transform_15, window_bounds = array<i64: 8, 128>}, {}, {transform_indices = @transform_17, window_bounds = array<i64: 2000, 128>}, {transform_indices = @transform_18, window_bounds = array<i64: 2000, 64>}, {transform_indices = @transform_19, window_bounds = array<i64: 2000, 64>}, {transform_indices = @transform_20, window_bounds = array<i64: 2000, 128>}]} {
    %get3A = arith.constant 0 : index
    %get3A_0 = arith.constant 0 : index
    %get3A_1 = vector.load %arg1[%get3A, %get3A_0] : memref<2000x128xf32, #tpu.memory_space<vmem>>, vector<2000x128xf32>
    %get3A_2 = arith.constant 0 : index
    %get3A_3 = arith.constant 0 : index
    %get3A_4 = vector.load %arg2[%get3A_2, %get3A_3] : memref<2000x1xf32, #tpu.memory_space<vmem>>, vector<2000x1xf32>
    %get3A_5 = arith.constant 0 : index
    %get3A_6 = arith.constant 0 : index
    %get3A_7 = vector.load %arg3[%get3A_5, %get3A_6] : memref<2000x1xf32, #tpu.memory_space<vmem>>, vector<2000x1xf32>
    %get3A_8 = arith.constant 0 : index
    %get3A_9 = arith.constant 0 : index
    %get3A_10 = vector.load %arg4[%get3A_8, %get3A_9] : memref<8x64xf32, #tpu.memory_space<vmem>>, vector<8x64xf32>
    %get3A_11 = arith.constant 0 : index
    %get3A_12 = arith.constant 0 : index
    %get3A_13 = vector.load %arg5[%get3A_11, %get3A_12] : memref<8x64xf32, #tpu.memory_space<vmem>>, vector<8x64xf32>
    %slice3A = vector.extract_strided_slice %get3A_1 {offsets = [0, 0], sizes = [2000, 64], strides = [1, 1]} : vector<2000x128xf32> to vector<2000x64xf32>
    %slice3A_14 = vector.extract_strided_slice %get3A_10 {offsets = [0, 0], sizes = [1, 64], strides = [1, 1]} : vector<8x64xf32> to vector<1x64xf32>
    %mul3A = vector.broadcast %get3A_4 : vector<2000x1xf32> to vector<2000x64xf32>
    %mul3A_15 = vector.broadcast %slice3A_14 : vector<1x64xf32> to vector<2000x64xf32>
    %mul3A_16 = arith.mulf %mul3A, %mul3A_15 : vector<2000x64xf32>
    %add3A = arith.addf %slice3A, %mul3A_16 : vector<2000x64xf32>
    %slice3A_17 = vector.extract_strided_slice %get3A_10 {offsets = [1, 0], sizes = [1, 64], strides = [1, 1]} : vector<8x64xf32> to vector<1x64xf32>
    %mul3A_18 = vector.broadcast %get3A_7 : vector<2000x1xf32> to vector<2000x64xf32>
    %mul3A_19 = vector.broadcast %slice3A_17 : vector<1x64xf32> to vector<2000x64xf32>
    %mul3A_20 = arith.mulf %mul3A_18, %mul3A_19 : vector<2000x64xf32>
    %add3A_21 = arith.addf %add3A, %mul3A_20 : vector<2000x64xf32>
    %slice3A_22 = vector.extract_strided_slice %get3A_10 {offsets = [2, 0], sizes = [1, 64], strides = [1, 1]} : vector<8x64xf32> to vector<1x64xf32>
    %add3A_23 = vector.broadcast %slice3A_22 : vector<1x64xf32> to vector<2000x64xf32>
    %add3A_24 = arith.addf %add3A_21, %add3A_23 : vector<2000x64xf32>
    %slice3A_25 = vector.extract_strided_slice %get3A_1 {offsets = [0, 64], sizes = [2000, 64], strides = [1, 1]} : vector<2000x128xf32> to vector<2000x64xf32>
    %slice3A_26 = vector.extract_strided_slice %get3A_13 {offsets = [0, 0], sizes = [1, 64], strides = [1, 1]} : vector<8x64xf32> to vector<1x64xf32>
    %mul3A_27 = vector.broadcast %get3A_4 : vector<2000x1xf32> to vector<2000x64xf32>
    %mul3A_28 = vector.broadcast %slice3A_26 : vector<1x64xf32> to vector<2000x64xf32>
    %mul3A_29 = arith.mulf %mul3A_27, %mul3A_28 : vector<2000x64xf32>
    %add3A_30 = arith.addf %slice3A_25, %mul3A_29 : vector<2000x64xf32>
    %slice3A_31 = vector.extract_strided_slice %get3A_13 {offsets = [1, 0], sizes = [1, 64], strides = [1, 1]} : vector<8x64xf32> to vector<1x64xf32>
    %mul3A_32 = vector.broadcast %get3A_7 : vector<2000x1xf32> to vector<2000x64xf32>
    %mul3A_33 = vector.broadcast %slice3A_31 : vector<1x64xf32> to vector<2000x64xf32>
    %mul3A_34 = arith.mulf %mul3A_32, %mul3A_33 : vector<2000x64xf32>
    %add3A_35 = arith.addf %add3A_30, %mul3A_34 : vector<2000x64xf32>
    %slice3A_36 = vector.extract_strided_slice %get3A_13 {offsets = [2, 0], sizes = [1, 64], strides = [1, 1]} : vector<8x64xf32> to vector<1x64xf32>
    %add3A_37 = vector.broadcast %slice3A_36 : vector<1x64xf32> to vector<2000x64xf32>
    %add3A_38 = arith.addf %add3A_35, %add3A_37 : vector<2000x64xf32>
    %max3A = arith.constant 0.000000e+00 : f32
    %max3A_39 = vector.broadcast %max3A : f32 to vector<2000x64xf32>
    %max3A_40 = arith.maximumf %add3A_38, %max3A_39 : vector<2000x64xf32>
    %get3A_41 = arith.constant 0 : index
    %get3A_42 = arith.constant 0 : index
    %get3A_43 = vector.load %arg6[%get3A_41, %get3A_42] : memref<64x64xf32, #tpu.memory_space<vmem>>, vector<64x64xf32>
    %dot_general3A = arith.constant dense<0.000000e+00> : vector<2000x64xf32>
    %dot_general3A_44 = tpu.matmul %max3A_40, %get3A_43, %dot_general3A {dimension_numbers = #tpu.dot_dimension_numbers<[1], [0], [0], [1], [0, 0, 1, 1], [], []>, transpose_lhs_hint = false} : vector<2000x64xf32>, vector<64x64xf32>, vector<2000x64xf32> -> vector<2000x64xf32>
    %get3A_45 = arith.constant 0 : index
    %get3A_46 = arith.constant 0 : index
    %get3A_47 = vector.load %arg7[%get3A_45, %get3A_46] : memref<8x64xf32, #tpu.memory_space<vmem>>, vector<1x64xf32>
    %add3A_48 = vector.broadcast %get3A_47 : vector<1x64xf32> to vector<2000x64xf32>
    %add3A_49 = arith.addf %dot_general3A_44, %add3A_48 : vector<2000x64xf32>
    %max3A_50 = arith.constant 0.000000e+00 : f32
    %max3A_51 = vector.broadcast %max3A_50 : f32 to vector<2000x64xf32>
    %max3A_52 = arith.maximumf %add3A_49, %max3A_51 : vector<2000x64xf32>
    %get3A_53 = arith.constant 0 : index
    %get3A_54 = arith.constant 0 : index
    %get3A_55 = vector.load %arg8[%get3A_53, %get3A_54] : memref<64x128xf32, #tpu.memory_space<vmem>>, vector<64x128xf32>
    %dot_general3A_56 = arith.constant dense<0.000000e+00> : vector<2000x128xf32>
    %dot_general3A_57 = tpu.matmul %max3A_52, %get3A_55, %dot_general3A_56 {dimension_numbers = #tpu.dot_dimension_numbers<[1], [0], [0], [1], [0, 0, 1, 1], [], []>, transpose_lhs_hint = false} : vector<2000x64xf32>, vector<64x128xf32>, vector<2000x128xf32> -> vector<2000x128xf32>
    %get3A_58 = arith.constant 0 : index
    %get3A_59 = arith.constant 0 : index
    %get3A_60 = vector.load %arg9[%get3A_58, %get3A_59] : memref<8x128xf32, #tpu.memory_space<vmem>>, vector<1x128xf32>
    %add3A_61 = vector.broadcast %get3A_60 : vector<1x128xf32> to vector<2000x128xf32>
    %add3A_62 = arith.addf %dot_general3A_57, %add3A_61 : vector<2000x128xf32>
    %get3A_63 = arith.constant 0 : index
    %get3A_64 = arith.constant 0 : index
    %get3A_65 = vector.load %arg10[%get3A_63, %get3A_64] : memref<128x384xf32, #tpu.memory_space<vmem>>, vector<128x384xf32>
    %dot_general3A_66 = arith.constant dense<0.000000e+00> : vector<2000x384xf32>
    %dot_general3A_67 = tpu.matmul %add3A_62, %get3A_65, %dot_general3A_66 {dimension_numbers = #tpu.dot_dimension_numbers<[1], [0], [0], [1], [0, 0, 1, 1], [], []>, transpose_lhs_hint = false} : vector<2000x128xf32>, vector<128x384xf32>, vector<2000x384xf32> -> vector<2000x384xf32>
    %get3A_68 = arith.constant 0 : index
    %get3A_69 = arith.constant 0 : index
    %get3A_70 = vector.load %arg11[%get3A_68, %get3A_69] : memref<8x384xf32, #tpu.memory_space<vmem>>, vector<1x384xf32>
    %add3A_71 = vector.broadcast %get3A_70 : vector<1x384xf32> to vector<2000x384xf32>
    %add3A_72 = arith.addf %dot_general3A_67, %add3A_71 : vector<2000x384xf32>
    %get3A_73 = arith.constant 0 : index
    %get3A_74 = arith.constant 0 : index
    %get3A_75 = vector.load %arg12[%get3A_73, %get3A_74] : memref<8x384xf32, #tpu.memory_space<vmem>>, vector<1x384xf32>
    %slice3A_76 = vector.extract_strided_slice %add3A_72 {offsets = [0, 0], sizes = [2000, 128], strides = [1, 1]} : vector<2000x384xf32> to vector<2000x128xf32>
    %slice3A_77 = vector.extract_strided_slice %get3A_75 {offsets = [0, 0], sizes = [1, 128], strides = [1, 1]} : vector<1x384xf32> to vector<1x128xf32>
    %add3A_78 = vector.broadcast %slice3A_77 : vector<1x128xf32> to vector<2000x128xf32>
    %add3A_79 = arith.addf %slice3A_76, %add3A_78 : vector<2000x128xf32>
    %logistic3A = arith.negf %add3A_79 : vector<2000x128xf32>
    %logistic3A_80 = math.exp %logistic3A : vector<2000x128xf32>
    %logistic3A_81 = arith.constant 1.000000e+00 : f32
    %logistic3A_82 = vector.broadcast %logistic3A_81 : f32 to vector<2000x128xf32>
    %logistic3A_83 = arith.addf %logistic3A_82, %logistic3A_80 : vector<2000x128xf32>
    %logistic3A_84 = arith.divf %logistic3A_82, %logistic3A_83 : vector<2000x128xf32>
    %slice3A_85 = vector.extract_strided_slice %add3A_72 {offsets = [0, 128], sizes = [2000, 128], strides = [1, 1]} : vector<2000x384xf32> to vector<2000x128xf32>
    %slice3A_86 = vector.extract_strided_slice %get3A_75 {offsets = [0, 128], sizes = [1, 128], strides = [1, 1]} : vector<1x384xf32> to vector<1x128xf32>
    %add3A_87 = vector.broadcast %slice3A_86 : vector<1x128xf32> to vector<2000x128xf32>
    %add3A_88 = arith.addf %slice3A_85, %add3A_87 : vector<2000x128xf32>
    %logistic3A_89 = arith.negf %add3A_88 : vector<2000x128xf32>
    %logistic3A_90 = math.exp %logistic3A_89 : vector<2000x128xf32>
    %logistic3A_91 = arith.constant 1.000000e+00 : f32
    %logistic3A_92 = vector.broadcast %logistic3A_91 : f32 to vector<2000x128xf32>
    %logistic3A_93 = arith.addf %logistic3A_92, %logistic3A_90 : vector<2000x128xf32>
    %logistic3A_94 = arith.divf %logistic3A_92, %logistic3A_93 : vector<2000x128xf32>
    %slice3A_95 = vector.extract_strided_slice %add3A_72 {offsets = [0, 256], sizes = [2000, 128], strides = [1, 1]} : vector<2000x384xf32> to vector<2000x128xf32>
    %slice3A_96 = vector.extract_strided_slice %get3A_75 {offsets = [0, 256], sizes = [1, 128], strides = [1, 1]} : vector<1x384xf32> to vector<1x128xf32>
    %mul3A_97 = vector.broadcast %slice3A_96 : vector<1x128xf32> to vector<2000x128xf32>
    %mul3A_98 = arith.mulf %logistic3A_84, %mul3A_97 : vector<2000x128xf32>
    %add3A_99 = arith.addf %slice3A_95, %mul3A_98 : vector<2000x128xf32>
    %tanh3A = math.tanh %add3A_99 : vector<2000x128xf32>
    %sub3A = arith.constant 1.000000e+00 : f32
    %sub3A_100 = vector.broadcast %sub3A : f32 to vector<2000x128xf32>
    %sub3A_101 = arith.subf %sub3A_100, %logistic3A_94 : vector<2000x128xf32>
    %mul3A_102 = arith.mulf %sub3A_101, %tanh3A : vector<2000x128xf32>
    %swap3A = arith.constant 0 : index
    %swap3A_103 = arith.constant 0 : index
    %swap3A_104 = vector.load %arg18[%swap3A, %swap3A_103] : memref<2000x128xf32, #tpu.memory_space<vmem>>, vector<2000x128xf32>
    tpu.vector_store %arg18[%swap3A, %swap3A_103], %mul3A_102 {strides = array<i32>} : memref<2000x128xf32, #tpu.memory_space<vmem>>, vector<2000x128xf32>,
    %convert_element_type3A = arith.truncf %add3A_24 : vector<2000x64xf32> to vector<2000x64xbf16>
    %swap3A_105 = arith.constant 0 : index
    %swap3A_106 = arith.constant 0 : index
    %swap3A_107 = vector.load %arg19[%swap3A_105, %swap3A_106] : memref<2000x64xbf16, #tpu.memory_space<vmem>>, vector<2000x64xbf16>
    tpu.vector_store %arg19[%swap3A_105, %swap3A_106], %convert_element_type3A {strides = array<i32>} : memref<2000x64xbf16, #tpu.memory_space<vmem>>, vector<2000x64xbf16>,
    %convert_element_type3A_108 = arith.truncf %add3A_38 : vector<2000x64xf32> to vector<2000x64xbf16>
    %swap3A_109 = arith.constant 0 : index
    %swap3A_110 = arith.constant 0 : index
    %swap3A_111 = vector.load %arg20[%swap3A_109, %swap3A_110] : memref<2000x64xbf16, #tpu.memory_space<vmem>>, vector<2000x64xbf16>
    tpu.vector_store %arg20[%swap3A_109, %swap3A_110], %convert_element_type3A_108 {strides = array<i32>} : memref<2000x64xbf16, #tpu.memory_space<vmem>>, vector<2000x64xbf16>,
    %get3A_112 = arith.constant 0 : index
    %get3A_113 = arith.constant 0 : index
    %get3A_114 = vector.load %arg13[%get3A_112, %get3A_113] : memref<128x64xf32, #tpu.memory_space<vmem>>, vector<128x64xf32>
    %dot_general3A_115 = arith.constant dense<0.000000e+00> : vector<2000x64xf32>
    %dot_general3A_116 = tpu.matmul %mul3A_102, %get3A_114, %dot_general3A_115 {dimension_numbers = #tpu.dot_dimension_numbers<[1], [0], [0], [1], [0, 0, 1, 1], [], []>, transpose_lhs_hint = false} : vector<2000x128xf32>, vector<128x64xf32>, vector<2000x64xf32> -> vector<2000x64xf32>
    %add3A_117 = arith.addf %dot_general3A_116, %add3A_24 : vector<2000x64xf32>
    %max3A_118 = arith.constant 0.000000e+00 : f32
    %max3A_119 = vector.broadcast %max3A_118 : f32 to vector<2000x64xf32>
    %max3A_120 = arith.maximumf %add3A_117, %max3A_119 : vector<2000x64xf32>
    %get3A_121 = arith.constant 0 : index
    %get3A_122 = arith.constant 0 : index
    %get3A_123 = vector.load %arg14[%get3A_121, %get3A_122] : memref<64x128xf32, #tpu.memory_space<vmem>>, vector<64x128xf32>
    %dot_general3A_124 = arith.constant dense<0.000000e+00> : vector<2000x128xf32>
    %dot_general3A_125 = tpu.matmul %max3A_120, %get3A_123, %dot_general3A_124 {dimension_numbers = #tpu.dot_dimension_numbers<[1], [0], [0], [1], [0, 0, 1, 1], [], []>, transpose_lhs_hint = false} : vector<2000x64xf32>, vector<64x128xf32>, vector<2000x128xf32> -> vector<2000x128xf32>
    %get3A_126 = arith.constant 0 : index
    %get3A_127 = arith.constant 0 : index
    %get3A_128 = vector.load %arg16[%get3A_126, %get3A_127] : memref<8x128xf32, #tpu.memory_space<vmem>>, vector<1x128xf32>
    %add3A_129 = vector.broadcast %get3A_128 : vector<1x128xf32> to vector<2000x128xf32>
    %add3A_130 = arith.addf %dot_general3A_125, %add3A_129 : vector<2000x128xf32>
    %logistic3A_131 = arith.negf %add3A_130 : vector<2000x128xf32>
    %logistic3A_132 = math.exp %logistic3A_131 : vector<2000x128xf32>
    %logistic3A_133 = arith.constant 1.000000e+00 : f32
    %logistic3A_134 = vector.broadcast %logistic3A_133 : f32 to vector<2000x128xf32>
    %logistic3A_135 = arith.addf %logistic3A_134, %logistic3A_132 : vector<2000x128xf32>
    %logistic3A_136 = arith.divf %logistic3A_134, %logistic3A_135 : vector<2000x128xf32>
    %exp3A = math.exp %logistic3A_136 : vector<2000x128xf32>
    %get3A_137 = arith.constant 0 : index
    %get3A_138 = arith.constant 0 : index
    %get3A_139 = vector.load %arg15[%get3A_137, %get3A_138] : memref<128x128xf32, #tpu.memory_space<vmem>>, vector<128x128xf32>
    %dot_general3A_140 = arith.constant dense<0.000000e+00> : vector<2000x128xf32>
    %dot_general3A_141 = tpu.matmul %mul3A_102, %get3A_139, %dot_general3A_140 {dimension_numbers = #tpu.dot_dimension_numbers<[1], [0], [0], [1], [0, 0, 1, 1], [], []>, transpose_lhs_hint = false} : vector<2000x128xf32>, vector<128x128xf32>, vector<2000x128xf32> -> vector<2000x128xf32>
    %get3A_142 = arith.constant 1 : index
    %get3A_143 = arith.constant 0 : index
    %get3A_144 = vector.load %arg16[%get3A_142, %get3A_143] : memref<8x128xf32, #tpu.memory_space<vmem>>, vector<1x128xf32>
    %add3A_145 = vector.broadcast %get3A_144 : vector<1x128xf32> to vector<2000x128xf32>
    %add3A_146 = arith.addf %dot_general3A_141, %add3A_145 : vector<2000x128xf32>
    %mul3A_147 = arith.mulf %exp3A, %add3A_146 : vector<2000x128xf32>
    %swap3A_148 = arith.constant 0 : index
    %swap3A_149 = arith.constant 0 : index
    %swap3A_150 = vector.load %arg21[%swap3A_148, %swap3A_149] : memref<2000x128xf32, #tpu.memory_space<vmem>>, vector<2000x128xf32>
    tpu.vector_store %arg21[%swap3A_148, %swap3A_149], %mul3A_147 {strides = array<i32>} : memref<2000x128xf32, #tpu.memory_space<vmem>>, vector<2000x128xf32>,
    return
  }
  func.func @transform_0(%arg0: i32) -> (i32, i32) {
    %add3A = arith.constant 0 : i32
    %add3A_0 = arith.addi %arg0, %add3A : i32
    %c0_i32 = arith.constant 0 : i32
    %c0_i32_1 = arith.constant 0 : i32
    return %add3A_0, %c0_i32 : i32, i32
  }
  func.func @transform_1(%arg0: i32) -> (i32, i32) {
    %add3A = arith.constant 40 : i32
    %add3A_0 = arith.addi %arg0, %add3A : i32
    %jit3A = arith.constant 5 : i32
    %eq3A = arith.constant 0 : i32
    %eq3A_1 = arith.cmpi eq, %jit3A, %eq3A : i32
    %jit3A_2 = arith.constant 1 : i32
    %select_n3A = arith.select %eq3A_1, %jit3A_2, %jit3A : i32
    %rem3A = arith.remsi %add3A_0, %select_n3A : i32
    %ne3A = arith.constant 0 : i32
    %ne3A_3 = arith.cmpi ne, %rem3A, %ne3A : i32
    %lt3A = arith.constant 0 : i32
    %lt3A_4 = arith.cmpi slt, %rem3A, %lt3A : i32
    %lt3A_5 = arith.constant 0 : i32
    %lt3A_6 = arith.cmpi slt, %select_n3A, %lt3A_5 : i32
    %ne3A_7 = arith.xori %lt3A_4, %lt3A_6 : i1
    %and3A = arith.andi %ne3A_7, %ne3A_3 : i1
    %add3A_8 = arith.addi %rem3A, %select_n3A : i32
    %select_n3A_9 = arith.select %and3A, %add3A_8, %rem3A : i32
    %c0_i32 = arith.constant 0 : i32
    %c0_i32_10 = arith.constant 0 : i32
    return %select_n3A_9, %c0_i32 : i32, i32
  }
  func.func @transform_2(%arg0: i32) -> (i32, i32) {
    %add3A = arith.constant 40 : i32
    %add3A_0 = arith.addi %arg0, %add3A : i32
    %c0_i32 = arith.constant 0 : i32
    %c0_i32_1 = arith.constant 0 : i32
    return %add3A_0, %c0_i32 : i32, i32
  }
  func.func @transform_3(%arg0: i32) -> (i32, i32) {
    %c0_i32 = arith.constant 0 : i32
    %c0_i32_0 = arith.constant 0 : i32
    %c0_i32_1 = arith.constant 0 : i32
    return %c0_i32, %c0_i32_0 : i32, i32
  }
  func.func @transform_4(%arg0: i32) -> (i32, i32) {
    %c0_i32 = arith.constant 0 : i32
    %c0_i32_0 = arith.constant 0 : i32
    %c0_i32_1 = arith.constant 0 : i32
    return %c0_i32, %c0_i32_0 : i32, i32
  }
  func.func @transform_5(%arg0: i32) -> (i32, i32) {
    %c0_i32 = arith.constant 0 : i32
    %c0_i32_0 = arith.constant 0 : i32
    %c0_i32_1 = arith.constant 0 : i32
    return %c0_i32, %c0_i32_0 : i32, i32
  }
  func.func @transform_6(%arg0: i32) -> (i32, i32) {
    %c0_i32 = arith.constant 0 : i32
    %c0_i32_0 = arith.constant 0 : i32
    %c0_i32_1 = arith.constant 0 : i32
    return %c0_i32, %c0_i32_0 : i32, i32
  }
  func.func @transform_7(%arg0: i32) -> (i32, i32) {
    %c0_i32 = arith.constant 0 : i32
    %c0_i32_0 = arith.constant 0 : i32
    %c0_i32_1 = arith.constant 0 : i32
    return %c0_i32, %c0_i32_0 : i32, i32
  }
  func.func @transform_8(%arg0: i32) -> (i32, i32) {
    %c0_i32 = arith.constant 0 : i32
    %c0_i32_0 = arith.constant 0 : i32
    %c0_i32_1 = arith.constant 0 : i32
    return %c0_i32, %c0_i32_0 : i32, i32
  }
  func.func @transform_9(%arg0: i32) -> (i32, i32) {
    %c0_i32 = arith.constant 0 : i32
    %c0_i32_0 = arith.constant 0 : i32
    %c0_i32_1 = arith.constant 0 : i32
    return %c0_i32, %c0_i32_0 : i32, i32
  }
  func.func @transform_10(%arg0: i32) -> (i32, i32) {
    %c0_i32 = arith.constant 0 : i32
    %c0_i32_0 = arith.constant 0 : i32
    %c0_i32_1 = arith.constant 0 : i32
    return %c0_i32, %c0_i32_0 : i32, i32
  }
  func.func @transform_11(%arg0: i32) -> (i32, i32) {
    %c0_i32 = arith.constant 0 : i32
    %c0_i32_0 = arith.constant 0 : i32
    %c0_i32_1 = arith.constant 0 : i32
    return %c0_i32, %c0_i32_0 : i32, i32
  }
  func.func @transform_12(%arg0: i32) -> (i32, i32) {
    %c0_i32 = arith.constant 0 : i32
    %c0_i32_0 = arith.constant 0 : i32
    %c0_i32_1 = arith.constant 0 : i32
    return %c0_i32, %c0_i32_0 : i32, i32
  }
  func.func @transform_13(%arg0: i32) -> (i32, i32) {
    %c0_i32 = arith.constant 0 : i32
    %c0_i32_0 = arith.constant 0 : i32
    %c0_i32_1 = arith.constant 0 : i32
    return %c0_i32, %c0_i32_0 : i32, i32
  }
  func.func @transform_14(%arg0: i32) -> (i32, i32) {
    %c0_i32 = arith.constant 0 : i32
    %c0_i32_0 = arith.constant 0 : i32
    %c0_i32_1 = arith.constant 0 : i32
    return %c0_i32, %c0_i32_0 : i32, i32
  }
  func.func @transform_15(%arg0: i32) -> (i32, i32) {
    %c0_i32 = arith.constant 0 : i32
    %c0_i32_0 = arith.constant 0 : i32
    %c0_i32_1 = arith.constant 0 : i32
    return %c0_i32, %c0_i32_0 : i32, i32
  }
  func.func @transform_17(%arg0: i32) -> (i32, i32) {
    %add3A = arith.constant 0 : i32
    %add3A_0 = arith.addi %arg0, %add3A : i32
    %c0_i32 = arith.constant 0 : i32
    %c0_i32_1 = arith.constant 0 : i32
    return %add3A_0, %c0_i32 : i32, i32
  }
  func.func @transform_18(%arg0: i32) -> (i32, i32) {
    %add3A = arith.constant 0 : i32
    %add3A_0 = arith.addi %arg0, %add3A : i32
    %c0_i32 = arith.constant 0 : i32
    %c0_i32_1 = arith.constant 0 : i32
    return %add3A_0, %c0_i32 : i32, i32
  }
  func.func @transform_19(%arg0: i32) -> (i32, i32) {
    %add3A = arith.constant 0 : i32
    %add3A_0 = arith.addi %arg0, %add3A : i32
    %c0_i32 = arith.constant 0 : i32
    %c0_i32_1 = arith.constant 0 : i32
    return %add3A_0, %c0_i32 : i32, i32
  }
  func.func @transform_20(%arg0: i32) -> (i32, i32) {
    %add3A = arith.constant 40 : i32
    %add3A_0 = arith.addi %arg0, %add3A : i32
    %c0_i32 = arith.constant 0 : i32
    %c0_i32_1 = arith.constant 0 : i32
    return %add3A_0, %c0_i32 : i32, i32
  }
}

module attributes {stable_mosaic.version = 14 : i64} {
  func.func @_prop_body(%arg0: i32, %arg1: memref<2000x128xf32, #tpu.memory_space<vmem>>, %arg2: memref<2000x128xf32, #tpu.memory_space<vmem>>, %arg3: memref<2000x64xbf16, #tpu.memory_space<vmem>>, %arg4: memref<2000x64xbf16, #tpu.memory_space<vmem>>, %arg5: memref<64x64xf32, #tpu.memory_space<vmem>>, %arg6: memref<8x64xf32, #tpu.memory_space<vmem>>, %arg7: memref<64x128xf32, #tpu.memory_space<vmem>>, %arg8: memref<8x128xf32, #tpu.memory_space<vmem>>, %arg9: memref<128x384xf32, #tpu.memory_space<vmem>>, %arg10: memref<8x384xf32, #tpu.memory_space<vmem>>, %arg11: memref<128x384xf32, #tpu.memory_space<vmem>>, %arg12: memref<8x384xf32, #tpu.memory_space<vmem>>, %arg13: memref<128x64xf32, #tpu.memory_space<vmem>>, %arg14: memref<64x128xf32, #tpu.memory_space<vmem>>, %arg15: memref<128x128xf32, #tpu.memory_space<vmem>>, %arg16: memref<8x128xf32, #tpu.memory_space<vmem>>, %arg17: memref<2000x128xf32, #tpu.memory_space<vmem>>, %arg18: memref<2000x128xf32, #tpu.memory_space<vmem>>) attributes {dimension_semantics = [#tpu.dimension_semantics<arbitrary>], iteration_bounds = array<i64: 40>, scalar_prefetch = 0 : i64, scratch_operands = 0 : i64, tpu.core_type = #tpu.core_type<tc>, window_params = [{transform_indices = @transform_0, window_bounds = array<i64: 2000, 128>}, {transform_indices = @transform_1, window_bounds = array<i64: 2000, 128>}, {transform_indices = @transform_2, window_bounds = array<i64: 2000, 64>}, {transform_indices = @transform_3, window_bounds = array<i64: 2000, 64>}, {pipeline_mode = #tpu.pipeline_mode<synchronous>, transform_indices = @transform_4, window_bounds = array<i64: 64, 64>}, {pipeline_mode = #tpu.pipeline_mode<synchronous>, transform_indices = @transform_5, window_bounds = array<i64: 8, 64>}, {pipeline_mode = #tpu.pipeline_mode<synchronous>, transform_indices = @transform_6, window_bounds = array<i64: 64, 128>}, {pipeline_mode = #tpu.pipeline_mode<synchronous>, transform_indices = @transform_7, window_bounds = array<i64: 8, 128>}, {pipeline_mode = #tpu.pipeline_mode<synchronous>, transform_indices = @transform_8, window_bounds = array<i64: 128, 384>}, {pipeline_mode = #tpu.pipeline_mode<synchronous>, transform_indices = @transform_9, window_bounds = array<i64: 8, 384>}, {pipeline_mode = #tpu.pipeline_mode<synchronous>, transform_indices = @transform_10, window_bounds = array<i64: 128, 384>}, {pipeline_mode = #tpu.pipeline_mode<synchronous>, transform_indices = @transform_11, window_bounds = array<i64: 8, 384>}, {pipeline_mode = #tpu.pipeline_mode<synchronous>, transform_indices = @transform_12, window_bounds = array<i64: 128, 64>}, {pipeline_mode = #tpu.pipeline_mode<synchronous>, transform_indices = @transform_13, window_bounds = array<i64: 64, 128>}, {pipeline_mode = #tpu.pipeline_mode<synchronous>, transform_indices = @transform_14, window_bounds = array<i64: 128, 128>}, {pipeline_mode = #tpu.pipeline_mode<synchronous>, transform_indices = @transform_15, window_bounds = array<i64: 8, 128>}, {transform_indices = @transform_16, window_bounds = array<i64: 2000, 128>}, {transform_indices = @transform_17, window_bounds = array<i64: 2000, 128>}]} {
    %get3A = arith.constant 0 : index
    %get3A_0 = arith.constant 0 : index
    %get3A_1 = vector.load %arg1[%get3A, %get3A_0] : memref<2000x128xf32, #tpu.memory_space<vmem>>, vector<2000x128xf32>
    %get3A_2 = arith.constant 0 : index
    %get3A_3 = arith.constant 0 : index
    %get3A_4 = vector.load %arg2[%get3A_2, %get3A_3] : memref<2000x128xf32, #tpu.memory_space<vmem>>, vector<2000x128xf32>
    %get3A_5 = arith.constant 0 : index
    %get3A_6 = arith.constant 0 : index
    %get3A_7 = vector.load %arg4[%get3A_5, %get3A_6] : memref<2000x64xbf16, #tpu.memory_space<vmem>>, vector<2000x64xbf16>
    %convert_element_type3A = arith.extf %get3A_7 : vector<2000x64xbf16> to vector<2000x64xf32>
    %slice3A = vector.extract_strided_slice %get3A_1 {offsets = [0, 0], sizes = [2000, 64], strides = [1, 1]} : vector<2000x128xf32> to vector<2000x64xf32>
    %slice3A_8 = vector.extract_strided_slice %get3A_1 {offsets = [0, 64], sizes = [2000, 64], strides = [1, 1]} : vector<2000x128xf32> to vector<2000x64xf32>
    %div3A = arith.divf %slice3A, %slice3A_8 : vector<2000x64xf32>
    %add3A = arith.addf %div3A, %convert_element_type3A : vector<2000x64xf32>
    %max3A = arith.constant 0.000000e+00 : f32
    %max3A_9 = vector.broadcast %max3A : f32 to vector<2000x64xf32>
    %max3A_10 = arith.maximumf %add3A, %max3A_9 : vector<2000x64xf32>
    %get3A_11 = arith.constant 0 : index
    %get3A_12 = arith.constant 0 : index
    %get3A_13 = vector.load %arg5[%get3A_11, %get3A_12] : memref<64x64xf32, #tpu.memory_space<vmem>>, vector<64x64xf32>
    %dot_general3A = arith.constant dense<0.000000e+00> : vector<2000x64xf32>
    %dot_general3A_14 = tpu.matmul %max3A_10, %get3A_13, %dot_general3A {dimension_numbers = #tpu.dot_dimension_numbers<[1], [0], [0], [1], [0, 0, 1, 1], [], []>, transpose_lhs_hint = false} : vector<2000x64xf32>, vector<64x64xf32>, vector<2000x64xf32> -> vector<2000x64xf32>
    %get3A_15 = arith.constant 0 : index
    %get3A_16 = arith.constant 0 : index
    %get3A_17 = vector.load %arg6[%get3A_15, %get3A_16] : memref<8x64xf32, #tpu.memory_space<vmem>>, vector<1x64xf32>
    %add3A_18 = vector.broadcast %get3A_17 : vector<1x64xf32> to vector<2000x64xf32>
    %add3A_19 = arith.addf %dot_general3A_14, %add3A_18 : vector<2000x64xf32>
    %max3A_20 = arith.constant 0.000000e+00 : f32
    %max3A_21 = vector.broadcast %max3A_20 : f32 to vector<2000x64xf32>
    %max3A_22 = arith.maximumf %add3A_19, %max3A_21 : vector<2000x64xf32>
    %get3A_23 = arith.constant 0 : index
    %get3A_24 = arith.constant 0 : index
    %get3A_25 = vector.load %arg7[%get3A_23, %get3A_24] : memref<64x128xf32, #tpu.memory_space<vmem>>, vector<64x128xf32>
    %dot_general3A_26 = arith.constant dense<0.000000e+00> : vector<2000x128xf32>
    %dot_general3A_27 = tpu.matmul %max3A_22, %get3A_25, %dot_general3A_26 {dimension_numbers = #tpu.dot_dimension_numbers<[1], [0], [0], [1], [0, 0, 1, 1], [], []>, transpose_lhs_hint = false} : vector<2000x64xf32>, vector<64x128xf32>, vector<2000x128xf32> -> vector<2000x128xf32>
    %get3A_28 = arith.constant 0 : index
    %get3A_29 = arith.constant 0 : index
    %get3A_30 = vector.load %arg8[%get3A_28, %get3A_29] : memref<8x128xf32, #tpu.memory_space<vmem>>, vector<1x128xf32>
    %add3A_31 = vector.broadcast %get3A_30 : vector<1x128xf32> to vector<2000x128xf32>
    %add3A_32 = arith.addf %dot_general3A_27, %add3A_31 : vector<2000x128xf32>
    %get3A_33 = arith.constant 0 : index
    %get3A_34 = arith.constant 0 : index
    %get3A_35 = vector.load %arg9[%get3A_33, %get3A_34] : memref<128x384xf32, #tpu.memory_space<vmem>>, vector<128x384xf32>
    %dot_general3A_36 = arith.constant dense<0.000000e+00> : vector<2000x384xf32>
    %dot_general3A_37 = tpu.matmul %add3A_32, %get3A_35, %dot_general3A_36 {dimension_numbers = #tpu.dot_dimension_numbers<[1], [0], [0], [1], [0, 0, 1, 1], [], []>, transpose_lhs_hint = false} : vector<2000x128xf32>, vector<128x384xf32>, vector<2000x384xf32> -> vector<2000x384xf32>
    %get3A_38 = arith.constant 0 : index
    %get3A_39 = arith.constant 0 : index
    %get3A_40 = vector.load %arg10[%get3A_38, %get3A_39] : memref<8x384xf32, #tpu.memory_space<vmem>>, vector<1x384xf32>
    %add3A_41 = vector.broadcast %get3A_40 : vector<1x384xf32> to vector<2000x384xf32>
    %add3A_42 = arith.addf %dot_general3A_37, %add3A_41 : vector<2000x384xf32>
    %get3A_43 = arith.constant 0 : index
    %get3A_44 = arith.constant 0 : index
    %get3A_45 = vector.load %arg11[%get3A_43, %get3A_44] : memref<128x384xf32, #tpu.memory_space<vmem>>, vector<128x384xf32>
    %dot_general3A_46 = arith.constant dense<0.000000e+00> : vector<2000x384xf32>
    %dot_general3A_47 = tpu.matmul %get3A_4, %get3A_45, %dot_general3A_46 {dimension_numbers = #tpu.dot_dimension_numbers<[1], [0], [0], [1], [0, 0, 1, 1], [], []>, transpose_lhs_hint = false} : vector<2000x128xf32>, vector<128x384xf32>, vector<2000x384xf32> -> vector<2000x384xf32>
    %get3A_48 = arith.constant 0 : index
    %get3A_49 = arith.constant 0 : index
    %get3A_50 = vector.load %arg12[%get3A_48, %get3A_49] : memref<8x384xf32, #tpu.memory_space<vmem>>, vector<1x384xf32>
    %add3A_51 = vector.broadcast %get3A_50 : vector<1x384xf32> to vector<2000x384xf32>
    %add3A_52 = arith.addf %dot_general3A_47, %add3A_51 : vector<2000x384xf32>
    %slice3A_53 = vector.extract_strided_slice %add3A_42 {offsets = [0, 0], sizes = [2000, 128], strides = [1, 1]} : vector<2000x384xf32> to vector<2000x128xf32>
    %slice3A_54 = vector.extract_strided_slice %add3A_52 {offsets = [0, 0], sizes = [2000, 128], strides = [1, 1]} : vector<2000x384xf32> to vector<2000x128xf32>
    %add3A_55 = arith.addf %slice3A_53, %slice3A_54 : vector<2000x128xf32>
    %logistic3A = arith.negf %add3A_55 : vector<2000x128xf32>
    %logistic3A_56 = math.exp %logistic3A : vector<2000x128xf32>
    %logistic3A_57 = arith.constant 1.000000e+00 : f32
    %logistic3A_58 = vector.broadcast %logistic3A_57 : f32 to vector<2000x128xf32>
    %logistic3A_59 = arith.addf %logistic3A_58, %logistic3A_56 : vector<2000x128xf32>
    %logistic3A_60 = arith.divf %logistic3A_58, %logistic3A_59 : vector<2000x128xf32>
    %slice3A_61 = vector.extract_strided_slice %add3A_42 {offsets = [0, 128], sizes = [2000, 128], strides = [1, 1]} : vector<2000x384xf32> to vector<2000x128xf32>
    %slice3A_62 = vector.extract_strided_slice %add3A_52 {offsets = [0, 128], sizes = [2000, 128], strides = [1, 1]} : vector<2000x384xf32> to vector<2000x128xf32>
    %add3A_63 = arith.addf %slice3A_61, %slice3A_62 : vector<2000x128xf32>
    %logistic3A_64 = arith.negf %add3A_63 : vector<2000x128xf32>
    %logistic3A_65 = math.exp %logistic3A_64 : vector<2000x128xf32>
    %logistic3A_66 = arith.constant 1.000000e+00 : f32
    %logistic3A_67 = vector.broadcast %logistic3A_66 : f32 to vector<2000x128xf32>
    %logistic3A_68 = arith.addf %logistic3A_67, %logistic3A_65 : vector<2000x128xf32>
    %logistic3A_69 = arith.divf %logistic3A_67, %logistic3A_68 : vector<2000x128xf32>
    %slice3A_70 = vector.extract_strided_slice %add3A_42 {offsets = [0, 256], sizes = [2000, 128], strides = [1, 1]} : vector<2000x384xf32> to vector<2000x128xf32>
    %slice3A_71 = vector.extract_strided_slice %add3A_52 {offsets = [0, 256], sizes = [2000, 128], strides = [1, 1]} : vector<2000x384xf32> to vector<2000x128xf32>
    %mul3A = arith.mulf %logistic3A_60, %slice3A_71 : vector<2000x128xf32>
    %add3A_72 = arith.addf %slice3A_70, %mul3A : vector<2000x128xf32>
    %tanh3A = math.tanh %add3A_72 : vector<2000x128xf32>
    %sub3A = arith.constant 1.000000e+00 : f32
    %sub3A_73 = vector.broadcast %sub3A : f32 to vector<2000x128xf32>
    %sub3A_74 = arith.subf %sub3A_73, %logistic3A_69 : vector<2000x128xf32>
    %mul3A_75 = arith.mulf %sub3A_74, %tanh3A : vector<2000x128xf32>
    %mul3A_76 = arith.mulf %logistic3A_69, %get3A_4 : vector<2000x128xf32>
    %add3A_77 = arith.addf %mul3A_75, %mul3A_76 : vector<2000x128xf32>
    %swap3A = arith.constant 0 : index
    %swap3A_78 = arith.constant 0 : index
    %swap3A_79 = vector.load %arg17[%swap3A, %swap3A_78] : memref<2000x128xf32, #tpu.memory_space<vmem>>, vector<2000x128xf32>
    tpu.vector_store %arg17[%swap3A, %swap3A_78], %add3A_77 {strides = array<i32>} : memref<2000x128xf32, #tpu.memory_space<vmem>>, vector<2000x128xf32>,
    %get3A_80 = arith.constant 0 : index
    %get3A_81 = arith.constant 0 : index
    %get3A_82 = vector.load %arg3[%get3A_80, %get3A_81] : memref<2000x64xbf16, #tpu.memory_space<vmem>>, vector<2000x64xbf16>
    %convert_element_type3A_83 = arith.extf %get3A_82 : vector<2000x64xbf16> to vector<2000x64xf32>
    %get3A_84 = arith.constant 0 : index
    %get3A_85 = arith.constant 0 : index
    %get3A_86 = vector.load %arg13[%get3A_84, %get3A_85] : memref<128x64xf32, #tpu.memory_space<vmem>>, vector<128x64xf32>
    %dot_general3A_87 = arith.constant dense<0.000000e+00> : vector<2000x64xf32>
    %dot_general3A_88 = tpu.matmul %add3A_77, %get3A_86, %dot_general3A_87 {dimension_numbers = #tpu.dot_dimension_numbers<[1], [0], [0], [1], [0, 0, 1, 1], [], []>, transpose_lhs_hint = false} : vector<2000x128xf32>, vector<128x64xf32>, vector<2000x64xf32> -> vector<2000x64xf32>
    %add3A_89 = arith.addf %dot_general3A_88, %convert_element_type3A_83 : vector<2000x64xf32>
    %max3A_90 = arith.constant 0.000000e+00 : f32
    %max3A_91 = vector.broadcast %max3A_90 : f32 to vector<2000x64xf32>
    %max3A_92 = arith.maximumf %add3A_89, %max3A_91 : vector<2000x64xf32>
    %get3A_93 = arith.constant 0 : index
    %get3A_94 = arith.constant 0 : index
    %get3A_95 = vector.load %arg14[%get3A_93, %get3A_94] : memref<64x128xf32, #tpu.memory_space<vmem>>, vector<64x128xf32>
    %dot_general3A_96 = arith.constant dense<0.000000e+00> : vector<2000x128xf32>
    %dot_general3A_97 = tpu.matmul %max3A_92, %get3A_95, %dot_general3A_96 {dimension_numbers = #tpu.dot_dimension_numbers<[1], [0], [0], [1], [0, 0, 1, 1], [], []>, transpose_lhs_hint = false} : vector<2000x64xf32>, vector<64x128xf32>, vector<2000x128xf32> -> vector<2000x128xf32>
    %get3A_98 = arith.constant 0 : index
    %get3A_99 = arith.constant 0 : index
    %get3A_100 = vector.load %arg16[%get3A_98, %get3A_99] : memref<8x128xf32, #tpu.memory_space<vmem>>, vector<1x128xf32>
    %add3A_101 = vector.broadcast %get3A_100 : vector<1x128xf32> to vector<2000x128xf32>
    %add3A_102 = arith.addf %dot_general3A_97, %add3A_101 : vector<2000x128xf32>
    %logistic3A_103 = arith.negf %add3A_102 : vector<2000x128xf32>
    %logistic3A_104 = math.exp %logistic3A_103 : vector<2000x128xf32>
    %logistic3A_105 = arith.constant 1.000000e+00 : f32
    %logistic3A_106 = vector.broadcast %logistic3A_105 : f32 to vector<2000x128xf32>
    %logistic3A_107 = arith.addf %logistic3A_106, %logistic3A_104 : vector<2000x128xf32>
    %logistic3A_108 = arith.divf %logistic3A_106, %logistic3A_107 : vector<2000x128xf32>
    %exp3A = math.exp %logistic3A_108 : vector<2000x128xf32>
    %get3A_109 = arith.constant 0 : index
    %get3A_110 = arith.constant 0 : index
    %get3A_111 = vector.load %arg15[%get3A_109, %get3A_110] : memref<128x128xf32, #tpu.memory_space<vmem>>, vector<128x128xf32>
    %dot_general3A_112 = arith.constant dense<0.000000e+00> : vector<2000x128xf32>
    %dot_general3A_113 = tpu.matmul %add3A_77, %get3A_111, %dot_general3A_112 {dimension_numbers = #tpu.dot_dimension_numbers<[1], [0], [0], [1], [0, 0, 1, 1], [], []>, transpose_lhs_hint = false} : vector<2000x128xf32>, vector<128x128xf32>, vector<2000x128xf32> -> vector<2000x128xf32>
    %get3A_114 = arith.constant 1 : index
    %get3A_115 = arith.constant 0 : index
    %get3A_116 = vector.load %arg16[%get3A_114, %get3A_115] : memref<8x128xf32, #tpu.memory_space<vmem>>, vector<1x128xf32>
    %add3A_117 = vector.broadcast %get3A_116 : vector<1x128xf32> to vector<2000x128xf32>
    %add3A_118 = arith.addf %dot_general3A_113, %add3A_117 : vector<2000x128xf32>
    %mul3A_119 = arith.mulf %exp3A, %add3A_118 : vector<2000x128xf32>
    %swap3A_120 = arith.constant 0 : index
    %swap3A_121 = arith.constant 0 : index
    %swap3A_122 = vector.load %arg18[%swap3A_120, %swap3A_121] : memref<2000x128xf32, #tpu.memory_space<vmem>>, vector<2000x128xf32>
    tpu.vector_store %arg18[%swap3A_120, %swap3A_121], %mul3A_119 {strides = array<i32>} : memref<2000x128xf32, #tpu.memory_space<vmem>>, vector<2000x128xf32>,
    return
  }
  func.func @transform_0(%arg0: i32) -> (i32, i32) {
    %add3A = arith.constant 0 : i32
    %add3A_0 = arith.addi %arg0, %add3A : i32
    %c0_i32 = arith.constant 0 : i32
    %c0_i32_1 = arith.constant 0 : i32
    return %add3A_0, %c0_i32 : i32, i32
  }
  func.func @transform_1(%arg0: i32) -> (i32, i32) {
    %add3A = arith.constant 0 : i32
    %add3A_0 = arith.addi %arg0, %add3A : i32
    %c0_i32 = arith.constant 0 : i32
    %c0_i32_1 = arith.constant 0 : i32
    return %add3A_0, %c0_i32 : i32, i32
  }
  func.func @transform_2(%arg0: i32) -> (i32, i32) {
    %add3A = arith.constant 0 : i32
    %add3A_0 = arith.addi %arg0, %add3A : i32
    %c0_i32 = arith.constant 0 : i32
    %c0_i32_1 = arith.constant 0 : i32
    return %add3A_0, %c0_i32 : i32, i32
  }
  func.func @transform_3(%arg0: i32) -> (i32, i32) {
    %add3A = arith.constant 0 : i32
    %add3A_0 = arith.addi %arg0, %add3A : i32
    %c0_i32 = arith.constant 0 : i32
    %c0_i32_1 = arith.constant 0 : i32
    return %add3A_0, %c0_i32 : i32, i32
  }
  func.func @transform_4(%arg0: i32) -> (i32, i32) {
    %c0_i32 = arith.constant 0 : i32
    %c0_i32_0 = arith.constant 0 : i32
    %c0_i32_1 = arith.constant 0 : i32
    return %c0_i32, %c0_i32_0 : i32, i32
  }
  func.func @transform_5(%arg0: i32) -> (i32, i32) {
    %c0_i32 = arith.constant 0 : i32
    %c0_i32_0 = arith.constant 0 : i32
    %c0_i32_1 = arith.constant 0 : i32
    return %c0_i32, %c0_i32_0 : i32, i32
  }
  func.func @transform_6(%arg0: i32) -> (i32, i32) {
    %c0_i32 = arith.constant 0 : i32
    %c0_i32_0 = arith.constant 0 : i32
    %c0_i32_1 = arith.constant 0 : i32
    return %c0_i32, %c0_i32_0 : i32, i32
  }
  func.func @transform_7(%arg0: i32) -> (i32, i32) {
    %c0_i32 = arith.constant 0 : i32
    %c0_i32_0 = arith.constant 0 : i32
    %c0_i32_1 = arith.constant 0 : i32
    return %c0_i32, %c0_i32_0 : i32, i32
  }
  func.func @transform_8(%arg0: i32) -> (i32, i32) {
    %c0_i32 = arith.constant 0 : i32
    %c0_i32_0 = arith.constant 0 : i32
    %c0_i32_1 = arith.constant 0 : i32
    return %c0_i32, %c0_i32_0 : i32, i32
  }
  func.func @transform_9(%arg0: i32) -> (i32, i32) {
    %c0_i32 = arith.constant 0 : i32
    %c0_i32_0 = arith.constant 0 : i32
    %c0_i32_1 = arith.constant 0 : i32
    return %c0_i32, %c0_i32_0 : i32, i32
  }
  func.func @transform_10(%arg0: i32) -> (i32, i32) {
    %c0_i32 = arith.constant 0 : i32
    %c0_i32_0 = arith.constant 0 : i32
    %c0_i32_1 = arith.constant 0 : i32
    return %c0_i32, %c0_i32_0 : i32, i32
  }
  func.func @transform_11(%arg0: i32) -> (i32, i32) {
    %c0_i32 = arith.constant 0 : i32
    %c0_i32_0 = arith.constant 0 : i32
    %c0_i32_1 = arith.constant 0 : i32
    return %c0_i32, %c0_i32_0 : i32, i32
  }
  func.func @transform_12(%arg0: i32) -> (i32, i32) {
    %c0_i32 = arith.constant 0 : i32
    %c0_i32_0 = arith.constant 0 : i32
    %c0_i32_1 = arith.constant 0 : i32
    return %c0_i32, %c0_i32_0 : i32, i32
  }
  func.func @transform_13(%arg0: i32) -> (i32, i32) {
    %c0_i32 = arith.constant 0 : i32
    %c0_i32_0 = arith.constant 0 : i32
    %c0_i32_1 = arith.constant 0 : i32
    return %c0_i32, %c0_i32_0 : i32, i32
  }
  func.func @transform_14(%arg0: i32) -> (i32, i32) {
    %c0_i32 = arith.constant 0 : i32
    %c0_i32_0 = arith.constant 0 : i32
    %c0_i32_1 = arith.constant 0 : i32
    return %c0_i32, %c0_i32_0 : i32, i32
  }
  func.func @transform_15(%arg0: i32) -> (i32, i32) {
    %c0_i32 = arith.constant 0 : i32
    %c0_i32_0 = arith.constant 0 : i32
    %c0_i32_1 = arith.constant 0 : i32
    return %c0_i32, %c0_i32_0 : i32, i32
  }
  func.func @transform_16(%arg0: i32) -> (i32, i32) {
    %add3A = arith.constant 0 : i32
    %add3A_0 = arith.addi %arg0, %add3A : i32
    %c0_i32 = arith.constant 0 : i32
    %c0_i32_1 = arith.constant 0 : i32
    return %add3A_0, %c0_i32 : i32, i32
  }
  func.func @transform_17(%arg0: i32) -> (i32, i32) {
    %add3A = arith.constant 0 : i32
    %add3A_0 = arith.addi %arg0, %add3A : i32
    %c0_i32 = arith.constant 0 : i32
    %c0_i32_1 = arith.constant 0 : i32
    return %add3A_0, %c0_i32 : i32, i32
  }
}

module attributes {stable_mosaic.version = 14 : i64} {
  func.func @_prop_body(%arg0: i32, %arg1: memref<2000x128xf32, #tpu.memory_space<vmem>>, %arg2: memref<2000x128xf32, #tpu.memory_space<vmem>>, %arg3: memref<2000x64xbf16, #tpu.memory_space<vmem>>, %arg4: memref<2000x64xbf16, #tpu.memory_space<vmem>>, %arg5: memref<64x64xf32, #tpu.memory_space<vmem>>, %arg6: memref<8x64xf32, #tpu.memory_space<vmem>>, %arg7: memref<64x128xf32, #tpu.memory_space<vmem>>, %arg8: memref<8x128xf32, #tpu.memory_space<vmem>>, %arg9: memref<128x384xf32, #tpu.memory_space<vmem>>, %arg10: memref<8x384xf32, #tpu.memory_space<vmem>>, %arg11: memref<128x384xf32, #tpu.memory_space<vmem>>, %arg12: memref<8x384xf32, #tpu.memory_space<vmem>>, %arg13: memref<128x64xf32, #tpu.memory_space<vmem>>, %arg14: memref<64x128xf32, #tpu.memory_space<vmem>>, %arg15: memref<128x128xf32, #tpu.memory_space<vmem>>, %arg16: memref<8x128xf32, #tpu.memory_space<vmem>>, %arg17: memref<160000x128xf32, #tpu.memory_space<any>>, %arg18: memref<2000x128xf32, #tpu.memory_space<vmem>>, %arg19: memref<2000x128xf32, #tpu.memory_space<vmem>>) attributes {dimension_semantics = [#tpu.dimension_semantics<arbitrary>], iteration_bounds = array<i64: 40>, scalar_prefetch = 0 : i64, scratch_operands = 0 : i64, tpu.core_type = #tpu.core_type<tc>, window_params = [{transform_indices = @transform_0, window_bounds = array<i64: 2000, 128>}, {transform_indices = @transform_1, window_bounds = array<i64: 2000, 128>}, {transform_indices = @transform_2, window_bounds = array<i64: 2000, 64>}, {transform_indices = @transform_3, window_bounds = array<i64: 2000, 64>}, {pipeline_mode = #tpu.pipeline_mode<synchronous>, transform_indices = @transform_4, window_bounds = array<i64: 64, 64>}, {pipeline_mode = #tpu.pipeline_mode<synchronous>, transform_indices = @transform_5, window_bounds = array<i64: 8, 64>}, {pipeline_mode = #tpu.pipeline_mode<synchronous>, transform_indices = @transform_6, window_bounds = array<i64: 64, 128>}, {pipeline_mode = #tpu.pipeline_mode<synchronous>, transform_indices = @transform_7, window_bounds = array<i64: 8, 128>}, {pipeline_mode = #tpu.pipeline_mode<synchronous>, transform_indices = @transform_8, window_bounds = array<i64: 128, 384>}, {pipeline_mode = #tpu.pipeline_mode<synchronous>, transform_indices = @transform_9, window_bounds = array<i64: 8, 384>}, {pipeline_mode = #tpu.pipeline_mode<synchronous>, transform_indices = @transform_10, window_bounds = array<i64: 128, 384>}, {pipeline_mode = #tpu.pipeline_mode<synchronous>, transform_indices = @transform_11, window_bounds = array<i64: 8, 384>}, {pipeline_mode = #tpu.pipeline_mode<synchronous>, transform_indices = @transform_12, window_bounds = array<i64: 128, 64>}, {pipeline_mode = #tpu.pipeline_mode<synchronous>, transform_indices = @transform_13, window_bounds = array<i64: 64, 128>}, {pipeline_mode = #tpu.pipeline_mode<synchronous>, transform_indices = @transform_14, window_bounds = array<i64: 128, 128>}, {pipeline_mode = #tpu.pipeline_mode<synchronous>, transform_indices = @transform_15, window_bounds = array<i64: 8, 128>}, {}, {transform_indices = @transform_17, window_bounds = array<i64: 2000, 128>}, {transform_indices = @transform_18, window_bounds = array<i64: 2000, 128>}]} {
    %get3A = arith.constant 0 : index
    %get3A_0 = arith.constant 0 : index
    %get3A_1 = vector.load %arg1[%get3A, %get3A_0] : memref<2000x128xf32, #tpu.memory_space<vmem>>, vector<2000x128xf32>
    %get3A_2 = arith.constant 0 : index
    %get3A_3 = arith.constant 0 : index
    %get3A_4 = vector.load %arg2[%get3A_2, %get3A_3] : memref<2000x128xf32, #tpu.memory_space<vmem>>, vector<2000x128xf32>
    %get3A_5 = arith.constant 0 : index
    %get3A_6 = arith.constant 0 : index
    %get3A_7 = vector.load %arg4[%get3A_5, %get3A_6] : memref<2000x64xbf16, #tpu.memory_space<vmem>>, vector<2000x64xbf16>
    %convert_element_type3A = arith.extf %get3A_7 : vector<2000x64xbf16> to vector<2000x64xf32>
    %slice3A = vector.extract_strided_slice %get3A_1 {offsets = [0, 0], sizes = [2000, 64], strides = [1, 1]} : vector<2000x128xf32> to vector<2000x64xf32>
    %slice3A_8 = vector.extract_strided_slice %get3A_1 {offsets = [0, 64], sizes = [2000, 64], strides = [1, 1]} : vector<2000x128xf32> to vector<2000x64xf32>
    %div3A = arith.divf %slice3A, %slice3A_8 : vector<2000x64xf32>
    %add3A = arith.addf %div3A, %convert_element_type3A : vector<2000x64xf32>
    %max3A = arith.constant 0.000000e+00 : f32
    %max3A_9 = vector.broadcast %max3A : f32 to vector<2000x64xf32>
    %max3A_10 = arith.maximumf %add3A, %max3A_9 : vector<2000x64xf32>
    %get3A_11 = arith.constant 0 : index
    %get3A_12 = arith.constant 0 : index
    %get3A_13 = vector.load %arg5[%get3A_11, %get3A_12] : memref<64x64xf32, #tpu.memory_space<vmem>>, vector<64x64xf32>
    %dot_general3A = arith.constant dense<0.000000e+00> : vector<2000x64xf32>
    %dot_general3A_14 = tpu.matmul %max3A_10, %get3A_13, %dot_general3A {dimension_numbers = #tpu.dot_dimension_numbers<[1], [0], [0], [1], [0, 0, 1, 1], [], []>, transpose_lhs_hint = false} : vector<2000x64xf32>, vector<64x64xf32>, vector<2000x64xf32> -> vector<2000x64xf32>
    %get3A_15 = arith.constant 0 : index
    %get3A_16 = arith.constant 0 : index
    %get3A_17 = vector.load %arg6[%get3A_15, %get3A_16] : memref<8x64xf32, #tpu.memory_space<vmem>>, vector<1x64xf32>
    %add3A_18 = vector.broadcast %get3A_17 : vector<1x64xf32> to vector<2000x64xf32>
    %add3A_19 = arith.addf %dot_general3A_14, %add3A_18 : vector<2000x64xf32>
    %max3A_20 = arith.constant 0.000000e+00 : f32
    %max3A_21 = vector.broadcast %max3A_20 : f32 to vector<2000x64xf32>
    %max3A_22 = arith.maximumf %add3A_19, %max3A_21 : vector<2000x64xf32>
    %get3A_23 = arith.constant 0 : index
    %get3A_24 = arith.constant 0 : index
    %get3A_25 = vector.load %arg7[%get3A_23, %get3A_24] : memref<64x128xf32, #tpu.memory_space<vmem>>, vector<64x128xf32>
    %dot_general3A_26 = arith.constant dense<0.000000e+00> : vector<2000x128xf32>
    %dot_general3A_27 = tpu.matmul %max3A_22, %get3A_25, %dot_general3A_26 {dimension_numbers = #tpu.dot_dimension_numbers<[1], [0], [0], [1], [0, 0, 1, 1], [], []>, transpose_lhs_hint = false} : vector<2000x64xf32>, vector<64x128xf32>, vector<2000x128xf32> -> vector<2000x128xf32>
    %get3A_28 = arith.constant 0 : index
    %get3A_29 = arith.constant 0 : index
    %get3A_30 = vector.load %arg8[%get3A_28, %get3A_29] : memref<8x128xf32, #tpu.memory_space<vmem>>, vector<1x128xf32>
    %add3A_31 = vector.broadcast %get3A_30 : vector<1x128xf32> to vector<2000x128xf32>
    %add3A_32 = arith.addf %dot_general3A_27, %add3A_31 : vector<2000x128xf32>
    %get3A_33 = arith.constant 0 : index
    %get3A_34 = arith.constant 0 : index
    %get3A_35 = vector.load %arg9[%get3A_33, %get3A_34] : memref<128x384xf32, #tpu.memory_space<vmem>>, vector<128x384xf32>
    %dot_general3A_36 = arith.constant dense<0.000000e+00> : vector<2000x384xf32>
    %dot_general3A_37 = tpu.matmul %add3A_32, %get3A_35, %dot_general3A_36 {dimension_numbers = #tpu.dot_dimension_numbers<[1], [0], [0], [1], [0, 0, 1, 1], [], []>, transpose_lhs_hint = false} : vector<2000x128xf32>, vector<128x384xf32>, vector<2000x384xf32> -> vector<2000x384xf32>
    %get3A_38 = arith.constant 0 : index
    %get3A_39 = arith.constant 0 : index
    %get3A_40 = vector.load %arg10[%get3A_38, %get3A_39] : memref<8x384xf32, #tpu.memory_space<vmem>>, vector<1x384xf32>
    %add3A_41 = vector.broadcast %get3A_40 : vector<1x384xf32> to vector<2000x384xf32>
    %add3A_42 = arith.addf %dot_general3A_37, %add3A_41 : vector<2000x384xf32>
    %get3A_43 = arith.constant 0 : index
    %get3A_44 = arith.constant 0 : index
    %get3A_45 = vector.load %arg11[%get3A_43, %get3A_44] : memref<128x384xf32, #tpu.memory_space<vmem>>, vector<128x384xf32>
    %dot_general3A_46 = arith.constant dense<0.000000e+00> : vector<2000x384xf32>
    %dot_general3A_47 = tpu.matmul %get3A_4, %get3A_45, %dot_general3A_46 {dimension_numbers = #tpu.dot_dimension_numbers<[1], [0], [0], [1], [0, 0, 1, 1], [], []>, transpose_lhs_hint = false} : vector<2000x128xf32>, vector<128x384xf32>, vector<2000x384xf32> -> vector<2000x384xf32>
    %get3A_48 = arith.constant 0 : index
    %get3A_49 = arith.constant 0 : index
    %get3A_50 = vector.load %arg12[%get3A_48, %get3A_49] : memref<8x384xf32, #tpu.memory_space<vmem>>, vector<1x384xf32>
    %add3A_51 = vector.broadcast %get3A_50 : vector<1x384xf32> to vector<2000x384xf32>
    %add3A_52 = arith.addf %dot_general3A_47, %add3A_51 : vector<2000x384xf32>
    %slice3A_53 = vector.extract_strided_slice %add3A_42 {offsets = [0, 0], sizes = [2000, 128], strides = [1, 1]} : vector<2000x384xf32> to vector<2000x128xf32>
    %slice3A_54 = vector.extract_strided_slice %add3A_52 {offsets = [0, 0], sizes = [2000, 128], strides = [1, 1]} : vector<2000x384xf32> to vector<2000x128xf32>
    %add3A_55 = arith.addf %slice3A_53, %slice3A_54 : vector<2000x128xf32>
    %logistic3A = arith.negf %add3A_55 : vector<2000x128xf32>
    %logistic3A_56 = math.exp %logistic3A : vector<2000x128xf32>
    %logistic3A_57 = arith.constant 1.000000e+00 : f32
    %logistic3A_58 = vector.broadcast %logistic3A_57 : f32 to vector<2000x128xf32>
    %logistic3A_59 = arith.addf %logistic3A_58, %logistic3A_56 : vector<2000x128xf32>
    %logistic3A_60 = arith.divf %logistic3A_58, %logistic3A_59 : vector<2000x128xf32>
    %slice3A_61 = vector.extract_strided_slice %add3A_42 {offsets = [0, 128], sizes = [2000, 128], strides = [1, 1]} : vector<2000x384xf32> to vector<2000x128xf32>
    %slice3A_62 = vector.extract_strided_slice %add3A_52 {offsets = [0, 128], sizes = [2000, 128], strides = [1, 1]} : vector<2000x384xf32> to vector<2000x128xf32>
    %add3A_63 = arith.addf %slice3A_61, %slice3A_62 : vector<2000x128xf32>
    %logistic3A_64 = arith.negf %add3A_63 : vector<2000x128xf32>
    %logistic3A_65 = math.exp %logistic3A_64 : vector<2000x128xf32>
    %logistic3A_66 = arith.constant 1.000000e+00 : f32
    %logistic3A_67 = vector.broadcast %logistic3A_66 : f32 to vector<2000x128xf32>
    %logistic3A_68 = arith.addf %logistic3A_67, %logistic3A_65 : vector<2000x128xf32>
    %logistic3A_69 = arith.divf %logistic3A_67, %logistic3A_68 : vector<2000x128xf32>
    %slice3A_70 = vector.extract_strided_slice %add3A_42 {offsets = [0, 256], sizes = [2000, 128], strides = [1, 1]} : vector<2000x384xf32> to vector<2000x128xf32>
    %slice3A_71 = vector.extract_strided_slice %add3A_52 {offsets = [0, 256], sizes = [2000, 128], strides = [1, 1]} : vector<2000x384xf32> to vector<2000x128xf32>
    %mul3A = arith.mulf %logistic3A_60, %slice3A_71 : vector<2000x128xf32>
    %add3A_72 = arith.addf %slice3A_70, %mul3A : vector<2000x128xf32>
    %tanh3A = math.tanh %add3A_72 : vector<2000x128xf32>
    %sub3A = arith.constant 1.000000e+00 : f32
    %sub3A_73 = vector.broadcast %sub3A : f32 to vector<2000x128xf32>
    %sub3A_74 = arith.subf %sub3A_73, %logistic3A_69 : vector<2000x128xf32>
    %mul3A_75 = arith.mulf %sub3A_74, %tanh3A : vector<2000x128xf32>
    %mul3A_76 = arith.mulf %logistic3A_69, %get3A_4 : vector<2000x128xf32>
    %add3A_77 = arith.addf %mul3A_75, %mul3A_76 : vector<2000x128xf32>
    %swap3A = arith.constant 0 : index
    %swap3A_78 = arith.constant 0 : index
    %swap3A_79 = vector.load %arg18[%swap3A, %swap3A_78] : memref<2000x128xf32, #tpu.memory_space<vmem>>, vector<2000x128xf32>
    tpu.vector_store %arg18[%swap3A, %swap3A_78], %add3A_77 {strides = array<i32>} : memref<2000x128xf32, #tpu.memory_space<vmem>>, vector<2000x128xf32>,
    %get3A_80 = arith.constant 0 : index
    %get3A_81 = arith.constant 0 : index
    %get3A_82 = vector.load %arg3[%get3A_80, %get3A_81] : memref<2000x64xbf16, #tpu.memory_space<vmem>>, vector<2000x64xbf16>
    %convert_element_type3A_83 = arith.extf %get3A_82 : vector<2000x64xbf16> to vector<2000x64xf32>
    %get3A_84 = arith.constant 0 : index
    %get3A_85 = arith.constant 0 : index
    %get3A_86 = vector.load %arg13[%get3A_84, %get3A_85] : memref<128x64xf32, #tpu.memory_space<vmem>>, vector<128x64xf32>
    %dot_general3A_87 = arith.constant dense<0.000000e+00> : vector<2000x64xf32>
    %dot_general3A_88 = tpu.matmul %add3A_77, %get3A_86, %dot_general3A_87 {dimension_numbers = #tpu.dot_dimension_numbers<[1], [0], [0], [1], [0, 0, 1, 1], [], []>, transpose_lhs_hint = false} : vector<2000x128xf32>, vector<128x64xf32>, vector<2000x64xf32> -> vector<2000x64xf32>
    %add3A_89 = arith.addf %dot_general3A_88, %convert_element_type3A_83 : vector<2000x64xf32>
    %max3A_90 = arith.constant 0.000000e+00 : f32
    %max3A_91 = vector.broadcast %max3A_90 : f32 to vector<2000x64xf32>
    %max3A_92 = arith.maximumf %add3A_89, %max3A_91 : vector<2000x64xf32>
    %get3A_93 = arith.constant 0 : index
    %get3A_94 = arith.constant 0 : index
    %get3A_95 = vector.load %arg14[%get3A_93, %get3A_94] : memref<64x128xf32, #tpu.memory_space<vmem>>, vector<64x128xf32>
    %dot_general3A_96 = arith.constant dense<0.000000e+00> : vector<2000x128xf32>
    %dot_general3A_97 = tpu.matmul %max3A_92, %get3A_95, %dot_general3A_96 {dimension_numbers = #tpu.dot_dimension_numbers<[1], [0], [0], [1], [0, 0, 1, 1], [], []>, transpose_lhs_hint = false} : vector<2000x64xf32>, vector<64x128xf32>, vector<2000x128xf32> -> vector<2000x128xf32>
    %get3A_98 = arith.constant 0 : index
    %get3A_99 = arith.constant 0 : index
    %get3A_100 = vector.load %arg16[%get3A_98, %get3A_99] : memref<8x128xf32, #tpu.memory_space<vmem>>, vector<1x128xf32>
    %add3A_101 = vector.broadcast %get3A_100 : vector<1x128xf32> to vector<2000x128xf32>
    %add3A_102 = arith.addf %dot_general3A_97, %add3A_101 : vector<2000x128xf32>
    %logistic3A_103 = arith.negf %add3A_102 : vector<2000x128xf32>
    %logistic3A_104 = math.exp %logistic3A_103 : vector<2000x128xf32>
    %logistic3A_105 = arith.constant 1.000000e+00 : f32
    %logistic3A_106 = vector.broadcast %logistic3A_105 : f32 to vector<2000x128xf32>
    %logistic3A_107 = arith.addf %logistic3A_106, %logistic3A_104 : vector<2000x128xf32>
    %logistic3A_108 = arith.divf %logistic3A_106, %logistic3A_107 : vector<2000x128xf32>
    %exp3A = math.exp %logistic3A_108 : vector<2000x128xf32>
    %get3A_109 = arith.constant 0 : index
    %get3A_110 = arith.constant 0 : index
    %get3A_111 = vector.load %arg15[%get3A_109, %get3A_110] : memref<128x128xf32, #tpu.memory_space<vmem>>, vector<128x128xf32>
    %dot_general3A_112 = arith.constant dense<0.000000e+00> : vector<2000x128xf32>
    %dot_general3A_113 = tpu.matmul %add3A_77, %get3A_111, %dot_general3A_112 {dimension_numbers = #tpu.dot_dimension_numbers<[1], [0], [0], [1], [0, 0, 1, 1], [], []>, transpose_lhs_hint = false} : vector<2000x128xf32>, vector<128x128xf32>, vector<2000x128xf32> -> vector<2000x128xf32>
    %get3A_114 = arith.constant 1 : index
    %get3A_115 = arith.constant 0 : index
    %get3A_116 = vector.load %arg16[%get3A_114, %get3A_115] : memref<8x128xf32, #tpu.memory_space<vmem>>, vector<1x128xf32>
    %add3A_117 = vector.broadcast %get3A_116 : vector<1x128xf32> to vector<2000x128xf32>
    %add3A_118 = arith.addf %dot_general3A_113, %add3A_117 : vector<2000x128xf32>
    %mul3A_119 = arith.mulf %exp3A, %add3A_118 : vector<2000x128xf32>
    %swap3A_120 = arith.constant 0 : index
    %swap3A_121 = arith.constant 0 : index
    %swap3A_122 = vector.load %arg19[%swap3A_120, %swap3A_121] : memref<2000x128xf32, #tpu.memory_space<vmem>>, vector<2000x128xf32>
    tpu.vector_store %arg19[%swap3A_120, %swap3A_121], %mul3A_119 {strides = array<i32>} : memref<2000x128xf32, #tpu.memory_space<vmem>>, vector<2000x128xf32>,
    return
  }
  func.func @transform_0(%arg0: i32) -> (i32, i32) {
    %add3A = arith.constant 0 : i32
    %add3A_0 = arith.addi %arg0, %add3A : i32
    %c0_i32 = arith.constant 0 : i32
    %c0_i32_1 = arith.constant 0 : i32
    return %add3A_0, %c0_i32 : i32, i32
  }
  func.func @transform_1(%arg0: i32) -> (i32, i32) {
    %add3A = arith.constant 0 : i32
    %add3A_0 = arith.addi %arg0, %add3A : i32
    %c0_i32 = arith.constant 0 : i32
    %c0_i32_1 = arith.constant 0 : i32
    return %add3A_0, %c0_i32 : i32, i32
  }
  func.func @transform_2(%arg0: i32) -> (i32, i32) {
    %add3A = arith.constant 0 : i32
    %add3A_0 = arith.addi %arg0, %add3A : i32
    %c0_i32 = arith.constant 0 : i32
    %c0_i32_1 = arith.constant 0 : i32
    return %add3A_0, %c0_i32 : i32, i32
  }
  func.func @transform_3(%arg0: i32) -> (i32, i32) {
    %add3A = arith.constant 0 : i32
    %add3A_0 = arith.addi %arg0, %add3A : i32
    %c0_i32 = arith.constant 0 : i32
    %c0_i32_1 = arith.constant 0 : i32
    return %add3A_0, %c0_i32 : i32, i32
  }
  func.func @transform_4(%arg0: i32) -> (i32, i32) {
    %c0_i32 = arith.constant 0 : i32
    %c0_i32_0 = arith.constant 0 : i32
    %c0_i32_1 = arith.constant 0 : i32
    return %c0_i32, %c0_i32_0 : i32, i32
  }
  func.func @transform_5(%arg0: i32) -> (i32, i32) {
    %c0_i32 = arith.constant 0 : i32
    %c0_i32_0 = arith.constant 0 : i32
    %c0_i32_1 = arith.constant 0 : i32
    return %c0_i32, %c0_i32_0 : i32, i32
  }
  func.func @transform_6(%arg0: i32) -> (i32, i32) {
    %c0_i32 = arith.constant 0 : i32
    %c0_i32_0 = arith.constant 0 : i32
    %c0_i32_1 = arith.constant 0 : i32
    return %c0_i32, %c0_i32_0 : i32, i32
  }
  func.func @transform_7(%arg0: i32) -> (i32, i32) {
    %c0_i32 = arith.constant 0 : i32
    %c0_i32_0 = arith.constant 0 : i32
    %c0_i32_1 = arith.constant 0 : i32
    return %c0_i32, %c0_i32_0 : i32, i32
  }
  func.func @transform_8(%arg0: i32) -> (i32, i32) {
    %c0_i32 = arith.constant 0 : i32
    %c0_i32_0 = arith.constant 0 : i32
    %c0_i32_1 = arith.constant 0 : i32
    return %c0_i32, %c0_i32_0 : i32, i32
  }
  func.func @transform_9(%arg0: i32) -> (i32, i32) {
    %c0_i32 = arith.constant 0 : i32
    %c0_i32_0 = arith.constant 0 : i32
    %c0_i32_1 = arith.constant 0 : i32
    return %c0_i32, %c0_i32_0 : i32, i32
  }
  func.func @transform_10(%arg0: i32) -> (i32, i32) {
    %c0_i32 = arith.constant 0 : i32
    %c0_i32_0 = arith.constant 0 : i32
    %c0_i32_1 = arith.constant 0 : i32
    return %c0_i32, %c0_i32_0 : i32, i32
  }
  func.func @transform_11(%arg0: i32) -> (i32, i32) {
    %c0_i32 = arith.constant 0 : i32
    %c0_i32_0 = arith.constant 0 : i32
    %c0_i32_1 = arith.constant 0 : i32
    return %c0_i32, %c0_i32_0 : i32, i32
  }
  func.func @transform_12(%arg0: i32) -> (i32, i32) {
    %c0_i32 = arith.constant 0 : i32
    %c0_i32_0 = arith.constant 0 : i32
    %c0_i32_1 = arith.constant 0 : i32
    return %c0_i32, %c0_i32_0 : i32, i32
  }
  func.func @transform_13(%arg0: i32) -> (i32, i32) {
    %c0_i32 = arith.constant 0 : i32
    %c0_i32_0 = arith.constant 0 : i32
    %c0_i32_1 = arith.constant 0 : i32
    return %c0_i32, %c0_i32_0 : i32, i32
  }
  func.func @transform_14(%arg0: i32) -> (i32, i32) {
    %c0_i32 = arith.constant 0 : i32
    %c0_i32_0 = arith.constant 0 : i32
    %c0_i32_1 = arith.constant 0 : i32
    return %c0_i32, %c0_i32_0 : i32, i32
  }
  func.func @transform_15(%arg0: i32) -> (i32, i32) {
    %c0_i32 = arith.constant 0 : i32
    %c0_i32_0 = arith.constant 0 : i32
    %c0_i32_1 = arith.constant 0 : i32
    return %c0_i32, %c0_i32_0 : i32, i32
  }
  func.func @transform_17(%arg0: i32) -> (i32, i32) {
    %add3A = arith.constant 0 : i32
    %add3A_0 = arith.addi %arg0, %add3A : i32
    %c0_i32 = arith.constant 0 : i32
    %c0_i32_1 = arith.constant 0 : i32
    return %add3A_0, %c0_i32 : i32, i32
  }
  func.func @transform_18(%arg0: i32) -> (i32, i32) {
    %add3A = arith.constant 40 : i32
    %add3A_0 = arith.addi %arg0, %add3A : i32
    %c0_i32 = arith.constant 0 : i32
    %c0_i32_1 = arith.constant 0 : i32
    return %add3A_0, %c0_i32 : i32, i32
  }
}

module attributes {stable_mosaic.version = 14 : i64} {
  func.func @_prop_body(%arg0: i32, %arg1: memref<2000x128xf32, #tpu.memory_space<vmem>>, %arg2: memref<2000x128xf32, #tpu.memory_space<vmem>>, %arg3: memref<2000x64xbf16, #tpu.memory_space<vmem>>, %arg4: memref<64x64xf32, #tpu.memory_space<vmem>>, %arg5: memref<8x64xf32, #tpu.memory_space<vmem>>, %arg6: memref<64x128xf32, #tpu.memory_space<vmem>>, %arg7: memref<8x128xf32, #tpu.memory_space<vmem>>, %arg8: memref<128x384xf32, #tpu.memory_space<vmem>>, %arg9: memref<8x384xf32, #tpu.memory_space<vmem>>, %arg10: memref<128x384xf32, #tpu.memory_space<vmem>>, %arg11: memref<8x384xf32, #tpu.memory_space<vmem>>, %arg12: memref<128x64xf32, #tpu.memory_space<vmem>>, %arg13: memref<64x128xf32, #tpu.memory_space<vmem>>, %arg14: memref<128x128xf32, #tpu.memory_space<vmem>>, %arg15: memref<8x128xf32, #tpu.memory_space<vmem>>, %arg16: memref<8x64xf32, #tpu.memory_space<vmem>>, %arg17: memref<2000x128xf32, #tpu.memory_space<vmem>>) attributes {dimension_semantics = [#tpu.dimension_semantics<arbitrary>], iteration_bounds = array<i64: 40>, scalar_prefetch = 0 : i64, scratch_operands = 0 : i64, tpu.core_type = #tpu.core_type<tc>, window_params = [{transform_indices = @transform_0, window_bounds = array<i64: 2000, 128>}, {transform_indices = @transform_1, window_bounds = array<i64: 2000, 128>}, {transform_indices = @transform_2, window_bounds = array<i64: 2000, 64>}, {pipeline_mode = #tpu.pipeline_mode<synchronous>, transform_indices = @transform_3, window_bounds = array<i64: 64, 64>}, {pipeline_mode = #tpu.pipeline_mode<synchronous>, transform_indices = @transform_4, window_bounds = array<i64: 8, 64>}, {pipeline_mode = #tpu.pipeline_mode<synchronous>, transform_indices = @transform_5, window_bounds = array<i64: 64, 128>}, {pipeline_mode = #tpu.pipeline_mode<synchronous>, transform_indices = @transform_6, window_bounds = array<i64: 8, 128>}, {pipeline_mode = #tpu.pipeline_mode<synchronous>, transform_indices = @transform_7, window_bounds = array<i64: 128, 384>}, {pipeline_mode = #tpu.pipeline_mode<synchronous>, transform_indices = @transform_8, window_bounds = array<i64: 8, 384>}, {pipeline_mode = #tpu.pipeline_mode<synchronous>, transform_indices = @transform_9, window_bounds = array<i64: 128, 384>}, {pipeline_mode = #tpu.pipeline_mode<synchronous>, transform_indices = @transform_10, window_bounds = array<i64: 8, 384>}, {pipeline_mode = #tpu.pipeline_mode<synchronous>, transform_indices = @transform_11, window_bounds = array<i64: 128, 64>}, {pipeline_mode = #tpu.pipeline_mode<synchronous>, transform_indices = @transform_12, window_bounds = array<i64: 64, 128>}, {pipeline_mode = #tpu.pipeline_mode<synchronous>, transform_indices = @transform_13, window_bounds = array<i64: 128, 128>}, {pipeline_mode = #tpu.pipeline_mode<synchronous>, transform_indices = @transform_14, window_bounds = array<i64: 8, 128>}, {pipeline_mode = #tpu.pipeline_mode<synchronous>, transform_indices = @transform_15, window_bounds = array<i64: 8, 64>}, {transform_indices = @transform_16, window_bounds = array<i64: 2000, 128>}]} {
    %get3A = arith.constant 0 : index
    %get3A_0 = arith.constant 0 : index
    %get3A_1 = vector.load %arg1[%get3A, %get3A_0] : memref<2000x128xf32, #tpu.memory_space<vmem>>, vector<2000x128xf32>
    %get3A_2 = arith.constant 0 : index
    %get3A_3 = arith.constant 0 : index
    %get3A_4 = vector.load %arg2[%get3A_2, %get3A_3] : memref<2000x128xf32, #tpu.memory_space<vmem>>, vector<2000x128xf32>
    %get3A_5 = arith.constant 0 : index
    %get3A_6 = arith.constant 0 : index
    %get3A_7 = vector.load %arg3[%get3A_5, %get3A_6] : memref<2000x64xbf16, #tpu.memory_space<vmem>>, vector<2000x64xbf16>
    %convert_element_type3A = arith.extf %get3A_7 : vector<2000x64xbf16> to vector<2000x64xf32>
    %slice3A = vector.extract_strided_slice %get3A_1 {offsets = [0, 0], sizes = [2000, 64], strides = [1, 1]} : vector<2000x128xf32> to vector<2000x64xf32>
    %slice3A_8 = vector.extract_strided_slice %get3A_1 {offsets = [0, 64], sizes = [2000, 64], strides = [1, 1]} : vector<2000x128xf32> to vector<2000x64xf32>
    %div3A = arith.divf %slice3A, %slice3A_8 : vector<2000x64xf32>
    %add3A = arith.addf %div3A, %convert_element_type3A : vector<2000x64xf32>
    %max3A = arith.constant 0.000000e+00 : f32
    %max3A_9 = vector.broadcast %max3A : f32 to vector<2000x64xf32>
    %max3A_10 = arith.maximumf %add3A, %max3A_9 : vector<2000x64xf32>
    %get3A_11 = arith.constant 0 : index
    %get3A_12 = arith.constant 0 : index
    %get3A_13 = vector.load %arg4[%get3A_11, %get3A_12] : memref<64x64xf32, #tpu.memory_space<vmem>>, vector<64x64xf32>
    %dot_general3A = arith.constant dense<0.000000e+00> : vector<2000x64xf32>
    %dot_general3A_14 = tpu.matmul %max3A_10, %get3A_13, %dot_general3A {dimension_numbers = #tpu.dot_dimension_numbers<[1], [0], [0], [1], [0, 0, 1, 1], [], []>, transpose_lhs_hint = false} : vector<2000x64xf32>, vector<64x64xf32>, vector<2000x64xf32> -> vector<2000x64xf32>
    %get3A_15 = arith.constant 0 : index
    %get3A_16 = arith.constant 0 : index
    %get3A_17 = vector.load %arg5[%get3A_15, %get3A_16] : memref<8x64xf32, #tpu.memory_space<vmem>>, vector<1x64xf32>
    %add3A_18 = vector.broadcast %get3A_17 : vector<1x64xf32> to vector<2000x64xf32>
    %add3A_19 = arith.addf %dot_general3A_14, %add3A_18 : vector<2000x64xf32>
    %max3A_20 = arith.constant 0.000000e+00 : f32
    %max3A_21 = vector.broadcast %max3A_20 : f32 to vector<2000x64xf32>
    %max3A_22 = arith.maximumf %add3A_19, %max3A_21 : vector<2000x64xf32>
    %get3A_23 = arith.constant 0 : index
    %get3A_24 = arith.constant 0 : index
    %get3A_25 = vector.load %arg6[%get3A_23, %get3A_24] : memref<64x128xf32, #tpu.memory_space<vmem>>, vector<64x128xf32>
    %dot_general3A_26 = arith.constant dense<0.000000e+00> : vector<2000x128xf32>
    %dot_general3A_27 = tpu.matmul %max3A_22, %get3A_25, %dot_general3A_26 {dimension_numbers = #tpu.dot_dimension_numbers<[1], [0], [0], [1], [0, 0, 1, 1], [], []>, transpose_lhs_hint = false} : vector<2000x64xf32>, vector<64x128xf32>, vector<2000x128xf32> -> vector<2000x128xf32>
    %get3A_28 = arith.constant 0 : index
    %get3A_29 = arith.constant 0 : index
    %get3A_30 = vector.load %arg7[%get3A_28, %get3A_29] : memref<8x128xf32, #tpu.memory_space<vmem>>, vector<1x128xf32>
    %add3A_31 = vector.broadcast %get3A_30 : vector<1x128xf32> to vector<2000x128xf32>
    %add3A_32 = arith.addf %dot_general3A_27, %add3A_31 : vector<2000x128xf32>
    %get3A_33 = arith.constant 0 : index
    %get3A_34 = arith.constant 0 : index
    %get3A_35 = vector.load %arg8[%get3A_33, %get3A_34] : memref<128x384xf32, #tpu.memory_space<vmem>>, vector<128x384xf32>
    %dot_general3A_36 = arith.constant dense<0.000000e+00> : vector<2000x384xf32>
    %dot_general3A_37 = tpu.matmul %add3A_32, %get3A_35, %dot_general3A_36 {dimension_numbers = #tpu.dot_dimension_numbers<[1], [0], [0], [1], [0, 0, 1, 1], [], []>, transpose_lhs_hint = false} : vector<2000x128xf32>, vector<128x384xf32>, vector<2000x384xf32> -> vector<2000x384xf32>
    %get3A_38 = arith.constant 0 : index
    %get3A_39 = arith.constant 0 : index
    %get3A_40 = vector.load %arg9[%get3A_38, %get3A_39] : memref<8x384xf32, #tpu.memory_space<vmem>>, vector<1x384xf32>
    %add3A_41 = vector.broadcast %get3A_40 : vector<1x384xf32> to vector<2000x384xf32>
    %add3A_42 = arith.addf %dot_general3A_37, %add3A_41 : vector<2000x384xf32>
    %get3A_43 = arith.constant 0 : index
    %get3A_44 = arith.constant 0 : index
    %get3A_45 = vector.load %arg10[%get3A_43, %get3A_44] : memref<128x384xf32, #tpu.memory_space<vmem>>, vector<128x384xf32>
    %dot_general3A_46 = arith.constant dense<0.000000e+00> : vector<2000x384xf32>
    %dot_general3A_47 = tpu.matmul %get3A_4, %get3A_45, %dot_general3A_46 {dimension_numbers = #tpu.dot_dimension_numbers<[1], [0], [0], [1], [0, 0, 1, 1], [], []>, transpose_lhs_hint = false} : vector<2000x128xf32>, vector<128x384xf32>, vector<2000x384xf32> -> vector<2000x384xf32>
    %get3A_48 = arith.constant 0 : index
    %get3A_49 = arith.constant 0 : index
    %get3A_50 = vector.load %arg11[%get3A_48, %get3A_49] : memref<8x384xf32, #tpu.memory_space<vmem>>, vector<1x384xf32>
    %add3A_51 = vector.broadcast %get3A_50 : vector<1x384xf32> to vector<2000x384xf32>
    %add3A_52 = arith.addf %dot_general3A_47, %add3A_51 : vector<2000x384xf32>
    %slice3A_53 = vector.extract_strided_slice %add3A_42 {offsets = [0, 0], sizes = [2000, 128], strides = [1, 1]} : vector<2000x384xf32> to vector<2000x128xf32>
    %slice3A_54 = vector.extract_strided_slice %add3A_52 {offsets = [0, 0], sizes = [2000, 128], strides = [1, 1]} : vector<2000x384xf32> to vector<2000x128xf32>
    %add3A_55 = arith.addf %slice3A_53, %slice3A_54 : vector<2000x128xf32>
    %logistic3A = arith.negf %add3A_55 : vector<2000x128xf32>
    %logistic3A_56 = math.exp %logistic3A : vector<2000x128xf32>
    %logistic3A_57 = arith.constant 1.000000e+00 : f32
    %logistic3A_58 = vector.broadcast %logistic3A_57 : f32 to vector<2000x128xf32>
    %logistic3A_59 = arith.addf %logistic3A_58, %logistic3A_56 : vector<2000x128xf32>
    %logistic3A_60 = arith.divf %logistic3A_58, %logistic3A_59 : vector<2000x128xf32>
    %slice3A_61 = vector.extract_strided_slice %add3A_42 {offsets = [0, 128], sizes = [2000, 128], strides = [1, 1]} : vector<2000x384xf32> to vector<2000x128xf32>
    %slice3A_62 = vector.extract_strided_slice %add3A_52 {offsets = [0, 128], sizes = [2000, 128], strides = [1, 1]} : vector<2000x384xf32> to vector<2000x128xf32>
    %add3A_63 = arith.addf %slice3A_61, %slice3A_62 : vector<2000x128xf32>
    %logistic3A_64 = arith.negf %add3A_63 : vector<2000x128xf32>
    %logistic3A_65 = math.exp %logistic3A_64 : vector<2000x128xf32>
    %logistic3A_66 = arith.constant 1.000000e+00 : f32
    %logistic3A_67 = vector.broadcast %logistic3A_66 : f32 to vector<2000x128xf32>
    %logistic3A_68 = arith.addf %logistic3A_67, %logistic3A_65 : vector<2000x128xf32>
    %logistic3A_69 = arith.divf %logistic3A_67, %logistic3A_68 : vector<2000x128xf32>
    %slice3A_70 = vector.extract_strided_slice %add3A_42 {offsets = [0, 256], sizes = [2000, 128], strides = [1, 1]} : vector<2000x384xf32> to vector<2000x128xf32>
    %slice3A_71 = vector.extract_strided_slice %add3A_52 {offsets = [0, 256], sizes = [2000, 128], strides = [1, 1]} : vector<2000x384xf32> to vector<2000x128xf32>
    %mul3A = arith.mulf %logistic3A_60, %slice3A_71 : vector<2000x128xf32>
    %add3A_72 = arith.addf %slice3A_70, %mul3A : vector<2000x128xf32>
    %tanh3A = math.tanh %add3A_72 : vector<2000x128xf32>
    %sub3A = arith.constant 1.000000e+00 : f32
    %sub3A_73 = vector.broadcast %sub3A : f32 to vector<2000x128xf32>
    %sub3A_74 = arith.subf %sub3A_73, %logistic3A_69 : vector<2000x128xf32>
    %mul3A_75 = arith.mulf %sub3A_74, %tanh3A : vector<2000x128xf32>
    %mul3A_76 = arith.mulf %logistic3A_69, %get3A_4 : vector<2000x128xf32>
    %add3A_77 = arith.addf %mul3A_75, %mul3A_76 : vector<2000x128xf32>
    %get3A_78 = arith.constant 0 : index
    %get3A_79 = arith.constant 0 : index
    %get3A_80 = vector.load %arg16[%get3A_78, %get3A_79] : memref<8x64xf32, #tpu.memory_space<vmem>>, vector<8x64xf32>
    %get3A_81 = arith.constant 0 : index
    %get3A_82 = arith.constant 0 : index
    %get3A_83 = vector.load %arg15[%get3A_81, %get3A_82] : memref<8x128xf32, #tpu.memory_space<vmem>>, vector<8x128xf32>
    %get3A_84 = arith.constant 0 : index
    %get3A_85 = arith.constant 0 : index
    %get3A_86 = vector.load %arg12[%get3A_84, %get3A_85] : memref<128x64xf32, #tpu.memory_space<vmem>>, vector<128x64xf32>
    %dot_general3A_87 = arith.constant dense<0.000000e+00> : vector<2000x64xf32>
    %dot_general3A_88 = tpu.matmul %add3A_77, %get3A_86, %dot_general3A_87 {dimension_numbers = #tpu.dot_dimension_numbers<[1], [0], [0], [1], [0, 0, 1, 1], [], []>, transpose_lhs_hint = false} : vector<2000x128xf32>, vector<128x64xf32>, vector<2000x64xf32> -> vector<2000x64xf32>
    %slice3A_89 = vector.extract_strided_slice %get3A_80 {offsets = [2, 0], sizes = [1, 64], strides = [1, 1]} : vector<8x64xf32> to vector<1x64xf32>
    %add3A_90 = vector.broadcast %slice3A_89 : vector<1x64xf32> to vector<2000x64xf32>
    %add3A_91 = arith.addf %dot_general3A_88, %add3A_90 : vector<2000x64xf32>
    %max3A_92 = arith.constant 0.000000e+00 : f32
    %max3A_93 = vector.broadcast %max3A_92 : f32 to vector<2000x64xf32>
    %max3A_94 = arith.maximumf %add3A_91, %max3A_93 : vector<2000x64xf32>
    %get3A_95 = arith.constant 0 : index
    %get3A_96 = arith.constant 0 : index
    %get3A_97 = vector.load %arg13[%get3A_95, %get3A_96] : memref<64x128xf32, #tpu.memory_space<vmem>>, vector<64x128xf32>
    %dot_general3A_98 = arith.constant dense<0.000000e+00> : vector<2000x128xf32>
    %dot_general3A_99 = tpu.matmul %max3A_94, %get3A_97, %dot_general3A_98 {dimension_numbers = #tpu.dot_dimension_numbers<[1], [0], [0], [1], [0, 0, 1, 1], [], []>, transpose_lhs_hint = false} : vector<2000x64xf32>, vector<64x128xf32>, vector<2000x128xf32> -> vector<2000x128xf32>
    %slice3A_100 = vector.extract_strided_slice %get3A_83 {offsets = [2, 0], sizes = [1, 128], strides = [1, 1]} : vector<8x128xf32> to vector<1x128xf32>
    %add3A_101 = vector.broadcast %slice3A_100 : vector<1x128xf32> to vector<2000x128xf32>
    %add3A_102 = arith.addf %dot_general3A_99, %add3A_101 : vector<2000x128xf32>
    %logistic3A_103 = arith.negf %add3A_102 : vector<2000x128xf32>
    %logistic3A_104 = math.exp %logistic3A_103 : vector<2000x128xf32>
    %logistic3A_105 = arith.constant 1.000000e+00 : f32
    %logistic3A_106 = vector.broadcast %logistic3A_105 : f32 to vector<2000x128xf32>
    %logistic3A_107 = arith.addf %logistic3A_106, %logistic3A_104 : vector<2000x128xf32>
    %logistic3A_108 = arith.divf %logistic3A_106, %logistic3A_107 : vector<2000x128xf32>
    %exp3A = math.exp %logistic3A_108 : vector<2000x128xf32>
    %get3A_109 = arith.constant 0 : index
    %get3A_110 = arith.constant 0 : index
    %get3A_111 = vector.load %arg14[%get3A_109, %get3A_110] : memref<128x128xf32, #tpu.memory_space<vmem>>, vector<128x128xf32>
    %dot_general3A_112 = arith.constant dense<0.000000e+00> : vector<2000x128xf32>
    %dot_general3A_113 = tpu.matmul %add3A_77, %get3A_111, %dot_general3A_112 {dimension_numbers = #tpu.dot_dimension_numbers<[1], [0], [0], [1], [0, 0, 1, 1], [], []>, transpose_lhs_hint = false} : vector<2000x128xf32>, vector<128x128xf32>, vector<2000x128xf32> -> vector<2000x128xf32>
    %slice3A_114 = vector.extract_strided_slice %get3A_83 {offsets = [1, 0], sizes = [1, 128], strides = [1, 1]} : vector<8x128xf32> to vector<1x128xf32>
    %add3A_115 = vector.broadcast %slice3A_114 : vector<1x128xf32> to vector<2000x128xf32>
    %add3A_116 = arith.addf %dot_general3A_113, %add3A_115 : vector<2000x128xf32>
    %mul3A_117 = arith.mulf %exp3A, %add3A_116 : vector<2000x128xf32>
    %jit3A = arith.constant 8 : i32
    %eq3A = arith.constant 0 : i32
    %eq3A_118 = arith.cmpi eq, %jit3A, %eq3A : i32
    %jit3A_119 = arith.constant 1 : i32
    %select_n3A = arith.select %eq3A_118, %jit3A_119, %jit3A : i32
    %rem3A = arith.remsi %arg0, %select_n3A : i32
    %ne3A = arith.constant 0 : i32
    %ne3A_120 = arith.cmpi ne, %rem3A, %ne3A : i32
    %lt3A = arith.constant 0 : i32
    %lt3A_121 = arith.cmpi slt, %rem3A, %lt3A : i32
    %lt3A_122 = arith.constant 0 : i32
    %lt3A_123 = arith.cmpi slt, %select_n3A, %lt3A_122 : i32
    %ne3A_124 = arith.xori %lt3A_121, %lt3A_123 : i1
    %and3A = arith.andi %ne3A_124, %ne3A_120 : i1
    %add3A_125 = arith.addi %rem3A, %select_n3A : i32
    %select_n3A_126 = arith.select %and3A, %add3A_125, %rem3A : i32
    %eq3A_127 = arith.constant 0 : i32
    %eq3A_128 = arith.cmpi eq, %select_n3A_126, %eq3A_127 : i32
    %convert_element_type3A_129 = arith.extui %eq3A_128 : i1 to i32
    %cond3A = arith.constant 0 : i32
    %cond3A_130 = arith.cmpi ne, %convert_element_type3A_129, %cond3A : i32
    scf.if %cond3A_130 {
      %swap3A = arith.constant 0 : index
      %swap3A_152 = arith.constant 0 : index
      %swap3A_153 = vector.load %arg17[%swap3A, %swap3A_152] : memref<2000x128xf32, #tpu.memory_space<vmem>>, vector<2000x128xf32>
      tpu.vector_store %arg17[%swap3A, %swap3A_152], %mul3A_117 {strides = array<i32>} : memref<2000x128xf32, #tpu.memory_space<vmem>>, vector<2000x128xf32>,
    } else {
    }
    %jit3A_131 = arith.constant 8 : i32
    %eq3A_132 = arith.constant 0 : i32
    %eq3A_133 = arith.cmpi eq, %jit3A_131, %eq3A_132 : i32
    %jit3A_134 = arith.constant 1 : i32
    %select_n3A_135 = arith.select %eq3A_133, %jit3A_134, %jit3A_131 : i32
    %rem3A_136 = arith.remsi %arg0, %select_n3A_135 : i32
    %ne3A_137 = arith.constant 0 : i32
    %ne3A_138 = arith.cmpi ne, %rem3A_136, %ne3A_137 : i32
    %lt3A_139 = arith.constant 0 : i32
    %lt3A_140 = arith.cmpi slt, %rem3A_136, %lt3A_139 : i32
    %lt3A_141 = arith.constant 0 : i32
    %lt3A_142 = arith.cmpi slt, %select_n3A_135, %lt3A_141 : i32
    %ne3A_143 = arith.xori %lt3A_140, %lt3A_142 : i1
    %and3A_144 = arith.andi %ne3A_143, %ne3A_138 : i1
    %add3A_145 = arith.addi %rem3A_136, %select_n3A_135 : i32
    %select_n3A_146 = arith.select %and3A_144, %add3A_145, %rem3A_136 : i32
    %ne3A_147 = arith.constant 0 : i32
    %ne3A_148 = arith.cmpi ne, %select_n3A_146, %ne3A_147 : i32
    %convert_element_type3A_149 = arith.extui %ne3A_148 : i1 to i32
    %cond3A_150 = arith.constant 0 : i32
    %cond3A_151 = arith.cmpi ne, %convert_element_type3A_149, %cond3A_150 : i32
    scf.if %cond3A_151 {
      %get3A_152 = arith.constant 0 : index
      %get3A_153 = arith.constant 0 : index
      %get3A_154 = vector.load %arg17[%get3A_152, %get3A_153] : memref<2000x128xf32, #tpu.memory_space<vmem>>, vector<2000x128xf32>
      %add3A_155 = arith.addf %get3A_154, %mul3A_117 : vector<2000x128xf32>
      %swap3A = arith.constant 0 : index
      %swap3A_156 = arith.constant 0 : index
      %swap3A_157 = vector.load %arg17[%swap3A, %swap3A_156] : memref<2000x128xf32, #tpu.memory_space<vmem>>, vector<2000x128xf32>
      tpu.vector_store %arg17[%swap3A, %swap3A_156], %add3A_155 {strides = array<i32>} : memref<2000x128xf32, #tpu.memory_space<vmem>>, vector<2000x128xf32>,
    } else {
    }
    return
  }
  func.func @transform_0(%arg0: i32) -> (i32, i32) {
    %jit3A = arith.constant 8 : i32
    %eq3A = arith.constant 0 : i32
    %eq3A_0 = arith.cmpi eq, %jit3A, %eq3A : i32
    %jit3A_1 = arith.constant 1 : i32
    %select_n3A = arith.select %eq3A_0, %jit3A_1, %jit3A : i32
    %rem3A = arith.remsi %arg0, %select_n3A : i32
    %ne3A = arith.constant 0 : i32
    %ne3A_2 = arith.cmpi ne, %rem3A, %ne3A : i32
    %lt3A = arith.constant 0 : i32
    %lt3A_3 = arith.cmpi slt, %rem3A, %lt3A : i32
    %lt3A_4 = arith.constant 0 : i32
    %lt3A_5 = arith.cmpi slt, %select_n3A, %lt3A_4 : i32
    %ne3A_6 = arith.xori %lt3A_3, %lt3A_5 : i1
    %and3A = arith.andi %ne3A_6, %ne3A_2 : i1
    %add3A = arith.addi %rem3A, %select_n3A : i32
    %select_n3A_7 = arith.select %and3A, %add3A, %rem3A : i32
    %mul3A = arith.constant 5 : i32
    %mul3A_8 = arith.muli %select_n3A_7, %mul3A : i32
    %jit3A_9 = arith.constant 8 : i32
    %div3A = arith.divsi %arg0, %jit3A_9 : i32
    %sign3A = arith.constant 0 : i32
    %sign3A_10 = arith.cmpi sgt, %arg0, %sign3A : i32
    %sign3A_11 = arith.extui %sign3A_10 : i1 to i32
    %sign3A_12 = arith.constant 0 : i32
    %sign3A_13 = arith.cmpi slt, %arg0, %sign3A_12 : i32
    %sign3A_14 = arith.extui %sign3A_13 : i1 to i32
    %sign3A_15 = arith.subi %sign3A_11, %sign3A_14 : i32
    %sign3A_16 = arith.constant 0 : i32
    %sign3A_17 = arith.cmpi sgt, %jit3A_9, %sign3A_16 : i32
    %sign3A_18 = arith.extui %sign3A_17 : i1 to i32
    %sign3A_19 = arith.constant 0 : i32
    %sign3A_20 = arith.cmpi slt, %jit3A_9, %sign3A_19 : i32
    %sign3A_21 = arith.extui %sign3A_20 : i1 to i32
    %sign3A_22 = arith.subi %sign3A_18, %sign3A_21 : i32
    %ne3A_23 = arith.cmpi ne, %sign3A_15, %sign3A_22 : i32
    %rem3A_24 = arith.remsi %arg0, %jit3A_9 : i32
    %ne3A_25 = arith.constant 0 : i32
    %ne3A_26 = arith.cmpi ne, %rem3A_24, %ne3A_25 : i32
    %and3A_27 = arith.andi %ne3A_23, %ne3A_26 : i1
    %sub3A = arith.constant 1 : i32
    %sub3A_28 = arith.subi %div3A, %sub3A : i32
    %select_n3A_29 = arith.select %and3A_27, %sub3A_28, %div3A : i32
    %add3A_30 = arith.addi %mul3A_8, %select_n3A_29 : i32
    %c0_i32 = arith.constant 0 : i32
    %c0_i32_31 = arith.constant 0 : i32
    return %add3A_30, %c0_i32 : i32, i32
  }
  func.func @transform_1(%arg0: i32) -> (i32, i32) {
    %jit3A = arith.constant 8 : i32
    %eq3A = arith.constant 0 : i32
    %eq3A_0 = arith.cmpi eq, %jit3A, %eq3A : i32
    %jit3A_1 = arith.constant 1 : i32
    %select_n3A = arith.select %eq3A_0, %jit3A_1, %jit3A : i32
    %rem3A = arith.remsi %arg0, %select_n3A : i32
    %ne3A = arith.constant 0 : i32
    %ne3A_2 = arith.cmpi ne, %rem3A, %ne3A : i32
    %lt3A = arith.constant 0 : i32
    %lt3A_3 = arith.cmpi slt, %rem3A, %lt3A : i32
    %lt3A_4 = arith.constant 0 : i32
    %lt3A_5 = arith.cmpi slt, %select_n3A, %lt3A_4 : i32
    %ne3A_6 = arith.xori %lt3A_3, %lt3A_5 : i1
    %and3A = arith.andi %ne3A_6, %ne3A_2 : i1
    %add3A = arith.addi %rem3A, %select_n3A : i32
    %select_n3A_7 = arith.select %and3A, %add3A, %rem3A : i32
    %mul3A = arith.constant 5 : i32
    %mul3A_8 = arith.muli %select_n3A_7, %mul3A : i32
    %jit3A_9 = arith.constant 8 : i32
    %div3A = arith.divsi %arg0, %jit3A_9 : i32
    %sign3A = arith.constant 0 : i32
    %sign3A_10 = arith.cmpi sgt, %arg0, %sign3A : i32
    %sign3A_11 = arith.extui %sign3A_10 : i1 to i32
    %sign3A_12 = arith.constant 0 : i32
    %sign3A_13 = arith.cmpi slt, %arg0, %sign3A_12 : i32
    %sign3A_14 = arith.extui %sign3A_13 : i1 to i32
    %sign3A_15 = arith.subi %sign3A_11, %sign3A_14 : i32
    %sign3A_16 = arith.constant 0 : i32
    %sign3A_17 = arith.cmpi sgt, %jit3A_9, %sign3A_16 : i32
    %sign3A_18 = arith.extui %sign3A_17 : i1 to i32
    %sign3A_19 = arith.constant 0 : i32
    %sign3A_20 = arith.cmpi slt, %jit3A_9, %sign3A_19 : i32
    %sign3A_21 = arith.extui %sign3A_20 : i1 to i32
    %sign3A_22 = arith.subi %sign3A_18, %sign3A_21 : i32
    %ne3A_23 = arith.cmpi ne, %sign3A_15, %sign3A_22 : i32
    %rem3A_24 = arith.remsi %arg0, %jit3A_9 : i32
    %ne3A_25 = arith.constant 0 : i32
    %ne3A_26 = arith.cmpi ne, %rem3A_24, %ne3A_25 : i32
    %and3A_27 = arith.andi %ne3A_23, %ne3A_26 : i1
    %sub3A = arith.constant 1 : i32
    %sub3A_28 = arith.subi %div3A, %sub3A : i32
    %select_n3A_29 = arith.select %and3A_27, %sub3A_28, %div3A : i32
    %add3A_30 = arith.addi %mul3A_8, %select_n3A_29 : i32
    %c0_i32 = arith.constant 0 : i32
    %c0_i32_31 = arith.constant 0 : i32
    return %add3A_30, %c0_i32 : i32, i32
  }
  func.func @transform_2(%arg0: i32) -> (i32, i32) {
    %jit3A = arith.constant 8 : i32
    %eq3A = arith.constant 0 : i32
    %eq3A_0 = arith.cmpi eq, %jit3A, %eq3A : i32
    %jit3A_1 = arith.constant 1 : i32
    %select_n3A = arith.select %eq3A_0, %jit3A_1, %jit3A : i32
    %rem3A = arith.remsi %arg0, %select_n3A : i32
    %ne3A = arith.constant 0 : i32
    %ne3A_2 = arith.cmpi ne, %rem3A, %ne3A : i32
    %lt3A = arith.constant 0 : i32
    %lt3A_3 = arith.cmpi slt, %rem3A, %lt3A : i32
    %lt3A_4 = arith.constant 0 : i32
    %lt3A_5 = arith.cmpi slt, %select_n3A, %lt3A_4 : i32
    %ne3A_6 = arith.xori %lt3A_3, %lt3A_5 : i1
    %and3A = arith.andi %ne3A_6, %ne3A_2 : i1
    %add3A = arith.addi %rem3A, %select_n3A : i32
    %select_n3A_7 = arith.select %and3A, %add3A, %rem3A : i32
    %mul3A = arith.constant 5 : i32
    %mul3A_8 = arith.muli %select_n3A_7, %mul3A : i32
    %jit3A_9 = arith.constant 8 : i32
    %div3A = arith.divsi %arg0, %jit3A_9 : i32
    %sign3A = arith.constant 0 : i32
    %sign3A_10 = arith.cmpi sgt, %arg0, %sign3A : i32
    %sign3A_11 = arith.extui %sign3A_10 : i1 to i32
    %sign3A_12 = arith.constant 0 : i32
    %sign3A_13 = arith.cmpi slt, %arg0, %sign3A_12 : i32
    %sign3A_14 = arith.extui %sign3A_13 : i1 to i32
    %sign3A_15 = arith.subi %sign3A_11, %sign3A_14 : i32
    %sign3A_16 = arith.constant 0 : i32
    %sign3A_17 = arith.cmpi sgt, %jit3A_9, %sign3A_16 : i32
    %sign3A_18 = arith.extui %sign3A_17 : i1 to i32
    %sign3A_19 = arith.constant 0 : i32
    %sign3A_20 = arith.cmpi slt, %jit3A_9, %sign3A_19 : i32
    %sign3A_21 = arith.extui %sign3A_20 : i1 to i32
    %sign3A_22 = arith.subi %sign3A_18, %sign3A_21 : i32
    %ne3A_23 = arith.cmpi ne, %sign3A_15, %sign3A_22 : i32
    %rem3A_24 = arith.remsi %arg0, %jit3A_9 : i32
    %ne3A_25 = arith.constant 0 : i32
    %ne3A_26 = arith.cmpi ne, %rem3A_24, %ne3A_25 : i32
    %and3A_27 = arith.andi %ne3A_23, %ne3A_26 : i1
    %sub3A = arith.constant 1 : i32
    %sub3A_28 = arith.subi %div3A, %sub3A : i32
    %select_n3A_29 = arith.select %and3A_27, %sub3A_28, %div3A : i32
    %add3A_30 = arith.addi %mul3A_8, %select_n3A_29 : i32
    %c0_i32 = arith.constant 0 : i32
    %c0_i32_31 = arith.constant 0 : i32
    return %add3A_30, %c0_i32 : i32, i32
  }
  func.func @transform_3(%arg0: i32) -> (i32, i32) {
    %c0_i32 = arith.constant 0 : i32
    %c0_i32_0 = arith.constant 0 : i32
    %c0_i32_1 = arith.constant 0 : i32
    return %c0_i32, %c0_i32_0 : i32, i32
  }
  func.func @transform_4(%arg0: i32) -> (i32, i32) {
    %c0_i32 = arith.constant 0 : i32
    %c0_i32_0 = arith.constant 0 : i32
    %c0_i32_1 = arith.constant 0 : i32
    return %c0_i32, %c0_i32_0 : i32, i32
  }
  func.func @transform_5(%arg0: i32) -> (i32, i32) {
    %c0_i32 = arith.constant 0 : i32
    %c0_i32_0 = arith.constant 0 : i32
    %c0_i32_1 = arith.constant 0 : i32
    return %c0_i32, %c0_i32_0 : i32, i32
  }
  func.func @transform_6(%arg0: i32) -> (i32, i32) {
    %c0_i32 = arith.constant 0 : i32
    %c0_i32_0 = arith.constant 0 : i32
    %c0_i32_1 = arith.constant 0 : i32
    return %c0_i32, %c0_i32_0 : i32, i32
  }
  func.func @transform_7(%arg0: i32) -> (i32, i32) {
    %c0_i32 = arith.constant 0 : i32
    %c0_i32_0 = arith.constant 0 : i32
    %c0_i32_1 = arith.constant 0 : i32
    return %c0_i32, %c0_i32_0 : i32, i32
  }
  func.func @transform_8(%arg0: i32) -> (i32, i32) {
    %c0_i32 = arith.constant 0 : i32
    %c0_i32_0 = arith.constant 0 : i32
    %c0_i32_1 = arith.constant 0 : i32
    return %c0_i32, %c0_i32_0 : i32, i32
  }
  func.func @transform_9(%arg0: i32) -> (i32, i32) {
    %c0_i32 = arith.constant 0 : i32
    %c0_i32_0 = arith.constant 0 : i32
    %c0_i32_1 = arith.constant 0 : i32
    return %c0_i32, %c0_i32_0 : i32, i32
  }
  func.func @transform_10(%arg0: i32) -> (i32, i32) {
    %c0_i32 = arith.constant 0 : i32
    %c0_i32_0 = arith.constant 0 : i32
    %c0_i32_1 = arith.constant 0 : i32
    return %c0_i32, %c0_i32_0 : i32, i32
  }
  func.func @transform_11(%arg0: i32) -> (i32, i32) {
    %c0_i32 = arith.constant 0 : i32
    %c0_i32_0 = arith.constant 0 : i32
    %c0_i32_1 = arith.constant 0 : i32
    return %c0_i32, %c0_i32_0 : i32, i32
  }
  func.func @transform_12(%arg0: i32) -> (i32, i32) {
    %c0_i32 = arith.constant 0 : i32
    %c0_i32_0 = arith.constant 0 : i32
    %c0_i32_1 = arith.constant 0 : i32
    return %c0_i32, %c0_i32_0 : i32, i32
  }
  func.func @transform_13(%arg0: i32) -> (i32, i32) {
    %c0_i32 = arith.constant 0 : i32
    %c0_i32_0 = arith.constant 0 : i32
    %c0_i32_1 = arith.constant 0 : i32
    return %c0_i32, %c0_i32_0 : i32, i32
  }
  func.func @transform_14(%arg0: i32) -> (i32, i32) {
    %c0_i32 = arith.constant 0 : i32
    %c0_i32_0 = arith.constant 0 : i32
    %c0_i32_1 = arith.constant 0 : i32
    return %c0_i32, %c0_i32_0 : i32, i32
  }
  func.func @transform_15(%arg0: i32) -> (i32, i32) {
    %c0_i32 = arith.constant 0 : i32
    %c0_i32_0 = arith.constant 0 : i32
    %c0_i32_1 = arith.constant 0 : i32
    return %c0_i32, %c0_i32_0 : i32, i32
  }
  func.func @transform_16(%arg0: i32) -> (i32, i32) {
    %jit3A = arith.constant 8 : i32
    %div3A = arith.divsi %arg0, %jit3A : i32
    %sign3A = arith.constant 0 : i32
    %sign3A_0 = arith.cmpi sgt, %arg0, %sign3A : i32
    %sign3A_1 = arith.extui %sign3A_0 : i1 to i32
    %sign3A_2 = arith.constant 0 : i32
    %sign3A_3 = arith.cmpi slt, %arg0, %sign3A_2 : i32
    %sign3A_4 = arith.extui %sign3A_3 : i1 to i32
    %sign3A_5 = arith.subi %sign3A_1, %sign3A_4 : i32
    %sign3A_6 = arith.constant 0 : i32
    %sign3A_7 = arith.cmpi sgt, %jit3A, %sign3A_6 : i32
    %sign3A_8 = arith.extui %sign3A_7 : i1 to i32
    %sign3A_9 = arith.constant 0 : i32
    %sign3A_10 = arith.cmpi slt, %jit3A, %sign3A_9 : i32
    %sign3A_11 = arith.extui %sign3A_10 : i1 to i32
    %sign3A_12 = arith.subi %sign3A_8, %sign3A_11 : i32
    %ne3A = arith.cmpi ne, %sign3A_5, %sign3A_12 : i32
    %rem3A = arith.remsi %arg0, %jit3A : i32
    %ne3A_13 = arith.constant 0 : i32
    %ne3A_14 = arith.cmpi ne, %rem3A, %ne3A_13 : i32
    %and3A = arith.andi %ne3A, %ne3A_14 : i1
    %sub3A = arith.constant 1 : i32
    %sub3A_15 = arith.subi %div3A, %sub3A : i32
    %select_n3A = arith.select %and3A, %sub3A_15, %div3A : i32
    %c0_i32 = arith.constant 0 : i32
    %c0_i32_16 = arith.constant 0 : i32
    return %select_n3A, %c0_i32 : i32, i32
  }
}

module attributes {stable_mosaic.version = 14 : i64} {
  func.func @_k4_body(%arg0: i32, %arg1: memref<2000x128xf32, #tpu.memory_space<vmem>>, %arg2: memref<2000x128xf32, #tpu.memory_space<vmem>>, %arg3: memref<2000x1xf32, #tpu.memory_space<vmem>>, %arg4: memref<8x64xf32, #tpu.memory_space<vmem>>, %arg5: memref<64x64xf32, #tpu.memory_space<vmem>>, %arg6: memref<8x64xf32, #tpu.memory_space<vmem>>, %arg7: memref<64x128xf32, #tpu.memory_space<vmem>>, %arg8: memref<8x128xf32, #tpu.memory_space<vmem>>, %arg9: memref<2000x128xf32, #tpu.memory_space<vmem>>) attributes {dimension_semantics = [#tpu.dimension_semantics<arbitrary>], iteration_bounds = array<i64: 5>, scalar_prefetch = 0 : i64, scratch_operands = 0 : i64, tpu.core_type = #tpu.core_type<tc>, window_params = [{transform_indices = @transform_0, window_bounds = array<i64: 2000, 128>}, {transform_indices = @transform_1, window_bounds = array<i64: 2000, 128>}, {transform_indices = @transform_2, window_bounds = array<i64: 2000, 1>}, {pipeline_mode = #tpu.pipeline_mode<synchronous>, transform_indices = @transform_3, window_bounds = array<i64: 8, 64>}, {pipeline_mode = #tpu.pipeline_mode<synchronous>, transform_indices = @transform_4, window_bounds = array<i64: 64, 64>}, {pipeline_mode = #tpu.pipeline_mode<synchronous>, transform_indices = @transform_5, window_bounds = array<i64: 8, 64>}, {pipeline_mode = #tpu.pipeline_mode<synchronous>, transform_indices = @transform_6, window_bounds = array<i64: 64, 128>}, {pipeline_mode = #tpu.pipeline_mode<synchronous>, transform_indices = @transform_7, window_bounds = array<i64: 8, 128>}, {transform_indices = @transform_8, window_bounds = array<i64: 2000, 128>}]} {
    %get3A = arith.constant 0 : index
    %get3A_0 = arith.constant 0 : index
    %get3A_1 = vector.load %arg1[%get3A, %get3A_0] : memref<2000x128xf32, #tpu.memory_space<vmem>>, vector<2000x128xf32>
    %get3A_2 = arith.constant 0 : index
    %get3A_3 = arith.constant 0 : index
    %get3A_4 = vector.load %arg2[%get3A_2, %get3A_3] : memref<2000x128xf32, #tpu.memory_space<vmem>>, vector<2000x128xf32>
    %add3A = arith.addf %get3A_1, %get3A_4 : vector<2000x128xf32>
    %get3A_5 = arith.constant 0 : index
    %get3A_6 = arith.constant 0 : index
    %get3A_7 = vector.load %arg4[%get3A_5, %get3A_6] : memref<8x64xf32, #tpu.memory_space<vmem>>, vector<8x64xf32>
    %get3A_8 = arith.constant 0 : index
    %get3A_9 = arith.constant 0 : index
    %get3A_10 = vector.load %arg3[%get3A_8, %get3A_9] : memref<2000x1xf32, #tpu.memory_space<vmem>>, vector<2000x1xf32>
    %slice3A = vector.extract_strided_slice %add3A {offsets = [0, 0], sizes = [2000, 64], strides = [1, 1]} : vector<2000x128xf32> to vector<2000x64xf32>
    %slice3A_11 = vector.extract_strided_slice %add3A {offsets = [0, 64], sizes = [2000, 64], strides = [1, 1]} : vector<2000x128xf32> to vector<2000x64xf32>
    %div3A = arith.divf %slice3A, %slice3A_11 : vector<2000x64xf32>
    %slice3A_12 = vector.extract_strided_slice %get3A_7 {offsets = [0, 0], sizes = [1, 64], strides = [1, 1]} : vector<8x64xf32> to vector<1x64xf32>
    %mul3A = vector.broadcast %get3A_10 : vector<2000x1xf32> to vector<2000x64xf32>
    %mul3A_13 = vector.broadcast %slice3A_12 : vector<1x64xf32> to vector<2000x64xf32>
    %mul3A_14 = arith.mulf %mul3A, %mul3A_13 : vector<2000x64xf32>
    %add3A_15 = arith.addf %div3A, %mul3A_14 : vector<2000x64xf32>
    %slice3A_16 = vector.extract_strided_slice %get3A_7 {offsets = [1, 0], sizes = [1, 64], strides = [1, 1]} : vector<8x64xf32> to vector<1x64xf32>
    %add3A_17 = vector.broadcast %slice3A_16 : vector<1x64xf32> to vector<2000x64xf32>
    %add3A_18 = arith.addf %add3A_15, %add3A_17 : vector<2000x64xf32>
    %max3A = arith.constant 0.000000e+00 : f32
    %max3A_19 = vector.broadcast %max3A : f32 to vector<2000x64xf32>
    %max3A_20 = arith.maximumf %add3A_18, %max3A_19 : vector<2000x64xf32>
    %get3A_21 = arith.constant 0 : index
    %get3A_22 = arith.constant 0 : index
    %get3A_23 = vector.load %arg5[%get3A_21, %get3A_22] : memref<64x64xf32, #tpu.memory_space<vmem>>, vector<64x64xf32>
    %dot_general3A = arith.constant dense<0.000000e+00> : vector<2000x64xf32>
    %dot_general3A_24 = tpu.matmul %max3A_20, %get3A_23, %dot_general3A {dimension_numbers = #tpu.dot_dimension_numbers<[1], [0], [0], [1], [0, 0, 1, 1], [], []>, transpose_lhs_hint = false} : vector<2000x64xf32>, vector<64x64xf32>, vector<2000x64xf32> -> vector<2000x64xf32>
    %get3A_25 = arith.constant 0 : index
    %get3A_26 = arith.constant 0 : index
    %get3A_27 = vector.load %arg6[%get3A_25, %get3A_26] : memref<8x64xf32, #tpu.memory_space<vmem>>, vector<1x64xf32>
    %add3A_28 = vector.broadcast %get3A_27 : vector<1x64xf32> to vector<2000x64xf32>
    %add3A_29 = arith.addf %dot_general3A_24, %add3A_28 : vector<2000x64xf32>
    %max3A_30 = arith.constant 0.000000e+00 : f32
    %max3A_31 = vector.broadcast %max3A_30 : f32 to vector<2000x64xf32>
    %max3A_32 = arith.maximumf %add3A_29, %max3A_31 : vector<2000x64xf32>
    %get3A_33 = arith.constant 0 : index
    %get3A_34 = arith.constant 0 : index
    %get3A_35 = vector.load %arg7[%get3A_33, %get3A_34] : memref<64x128xf32, #tpu.memory_space<vmem>>, vector<64x128xf32>
    %dot_general3A_36 = arith.constant dense<0.000000e+00> : vector<2000x128xf32>
    %dot_general3A_37 = tpu.matmul %max3A_32, %get3A_35, %dot_general3A_36 {dimension_numbers = #tpu.dot_dimension_numbers<[1], [0], [0], [1], [0, 0, 1, 1], [], []>, transpose_lhs_hint = false} : vector<2000x64xf32>, vector<64x128xf32>, vector<2000x128xf32> -> vector<2000x128xf32>
    %get3A_38 = arith.constant 0 : index
    %get3A_39 = arith.constant 0 : index
    %get3A_40 = vector.load %arg8[%get3A_38, %get3A_39] : memref<8x128xf32, #tpu.memory_space<vmem>>, vector<1x128xf32>
    %add3A_41 = vector.broadcast %get3A_40 : vector<1x128xf32> to vector<2000x128xf32>
    %add3A_42 = arith.addf %dot_general3A_37, %add3A_41 : vector<2000x128xf32>
    %iota3A = tpu.iota {dimensions = array<i32: 1>} : vector<2000x128xi32>
    %lt3A = arith.constant 2 : i32
    %lt3A_43 = vector.broadcast %lt3A : i32 to vector<2000x128xi32>
    %lt3A_44 = arith.cmpi slt, %iota3A, %lt3A_43 : vector<2000x128xi32>
    %jit3A = arith.constant 0xFF800000 : f32
    %broadcast_in_dim3A = vector.broadcast %jit3A : f32 to vector<2000x128xf32>
    %select_n3A = arith.select %lt3A_44, %add3A_42, %broadcast_in_dim3A : vector<2000x128xi1>, vector<2000x128xf32>
    %reduce_max3A = arith.constant dense<0xFF800000> : vector<2000xf32>
    %reduce_max3A_45 = vector.multi_reduction <maximumf>, %select_n3A, %reduce_max3A [1] : vector<2000x128xf32> to vector<2000xf32>
    %broadcast_in_dim3A_46 = vector.shape_cast %reduce_max3A_45 : vector<2000xf32> to vector<2000x1xf32>
    %sub3A = vector.broadcast %broadcast_in_dim3A_46 : vector<2000x1xf32> to vector<2000x128xf32>
    %sub3A_47 = arith.subf %add3A_42, %sub3A : vector<2000x128xf32>
    %exp3A = math.exp %sub3A_47 : vector<2000x128xf32>
    %jit3A_48 = arith.constant 0.000000e+00 : f32
    %broadcast_in_dim3A_49 = vector.broadcast %jit3A_48 : f32 to vector<2000x128xf32>
    %select_n3A_50 = arith.select %lt3A_44, %exp3A, %broadcast_in_dim3A_49 : vector<2000x128xi1>, vector<2000x128xf32>
    %reduce_sum3A = arith.constant dense<0.000000e+00> : vector<2000xf32>
    %reduce_sum3A_51 = vector.multi_reduction <add>, %select_n3A_50, %reduce_sum3A [1] : vector<2000x128xf32> to vector<2000xf32>
    %broadcast_in_dim3A_52 = vector.shape_cast %reduce_sum3A_51 : vector<2000xf32> to vector<2000x1xf32>
    %log3A = math.log %broadcast_in_dim3A_52 : vector<2000x1xf32>
    %add3A_53 = arith.addf %broadcast_in_dim3A_46, %log3A : vector<2000x1xf32>
    %sub3A_54 = vector.broadcast %add3A_53 : vector<2000x1xf32> to vector<2000x128xf32>
    %sub3A_55 = arith.subf %add3A_42, %sub3A_54 : vector<2000x128xf32>
    %swap3A = arith.constant 0 : index
    %swap3A_56 = arith.constant 0 : index
    %swap3A_57 = vector.load %arg9[%swap3A, %swap3A_56] : memref<2000x128xf32, #tpu.memory_space<vmem>>, vector<2000x128xf32>
    tpu.vector_store %arg9[%swap3A, %swap3A_56], %sub3A_55 {strides = array<i32>} : memref<2000x128xf32, #tpu.memory_space<vmem>>, vector<2000x128xf32>,
    return
  }
  func.func @transform_0(%arg0: i32) -> (i32, i32) {
    %c0_i32 = arith.constant 0 : i32
    %c0_i32_0 = arith.constant 0 : i32
    return %arg0, %c0_i32 : i32, i32
  }
  func.func @transform_1(%arg0: i32) -> (i32, i32) {
    %c0_i32 = arith.constant 0 : i32
    %c0_i32_0 = arith.constant 0 : i32
    return %arg0, %c0_i32 : i32, i32
  }
  func.func @transform_2(%arg0: i32) -> (i32, i32) {
    %c0_i32 = arith.constant 0 : i32
    %c0_i32_0 = arith.constant 0 : i32
    return %arg0, %c0_i32 : i32, i32
  }
  func.func @transform_3(%arg0: i32) -> (i32, i32) {
    %c0_i32 = arith.constant 0 : i32
    %c0_i32_0 = arith.constant 0 : i32
    %c0_i32_1 = arith.constant 0 : i32
    return %c0_i32, %c0_i32_0 : i32, i32
  }
  func.func @transform_4(%arg0: i32) -> (i32, i32) {
    %c0_i32 = arith.constant 0 : i32
    %c0_i32_0 = arith.constant 0 : i32
    %c0_i32_1 = arith.constant 0 : i32
    return %c0_i32, %c0_i32_0 : i32, i32
  }
  func.func @transform_5(%arg0: i32) -> (i32, i32) {
    %c0_i32 = arith.constant 0 : i32
    %c0_i32_0 = arith.constant 0 : i32
    %c0_i32_1 = arith.constant 0 : i32
    return %c0_i32, %c0_i32_0 : i32, i32
  }
  func.func @transform_6(%arg0: i32) -> (i32, i32) {
    %c0_i32 = arith.constant 0 : i32
    %c0_i32_0 = arith.constant 0 : i32
    %c0_i32_1 = arith.constant 0 : i32
    return %c0_i32, %c0_i32_0 : i32, i32
  }
  func.func @transform_7(%arg0: i32) -> (i32, i32) {
    %c0_i32 = arith.constant 0 : i32
    %c0_i32_0 = arith.constant 0 : i32
    %c0_i32_1 = arith.constant 0 : i32
    return %c0_i32, %c0_i32_0 : i32, i32
  }
  func.func @transform_8(%arg0: i32) -> (i32, i32) {
    %c0_i32 = arith.constant 0 : i32
    %c0_i32_0 = arith.constant 0 : i32
    return %arg0, %c0_i32 : i32, i32
  }
}

</mosaic_0001>

<sc_bundles>
// kernel: kernel.15.cloned.1.call-start
scs
__scs_entry_jumppad:
0x0: {  	(pc) =	sbr.rel $0x88, $3  }
0x1: {  	(tag) =	ssettag $0x0;
	lr =	simm.s32 $0x1  }
0x2: {  	[smem:$0x3F85] =	sst lr;
	_ =	strace $0xD0000000  }
0x3: {  	_ = 	snop  }
0x4: {  	_ = 	snop  }
0x5: {  	_ = 	snop  }
0x6: {  	_ = 	snop  }
0x7: {  	_ = 	snop  }
__scs_overlays_trampoline_lowered:
0x8: {  	[smem:$0x3F94] =	sst s0  }
0x9: {  	[smem:$0x3F95] =	sst s1  }
0xa: {  	[smem:$0x3F96] =	sst s2  }
0xb: {  	[smem:$0x3F97] =	sst s3  }
0xc: {  	[smem:$0x3F98] =	sst s4  }
0xd: {  	[smem:$0x3F99] =	sst s5  }
0xe: {  	[smem:$0x3F9A] =	sst s6  }
0xf: {  	[smem:$0x3F9B] =	sst s7  }
0x10: {  	[smem:$0x3F9C] =	sst s8  }
0x11: {  	[smem:$0x3F9D] =	sst s9;
	s0 =	simm.s32 @!p0 $0x0  }
0x12: {  	s1 =	sld [smem:$0x3F83];
	s0 =	simm.s32 @p0 $0x1  }
0x13: {  	[smem:$0x3F9E] =	sst s0;
	s0 =	simm.s32 @!p1 $0x0  }
0x14: {  	s2 =	sld [smem:$0x3F82];
	s0 =	simm.s32 @p1 $0x1  }
0x15: {  	[smem:$0x3F9F] =	sst s0;
	s0 =	simm.s32 @!p2 $0x0  }
0x16: {  	s3 =	sld [smem:$0x3FDB];
	s0 =	simm.s32 @p2 $0x1  }
0x17: {  	s4 =	simm.s32 $0x1BF5;
	[smem:$0x3FA1] =	sst s0  }
0x18: {  	s0 =	sld [smem:$0x3F84];
	_ =	swait.ge [sflag:s4], $0x0  }
0x19: {  	s7 =	sld [smem:$0x3F85]  }
0x1a: {  	s8 =	sadd.s32 $0xFFFFE003, lr  }
0x1b: {  	s9 =	sadd.s32 $0xFFFFFEF7, lr;
	s5 =	simm.s32 $0xFFFFFFFF;
	p2 =	slt.u32 s8, $0xFFFFF086  }
0x1c: {  	p1 =	slt.u32 s9, $0xF7A;
	s5 =	simm.s32 @!p2 $0x0  }
0x1d: {  	s5 =	simm.s32 @p1 $0x1;
	p0 =	seq.s32 s7, s2  }
0x1e: {  	s7 =	smul.u32 @!p0 $0xF7A, s2;
	p2 =	seq.s32 @!p0 s5, $0x0  }
0x1f: {  	s9 =	smul.u32 $0xF7A, s1;
	s8 =	simm.s32 @!p0 $0x1BF5;
	p2 =	por !p2, p0  }
0x20: {  	[sflag:s8] =	ssyncset.s32 @!p0 $0xFFFFF086;
	s6 =	sadd.s32 @!p0 s3, s7;
	s7 =	simm.s32 @!p0 $0x108  }
0x21: {  	s3 =	sadd.s32 s3, s9;
	s6 =	sadd.s32 @!p0 $0x88, s6;
	s7 =	simm.s32 @p2 $0x1082  }
0x22: {  	[simem:s7], [sflag:s8] =	dma.local @!p0 [hbm:s6], $0xF7A  }
0x23: {  	s9 =	sor.u32 $0xD0000000, s2;
	s6 =	simm.s32 $0x108;
	_ =	swait.ge @!p0 [sflag:s8], $0x0  }
0x24: {  	s3 =	sadd.s32 $0x88, s3;
	s6 =	simm.s32 @!p1 $0x1082;
	[sflag:s4] =	ssyncset.s32 $0xFFFFF086  }
0x25: {  	[simem:s6], [sflag:s4] =	dma.local [hbm:s3], $0xF7A  }
0x26: {  	[smem:$0x3F85] =	sst s1;
	(tag) =	ssettag s2;
	_ =	strace s9  }
0x27: {  	s1 =	sld [smem:$0x3F95]  }
0x28: {  	s2 =	sld [smem:$0x3F96]  }
0x29: {  	s4 =	sld [smem:$0x3F98]  }
0x2a: {  	p0 =	seq.s32 s5, $0x0;
	s5 =	sld [smem:$0x3F99]  }
0x2b: {  	s6 =	sld [smem:$0x3F9A]  }
0x2c: {  	s7 =	sld [smem:$0x3F9B]  }
0x2d: {  	s3 =	simm.s32 $0x108;
	s8 =	sld [smem:$0x3F9C]  }
0x2e: {  	s3 =	simm.s32 @!p0 $0x1082;
	s9 =	sld [smem:$0x3F9D]  }
0x2f: {  	lr =	sadd.s32 s0, s3;
	s0 =	sld [smem:$0x3F94]  }
0x30: {  	s3 =	sld [smem:$0x3F97]  }
0x31: {  	[smem:$0x3FA0] =	sst s10  }
0x32: {  	s10 =	sld [smem:$0x3F9E];
	_ =	sdelay $0x3  }
0x33: {  	p0 =	seq.s32 s10, $0x1;
	s10 =	sld [smem:$0x3FA0];
	_ =	sdelay $0x3  }
0x34: {  	[smem:$0x3FA0] =	sst s10  }
0x35: {  	s10 =	sld [smem:$0x3F9F];
	_ =	sdelay $0x3  }
0x36: {  	p1 =	seq.s32 s10, $0x1;
	s10 =	sld [smem:$0x3FA0];
	_ =	sdelay $0x3  }
0x37: {  	[smem:$0x3FA0] =	sst s10  }
0x38: {  	s10 =	sld [smem:$0x3FA1]  }
0x39: {  	_ = 	snop;
	(pc) =	sbr.ind lr, $3  }
0x3a: {  	_ = 	snop  }
0x3b: {  	_ = 	snop  }
0x3c: {  	p2 =	seq.s32 s10, $0x1;
	s10 =	sld [smem:$0x3FA0]  }
0x3d: {  	_ =	shalt  }
0x3e: {  	_ =	shalt  }
0x3f: {  	_ =	shalt  }
0x40: {  	_ =	shalt  }
0x41: {  	_ =	shalt  }
0x42: {  	_ =	shalt  }
0x43: {  	_ =	shalt  }
0x44: {  	_ =	shalt  }
0x45: {  	_ =	shalt  }
0x46: {  	_ =	shalt  }
0x47: {  	_ =	shalt  }
0x48: {  	_ =	shalt  }
0x49: {  	_ =	shalt  }
0x4a: {  	_ =	shalt  }
0x4b: {  	_ =	shalt  }
0x4c: {  	_ =	shalt  }
0x4d: {  	_ =	shalt  }
0x4e: {  	_ =	shalt  }
0x4f: {  	_ =	shalt  }
0x50: {  	_ =	shalt  }
0x51: {  	_ =	shalt  }
0x52: {  	_ =	shalt  }
0x53: {  	_ =	shalt  }
0x54: {  	_ =	shalt  }
0x55: {  	_ =	shalt  }
0x56: {  	_ =	shalt  }
0x57: {  	_ =	shalt  }
0x58: {  	_ =	shalt  }
0x59: {  	_ =	shalt  }
0x5a: {  	_ =	shalt  }
0x5b: {  	_ =	shalt  }
0x5c: {  	_ =	shalt  }
0x5d: {  	_ =	shalt  }
0x5e: {  	_ =	shalt  }
0x5f: {  	_ =	shalt  }
0x60: {  	_ =	shalt  }
0x61: {  	_ =	shalt  }
0x62: {  	_ =	shalt  }
0x63: {  	_ =	shalt  }
0x64: {  	_ =	shalt  }
0x65: {  	_ =	shalt  }
0x66: {  	_ =	shalt  }
0x67: {  	_ =	shalt  }
0x68: {  	_ =	shalt  }
0x69: {  	_ =	shalt  }
0x6a: {  	_ =	shalt  }
0x6b: {  	_ =	shalt  }
0x6c: {  	_ =	shalt  }
0x6d: {  	_ =	shalt  }
0x6e: {  	_ =	shalt  }
0x6f: {  	_ =	shalt  }
0x70: {  	_ =	shalt  }
0x71: {  	_ =	shalt  }
0x72: {  	_ =	shalt  }
0x73: {  	_ =	shalt  }
0x74: {  	_ =	shalt  }
0x75: {  	_ =	shalt  }
0x76: {  	_ =	shalt  }
0x77: {  	_ =	shalt  }
0x78: {  	_ =	shalt  }
0x79: {  	_ =	shalt  }
0x7a: {  	_ =	shalt  }
0x7b: {  	_ =	shalt  }
0x7c: {  	_ =	shalt  }
0x7d: {  	_ =	shalt  }
0x7e: {  	_ =	shalt  }
0x7f: {  	_ =	shalt  }
0x80: {  	_ =	shalt  }
0x81: {  	_ =	shalt  }
0x82: {  	_ =	shalt  }
0x83: {  	_ =	shalt  }
0x84: {  	_ =	shalt  }
0x85: {  	_ =	shalt  }
0x86: {  	_ =	shalt  }
0x87: {  	_ =	shalt  }
.Lfunc_end0:
.L_simem_size_0:
called_computation_lowered:
.L_overlay_start_0:
0x88: {  	s2 =	sld [smem:$0x3FD9]  }
0x89: {  	s3 =	sld [smem:$0x3FFE];
	_ =	sdelay $0x1  }
0x8a: {  	s1 =	srdreg.scid  }
0x8b: {  	s0 =	sand.u32 $0x1, s1  }
0x8c: {  	s16 =	sshll.u32 s0, $0xA;
	s2 =	sadd.s32 s3, s2  }
0x8d: {  	s2 =	sadd.s32 s2, s16  }
0x8e: {  	[smem:$0x3FAC] =	sst s2  }
0x8f: {  	_ = 	snop  }
0x90: {  	(tm) =	ssettm $0x1  }
0x91: {  	s17 =	sld [smem:$0x3FFB];
	_ =	sdelay $0x3  }
0x92: {  	_ =	strace s17  }
0x93: {  	s2 =	sld [smem:$0x3FFC];
	_ =	sdelay $0x3  }
0x94: {  	_ =	strace s2  }
0x95: {  	s2 =	sld [smem:$0x3FFD];
	_ =	sdelay $0x3  }
0x96: {  	_ =	strace s2  }
0x97: {  	_ =	strace $0x8FFFFFFF  }
0x98: {  	s18 =	sld [smem:$0x3FDB];
	_ =	sdelay $0x1  }
0x99: {  	s19 =	simm.s32 $_scs_section_size  }
0x9a: {  	s4 =	simm.s32 $_size__tile_overlayer_lowered;
	s5 =	simm.s32 $_tile_overlayer_lowered  }
0x9b: {  	s22 =	simm.s32 $0x1BFF;
	s21 =	sshll.u32 s5, $0x1;
	s2 =	sadd.s32 s19, s18  }
0x9c: {  	s6 =	simm.s32 $0x0;
	s20 =	sshll.u32 s4, $0x1;
	s4 =	sadd.s32 s21, s2  }
0x9d: {  	[timem:s6], [sflag:s22] =	dma.local [hbm:s4], s20  }
0x9e: {  	_ =	swait.ge [sflag:s22], s20  }
0x9f: {  	s3 =	ssub.s32 $0x0, s20;
	[sflag:s22] =	ssyncset.done $0x0  }
0xa0: {  	[sflag:s22] =	ssyncadd.s32 s3;
	_ =	sdelay $0x1  }
0xa1: {  	s23 =	simm.s32 $0x1B8B  }
0xa2: {  	_ =	swait.ge [sflag:s23], $0x1  }
0xa3: {  	[sflag:s23] =	ssyncset.done $0x0  }
0xa4: {  	s25 =	simm.s32 $0x1B8E;
	s24 =	sld [smem:$0x3FFE];
	[sflag:s23] =	ssyncadd.s32 $0xFFFFFFFF  }
0xa5: {  	s26 =	simm.s32 $execute0_lowered;
	[smem:$0x3FD2] =	sst s25  }
0xa6: {  	s4 =	sshll.u32 s26, $0x1;
	_ =	strace $0x80000046;
	[dreg:$0x1] =	wrdreg $0xFFFFFFFF  }
0xa7: {  	s28 =	simm.s32 $_size_execute0_lowered;
	s2 =	sadd.s32 s2, s4;
	[dreg:$0x0] =	wrdreg $0x0  }
0xa8: {  	s4 =	sshll.u32 s28, $0x1;
	[dreg:$0x2] =	wrdreg s2  }
0xa9: {  	[dreg:$0x3] =	wrdreg s4  }
0xaa: {  	[dreg:$0x4] =	wrdreg $0xC0  }
0xab: {  	_ =	task [dreg:s6], $0x5FFFF  }
0xac: {  	[dreg:$0x1] =	wrdreg $0xFFFFFFFF  }
0xad: {  	[dreg:$0x0] =	wrdreg $0x60  }
0xae: {  	[dreg:$0x2] =	wrdreg s24  }
0xaf: {  	[dreg:$0x3] =	wrdreg $0x9  }
0xb0: {  	_ =	task.clear_ibuf [dreg:s6], $0x4FFFF;
	_ =	strace $0x90000046  }
0xb1: {  	s29 =	simm.s32 $0x9;
	_ =	strace $0x80000048  }
0xb2: {  	_ =	swait.ge [sflag:s29], $0x1  }
0xb3: {  	[sflag:s29] =	ssyncadd.s32 $0xFFFFFFFF  }
0xb4: {  	_ =	strace $0x90000048  }
0xb5: {  	_ =	sfence  }
0xb6: {  	s30 =	sld [smem:$0x0];
	_ =	sdelay $0x2  }
0xb7: {  	s31 =	sshll.u32 s1, $0xD;
	s1 =	sshrl.u32 s1, $0x2  }
0xb8: {  	s3 =	sand.u32 $0x4000, s31;
	s1 =	sadd.s32 s1, s30  }
0xb9: {  	s0 =	sor.u32 s3, s0;
	s1 =	sshll.u32 s1, $0x11  }
0xba: {  	s0 =	sor.u32 s1, s0  }
0xbb: {  	s0 =	sadd.s32 $0x8F2B, s0  }
0xbc: {  	[sflag:s0] =	ssyncadd.remote.s32 $0x1  }
0xbd: {  	_ =	sfence.sel $0xFFFF  }
0xbe: {  	[dreg:$0x0] =	wrdreg $0xFFFFFFFF;
	(pc) =	sbr.abs _section_cstart, $3  }
0xbf: {  	[dreg:$0x1] =	wrdreg $0xFFFFFFFF  }
0xc0: {  	_ =	task.clear_ibuf [dreg:s6], $0x2FFFF;
	_ =	strace $0x9FFFFFFF  }
0xc1: {  	(tm) =	ssettm $0x7FFFFFFF  }
tec
execute0_lowered:
.L_overlay_start_1:
0x0: {  	(tag) =	ssettag $0x1  }
0x1: {  	s4 =	rddreg [dreg:$0x0]  }
0x2: {  	s0 =	rddreg [dreg:$0x1];
	s2 =	simm.s32 $0x0;
	s1 =	stileid.u32  }
0x3: {  	s5 =	srdreg.scid;
	[smem:$0x7FF] =	sst s2;
	s3 =	sadd.s32 $0xD800, s4  }
0x4: {  	s6 =	sshll.u32 s1, $0x5;
	s7 =	sand.u32 $0x1, s5;
	s28 =	sshll.u32 s1, $0xC  }
0x5: {  	s31 =	sshll.u32 s1, $0x1;
	_ =	strace $0x80000047;
	s26 =	sadd.s32 s6, s4  }
0x6: {  	s8 =	ssub.s32 $0x2, s7;
	s6 =	sadd.s32 s28, s4;
	s9 =	sshll.u32 s7, $0x4  }
0x7: {  	s30 =	sshll.u32 s7, $0xB;
	s7 =	sor.u32 s7, s31;
	s29 =	sshrl.u32 s8, $0x1  }
0x8: {  	s5 =	sadd.s32 s9, s26;
	s6 =	sadd.s32 s30, s6;
	s4 =	ssub.s32 s8, s29  }
0x9: {  	s5 =	sadd.s32 $0x8800, s5;
	s6 =	sadd.s32 $0x34A00, s6;
	s4 =	smax.u32 s4, $0x1  }
.LBB2_1:
0xa: {  	s8 =	sadd.s32 $0x0, s7  }
0xb: {  	p0 =	sgt.u32 s8, $0x270  }
0xc: {  	s8 =	simm.s32 @!p0 $0x0;
	s9 =	simm.s32 @!p0 $0x3  }
0xd: {  	[tilespmem:s8], [sflag:$0x3] =	stream.linear.gather @!p0 [hbm4b:s5+s8], $0x80, $0x38;
	[tilespmem:$0x4080] =	vst v63  }
0xe: {  	_ =	swait.ge @!p0 [sflag:s9], $0x80  }
0xf: {  	[sflag:s9] =	ssyncset.done @!p0 $0x0;
	p0 =	por p0, p0  }
0x10: {  	[sflag:s9] =	ssyncadd.s32 @!p0 $0xFFFFFF80;
	s10 =	simm.s32 @!p0 $0x80;
	s11 =	simm.s32 @!p0 $0x1  }
0x11: {  	[tilespmem:s10], [sflag:$0x1] =	stream.indirect.gather @!p0 [hbm4b:s3+s10], $0x80, s8, s10, $0xb8;
	[tilespmem:$0x4080] =	vst v63  }
0x12: {  	_ =	swait.ge @!p0 [sflag:s11], $0x4000  }
0x13: {  	[sflag:s11] =	ssyncset.done @!p0 $0x0  }
0x14: {  	s31 =	sadd.s32 $0x20, s7;
	[sflag:s11] =	ssyncadd.s32 @!p0 $0xFFFFC000;
	s11 =	simm.s32 @!p0 $0x2  }
0x15: {  	[hbm4b:s6+s8] =	stream.linear.scatter @!p0 [tilespmem:s10], [sflag:$0x2], $0x4000, $0x38;
	[tilespmem:$0x4080] =	vst v63  }
0x16: {  	p1 =	sgt.u32 s31, $0x270;
	s9 =	simm.s32 $0x40;
	_ =	swait.ge @!p0 [sflag:s11], $0x4000  }
0x17: {  	s8 =	sadd.s32 $0x10000, s6;
	s10 =	sadd.s32 $0x200, s5;
	[sflag:s11] =	ssyncset.done @!p0 $0x0  }
.LBB2_2:
0x18: {  	s12 =	simm.s32 @!p1 $0x0;
	s13 =	simm.s32 @!p1 $0x3;
	[sflag:s11] =	ssyncadd.s32 @!p0 $0xFFFFC000  }
0x19: {  	[tilespmem:s12], [sflag:$0x3] =	stream.linear.gather @!p1 [hbm4b:s10+s12], $0x80, $0x38;
	[tilespmem:$0x4080] =	vst v63  }
0x1a: {  	s14 =	smov.u32 s9;
	s9 =	sadd.s32 $0x20, s9;
	_ =	swait.ge @!p1 [sflag:s13], $0x80  }
0x1b: {  	p0 =	por p1, p1;
	p2 =	sne.s32 s9, $0x280;
	[sflag:s13] =	ssyncset.done @!p1 $0x0  }
0x1c: {  	s11 =	simm.s32 @!p0 $0x1;
	[sflag:s13] =	ssyncadd.s32 @!p0 $0xFFFFFF80;
	s13 =	simm.s32 @!p0 $0x80  }
0x1d: {  	[tilespmem:s13], [sflag:$0x1] =	stream.indirect.gather @!p0 [hbm4b:s3+s13], $0x80, s12, s13, $0xb8;
	[tilespmem:$0x4080] =	vst v63  }
0x1e: {  	_ =	swait.ge @!p0 [sflag:s11], $0x4000  }
.Ltmp0:
0x1f: {  	[sflag:s11] =	ssyncset.done @!p0 $0x0;
	(pc) =	sbr.rel @p2 .LBB2_2-.Ltmp0, $4  }
0x20: {  	[sflag:s11] =	ssyncadd.s32 @!p0 $0xFFFFC000;
	s11 =	simm.s32 @!p0 $0x2  }
0x21: {  	[hbm4b:s8+s12] =	stream.linear.scatter @!p0 [tilespmem:s13], [sflag:$0x2], $0x4000, $0x38;
	[tilespmem:$0x4080] =	vst v63  }
0x22: {  	s12 =	sadd.s32 s14, s7;
	s8 =	sadd.s32 $0x10000, s8;
	_ =	swait.ge @!p0 [sflag:s11], $0x4000  }
0x23: {  	s10 =	sadd.s32 $0x200, s10;
	p1 =	sgt.u32 s12, $0x270;
	[sflag:s11] =	ssyncset.done @!p0 $0x0  }
0x24: {  	s9 =	simm.s32 @!p1 $0x0;
	s12 =	simm.s32 @!p1 $0x3;
	[sflag:s11] =	ssyncadd.s32 @!p0 $0xFFFFC000  }
0x25: {  	[tilespmem:s9], [sflag:$0x3] =	stream.linear.gather @!p1 [hbm4b:s10+s9], $0x80, $0x38;
	[tilespmem:$0x4080] =	vst v63  }
0x26: {  	_ =	swait.ge @!p1 [sflag:s12], $0x80  }
0x27: {  	p0 =	por p1, p1;
	[sflag:s12] =	ssyncset.done @!p1 $0x0  }
0x28: {  	s10 =	simm.s32 @!p0 $0x80;
	s11 =	simm.s32 @!p0 $0x1;
	[sflag:s12] =	ssyncadd.s32 @!p0 $0xFFFFFF80  }
0x29: {  	[tilespmem:s10], [sflag:$0x1] =	stream.indirect.gather @!p0 [hbm4b:s3+s10], $0x80, s9, s10, $0xb8;
	[tilespmem:$0x4080] =	vst v63  }
0x2a: {  	s2 =	sadd.s32 $0x1, s2;
	_ =	swait.ge @!p0 [sflag:s11], $0x4000  }
0x2b: {  	p1 =	sne.s32 s2, s4;
	[sflag:s11] =	ssyncset.done @!p0 $0x0  }
.Ltmp1:
0x2c: {  	[sflag:s11] =	ssyncadd.s32 @!p0 $0xFFFFC000;
	s11 =	simm.s32 @!p0 $0x2;
	(pc) =	sbr.rel @p1 .LBB2_1-.Ltmp1, $4  }
0x2d: {  	[hbm4b:s8+s9] =	stream.linear.scatter @!p0 [tilespmem:s10], [sflag:$0x2], $0x4000, $0x38;
	[tilespmem:$0x4080] =	vst v63  }
0x2e: {  	_ =	swait.ge @!p0 [sflag:s11], $0x4000  }
0x2f: {  	[sflag:s11] =	ssyncset.done @!p0 $0x0  }
0x30: {  	[sflag:s11] =	ssyncadd.s32 @!p0 $0xFFFFC000  }
0x31: {  	_ =	sfence.sel $0x180000  }
0x32: {  	[bflag:$0x0] =	sbarrier.arrive $0xFFFF  }
0x33: {  	p0 =	sne.s32 s1, $0x0;
	_ =	strace $0x90000047  }
0x34: {  	s0 =	sadd.s32 @!p0 $0x100000, s0;
	[bflag:$0x2] =	sbarrier.arrive $0xFFFF  }
0x35: {  	[sflag:s0] =	ssyncadd.tile.s32 @!p0 $0x1;
	_ =	shalt  }
.Lfunc_end2:
_tile_overlayer_lowered:
.L_overlay_start_2:
0x36: {  	(tag) =	ssettag $0x2  }
0x37: {  	s0 =	rddreg [dreg:$0x0];
	s2 =	stileid.u32  }
0x38: {  	s1 =	rddreg [dreg:$0x1];
	p0 =	sne.s32 s2, $0x0  }
0x39: {  	s3 =	rddreg [dreg:$0x2];
	[bflag:$0x3] =	sbarrier.arrive $0xFFFF;
	s2 =	simm.s32 @!p0 $0x1C02  }
0x3a: {  	[timem:s3], [sflag:s2] =	dma.local @!p0 [hbm:s0], s1  }
0x3b: {  	s0 =	simm.s32 @!p0 $0x2  }
0x3c: {  	_ =	swait.ge @!p0 [sflag:s0], s1  }
0x3d: {  	s1 =	ssub.s32 @!p0 $0x0, s1;
	[sflag:s0] =	ssyncset.done @!p0 $0x0  }
0x3e: {  	[sflag:s0] =	ssyncadd.s32 @!p0 s1  }
0x3f: {  	[bflag:$0x3] =	sbarrier.arrive $0xFFFF  }
0x40: {  	_ =	shalt  }

// kernel: kernel.18.cloned.1.call-start
scs
__scs_entry_jumppad:
0x0: {  	(pc) =	sbr.rel $0x88, $3  }
0x1: {  	(tag) =	ssettag $0x0;
	lr =	simm.s32 $0x1  }
0x2: {  	[smem:$0x3F85] =	sst lr;
	_ =	strace $0xD0000000  }
0x3: {  	_ = 	snop  }
0x4: {  	_ = 	snop  }
0x5: {  	_ = 	snop  }
0x6: {  	_ = 	snop  }
0x7: {  	_ = 	snop  }
__scs_overlays_trampoline_lowered:
0x8: {  	[smem:$0x3F94] =	sst s0  }
0x9: {  	[smem:$0x3F95] =	sst s1  }
0xa: {  	[smem:$0x3F96] =	sst s2  }
0xb: {  	[smem:$0x3F97] =	sst s3  }
0xc: {  	[smem:$0x3F98] =	sst s4  }
0xd: {  	[smem:$0x3F99] =	sst s5  }
0xe: {  	[smem:$0x3F9A] =	sst s6  }
0xf: {  	[smem:$0x3F9B] =	sst s7  }
0x10: {  	[smem:$0x3F9C] =	sst s8  }
0x11: {  	[smem:$0x3F9D] =	sst s9;
	s0 =	simm.s32 @!p0 $0x0  }
0x12: {  	s1 =	sld [smem:$0x3F83];
	s0 =	simm.s32 @p0 $0x1  }
0x13: {  	[smem:$0x3F9E] =	sst s0;
	s0 =	simm.s32 @!p1 $0x0  }
0x14: {  	s2 =	sld [smem:$0x3F82];
	s0 =	simm.s32 @p1 $0x1  }
0x15: {  	[smem:$0x3F9F] =	sst s0;
	s0 =	simm.s32 @!p2 $0x0  }
0x16: {  	s3 =	sld [smem:$0x3FDB];
	s0 =	simm.s32 @p2 $0x1  }
0x17: {  	s4 =	simm.s32 $0x1BF5;
	[smem:$0x3FA1] =	sst s0  }
0x18: {  	s0 =	sld [smem:$0x3F84];
	_ =	swait.ge [sflag:s4], $0x0  }
0x19: {  	s7 =	sld [smem:$0x3F85]  }
0x1a: {  	s8 =	sadd.s32 $0xFFFFE003, lr  }
0x1b: {  	s9 =	sadd.s32 $0xFFFFFEF7, lr;
	s5 =	simm.s32 $0xFFFFFFFF;
	p2 =	slt.u32 s8, $0xFFFFF086  }
0x1c: {  	p1 =	slt.u32 s9, $0xF7A;
	s5 =	simm.s32 @!p2 $0x0  }
0x1d: {  	s5 =	simm.s32 @p1 $0x1;
	p0 =	seq.s32 s7, s2  }
0x1e: {  	s7 =	smul.u32 @!p0 $0xF7A, s2;
	p2 =	seq.s32 @!p0 s5, $0x0  }
0x1f: {  	s9 =	smul.u32 $0xF7A, s1;
	s8 =	simm.s32 @!p0 $0x1BF5;
	p2 =	por !p2, p0  }
0x20: {  	[sflag:s8] =	ssyncset.s32 @!p0 $0xFFFFF086;
	s6 =	sadd.s32 @!p0 s3, s7;
	s7 =	simm.s32 @!p0 $0x108  }
0x21: {  	s3 =	sadd.s32 s3, s9;
	s6 =	sadd.s32 @!p0 $0x88, s6;
	s7 =	simm.s32 @p2 $0x1082  }
0x22: {  	[simem:s7], [sflag:s8] =	dma.local @!p0 [hbm:s6], $0xF7A  }
0x23: {  	s9 =	sor.u32 $0xD0000000, s2;
	s6 =	simm.s32 $0x108;
	_ =	swait.ge @!p0 [sflag:s8], $0x0  }
0x24: {  	s3 =	sadd.s32 $0x88, s3;
	s6 =	simm.s32 @!p1 $0x1082;
	[sflag:s4] =	ssyncset.s32 $0xFFFFF086  }
0x25: {  	[simem:s6], [sflag:s4] =	dma.local [hbm:s3], $0xF7A  }
0x26: {  	[smem:$0x3F85] =	sst s1;
	(tag) =	ssettag s2;
	_ =	strace s9  }
0x27: {  	s1 =	sld [smem:$0x3F95]  }
0x28: {  	s2 =	sld [smem:$0x3F96]  }
0x29: {  	s4 =	sld [smem:$0x3F98]  }
0x2a: {  	p0 =	seq.s32 s5, $0x0;
	s5 =	sld [smem:$0x3F99]  }
0x2b: {  	s6 =	sld [smem:$0x3F9A]  }
0x2c: {  	s7 =	sld [smem:$0x3F9B]  }
0x2d: {  	s3 =	simm.s32 $0x108;
	s8 =	sld [smem:$0x3F9C]  }
0x2e: {  	s3 =	simm.s32 @!p0 $0x1082;
	s9 =	sld [smem:$0x3F9D]  }
0x2f: {  	lr =	sadd.s32 s0, s3;
	s0 =	sld [smem:$0x3F94]  }
0x30: {  	s3 =	sld [smem:$0x3F97]  }
0x31: {  	[smem:$0x3FA0] =	sst s10  }
0x32: {  	s10 =	sld [smem:$0x3F9E];
	_ =	sdelay $0x3  }
0x33: {  	p0 =	seq.s32 s10, $0x1;
	s10 =	sld [smem:$0x3FA0];
	_ =	sdelay $0x3  }
0x34: {  	[smem:$0x3FA0] =	sst s10  }
0x35: {  	s10 =	sld [smem:$0x3F9F];
	_ =	sdelay $0x3  }
0x36: {  	p1 =	seq.s32 s10, $0x1;
	s10 =	sld [smem:$0x3FA0];
	_ =	sdelay $0x3  }
0x37: {  	[smem:$0x3FA0] =	sst s10  }
0x38: {  	s10 =	sld [smem:$0x3FA1]  }
0x39: {  	_ = 	snop;
	(pc) =	sbr.ind lr, $3  }
0x3a: {  	_ = 	snop  }
0x3b: {  	_ = 	snop  }
0x3c: {  	p2 =	seq.s32 s10, $0x1;
	s10 =	sld [smem:$0x3FA0]  }
0x3d: {  	_ =	shalt  }
0x3e: {  	_ =	shalt  }
0x3f: {  	_ =	shalt  }
0x40: {  	_ =	shalt  }
0x41: {  	_ =	shalt  }
0x42: {  	_ =	shalt  }
0x43: {  	_ =	shalt  }
0x44: {  	_ =	shalt  }
0x45: {  	_ =	shalt  }
0x46: {  	_ =	shalt  }
0x47: {  	_ =	shalt  }
0x48: {  	_ =	shalt  }
0x49: {  	_ =	shalt  }
0x4a: {  	_ =	shalt  }
0x4b: {  	_ =	shalt  }
0x4c: {  	_ =	shalt  }
0x4d: {  	_ =	shalt  }
0x4e: {  	_ =	shalt  }
0x4f: {  	_ =	shalt  }
0x50: {  	_ =	shalt  }
0x51: {  	_ =	shalt  }
0x52: {  	_ =	shalt  }
0x53: {  	_ =	shalt  }
0x54: {  	_ =	shalt  }
0x55: {  	_ =	shalt  }
0x56: {  	_ =	shalt  }
0x57: {  	_ =	shalt  }
0x58: {  	_ =	shalt  }
0x59: {  	_ =	shalt  }
0x5a: {  	_ =	shalt  }
0x5b: {  	_ =	shalt  }
0x5c: {  	_ =	shalt  }
0x5d: {  	_ =	shalt  }
0x5e: {  	_ =	shalt  }
0x5f: {  	_ =	shalt  }
0x60: {  	_ =	shalt  }
0x61: {  	_ =	shalt  }
0x62: {  	_ =	shalt  }
0x63: {  	_ =	shalt  }
0x64: {  	_ =	shalt  }
0x65: {  	_ =	shalt  }
0x66: {  	_ =	shalt  }
0x67: {  	_ =	shalt  }
0x68: {  	_ =	shalt  }
0x69: {  	_ =	shalt  }
0x6a: {  	_ =	shalt  }
0x6b: {  	_ =	shalt  }
0x6c: {  	_ =	shalt  }
0x6d: {  	_ =	shalt  }
0x6e: {  	_ =	shalt  }
0x6f: {  	_ =	shalt  }
0x70: {  	_ =	shalt  }
0x71: {  	_ =	shalt  }
0x72: {  	_ =	shalt  }
0x73: {  	_ =	shalt  }
0x74: {  	_ =	shalt  }
0x75: {  	_ =	shalt  }
0x76: {  	_ =	shalt  }
0x77: {  	_ =	shalt  }
0x78: {  	_ =	shalt  }
0x79: {  	_ =	shalt  }
0x7a: {  	_ =	shalt  }
0x7b: {  	_ =	shalt  }
0x7c: {  	_ =	shalt  }
0x7d: {  	_ =	shalt  }
0x7e: {  	_ =	shalt  }
0x7f: {  	_ =	shalt  }
0x80: {  	_ =	shalt  }
0x81: {  	_ =	shalt  }
0x82: {  	_ =	shalt  }
0x83: {  	_ =	shalt  }
0x84: {  	_ =	shalt  }
0x85: {  	_ =	shalt  }
0x86: {  	_ =	shalt  }
0x87: {  	_ =	shalt  }
.Lfunc_end0:
.L_simem_size_0:
called_computation.1_lowered:
.L_overlay_start_0:
0x88: {  	s2 =	sld [smem:$0x3FD9]  }
0x89: {  	s3 =	sld [smem:$0x3FFE];
	_ =	sdelay $0x1  }
0x8a: {  	s1 =	srdreg.scid  }
0x8b: {  	s0 =	sand.u32 $0x1, s1  }
0x8c: {  	s17 =	sshll.u32 s0, $0xA;
	s2 =	sadd.s32 s3, s2  }
0x8d: {  	s2 =	sadd.s32 s2, s17  }
0x8e: {  	[smem:$0x3FAC] =	sst s2  }
0x8f: {  	_ = 	snop  }
0x90: {  	(tm) =	ssettm $0x1  }
0x91: {  	s18 =	sld [smem:$0x3FFB];
	_ =	sdelay $0x3  }
0x92: {  	_ =	strace s18  }
0x93: {  	s2 =	sld [smem:$0x3FFC];
	_ =	sdelay $0x3  }
0x94: {  	_ =	strace s2  }
0x95: {  	s2 =	sld [smem:$0x3FFD];
	_ =	sdelay $0x3  }
0x96: {  	_ =	strace s2  }
0x97: {  	_ =	strace $0x8FFFFFFF  }
0x98: {  	s19 =	sld [smem:$0x3FDB];
	_ =	sdelay $0x1  }
0x99: {  	s20 =	simm.s32 $_scs_section_size  }
0x9a: {  	s4 =	simm.s32 $_size__tile_overlayer_lowered;
	s5 =	simm.s32 $_tile_overlayer_lowered  }
0x9b: {  	s6 =	simm.s32 $0x1BFF;
	s21 =	sshll.u32 s5, $0x1;
	s3 =	sadd.s32 s20, s19  }
0x9c: {  	s22 =	simm.s32 $0x0;
	s4 =	sshll.u32 s4, $0x1;
	s5 =	sadd.s32 s21, s3  }
0x9d: {  	[timem:s22], [sflag:s6] =	dma.local [hbm:s5], s4  }
0x9e: {  	_ =	swait.ge [sflag:s6], s4  }
0x9f: {  	s4 =	ssub.s32 $0x0, s4;
	[sflag:s6] =	ssyncset.done $0x0  }
0xa0: {  	[sflag:s6] =	ssyncadd.s32 s4;
	_ =	sdelay $0x1  }
0xa1: {  	s23 =	simm.s32 $0x1B8B  }
0xa2: {  	_ =	swait.ge [sflag:s23], $0x1  }
0xa3: {  	[sflag:s23] =	ssyncset.done $0x0  }
0xa4: {  	[sflag:s23] =	ssyncadd.s32 $0xFFFFFFFF  }
0xa5: {  	s4 =	sld [smem:$0x0]  }
0xa6: {  	s5 =	sand.u32 $0xFFFFFFFE, s1  }
0xa7: {  	p0 =	sne.s32 s1, s5  }
0xa8: {  	s5 =	sshll.u32 @p0 s5, $0xE  }
0xa9: {  	s5 =	sadd.s32 @p0 $0x11B8D, s5;
	s6 =	sshll.u32 @p0 s4, $0x11  }
0xaa: {  	s5 =	sor.u32 @p0 s6, s5  }
0xab: {  	[sflag:s5] =	ssyncadd.remote.s32 @p0 $0x1;
	_ =	sdelay $0x1  }
0xac: {  	s5 =	simm.s32 @p0 $0x1B8D  }
0xad: {  	_ =	swait.eq @p0 [sflag:s5], $0x1  }
0xae: {  	[sflag:s5] =	ssyncadd.s32 @p0 $0xFFFFFFFF  }
0xaf: {  	s6 =	sshll.u32 @!p0 s1, $0xE  }
0xb0: {  	s6 =	sor.u32 @!p0 $0x4000, s6;
	s5 =	simm.s32 @!p0 $0x1B8D  }
0xb1: {  	s4 =	sshll.u32 @!p0 s4, $0x11;
	s6 =	sadd.s32 @!p0 $0x11B8D, s6;
	_ =	swait.eq @!p0 [sflag:s5], $0x1  }
0xb2: {  	s4 =	sor.u32 @!p0 s4, s6;
	[sflag:s5] =	ssyncadd.s32 @!p0 $0xFFFFFFFF  }
0xb3: {  	s25 =	simm.s32 $0x1B8E;
	s24 =	sld [smem:$0x3FFE];
	[sflag:s4] =	ssyncadd.remote.s32 @!p0 $0x1  }
0xb4: {  	s26 =	simm.s32 $execute0_lowered;
	[smem:$0x3FD2] =	sst s25  }
0xb5: {  	s5 =	sshll.u32 s26, $0x1;
	_ =	strace $0x80000049;
	[dreg:$0x1] =	wrdreg $0xFFFFFFFF  }
0xb6: {  	s28 =	simm.s32 $_size_execute0_lowered;
	s3 =	sadd.s32 s3, s5;
	[dreg:$0x0] =	wrdreg $0x0  }
0xb7: {  	s5 =	sshll.u32 s28, $0x1;
	[dreg:$0x2] =	wrdreg s3  }
0xb8: {  	[dreg:$0x3] =	wrdreg s5  }
0xb9: {  	[dreg:$0x4] =	wrdreg $0xC0  }
0xba: {  	_ =	task [dreg:s22], $0x5FFFF  }
0xbb: {  	[dreg:$0x1] =	wrdreg $0xFFFFFFFF  }
0xbc: {  	[dreg:$0x0] =	wrdreg $0x60  }
0xbd: {  	[dreg:$0x2] =	wrdreg s24  }
0xbe: {  	[dreg:$0x3] =	wrdreg $0xA  }
0xbf: {  	_ =	task.clear_ibuf [dreg:s22], $0x4FFFF;
	_ =	strace $0x90000049  }
0xc0: {  	s29 =	simm.s32 $0xA;
	_ =	strace $0x8000004B  }
0xc1: {  	_ =	swait.ge [sflag:s29], $0x1  }
0xc2: {  	[sflag:s29] =	ssyncadd.s32 $0xFFFFFFFF  }
0xc3: {  	_ =	strace $0x9000004B  }
0xc4: {  	_ =	sfence  }
0xc5: {  	s30 =	sld [smem:$0x0];
	_ =	sdelay $0x2  }
0xc6: {  	s31 =	sshll.u32 s1, $0xD;
	s1 =	sshrl.u32 s1, $0x2  }
0xc7: {  	s4 =	sand.u32 $0x4000, s31;
	s1 =	sadd.s32 s1, s30  }
0xc8: {  	s0 =	sor.u32 s4, s0;
	s1 =	sshll.u32 s1, $0x11  }
0xc9: {  	s0 =	sor.u32 s1, s0  }
0xca: {  	s0 =	sadd.s32 $0x8F2B, s0  }
0xcb: {  	[sflag:s0] =	ssyncadd.remote.s32 $0x1  }
0xcc: {  	_ =	sfence.sel $0xFFFF  }
0xcd: {  	[dreg:$0x0] =	wrdreg $0xFFFFFFFF;
	(pc) =	sbr.abs _section_cstart, $3  }
0xce: {  	[dreg:$0x1] =	wrdreg $0xFFFFFFFF  }
0xcf: {  	_ =	task.clear_ibuf [dreg:s22], $0x2FFFF;
	_ =	strace $0x9FFFFFFF  }
0xd0: {  	(tm) =	ssettm $0x7FFFFFFF  }
0xd1: {  	_ =	shalt  }
tec
execute0_lowered:
.L_overlay_start_1:
0x0: {  	(tag) =	ssettag $0x1  }
0x1: {  	s4 =	rddreg [dreg:$0x0]  }
0x2: {  	s0 =	rddreg [dreg:$0x1];
	s2 =	simm.s32 $0x0;
	s1 =	stileid.u32  }
0x3: {  	s5 =	srdreg.scid;
	[smem:$0x7FF] =	sst s2;
	s3 =	sadd.s32 $0xD800, s4  }
0x4: {  	s6 =	sshll.u32 s1, $0x5;
	s7 =	sand.u32 $0x1, s5;
	s28 =	sshll.u32 s1, $0xC  }
0x5: {  	s31 =	sshll.u32 s1, $0x1;
	_ =	strace $0x8000004A;
	s26 =	sadd.s32 s6, s4  }
0x6: {  	s8 =	ssub.s32 $0x2, s7;
	s6 =	sadd.s32 s28, s4;
	s9 =	sshll.u32 s7, $0x4  }
0x7: {  	s30 =	sshll.u32 s7, $0xB;
	s7 =	sor.u32 s7, s31;
	s29 =	sshrl.u32 s8, $0x1  }
0x8: {  	s5 =	sadd.s32 s9, s26;
	s6 =	sadd.s32 s30, s6;
	s4 =	ssub.s32 s8, s29  }
0x9: {  	s5 =	sadd.s32 $0xAF10, s5;
	s6 =	sadd.s32 $0x16D200, s6;
	s4 =	smax.u32 s4, $0x1  }
.LBB2_1:
0xa: {  	s8 =	sadd.s32 $0x0, s7  }
0xb: {  	p0 =	sgt.u32 s8, $0x270  }
0xc: {  	s8 =	simm.s32 @!p0 $0x0;
	s9 =	simm.s32 @!p0 $0x3  }
0xd: {  	[tilespmem:s8], [sflag:$0x3] =	stream.linear.gather @!p0 [hbm4b:s5+s8], $0x80, $0x38;
	[tilespmem:$0x4080] =	vst v63  }
0xe: {  	_ =	swait.ge @!p0 [sflag:s9], $0x80  }
0xf: {  	[sflag:s9] =	ssyncset.done @!p0 $0x0;
	p0 =	por p0, p0  }
0x10: {  	[sflag:s9] =	ssyncadd.s32 @!p0 $0xFFFFFF80;
	s10 =	simm.s32 @!p0 $0x80;
	s11 =	simm.s32 @!p0 $0x1  }
0x11: {  	[tilespmem:s10], [sflag:$0x1] =	stream.indirect.gather @!p0 [hbm4b:s3+s10], $0x80, s8, s10, $0xb8;
	[tilespmem:$0x4080] =	vst v63  }
0x12: {  	_ =	swait.ge @!p0 [sflag:s11], $0x4000  }
0x13: {  	[sflag:s11] =	ssyncset.done @!p0 $0x0  }
0x14: {  	s31 =	sadd.s32 $0x20, s7;
	[sflag:s11] =	ssyncadd.s32 @!p0 $0xFFFFC000;
	s11 =	simm.s32 @!p0 $0x2  }
0x15: {  	[hbm4b:s6+s8] =	stream.linear.scatter @!p0 [tilespmem:s10], [sflag:$0x2], $0x4000, $0x38;
	[tilespmem:$0x4080] =	vst v63  }
0x16: {  	p1 =	sgt.u32 s31, $0x270;
	s9 =	simm.s32 $0x40;
	_ =	swait.ge @!p0 [sflag:s11], $0x4000  }
0x17: {  	s8 =	sadd.s32 $0x10000, s6;
	s10 =	sadd.s32 $0x200, s5;
	[sflag:s11] =	ssyncset.done @!p0 $0x0  }
.LBB2_2:
0x18: {  	s12 =	simm.s32 @!p1 $0x0;
	s13 =	simm.s32 @!p1 $0x3;
	[sflag:s11] =	ssyncadd.s32 @!p0 $0xFFFFC000  }
0x19: {  	[tilespmem:s12], [sflag:$0x3] =	stream.linear.gather @!p1 [hbm4b:s10+s12], $0x80, $0x38;
	[tilespmem:$0x4080] =	vst v63  }
0x1a: {  	s14 =	smov.u32 s9;
	s9 =	sadd.s32 $0x20, s9;
	_ =	swait.ge @!p1 [sflag:s13], $0x80  }
0x1b: {  	p0 =	por p1, p1;
	p2 =	sne.s32 s9, $0x280;
	[sflag:s13] =	ssyncset.done @!p1 $0x0  }
0x1c: {  	s11 =	simm.s32 @!p0 $0x1;
	[sflag:s13] =	ssyncadd.s32 @!p0 $0xFFFFFF80;
	s13 =	simm.s32 @!p0 $0x80  }
0x1d: {  	[tilespmem:s13], [sflag:$0x1] =	stream.indirect.gather @!p0 [hbm4b:s3+s13], $0x80, s12, s13, $0xb8;
	[tilespmem:$0x4080] =	vst v63  }
0x1e: {  	_ =	swait.ge @!p0 [sflag:s11], $0x4000  }
.Ltmp0:
0x1f: {  	[sflag:s11] =	ssyncset.done @!p0 $0x0;
	(pc) =	sbr.rel @p2 .LBB2_2-.Ltmp0, $4  }
0x20: {  	[sflag:s11] =	ssyncadd.s32 @!p0 $0xFFFFC000;
	s11 =	simm.s32 @!p0 $0x2  }
0x21: {  	[hbm4b:s8+s12] =	stream.linear.scatter @!p0 [tilespmem:s13], [sflag:$0x2], $0x4000, $0x38;
	[tilespmem:$0x4080] =	vst v63  }
0x22: {  	s12 =	sadd.s32 s14, s7;
	s8 =	sadd.s32 $0x10000, s8;
	_ =	swait.ge @!p0 [sflag:s11], $0x4000  }
0x23: {  	s10 =	sadd.s32 $0x200, s10;
	p1 =	sgt.u32 s12, $0x270;
	[sflag:s11] =	ssyncset.done @!p0 $0x0  }
0x24: {  	s9 =	simm.s32 @!p1 $0x0;
	s12 =	simm.s32 @!p1 $0x3;
	[sflag:s11] =	ssyncadd.s32 @!p0 $0xFFFFC000  }
0x25: {  	[tilespmem:s9], [sflag:$0x3] =	stream.linear.gather @!p1 [hbm4b:s10+s9], $0x80, $0x38;
	[tilespmem:$0x4080] =	vst v63  }
0x26: {  	_ =	swait.ge @!p1 [sflag:s12], $0x80  }
0x27: {  	p0 =	por p1, p1;
	[sflag:s12] =	ssyncset.done @!p1 $0x0  }
0x28: {  	s10 =	simm.s32 @!p0 $0x80;
	s11 =	simm.s32 @!p0 $0x1;
	[sflag:s12] =	ssyncadd.s32 @!p0 $0xFFFFFF80  }
0x29: {  	[tilespmem:s10], [sflag:$0x1] =	stream.indirect.gather @!p0 [hbm4b:s3+s10], $0x80, s9, s10, $0xb8;
	[tilespmem:$0x4080] =	vst v63  }
0x2a: {  	s2 =	sadd.s32 $0x1, s2;
	_ =	swait.ge @!p0 [sflag:s11], $0x4000  }
0x2b: {  	p1 =	sne.s32 s2, s4;
	[sflag:s11] =	ssyncset.done @!p0 $0x0  }
.Ltmp1:
0x2c: {  	[sflag:s11] =	ssyncadd.s32 @!p0 $0xFFFFC000;
	s11 =	simm.s32 @!p0 $0x2;
	(pc) =	sbr.rel @p1 .LBB2_1-.Ltmp1, $4  }
0x2d: {  	[hbm4b:s8+s9] =	stream.linear.scatter @!p0 [tilespmem:s10], [sflag:$0x2], $0x4000, $0x38;
	[tilespmem:$0x4080] =	vst v63  }
0x2e: {  	_ =	swait.ge @!p0 [sflag:s11], $0x4000  }
0x2f: {  	[sflag:s11] =	ssyncset.done @!p0 $0x0  }
0x30: {  	[sflag:s11] =	ssyncadd.s32 @!p0 $0xFFFFC000  }
0x31: {  	_ =	sfence.sel $0x180000  }
0x32: {  	[bflag:$0x0] =	sbarrier.arrive $0xFFFF  }
0x33: {  	p0 =	sne.s32 s1, $0x0;
	_ =	strace $0x9000004A  }
0x34: {  	s0 =	sadd.s32 @!p0 $0x100000, s0;
	[bflag:$0x2] =	sbarrier.arrive $0xFFFF  }
0x35: {  	[sflag:s0] =	ssyncadd.tile.s32 @!p0 $0x1;
	_ =	shalt  }
.Lfunc_end2:
_tile_overlayer_lowered:
.L_overlay_start_2:
0x36: {  	(tag) =	ssettag $0x2  }
0x37: {  	s0 =	rddreg [dreg:$0x0];
	s2 =	stileid.u32  }
0x38: {  	s1 =	rddreg [dreg:$0x1];
	p0 =	sne.s32 s2, $0x0  }
0x39: {  	s3 =	rddreg [dreg:$0x2];
	[bflag:$0x3] =	sbarrier.arrive $0xFFFF;
	s2 =	simm.s32 @!p0 $0x1C02  }
0x3a: {  	[timem:s3], [sflag:s2] =	dma.local @!p0 [hbm:s0], s1  }
0x3b: {  	s0 =	simm.s32 @!p0 $0x2  }
0x3c: {  	_ =	swait.ge @!p0 [sflag:s0], s1  }
0x3d: {  	s1 =	ssub.s32 @!p0 $0x0, s1;
	[sflag:s0] =	ssyncset.done @!p0 $0x0  }
0x3e: {  	[sflag:s0] =	ssyncadd.s32 @!p0 s1  }
0x3f: {  	[bflag:$0x3] =	sbarrier.arrive $0xFFFF  }
0x40: {  	_ =	shalt  }

// kernel: kernel.21.cloned.1.call-start
scs
__scs_entry_jumppad:
0x0: {  	(pc) =	sbr.rel $0x88, $3  }
0x1: {  	(tag) =	ssettag $0x0;
	lr =	simm.s32 $0x1  }
0x2: {  	[smem:$0x3F85] =	sst lr;
	_ =	strace $0xD0000000  }
0x3: {  	_ = 	snop  }
0x4: {  	_ = 	snop  }
0x5: {  	_ = 	snop  }
0x6: {  	_ = 	snop  }
0x7: {  	_ = 	snop  }
__scs_overlays_trampoline_lowered:
0x8: {  	[smem:$0x3F94] =	sst s0  }
0x9: {  	[smem:$0x3F95] =	sst s1  }
0xa: {  	[smem:$0x3F96] =	sst s2  }
0xb: {  	[smem:$0x3F97] =	sst s3  }
0xc: {  	[smem:$0x3F98] =	sst s4  }
0xd: {  	[smem:$0x3F99] =	sst s5  }
0xe: {  	[smem:$0x3F9A] =	sst s6  }
0xf: {  	[smem:$0x3F9B] =	sst s7  }
0x10: {  	[smem:$0x3F9C] =	sst s8  }
0x11: {  	[smem:$0x3F9D] =	sst s9;
	s0 =	simm.s32 @!p0 $0x0  }
0x12: {  	s1 =	sld [smem:$0x3F83];
	s0 =	simm.s32 @p0 $0x1  }
0x13: {  	[smem:$0x3F9E] =	sst s0;
	s0 =	simm.s32 @!p1 $0x0  }
0x14: {  	s2 =	sld [smem:$0x3F82];
	s0 =	simm.s32 @p1 $0x1  }
0x15: {  	[smem:$0x3F9F] =	sst s0;
	s0 =	simm.s32 @!p2 $0x0  }
0x16: {  	s3 =	sld [smem:$0x3FDB];
	s0 =	simm.s32 @p2 $0x1  }
0x17: {  	s4 =	simm.s32 $0x1BF5;
	[smem:$0x3FA1] =	sst s0  }
0x18: {  	s0 =	sld [smem:$0x3F84];
	_ =	swait.ge [sflag:s4], $0x0  }
0x19: {  	s7 =	sld [smem:$0x3F85]  }
0x1a: {  	s8 =	sadd.s32 $0xFFFFE003, lr  }
0x1b: {  	s9 =	sadd.s32 $0xFFFFFEF7, lr;
	s5 =	simm.s32 $0xFFFFFFFF;
	p2 =	slt.u32 s8, $0xFFFFF086  }
0x1c: {  	p1 =	slt.u32 s9, $0xF7A;
	s5 =	simm.s32 @!p2 $0x0  }
0x1d: {  	s5 =	simm.s32 @p1 $0x1;
	p0 =	seq.s32 s7, s2  }
0x1e: {  	s7 =	smul.u32 @!p0 $0xF7A, s2;
	p2 =	seq.s32 @!p0 s5, $0x0  }
0x1f: {  	s9 =	smul.u32 $0xF7A, s1;
	s8 =	simm.s32 @!p0 $0x1BF5;
	p2 =	por !p2, p0  }
0x20: {  	[sflag:s8] =	ssyncset.s32 @!p0 $0xFFFFF086;
	s6 =	sadd.s32 @!p0 s3, s7;
	s7 =	simm.s32 @!p0 $0x108  }
0x21: {  	s3 =	sadd.s32 s3, s9;
	s6 =	sadd.s32 @!p0 $0x88, s6;
	s7 =	simm.s32 @p2 $0x1082  }
0x22: {  	[simem:s7], [sflag:s8] =	dma.local @!p0 [hbm:s6], $0xF7A  }
0x23: {  	s9 =	sor.u32 $0xD0000000, s2;
	s6 =	simm.s32 $0x108;
	_ =	swait.ge @!p0 [sflag:s8], $0x0  }
0x24: {  	s3 =	sadd.s32 $0x88, s3;
	s6 =	simm.s32 @!p1 $0x1082;
	[sflag:s4] =	ssyncset.s32 $0xFFFFF086  }
0x25: {  	[simem:s6], [sflag:s4] =	dma.local [hbm:s3], $0xF7A  }
0x26: {  	[smem:$0x3F85] =	sst s1;
	(tag) =	ssettag s2;
	_ =	strace s9  }
0x27: {  	s1 =	sld [smem:$0x3F95]  }
0x28: {  	s2 =	sld [smem:$0x3F96]  }
0x29: {  	s4 =	sld [smem:$0x3F98]  }
0x2a: {  	p0 =	seq.s32 s5, $0x0;
	s5 =	sld [smem:$0x3F99]  }
0x2b: {  	s6 =	sld [smem:$0x3F9A]  }
0x2c: {  	s7 =	sld [smem:$0x3F9B]  }
0x2d: {  	s3 =	simm.s32 $0x108;
	s8 =	sld [smem:$0x3F9C]  }
0x2e: {  	s3 =	simm.s32 @!p0 $0x1082;
	s9 =	sld [smem:$0x3F9D]  }
0x2f: {  	lr =	sadd.s32 s0, s3;
	s0 =	sld [smem:$0x3F94]  }
0x30: {  	s3 =	sld [smem:$0x3F97]  }
0x31: {  	[smem:$0x3FA0] =	sst s10  }
0x32: {  	s10 =	sld [smem:$0x3F9E];
	_ =	sdelay $0x3  }
0x33: {  	p0 =	seq.s32 s10, $0x1;
	s10 =	sld [smem:$0x3FA0];
	_ =	sdelay $0x3  }
0x34: {  	[smem:$0x3FA0] =	sst s10  }
0x35: {  	s10 =	sld [smem:$0x3F9F];
	_ =	sdelay $0x3  }
0x36: {  	p1 =	seq.s32 s10, $0x1;
	s10 =	sld [smem:$0x3FA0];
	_ =	sdelay $0x3  }
0x37: {  	[smem:$0x3FA0] =	sst s10  }
0x38: {  	s10 =	sld [smem:$0x3FA1]  }
0x39: {  	_ = 	snop;
	(pc) =	sbr.ind lr, $3  }
0x3a: {  	_ = 	snop  }
0x3b: {  	_ = 	snop  }
0x3c: {  	p2 =	seq.s32 s10, $0x1;
	s10 =	sld [smem:$0x3FA0]  }
0x3d: {  	_ =	shalt  }
0x3e: {  	_ =	shalt  }
0x3f: {  	_ =	shalt  }
0x40: {  	_ =	shalt  }
0x41: {  	_ =	shalt  }
0x42: {  	_ =	shalt  }
0x43: {  	_ =	shalt  }
0x44: {  	_ =	shalt  }
0x45: {  	_ =	shalt  }
0x46: {  	_ =	shalt  }
0x47: {  	_ =	shalt  }
0x48: {  	_ =	shalt  }
0x49: {  	_ =	shalt  }
0x4a: {  	_ =	shalt  }
0x4b: {  	_ =	shalt  }
0x4c: {  	_ =	shalt  }
0x4d: {  	_ =	shalt  }
0x4e: {  	_ =	shalt  }
0x4f: {  	_ =	shalt  }
0x50: {  	_ =	shalt  }
0x51: {  	_ =	shalt  }
0x52: {  	_ =	shalt  }
0x53: {  	_ =	shalt  }
0x54: {  	_ =	shalt  }
0x55: {  	_ =	shalt  }
0x56: {  	_ =	shalt  }
0x57: {  	_ =	shalt  }
0x58: {  	_ =	shalt  }
0x59: {  	_ =	shalt  }
0x5a: {  	_ =	shalt  }
0x5b: {  	_ =	shalt  }
0x5c: {  	_ =	shalt  }
0x5d: {  	_ =	shalt  }
0x5e: {  	_ =	shalt  }
0x5f: {  	_ =	shalt  }
0x60: {  	_ =	shalt  }
0x61: {  	_ =	shalt  }
0x62: {  	_ =	shalt  }
0x63: {  	_ =	shalt  }
0x64: {  	_ =	shalt  }
0x65: {  	_ =	shalt  }
0x66: {  	_ =	shalt  }
0x67: {  	_ =	shalt  }
0x68: {  	_ =	shalt  }
0x69: {  	_ =	shalt  }
0x6a: {  	_ =	shalt  }
0x6b: {  	_ =	shalt  }
0x6c: {  	_ =	shalt  }
0x6d: {  	_ =	shalt  }
0x6e: {  	_ =	shalt  }
0x6f: {  	_ =	shalt  }
0x70: {  	_ =	shalt  }
0x71: {  	_ =	shalt  }
0x72: {  	_ =	shalt  }
0x73: {  	_ =	shalt  }
0x74: {  	_ =	shalt  }
0x75: {  	_ =	shalt  }
0x76: {  	_ =	shalt  }
0x77: {  	_ =	shalt  }
0x78: {  	_ =	shalt  }
0x79: {  	_ =	shalt  }
0x7a: {  	_ =	shalt  }
0x7b: {  	_ =	shalt  }
0x7c: {  	_ =	shalt  }
0x7d: {  	_ =	shalt  }
0x7e: {  	_ =	shalt  }
0x7f: {  	_ =	shalt  }
0x80: {  	_ =	shalt  }
0x81: {  	_ =	shalt  }
0x82: {  	_ =	shalt  }
0x83: {  	_ =	shalt  }
0x84: {  	_ =	shalt  }
0x85: {  	_ =	shalt  }
0x86: {  	_ =	shalt  }
0x87: {  	_ =	shalt  }
.Lfunc_end0:
.L_simem_size_0:
called_computation.2_lowered:
.L_overlay_start_0:
0x88: {  	s2 =	sld [smem:$0x3FD9]  }
0x89: {  	s3 =	sld [smem:$0x3FFE];
	_ =	sdelay $0x1  }
0x8a: {  	s1 =	srdreg.scid  }
0x8b: {  	s0 =	sand.u32 $0x1, s1  }
0x8c: {  	s16 =	sshll.u32 s0, $0xA;
	s2 =	sadd.s32 s3, s2  }
0x8d: {  	s2 =	sadd.s32 s2, s16  }
0x8e: {  	[smem:$0x3FAC] =	sst s2  }
0x8f: {  	_ = 	snop  }
0x90: {  	(tm) =	ssettm $0x1  }
0x91: {  	s17 =	sld [smem:$0x3FFB];
	_ =	sdelay $0x3  }
0x92: {  	_ =	strace s17  }
0x93: {  	s2 =	sld [smem:$0x3FFC];
	_ =	sdelay $0x3  }
0x94: {  	_ =	strace s2  }
0x95: {  	s2 =	sld [smem:$0x3FFD];
	_ =	sdelay $0x3  }
0x96: {  	_ =	strace s2  }
0x97: {  	_ =	strace $0x8FFFFFFF  }
0x98: {  	s18 =	sld [smem:$0x3FDB];
	_ =	sdelay $0x1  }
0x99: {  	s19 =	simm.s32 $_scs_section_size  }
0x9a: {  	s4 =	simm.s32 $_size__tile_overlayer_lowered;
	s5 =	simm.s32 $_tile_overlayer_lowered  }
0x9b: {  	s22 =	simm.s32 $0x1BFF;
	s21 =	sshll.u32 s5, $0x1;
	s2 =	sadd.s32 s19, s18  }
0x9c: {  	s6 =	simm.s32 $0x0;
	s20 =	sshll.u32 s4, $0x1;
	s4 =	sadd.s32 s21, s2  }
0x9d: {  	[timem:s6], [sflag:s22] =	dma.local [hbm:s4], s20  }
0x9e: {  	_ =	swait.ge [sflag:s22], s20  }
0x9f: {  	s3 =	ssub.s32 $0x0, s20;
	[sflag:s22] =	ssyncset.done $0x0  }
0xa0: {  	[sflag:s22] =	ssyncadd.s32 s3;
	_ =	sdelay $0x1  }
0xa1: {  	s23 =	simm.s32 $0x1B8B  }
0xa2: {  	_ =	swait.ge [sflag:s23], $0x1  }
0xa3: {  	[sflag:s23] =	ssyncset.done $0x0  }
0xa4: {  	s25 =	simm.s32 $0x1B8E;
	s24 =	sld [smem:$0x3FFE];
	[sflag:s23] =	ssyncadd.s32 $0xFFFFFFFF  }
0xa5: {  	s26 =	simm.s32 $execute0_lowered;
	[smem:$0x3FD2] =	sst s25  }
0xa6: {  	s4 =	sshll.u32 s26, $0x1;
	_ =	strace $0x8000004C;
	[dreg:$0x1] =	wrdreg $0xFFFFFFFF  }
0xa7: {  	s28 =	simm.s32 $_size_execute0_lowered;
	s2 =	sadd.s32 s2, s4;
	[dreg:$0x0] =	wrdreg $0x0  }
0xa8: {  	s4 =	sshll.u32 s28, $0x1;
	[dreg:$0x2] =	wrdreg s2  }
0xa9: {  	[dreg:$0x3] =	wrdreg s4  }
0xaa: {  	[dreg:$0x4] =	wrdreg $0xC0  }
0xab: {  	_ =	task [dreg:s6], $0x5FFFF  }
0xac: {  	[dreg:$0x1] =	wrdreg $0xFFFFFFFF  }
0xad: {  	[dreg:$0x0] =	wrdreg $0x60  }
0xae: {  	[dreg:$0x2] =	wrdreg s24  }
0xaf: {  	[dreg:$0x3] =	wrdreg $0x9  }
0xb0: {  	_ =	task.clear_ibuf [dreg:s6], $0x4FFFF;
	_ =	strace $0x9000004C  }
0xb1: {  	s29 =	simm.s32 $0x9;
	_ =	strace $0x8000004E  }
0xb2: {  	_ =	swait.ge [sflag:s29], $0x1  }
0xb3: {  	[sflag:s29] =	ssyncadd.s32 $0xFFFFFFFF  }
0xb4: {  	_ =	strace $0x9000004E  }
0xb5: {  	_ =	sfence  }
0xb6: {  	s30 =	sld [smem:$0x0];
	_ =	sdelay $0x2  }
0xb7: {  	s31 =	sshll.u32 s1, $0xD;
	s1 =	sshrl.u32 s1, $0x2  }
0xb8: {  	s3 =	sand.u32 $0x4000, s31;
	s1 =	sadd.s32 s1, s30  }
0xb9: {  	s0 =	sor.u32 s3, s0;
	s1 =	sshll.u32 s1, $0x11  }
0xba: {  	s0 =	sor.u32 s1, s0  }
0xbb: {  	s0 =	sadd.s32 $0x8F2B, s0  }
0xbc: {  	[sflag:s0] =	ssyncadd.remote.s32 $0x1  }
0xbd: {  	_ =	sfence.sel $0xFFFF  }
0xbe: {  	[dreg:$0x0] =	wrdreg $0xFFFFFFFF;
	(pc) =	sbr.abs _section_cstart, $3  }
0xbf: {  	[dreg:$0x1] =	wrdreg $0xFFFFFFFF  }
0xc0: {  	_ =	task.clear_ibuf [dreg:s6], $0x2FFFF;
	_ =	strace $0x9FFFFFFF  }
0xc1: {  	(tm) =	ssettm $0x7FFFFFFF  }
tec
execute0_lowered:
.L_overlay_start_1:
0x0: {  	(tag) =	ssettag $0x1  }
0x1: {  	s0 =	rddreg [dreg:$0x0]  }
0x2: {  	s1 =	simm.s32 $0x0;
	s2 =	srdreg.scid;
	s12 =	stileid.u32  }
0x3: {  	s16 =	simm.s32 $0x200;
	s17 =	simm.s32 $0x7;
	s18 =	simm.s32 $0x280  }
0x4: {  	s28 =	simm.s32 $0x3;
	[smem:$0x7FF] =	sst s1;
	s3 =	sadd.s32 $0x555000, s0  }
0x5: {  	s2 =	sand.u32 $0x1, s2;
	s4 =	sshll.u32 s12, $0x8;
	s14 =	sadd.s32 $0x541200, s0  }
0x6: {  	s21 =	sshll.u32 s12, $0x1;
	s10 =	sshll.u32 s12, $0x5;
	s12 =	sshll.u32 s12, $0xC  }
0x7: {  	_ =	strace $0x8000004D;
	s5 =	ssub.s32 $0x2, s2;
	s6 =	sshll.u32 s2, $0x7  }
0x8: {  	s22 =	sor.u32 s2, s21;
	s10 =	sadd.s32 s10, s14;
	s11 =	sshll.u32 s2, $0x4  }
0x9: {  	s2 =	sshll.u32 s2, $0xB;
	s21 =	simm.s32 $0x80;
	s7 =	sshrl.u32 s5, $0x1  }
0xa: {  	s6 =	sor.u32 s6, s4;
	s4 =	sadd.s32 $0x141000, s0;
	[dreg:$0x3] =	wrdreg s22  }
0xb: {  	s10 =	sadd.s32 s11, s10;
	s2 =	sor.u32 s2, s12;
	s22 =	simm.s32 $0x4400  }
0xc: {  	s19 =	ssub.s32 s5, s7;
	s20 =	sadd.s32 $0x28100, s6;
	s23 =	sadd.s32 $0x4F200, s6  }
0xd: {  	s9 =	sadd.s32 $0x76300, s6;
	s25 =	sadd.s32 s2, s4;
	s26 =	sadd.s32 $0x27100, s6  }
0xe: {  	s29 =	sadd.s32 $0x4E200, s6;
	s6 =	sadd.s32 $0x75300, s6;
	s31 =	sor.u32 $0x1FFF0000, s2  }
0xf: {  	s2 =	simm.s32 $0x0;
	s0 =	smax.u32 s19, $0x1;
	s5 =	sshrl.u32 s20, $0x3  }
0x10: {  	s24 =	sshrl.u32 s9, $0x3;
	[dreg:$0x4] =	wrdreg s25;
	s13 =	sshrl.u32 s29, $0x3  }
0x11: {  	s30 =	sshrl.u32 s6, $0x3;
	[dreg:$0x5] =	wrdreg s31;
	s19 =	simm.s32 $0x300  }
.Ltmp0:
0x12: {  	s20 =	simm.s32 $0x380;
	s25 =	simm.s32 $0x100;
	(pc) =	sbr.rel .LBB2_1-.Ltmp0, $4  }
0x13: {  	[dreg:$0x2] =	wrdreg s0;
	s7 =	sadd.s32 s5, s14;
	s5 =	sshrl.u32 s23, $0x3  }
0x14: {  	s9 =	sadd.s32 s24, s14;
	s13 =	sadd.s32 s13, s14;
	s23 =	simm.s32 $0x1  }
0x15: {  	s24 =	simm.s32 $0x400;
	s8 =	sadd.s32 s5, s14;
	s5 =	sshrl.u32 s26, $0x3  }
0x16: {  	s26 =	simm.s32 $0x180;
	s12 =	sadd.s32 s5, s14;
	s14 =	sadd.s32 s30, s14  }
.LBB2_7:
0x17: {  	s2 =	rddreg [dreg:$0x6]  }
0x18: {  	s0 =	rddreg [dreg:$0x2];
	s2 =	sadd.s32 $0x1, s2  }
0x19: {  	p0 =	sne.s32 s2, s0  }
.Ltmp1:
0x1a: {  	_ = 	snop;
	(pc) =	sbr.rel @!p0 .LBB2_8-.Ltmp1, $1  }
0x1b: {  	_ =	sdelay $0x3  }
.LBB2_1:
.Ltmp2:
0x1c: {  	(pc) =	sbr.rel .LBB2_2-.Ltmp2, $4  }
0x1d: {  	[dreg:$0x6] =	wrdreg s2  }
0x1e: {  	s30 =	rddreg [dreg:$0x5]  }
0x1f: {  	s31 =	rddreg [dreg:$0x4]  }
0x20: {  	s6 =	rddreg [dreg:$0x3];
	s2 =	simm.s32 $0x0  }
.LBB2_3:
0x21: {  	s0 =	sadd.s32 s2, s10  }
0x22: {  	s0 =	sadd.s32 $0x200, s0  }
0x23: {  	[tilespmem:s16], [sflag:$0x7] =	stream.linear.gather [hbm4b:s0+s1], $0x80, $0x38;
	[tilespmem:$0x8400] =	vst v63  }
0x24: {  	_ =	swait.ge [sflag:s17], $0x80  }
0x25: {  	[sflag:s17] =	ssyncset.done $0x0  }
0x26: {  	s11 =	sadd.s32 s2, s7;
	[sflag:s17] =	ssyncadd.s32 $0xFFFFFF80  }
0x27: {  	[tilespmem:s18], [sflag:$0x7] =	stream.linear.gather [hbm4b:s11+s1], $0x80, $0x38;
	[tilespmem:$0x8400] =	vst v63  }
0x28: {  	_ =	swait.ge [sflag:s17], $0x80  }
0x29: {  	[sflag:s17] =	ssyncset.done $0x0  }
0x2a: {  	s15 =	sadd.s32 s2, s8;
	[sflag:s17] =	ssyncadd.s32 $0xFFFFFF80  }
0x2b: {  	[tilespmem:s19], [sflag:$0x7] =	stream.linear.gather [hbm4b:s15+s1], $0x80, $0x38;
	[tilespmem:$0x8400] =	vst v63  }
0x2c: {  	_ =	swait.ge [sflag:s17], $0x80  }
0x2d: {  	[sflag:s17] =	ssyncset.done $0x0  }
0x2e: {  	s29 =	sadd.s32 s2, s9;
	[sflag:s17] =	ssyncadd.s32 $0xFFFFFF80  }
0x2f: {  	[tilespmem:s20], [sflag:$0x7] =	stream.linear.gather [hbm4b:s29+s1], $0x80, $0x38;
	[tilespmem:$0x8400] =	vst v63  }
0x30: {  	_ =	swait.ge [sflag:s17], $0x80  }
0x31: {  	[sflag:s17] =	ssyncset.done $0x0  }
0x32: {  	[sflag:s17] =	ssyncadd.s32 $0xFFFFFF80  }
0x33: {  	[tilespmem:s22], [sflag:$0x2] =	stream.indirect.gather [hbm4b:s3+s21], $0x80, s16, s21, $0xb8;
	[tilespmem:$0x8400] =	vst v63  }
.LBB2_5:
0x34: {  	_ =	swait.ge [sflag:s23], $0x4000  }
0x35: {  	[sflag:s23] =	ssyncset.done $0x0  }
0x36: {  	[sflag:s23] =	ssyncadd.s32 $0xFFFFC000  }
0x37: {  	[tilespmem:s24], [sflag:$0x3] =	stream.indirect.gather.add.f32 [hbm:s3], $0x80, s21, s21, $0xb8;
	[tilespmem:$0x8400] =	vst v63  }
0x38: {  	_ = 	snop  }
0x39: {  	[tilespmem:s24], [sflag:$0x3] =	stream.indirect.gather.add.f32 [hbm:s3], $0x80, s25, s21, $0xb8;
	[tilespmem:$0x8400] =	vst v63  }
0x3a: {  	_ = 	snop  }
0x3b: {  	[tilespmem:s24], [sflag:$0x3] =	stream.indirect.gather.add.f32 [hbm:s3], $0x80, s26, s21, $0xb8;
	[tilespmem:$0x8400] =	vst v63  }
0x3c: {  	_ =	swait.ge [sflag:s28], $0x4000  }
0x3d: {  	[sflag:s28] =	ssyncset.done $0x0  }
0x3e: {  	[sflag:s28] =	ssyncadd.s32 $0xFFFFC000  }
0x3f: {  	_ =	swait.ge [sflag:s28], $0x4000  }
0x40: {  	[sflag:s28] =	ssyncset.done $0x0  }
0x41: {  	[sflag:s28] =	ssyncadd.s32 $0xFFFFC000  }
0x42: {  	_ =	swait.ge [sflag:s28], $0x4000  }
0x43: {  	[sflag:s28] =	ssyncset.done $0x0  }
0x44: {  	[sflag:s28] =	ssyncadd.s32 $0xFFFFC000  }
0x45: {  	[hbm4b:s31+s1] =	stream.linear.scatter [tilespmem:s24], [sflag:$0x5], $0x4000, $0x38;
	[tilespmem:$0x8400] =	vst v63  }
.LBB2_6:
0x46: {  	s2 =	sadd.s32 $0x400, s2  }
0x47: {  	p0 =	sne.s32 s2, $0x3000  }
.Ltmp3:
0x48: {  	_ = 	snop;
	(pc) =	sbr.rel @!p0 .LBB2_7-.Ltmp3, $2  }
0x49: {  	_ =	sdelay $0x2  }
0x4a: {  	s6 =	sadd.s32 $0x40, s6;
	s31 =	sadd.s32 $0x20000, s31;
	s30 =	sadd.s32 $0x20000, s30  }
.LBB2_2:
0x4b: {  	p0 =	seq.s32 s2, $0x0  }
0x4c: {  	p1 =	sgt.u32 @!p0 s6, $0x2B0  }
0x4d: {  	p2 =	por p1, p0  }
0x4e: {  	s5 =	simm.s32 @!p2 $0x5  }
0x4f: {  	_ =	swait.ge @!p2 [sflag:s5], $0x4000  }
0x50: {  	p1 =	sgt.u32 s6, $0x270;
	[sflag:s5] =	ssyncset.done @!p2 $0x0  }
0x51: {  	s0 =	simm.s32 @!p1 $0x0;
	[sflag:s5] =	ssyncadd.s32 @!p2 $0xFFFFC000;
	s5 =	sadd.s32 @!p1 s2, s10  }
0x52: {  	[tilespmem:s0], [sflag:$0x7] =	stream.linear.gather @!p1 [hbm4b:s5+s0], $0x80, $0x38;
	[tilespmem:$0x8400] =	vst v63  }
0x53: {  	s5 =	simm.s32 @!p1 $0x7  }
0x54: {  	_ =	swait.ge @!p1 [sflag:s5], $0x80  }
0x55: {  	[sflag:s5] =	ssyncset.done @!p1 $0x0  }
0x56: {  	s11 =	sadd.s32 @!p1 s2, s12;
	s15 =	simm.s32 @!p1 $0x80;
	[sflag:s5] =	ssyncadd.s32 @!p1 $0xFFFFFF80  }
0x57: {  	[tilespmem:s15], [sflag:$0x7] =	stream.linear.gather @!p1 [hbm4b:s11+s0], $0x80, $0x38;
	[tilespmem:$0x8400] =	vst v63  }
0x58: {  	_ =	swait.ge @!p1 [sflag:s5], $0x80  }
0x59: {  	[sflag:s5] =	ssyncset.done @!p1 $0x0  }
0x5a: {  	s29 =	simm.s32 @!p1 $0x100;
	s11 =	sadd.s32 @!p1 s2, s13;
	[sflag:s5] =	ssyncadd.s32 @!p1 $0xFFFFFF80  }
0x5b: {  	[tilespmem:s29], [sflag:$0x7] =	stream.linear.gather @!p1 [hbm4b:s11+s0], $0x80, $0x38;
	[tilespmem:$0x8400] =	vst v63  }
0x5c: {  	_ =	swait.ge @!p1 [sflag:s5], $0x80  }
0x5d: {  	[sflag:s5] =	ssyncset.done @!p1 $0x0  }
0x5e: {  	s11 =	sadd.s32 @!p1 s2, s14;
	s29 =	simm.s32 @!p1 $0x180;
	[sflag:s5] =	ssyncadd.s32 @!p1 $0xFFFFFF80  }
0x5f: {  	[tilespmem:s29], [sflag:$0x7] =	stream.linear.gather @!p1 [hbm4b:s11+s0], $0x80, $0x38;
	[tilespmem:$0x8400] =	vst v63  }
0x60: {  	_ =	swait.ge @!p1 [sflag:s5], $0x80  }
0x61: {  	[sflag:s5] =	ssyncset.done @!p1 $0x0  }
0x62: {  	[sflag:s5] =	ssyncadd.s32 @!p1 $0xFFFFFF80;
	s5 =	simm.s32 @!p1 $0x400  }
0x63: {  	[tilespmem:s5], [sflag:$0x1] =	stream.indirect.gather @!p1 [hbm4b:s3+s15], $0x80, s0, s15, $0xb8;
	[tilespmem:$0x8400] =	vst v63  }
0x64: {  	p1 =	sgt.u32 @!p0 s6, $0x290  }
0x65: {  	p1 =	por p1, p0  }
0x66: {  	s0 =	simm.s32 @!p1 $0x2  }
0x67: {  	_ =	swait.ge @!p1 [sflag:s0], $0x4000  }
0x68: {  	s5 =	simm.s32 @!p1 $0x280;
	[sflag:s0] =	ssyncset.done @!p1 $0x0  }
0x69: {  	s11 =	simm.s32 @!p1 $0x4400;
	[sflag:s0] =	ssyncadd.s32 @!p1 $0xFFFFC000;
	s0 =	simm.s32 @!p1 $0x80  }
0x6a: {  	[tilespmem:s11], [sflag:$0x4] =	stream.indirect.gather.add.f32 @!p1 [hbm:s3], $0x80, s5, s0, $0xb8;
	[tilespmem:$0x8400] =	vst v63  }
0x6b: {  	s5 =	simm.s32 @!p1 $0x300  }
0x6c: {  	[tilespmem:s11], [sflag:$0x4] =	stream.indirect.gather.add.f32 @!p1 [hbm:s3], $0x80, s5, s0, $0xb8;
	[tilespmem:$0x8400] =	vst v63  }
0x6d: {  	s5 =	simm.s32 @!p1 $0x380  }
0x6e: {  	[tilespmem:s11], [sflag:$0x4] =	stream.indirect.gather.add.f32 @!p1 [hbm:s3], $0x80, s5, s0, $0xb8;
	[tilespmem:$0x8400] =	vst v63  }
0x6f: {  	s0 =	simm.s32 @!p1 $0x4  }
0x70: {  	_ =	swait.ge @!p1 [sflag:s0], $0x4000  }
0x71: {  	[sflag:s0] =	ssyncset.done @!p1 $0x0  }
0x72: {  	[sflag:s0] =	ssyncadd.s32 @!p1 $0xFFFFC000  }
0x73: {  	_ =	swait.ge @!p1 [sflag:s0], $0x4000  }
0x74: {  	[sflag:s0] =	ssyncset.done @!p1 $0x0  }
0x75: {  	[sflag:s0] =	ssyncadd.s32 @!p1 $0xFFFFC000  }
0x76: {  	_ =	swait.ge @!p1 [sflag:s0], $0x4000  }
0x77: {  	s5 =	sand.u32 @!p1 $0x1FFFF800, s30;
	[sflag:s0] =	ssyncset.done @!p1 $0x0  }
0x78: {  	[sflag:s0] =	ssyncadd.s32 @!p1 $0xFFFFC000;
	s0 =	sadd.s32 @!p1 s4, s5;
	s5 =	simm.s32 @!p1 $0x0  }
0x79: {  	[hbm4b:s0+s5] =	stream.linear.scatter @!p1 [tilespmem:s11], [sflag:$0x6], $0x4000, $0x38;
	[tilespmem:$0x8400] =	vst v63  }
0x7a: {  	s5 =	sadd.s32 $0x20, s6  }
0x7b: {  	p1 =	sgt.u32 @!p0 s5, $0x2B0  }
0x7c: {  	p0 =	por p1, p0;
	p1 =	sgt.u32 s5, $0x270  }
.Ltmp4:
0x7d: {  	_ = 	snop;
	(pc) =	sbr.rel @!p1 .LBB2_3-.Ltmp4, $4  }
0x7e: {  	s0 =	simm.s32 @!p0 $0x6  }
0x7f: {  	_ =	swait.ge @!p0 [sflag:s0], $0x4000  }
0x80: {  	[sflag:s0] =	ssyncset.done @!p0 $0x0  }
0x81: {  	[sflag:s0] =	ssyncadd.s32 @!p0 $0xFFFFC000  }
0x82: {  	p0 =	sgt.u32 s5, $0x290  }
.Ltmp5:
0x83: {  	_ = 	snop;
	(pc) =	sbr.rel @p0 .LBB2_6-.Ltmp5, $4  }
.Ltmp6:
0x84: {  	_ = 	snop;
	(pc) =	sbr.rel @!p0 .LBB2_5-.Ltmp6, $4  }
0x85: {  	_ = 	snop  }
0x86: {  	_ = 	snop  }
0x87: {  	_ = 	snop  }
0x88: {  	_ = 	snop  }
.LBB2_8:
0x89: {  	_ =	sfence.sel $0x180000  }
0x8a: {  	[bflag:$0x0] =	sbarrier.arrive $0xFFFF  }
0x8b: {  	_ =	strace $0x9000004D  }
0x8c: {  	s0 =	stileid.u32;
	[bflag:$0x2] =	sbarrier.arrive $0xFFFF  }
0x8d: {  	p0 =	sne.s32 s0, $0x0;
	s0 =	rddreg [dreg:$0x1]  }
0x8e: {  	s0 =	sadd.s32 @!p0 $0x100000, s0  }
0x8f: {  	[sflag:s0] =	ssyncadd.tile.s32 @!p0 $0x1;
	_ =	shalt  }
.Lfunc_end2:
_tile_overlayer_lowered:
.L_overlay_start_2:
0x90: {  	(tag) =	ssettag $0x2  }
0x91: {  	s0 =	rddreg [dreg:$0x0];
	s2 =	stileid.u32  }
0x92: {  	s1 =	rddreg [dreg:$0x1];
	p0 =	sne.s32 s2, $0x0  }
0x93: {  	s3 =	rddreg [dreg:$0x2];
	[bflag:$0x3] =	sbarrier.arrive $0xFFFF;
	s2 =	simm.s32 @!p0 $0x1C07  }
0x94: {  	[timem:s3], [sflag:s2] =	dma.local @!p0 [hbm:s0], s1  }
0x95: {  	s0 =	simm.s32 @!p0 $0x7  }
0x96: {  	_ =	swait.ge @!p0 [sflag:s0], s1  }
0x97: {  	s1 =	ssub.s32 @!p0 $0x0, s1;
	[sflag:s0] =	ssyncset.done @!p0 $0x0  }
0x98: {  	[sflag:s0] =	ssyncadd.s32 @!p0 s1  }
0x99: {  	[bflag:$0x3] =	sbarrier.arrive $0xFFFF  }
0x9a: {  	_ =	shalt  }

// kernel: kernel.24.cloned.1.call-start
scs
__scs_entry_jumppad:
0x0: {  	(pc) =	sbr.rel $0x88, $3  }
0x1: {  	(tag) =	ssettag $0x0;
	lr =	simm.s32 $0x1  }
0x2: {  	[smem:$0x3F85] =	sst lr;
	_ =	strace $0xD0000000  }
0x3: {  	_ = 	snop  }
0x4: {  	_ = 	snop  }
0x5: {  	_ = 	snop  }
0x6: {  	_ = 	snop  }
0x7: {  	_ = 	snop  }
__scs_overlays_trampoline_lowered:
0x8: {  	[smem:$0x3F94] =	sst s0  }
0x9: {  	[smem:$0x3F95] =	sst s1  }
0xa: {  	[smem:$0x3F96] =	sst s2  }
0xb: {  	[smem:$0x3F97] =	sst s3  }
0xc: {  	[smem:$0x3F98] =	sst s4  }
0xd: {  	[smem:$0x3F99] =	sst s5  }
0xe: {  	[smem:$0x3F9A] =	sst s6  }
0xf: {  	[smem:$0x3F9B] =	sst s7  }
0x10: {  	[smem:$0x3F9C] =	sst s8  }
0x11: {  	[smem:$0x3F9D] =	sst s9;
	s0 =	simm.s32 @!p0 $0x0  }
0x12: {  	s1 =	sld [smem:$0x3F83];
	s0 =	simm.s32 @p0 $0x1  }
0x13: {  	[smem:$0x3F9E] =	sst s0;
	s0 =	simm.s32 @!p1 $0x0  }
0x14: {  	s2 =	sld [smem:$0x3F82];
	s0 =	simm.s32 @p1 $0x1  }
0x15: {  	[smem:$0x3F9F] =	sst s0;
	s0 =	simm.s32 @!p2 $0x0  }
0x16: {  	s3 =	sld [smem:$0x3FDB];
	s0 =	simm.s32 @p2 $0x1  }
0x17: {  	s4 =	simm.s32 $0x1BF5;
	[smem:$0x3FA1] =	sst s0  }
0x18: {  	s0 =	sld [smem:$0x3F84];
	_ =	swait.ge [sflag:s4], $0x0  }
0x19: {  	s7 =	sld [smem:$0x3F85]  }
0x1a: {  	s8 =	sadd.s32 $0xFFFFE003, lr  }
0x1b: {  	s9 =	sadd.s32 $0xFFFFFEF7, lr;
	s5 =	simm.s32 $0xFFFFFFFF;
	p2 =	slt.u32 s8, $0xFFFFF086  }
0x1c: {  	p1 =	slt.u32 s9, $0xF7A;
	s5 =	simm.s32 @!p2 $0x0  }
0x1d: {  	s5 =	simm.s32 @p1 $0x1;
	p0 =	seq.s32 s7, s2  }
0x1e: {  	s7 =	smul.u32 @!p0 $0xF7A, s2;
	p2 =	seq.s32 @!p0 s5, $0x0  }
0x1f: {  	s9 =	smul.u32 $0xF7A, s1;
	s8 =	simm.s32 @!p0 $0x1BF5;
	p2 =	por !p2, p0  }
0x20: {  	[sflag:s8] =	ssyncset.s32 @!p0 $0xFFFFF086;
	s6 =	sadd.s32 @!p0 s3, s7;
	s7 =	simm.s32 @!p0 $0x108  }
0x21: {  	s3 =	sadd.s32 s3, s9;
	s6 =	sadd.s32 @!p0 $0x88, s6;
	s7 =	simm.s32 @p2 $0x1082  }
0x22: {  	[simem:s7], [sflag:s8] =	dma.local @!p0 [hbm:s6], $0xF7A  }
0x23: {  	s9 =	sor.u32 $0xD0000000, s2;
	s6 =	simm.s32 $0x108;
	_ =	swait.ge @!p0 [sflag:s8], $0x0  }
0x24: {  	s3 =	sadd.s32 $0x88, s3;
	s6 =	simm.s32 @!p1 $0x1082;
	[sflag:s4] =	ssyncset.s32 $0xFFFFF086  }
0x25: {  	[simem:s6], [sflag:s4] =	dma.local [hbm:s3], $0xF7A  }
0x26: {  	[smem:$0x3F85] =	sst s1;
	(tag) =	ssettag s2;
	_ =	strace s9  }
0x27: {  	s1 =	sld [smem:$0x3F95]  }
0x28: {  	s2 =	sld [smem:$0x3F96]  }
0x29: {  	s4 =	sld [smem:$0x3F98]  }
0x2a: {  	p0 =	seq.s32 s5, $0x0;
	s5 =	sld [smem:$0x3F99]  }
0x2b: {  	s6 =	sld [smem:$0x3F9A]  }
0x2c: {  	s7 =	sld [smem:$0x3F9B]  }
0x2d: {  	s3 =	simm.s32 $0x108;
	s8 =	sld [smem:$0x3F9C]  }
0x2e: {  	s3 =	simm.s32 @!p0 $0x1082;
	s9 =	sld [smem:$0x3F9D]  }
0x2f: {  	lr =	sadd.s32 s0, s3;
	s0 =	sld [smem:$0x3F94]  }
0x30: {  	s3 =	sld [smem:$0x3F97]  }
0x31: {  	[smem:$0x3FA0] =	sst s10  }
0x32: {  	s10 =	sld [smem:$0x3F9E];
	_ =	sdelay $0x3  }
0x33: {  	p0 =	seq.s32 s10, $0x1;
	s10 =	sld [smem:$0x3FA0];
	_ =	sdelay $0x3  }
0x34: {  	[smem:$0x3FA0] =	sst s10  }
0x35: {  	s10 =	sld [smem:$0x3F9F];
	_ =	sdelay $0x3  }
0x36: {  	p1 =	seq.s32 s10, $0x1;
	s10 =	sld [smem:$0x3FA0];
	_ =	sdelay $0x3  }
0x37: {  	[smem:$0x3FA0] =	sst s10  }
0x38: {  	s10 =	sld [smem:$0x3FA1]  }
0x39: {  	_ = 	snop;
	(pc) =	sbr.ind lr, $3  }
0x3a: {  	_ = 	snop  }
0x3b: {  	_ = 	snop  }
0x3c: {  	p2 =	seq.s32 s10, $0x1;
	s10 =	sld [smem:$0x3FA0]  }
0x3d: {  	_ =	shalt  }
0x3e: {  	_ =	shalt  }
0x3f: {  	_ =	shalt  }
0x40: {  	_ =	shalt  }
0x41: {  	_ =	shalt  }
0x42: {  	_ =	shalt  }
0x43: {  	_ =	shalt  }
0x44: {  	_ =	shalt  }
0x45: {  	_ =	shalt  }
0x46: {  	_ =	shalt  }
0x47: {  	_ =	shalt  }
0x48: {  	_ =	shalt  }
0x49: {  	_ =	shalt  }
0x4a: {  	_ =	shalt  }
0x4b: {  	_ =	shalt  }
0x4c: {  	_ =	shalt  }
0x4d: {  	_ =	shalt  }
0x4e: {  	_ =	shalt  }
0x4f: {  	_ =	shalt  }
0x50: {  	_ =	shalt  }
0x51: {  	_ =	shalt  }
0x52: {  	_ =	shalt  }
0x53: {  	_ =	shalt  }
0x54: {  	_ =	shalt  }
0x55: {  	_ =	shalt  }
0x56: {  	_ =	shalt  }
0x57: {  	_ =	shalt  }
0x58: {  	_ =	shalt  }
0x59: {  	_ =	shalt  }
0x5a: {  	_ =	shalt  }
0x5b: {  	_ =	shalt  }
0x5c: {  	_ =	shalt  }
0x5d: {  	_ =	shalt  }
0x5e: {  	_ =	shalt  }
0x5f: {  	_ =	shalt  }
0x60: {  	_ =	shalt  }
0x61: {  	_ =	shalt  }
0x62: {  	_ =	shalt  }
0x63: {  	_ =	shalt  }
0x64: {  	_ =	shalt  }
0x65: {  	_ =	shalt  }
0x66: {  	_ =	shalt  }
0x67: {  	_ =	shalt  }
0x68: {  	_ =	shalt  }
0x69: {  	_ =	shalt  }
0x6a: {  	_ =	shalt  }
0x6b: {  	_ =	shalt  }
0x6c: {  	_ =	shalt  }
0x6d: {  	_ =	shalt  }
0x6e: {  	_ =	shalt  }
0x6f: {  	_ =	shalt  }
0x70: {  	_ =	shalt  }
0x71: {  	_ =	shalt  }
0x72: {  	_ =	shalt  }
0x73: {  	_ =	shalt  }
0x74: {  	_ =	shalt  }
0x75: {  	_ =	shalt  }
0x76: {  	_ =	shalt  }
0x77: {  	_ =	shalt  }
0x78: {  	_ =	shalt  }
0x79: {  	_ =	shalt  }
0x7a: {  	_ =	shalt  }
0x7b: {  	_ =	shalt  }
0x7c: {  	_ =	shalt  }
0x7d: {  	_ =	shalt  }
0x7e: {  	_ =	shalt  }
0x7f: {  	_ =	shalt  }
0x80: {  	_ =	shalt  }
0x81: {  	_ =	shalt  }
0x82: {  	_ =	shalt  }
0x83: {  	_ =	shalt  }
0x84: {  	_ =	shalt  }
0x85: {  	_ =	shalt  }
0x86: {  	_ =	shalt  }
0x87: {  	_ =	shalt  }
.Lfunc_end0:
.L_simem_size_0:
called_computation.3_lowered:
.L_overlay_start_0:
0x88: {  	s2 =	sld [smem:$0x3FD9]  }
0x89: {  	s3 =	sld [smem:$0x3FFE];
	_ =	sdelay $0x1  }
0x8a: {  	s1 =	srdreg.scid  }
0x8b: {  	s0 =	sand.u32 $0x1, s1  }
0x8c: {  	s17 =	sshll.u32 s0, $0xA;
	s2 =	sadd.s32 s3, s2  }
0x8d: {  	s2 =	sadd.s32 s2, s17  }
0x8e: {  	[smem:$0x3FAC] =	sst s2  }
0x8f: {  	_ = 	snop  }
0x90: {  	(tm) =	ssettm $0x1  }
0x91: {  	s18 =	sld [smem:$0x3FFB];
	_ =	sdelay $0x3  }
0x92: {  	_ =	strace s18  }
0x93: {  	s2 =	sld [smem:$0x3FFC];
	_ =	sdelay $0x3  }
0x94: {  	_ =	strace s2  }
0x95: {  	s2 =	sld [smem:$0x3FFD];
	_ =	sdelay $0x3  }
0x96: {  	_ =	strace s2  }
0x97: {  	_ =	strace $0x8FFFFFFF  }
0x98: {  	s19 =	sld [smem:$0x3FDB];
	_ =	sdelay $0x1  }
0x99: {  	s20 =	simm.s32 $_scs_section_size  }
0x9a: {  	s4 =	simm.s32 $_size__tile_overlayer_lowered;
	s5 =	simm.s32 $_tile_overlayer_lowered  }
0x9b: {  	s6 =	simm.s32 $0x1BFF;
	s21 =	sshll.u32 s5, $0x1;
	s3 =	sadd.s32 s20, s19  }
0x9c: {  	s22 =	simm.s32 $0x0;
	s4 =	sshll.u32 s4, $0x1;
	s5 =	sadd.s32 s21, s3  }
0x9d: {  	[timem:s22], [sflag:s6] =	dma.local [hbm:s5], s4  }
0x9e: {  	_ =	swait.ge [sflag:s6], s4  }
0x9f: {  	s4 =	ssub.s32 $0x0, s4;
	[sflag:s6] =	ssyncset.done $0x0  }
0xa0: {  	[sflag:s6] =	ssyncadd.s32 s4;
	_ =	sdelay $0x1  }
0xa1: {  	s23 =	simm.s32 $0x1B8B  }
0xa2: {  	_ =	swait.ge [sflag:s23], $0x1  }
0xa3: {  	[sflag:s23] =	ssyncset.done $0x0  }
0xa4: {  	[sflag:s23] =	ssyncadd.s32 $0xFFFFFFFF  }
0xa5: {  	s4 =	sld [smem:$0x0]  }
0xa6: {  	s5 =	sand.u32 $0xFFFFFFFE, s1  }
0xa7: {  	p0 =	sne.s32 s1, s5  }
0xa8: {  	s5 =	sshll.u32 @p0 s5, $0xE  }
0xa9: {  	s5 =	sadd.s32 @p0 $0x11B8D, s5;
	s6 =	sshll.u32 @p0 s4, $0x11  }
0xaa: {  	s5 =	sor.u32 @p0 s6, s5  }
0xab: {  	[sflag:s5] =	ssyncadd.remote.s32 @p0 $0x1;
	_ =	sdelay $0x1  }
0xac: {  	s5 =	simm.s32 @p0 $0x1B8D  }
0xad: {  	_ =	swait.eq @p0 [sflag:s5], $0x1  }
0xae: {  	[sflag:s5] =	ssyncadd.s32 @p0 $0xFFFFFFFF  }
0xaf: {  	s6 =	sshll.u32 @!p0 s1, $0xE  }
0xb0: {  	s6 =	sor.u32 @!p0 $0x4000, s6;
	s5 =	simm.s32 @!p0 $0x1B8D  }
0xb1: {  	s4 =	sshll.u32 @!p0 s4, $0x11;
	s6 =	sadd.s32 @!p0 $0x11B8D, s6;
	_ =	swait.eq @!p0 [sflag:s5], $0x1  }
0xb2: {  	s4 =	sor.u32 @!p0 s4, s6;
	[sflag:s5] =	ssyncadd.s32 @!p0 $0xFFFFFFFF  }
0xb3: {  	s25 =	simm.s32 $0x1B8E;
	s24 =	sld [smem:$0x3FFE];
	[sflag:s4] =	ssyncadd.remote.s32 @!p0 $0x1  }
0xb4: {  	s26 =	simm.s32 $execute0_lowered;
	[smem:$0x3FD2] =	sst s25  }
0xb5: {  	s5 =	sshll.u32 s26, $0x1;
	_ =	strace $0x8000004F;
	[dreg:$0x1] =	wrdreg $0xFFFFFFFF  }
0xb6: {  	s28 =	simm.s32 $_size_execute0_lowered;
	s3 =	sadd.s32 s3, s5;
	[dreg:$0x0] =	wrdreg $0x0  }
0xb7: {  	s5 =	sshll.u32 s28, $0x1;
	[dreg:$0x2] =	wrdreg s3  }
0xb8: {  	[dreg:$0x3] =	wrdreg s5  }
0xb9: {  	[dreg:$0x4] =	wrdreg $0xC0  }
0xba: {  	_ =	task [dreg:s22], $0x5FFFF  }
0xbb: {  	[dreg:$0x1] =	wrdreg $0xFFFFFFFF  }
0xbc: {  	[dreg:$0x0] =	wrdreg $0x60  }
0xbd: {  	[dreg:$0x2] =	wrdreg s24  }
0xbe: {  	[dreg:$0x3] =	wrdreg $0xA  }
0xbf: {  	_ =	task.clear_ibuf [dreg:s22], $0x4FFFF;
	_ =	strace $0x9000004F  }
0xc0: {  	s29 =	simm.s32 $0xA;
	_ =	strace $0x80000051  }
0xc1: {  	_ =	swait.ge [sflag:s29], $0x1  }
0xc2: {  	[sflag:s29] =	ssyncadd.s32 $0xFFFFFFFF  }
0xc3: {  	_ =	strace $0x90000051  }
0xc4: {  	_ =	sfence  }
0xc5: {  	s30 =	sld [smem:$0x0];
	_ =	sdelay $0x2  }
0xc6: {  	s31 =	sshll.u32 s1, $0xD;
	s1 =	sshrl.u32 s1, $0x2  }
0xc7: {  	s4 =	sand.u32 $0x4000, s31;
	s1 =	sadd.s32 s1, s30  }
0xc8: {  	s0 =	sor.u32 s4, s0;
	s1 =	sshll.u32 s1, $0x11  }
0xc9: {  	s0 =	sor.u32 s1, s0  }
0xca: {  	s0 =	sadd.s32 $0x8F2B, s0  }
0xcb: {  	[sflag:s0] =	ssyncadd.remote.s32 $0x1  }
0xcc: {  	_ =	sfence.sel $0xFFFF  }
0xcd: {  	[dreg:$0x0] =	wrdreg $0xFFFFFFFF;
	(pc) =	sbr.abs _section_cstart, $3  }
0xce: {  	[dreg:$0x1] =	wrdreg $0xFFFFFFFF  }
0xcf: {  	_ =	task.clear_ibuf [dreg:s22], $0x2FFFF;
	_ =	strace $0x9FFFFFFF  }
0xd0: {  	(tm) =	ssettm $0x7FFFFFFF  }
0xd1: {  	_ =	shalt  }
tec
execute0_lowered:
.L_overlay_start_1:
0x0: {  	(tag) =	ssettag $0x1  }
0x1: {  	s0 =	rddreg [dreg:$0x0];
	s1 =	simm.s32 $0x0  }
0x2: {  	s2 =	srdreg.scid;
	s11 =	stileid.u32;
	s28 =	simm.s32 $0x180  }
0x3: {  	s29 =	simm.s32 $0x3;
	[smem:$0x7FF] =	sst s1;
	s3 =	sadd.s32 $0x555000, s0  }
0x4: {  	s2 =	sand.u32 $0x1, s2;
	s6 =	sadd.s32 $0x541200, s0;
	s4 =	sadd.s32 $0x2D0200, s0  }
0x5: {  	s18 =	sshll.u32 s11, $0x1;
	s19 =	sshll.u32 s11, $0x8;
	s24 =	sshll.u32 s11, $0xC  }
0x6: {  	_ =	strace $0x80000050;
	s5 =	ssub.s32 $0x2, s2;
	s8 =	sshll.u32 s2, $0x7  }
0x7: {  	s20 =	sor.u32 s2, s18;
	s2 =	sshll.u32 s2, $0xB;
	s18 =	simm.s32 $0x7  }
0x8: {  	s7 =	sshrl.u32 s5, $0x1;
	[dreg:$0x3] =	wrdreg s20;
	s21 =	sor.u32 s8, s19  }
0x9: {  	s2 =	sor.u32 s2, s24;
	s20 =	simm.s32 $0x300;
	s24 =	simm.s32 $0x1  }
0xa: {  	s17 =	ssub.s32 s5, s7;
	s22 =	sadd.s32 $0x14880, s21;
	s7 =	sadd.s32 $0x3B980, s21  }
0xb: {  	s8 =	sadd.s32 $0x62A80, s21;
	s23 =	sadd.s32 $0x89B80, s21;
	s25 =	sadd.s32 $0x13880, s21  }
0xc: {  	s26 =	sadd.s32 s2, s4;
	s30 =	sadd.s32 $0x3A980, s21;
	s13 =	sadd.s32 $0x61A80, s21  }
0xd: {  	s5 =	sadd.s32 $0x88B80, s21;
	s31 =	sor.u32 $0x1FFF0000, s2;
	s21 =	simm.s32 $0x380  }
0xe: {  	s2 =	simm.s32 $0x0;
	s0 =	smax.u32 s17, $0x1;
	s9 =	sshrl.u32 s7, $0x3  }
0xf: {  	s10 =	sshrl.u32 s8, $0x3;
	[dreg:$0x4] =	wrdreg s26;
	s11 =	sshrl.u32 s25, $0x3  }
0x10: {  	s14 =	sshrl.u32 s13, $0x3;
	s5 =	sshrl.u32 s5, $0x3;
	[dreg:$0x5] =	wrdreg s31  }
0x11: {  	s17 =	simm.s32 $0x200;
	s25 =	simm.s32 $0x400;
	s26 =	simm.s32 $0x100  }
.Ltmp0:
0x12: {  	[dreg:$0x2] =	wrdreg s0;
	s0 =	sshrl.u32 s22, $0x3;
	(pc) =	sbr.rel .LBB2_1-.Ltmp0, $4  }
0x13: {  	s8 =	sadd.s32 s9, s6;
	s9 =	sadd.s32 s10, s6;
	s12 =	sadd.s32 s11, s6  }
0x14: {  	s11 =	sshrl.u32 s30, $0x3;
	s14 =	sadd.s32 s14, s6;
	s15 =	sadd.s32 s5, s6  }
0x15: {  	s22 =	simm.s32 $0x80;
	s7 =	sadd.s32 s0, s6;
	s0 =	sshrl.u32 s23, $0x3  }
0x16: {  	s13 =	sadd.s32 s11, s6;
	s23 =	simm.s32 $0x4400;
	s10 =	sadd.s32 s0, s6  }
.LBB2_7:
0x17: {  	s2 =	rddreg [dreg:$0x6]  }
0x18: {  	s0 =	rddreg [dreg:$0x2];
	s2 =	sadd.s32 $0x1, s2  }
0x19: {  	p0 =	sne.s32 s2, s0  }
.Ltmp1:
0x1a: {  	_ = 	snop;
	(pc) =	sbr.rel @!p0 .LBB2_8-.Ltmp1, $1  }
0x1b: {  	_ =	sdelay $0x3  }
.LBB2_1:
.Ltmp2:
0x1c: {  	(pc) =	sbr.rel .LBB2_2-.Ltmp2, $4  }
0x1d: {  	[dreg:$0x6] =	wrdreg s2  }
0x1e: {  	s31 =	rddreg [dreg:$0x5]  }
0x1f: {  	s11 =	rddreg [dreg:$0x4]  }
0x20: {  	s6 =	rddreg [dreg:$0x3];
	s5 =	simm.s32 $0x0  }
.LBB2_3:
0x21: {  	s0 =	sadd.s32 s5, s7  }
0x22: {  	[tilespmem:s17], [sflag:$0x7] =	stream.linear.gather [hbm4b:s0+s1], $0x80, $0x38;
	[tilespmem:$0x8400] =	vst v63  }
0x23: {  	_ =	swait.ge [sflag:s18], $0x80  }
0x24: {  	[sflag:s18] =	ssyncset.done $0x0  }
0x25: {  	s16 =	sadd.s32 s5, s8;
	s2 =	simm.s32 $0x280;
	[sflag:s18] =	ssyncadd.s32 $0xFFFFFF80  }
0x26: {  	[tilespmem:s2], [sflag:$0x7] =	stream.linear.gather [hbm4b:s16+s1], $0x80, $0x38;
	[tilespmem:$0x8400] =	vst v63  }
0x27: {  	_ =	swait.ge [sflag:s18], $0x80  }
0x28: {  	[sflag:s18] =	ssyncset.done $0x0  }
0x29: {  	s19 =	sadd.s32 s5, s9;
	[sflag:s18] =	ssyncadd.s32 $0xFFFFFF80  }
0x2a: {  	[tilespmem:s20], [sflag:$0x7] =	stream.linear.gather [hbm4b:s19+s1], $0x80, $0x38;
	[tilespmem:$0x8400] =	vst v63  }
0x2b: {  	_ =	swait.ge [sflag:s18], $0x80  }
0x2c: {  	[sflag:s18] =	ssyncset.done $0x0  }
0x2d: {  	s30 =	sadd.s32 s5, s10;
	[sflag:s18] =	ssyncadd.s32 $0xFFFFFF80  }
0x2e: {  	[tilespmem:s21], [sflag:$0x7] =	stream.linear.gather [hbm4b:s30+s1], $0x80, $0x38;
	[tilespmem:$0x8400] =	vst v63  }
0x2f: {  	_ =	swait.ge [sflag:s18], $0x80  }
0x30: {  	[sflag:s18] =	ssyncset.done $0x0  }
0x31: {  	[sflag:s18] =	ssyncadd.s32 $0xFFFFFF80  }
0x32: {  	[tilespmem:s23], [sflag:$0x2] =	stream.indirect.gather [hbm4b:s3+s22], $0x80, s17, s22, $0xb8;
	[tilespmem:$0x8400] =	vst v63  }
.LBB2_5:
0x33: {  	_ =	swait.ge [sflag:s24], $0x4000  }
0x34: {  	[sflag:s24] =	ssyncset.done $0x0  }
0x35: {  	[sflag:s24] =	ssyncadd.s32 $0xFFFFC000  }
0x36: {  	[tilespmem:s25], [sflag:$0x3] =	stream.indirect.gather.add.f32 [hbm:s3], $0x80, s22, s22, $0xb8;
	[tilespmem:$0x8400] =	vst v63  }
0x37: {  	_ = 	snop  }
0x38: {  	[tilespmem:s25], [sflag:$0x3] =	stream.indirect.gather.add.f32 [hbm:s3], $0x80, s26, s22, $0xb8;
	[tilespmem:$0x8400] =	vst v63  }
0x39: {  	_ = 	snop  }
0x3a: {  	[tilespmem:s25], [sflag:$0x3] =	stream.indirect.gather.add.f32 [hbm:s3], $0x80, s28, s22, $0xb8;
	[tilespmem:$0x8400] =	vst v63  }
0x3b: {  	_ =	swait.ge [sflag:s29], $0x4000  }
0x3c: {  	[sflag:s29] =	ssyncset.done $0x0  }
0x3d: {  	[sflag:s29] =	ssyncadd.s32 $0xFFFFC000  }
0x3e: {  	_ =	swait.ge [sflag:s29], $0x4000  }
0x3f: {  	[sflag:s29] =	ssyncset.done $0x0  }
0x40: {  	[sflag:s29] =	ssyncadd.s32 $0xFFFFC000  }
0x41: {  	_ =	swait.ge [sflag:s29], $0x4000  }
0x42: {  	[sflag:s29] =	ssyncset.done $0x0  }
0x43: {  	[sflag:s29] =	ssyncadd.s32 $0xFFFFC000  }
0x44: {  	[hbm4b:s11+s1] =	stream.linear.scatter [tilespmem:s25], [sflag:$0x5], $0x4000, $0x38;
	[tilespmem:$0x8400] =	vst v63  }
.LBB2_6:
0x45: {  	s5 =	sadd.s32 $0x400, s5  }
0x46: {  	p0 =	sne.s32 s5, $0x3000  }
.Ltmp3:
0x47: {  	_ = 	snop;
	(pc) =	sbr.rel @!p0 .LBB2_7-.Ltmp3, $2  }
0x48: {  	_ =	sdelay $0x2  }
0x49: {  	s6 =	sadd.s32 $0x40, s6;
	s11 =	sadd.s32 $0x20000, s11;
	s31 =	sadd.s32 $0x20000, s31  }
.LBB2_2:
0x4a: {  	p0 =	seq.s32 s5, $0x0  }
0x4b: {  	p1 =	sgt.u32 @!p0 s6, $0x2B0  }
0x4c: {  	p2 =	por p1, p0  }
0x4d: {  	s2 =	simm.s32 @!p2 $0x5  }
0x4e: {  	_ =	swait.ge @!p2 [sflag:s2], $0x4000  }
0x4f: {  	p1 =	sgt.u32 s6, $0x270;
	[sflag:s2] =	ssyncset.done @!p2 $0x0  }
0x50: {  	s0 =	simm.s32 @!p1 $0x0;
	[sflag:s2] =	ssyncadd.s32 @!p2 $0xFFFFC000;
	s2 =	sadd.s32 @!p1 s5, s12  }
0x51: {  	[tilespmem:s0], [sflag:$0x7] =	stream.linear.gather @!p1 [hbm4b:s2+s0], $0x80, $0x38;
	[tilespmem:$0x8400] =	vst v63  }
0x52: {  	s2 =	simm.s32 @!p1 $0x7  }
0x53: {  	_ =	swait.ge @!p1 [sflag:s2], $0x80  }
0x54: {  	[sflag:s2] =	ssyncset.done @!p1 $0x0  }
0x55: {  	s16 =	sadd.s32 @!p1 s5, s13;
	s30 =	simm.s32 @!p1 $0x80;
	[sflag:s2] =	ssyncadd.s32 @!p1 $0xFFFFFF80  }
0x56: {  	[tilespmem:s30], [sflag:$0x7] =	stream.linear.gather @!p1 [hbm4b:s16+s0], $0x80, $0x38;
	[tilespmem:$0x8400] =	vst v63  }
0x57: {  	_ =	swait.ge @!p1 [sflag:s2], $0x80  }
0x58: {  	[sflag:s2] =	ssyncset.done @!p1 $0x0  }
0x59: {  	s19 =	simm.s32 @!p1 $0x100;
	s16 =	sadd.s32 @!p1 s5, s14;
	[sflag:s2] =	ssyncadd.s32 @!p1 $0xFFFFFF80  }
0x5a: {  	[tilespmem:s19], [sflag:$0x7] =	stream.linear.gather @!p1 [hbm4b:s16+s0], $0x80, $0x38;
	[tilespmem:$0x8400] =	vst v63  }
0x5b: {  	_ =	swait.ge @!p1 [sflag:s2], $0x80  }
0x5c: {  	[sflag:s2] =	ssyncset.done @!p1 $0x0  }
0x5d: {  	s16 =	sadd.s32 @!p1 s5, s15;
	s19 =	simm.s32 @!p1 $0x180;
	[sflag:s2] =	ssyncadd.s32 @!p1 $0xFFFFFF80  }
0x5e: {  	[tilespmem:s19], [sflag:$0x7] =	stream.linear.gather @!p1 [hbm4b:s16+s0], $0x80, $0x38;
	[tilespmem:$0x8400] =	vst v63  }
0x5f: {  	_ =	swait.ge @!p1 [sflag:s2], $0x80  }
0x60: {  	[sflag:s2] =	ssyncset.done @!p1 $0x0  }
0x61: {  	[sflag:s2] =	ssyncadd.s32 @!p1 $0xFFFFFF80;
	s2 =	simm.s32 @!p1 $0x400  }
0x62: {  	[tilespmem:s2], [sflag:$0x1] =	stream.indirect.gather @!p1 [hbm4b:s3+s30], $0x80, s0, s30, $0xb8;
	[tilespmem:$0x8400] =	vst v63  }
0x63: {  	p1 =	sgt.u32 @!p0 s6, $0x290  }
0x64: {  	p1 =	por p1, p0  }
0x65: {  	s0 =	simm.s32 @!p1 $0x2  }
0x66: {  	_ =	swait.ge @!p1 [sflag:s0], $0x4000  }
0x67: {  	s2 =	simm.s32 @!p1 $0x280;
	[sflag:s0] =	ssyncset.done @!p1 $0x0  }
0x68: {  	s16 =	simm.s32 @!p1 $0x4400;
	[sflag:s0] =	ssyncadd.s32 @!p1 $0xFFFFC000;
	s0 =	simm.s32 @!p1 $0x80  }
0x69: {  	[tilespmem:s16], [sflag:$0x4] =	stream.indirect.gather.add.f32 @!p1 [hbm:s3], $0x80, s2, s0, $0xb8;
	[tilespmem:$0x8400] =	vst v63  }
0x6a: {  	s2 =	simm.s32 @!p1 $0x300  }
0x6b: {  	[tilespmem:s16], [sflag:$0x4] =	stream.indirect.gather.add.f32 @!p1 [hbm:s3], $0x80, s2, s0, $0xb8;
	[tilespmem:$0x8400] =	vst v63  }
0x6c: {  	s2 =	simm.s32 @!p1 $0x380  }
0x6d: {  	[tilespmem:s16], [sflag:$0x4] =	stream.indirect.gather.add.f32 @!p1 [hbm:s3], $0x80, s2, s0, $0xb8;
	[tilespmem:$0x8400] =	vst v63  }
0x6e: {  	s0 =	simm.s32 @!p1 $0x4  }
0x6f: {  	_ =	swait.ge @!p1 [sflag:s0], $0x4000  }
0x70: {  	[sflag:s0] =	ssyncset.done @!p1 $0x0  }
0x71: {  	[sflag:s0] =	ssyncadd.s32 @!p1 $0xFFFFC000  }
0x72: {  	_ =	swait.ge @!p1 [sflag:s0], $0x4000  }
0x73: {  	[sflag:s0] =	ssyncset.done @!p1 $0x0  }
0x74: {  	[sflag:s0] =	ssyncadd.s32 @!p1 $0xFFFFC000  }
0x75: {  	_ =	swait.ge @!p1 [sflag:s0], $0x4000  }
0x76: {  	s2 =	sand.u32 @!p1 $0x1FFFF800, s31;
	[sflag:s0] =	ssyncset.done @!p1 $0x0  }
0x77: {  	[sflag:s0] =	ssyncadd.s32 @!p1 $0xFFFFC000;
	s0 =	sadd.s32 @!p1 s4, s2;
	s2 =	simm.s32 @!p1 $0x0  }
0x78: {  	[hbm4b:s0+s2] =	stream.linear.scatter @!p1 [tilespmem:s16], [sflag:$0x6], $0x4000, $0x38;
	[tilespmem:$0x8400] =	vst v63  }
0x79: {  	s2 =	sadd.s32 $0x20, s6  }
0x7a: {  	p1 =	sgt.u32 @!p0 s2, $0x2B0  }
0x7b: {  	p0 =	por p1, p0;
	p1 =	sgt.u32 s2, $0x270  }
.Ltmp4:
0x7c: {  	_ = 	snop;
	(pc) =	sbr.rel @!p1 .LBB2_3-.Ltmp4, $4  }
0x7d: {  	s0 =	simm.s32 @!p0 $0x6  }
0x7e: {  	_ =	swait.ge @!p0 [sflag:s0], $0x4000  }
0x7f: {  	[sflag:s0] =	ssyncset.done @!p0 $0x0  }
0x80: {  	[sflag:s0] =	ssyncadd.s32 @!p0 $0xFFFFC000  }
0x81: {  	p0 =	sgt.u32 s2, $0x290  }
.Ltmp5:
0x82: {  	_ = 	snop;
	(pc) =	sbr.rel @p0 .LBB2_6-.Ltmp5, $4  }
.Ltmp6:
0x83: {  	_ = 	snop;
	(pc) =	sbr.rel @!p0 .LBB2_5-.Ltmp6, $4  }
0x84: {  	_ = 	snop  }
0x85: {  	_ = 	snop  }
0x86: {  	_ = 	snop  }
0x87: {  	_ = 	snop  }
.LBB2_8:
0x88: {  	_ =	sfence.sel $0x180000  }
0x89: {  	[bflag:$0x0] =	sbarrier.arrive $0xFFFF  }
0x8a: {  	_ =	strace $0x90000050  }
0x8b: {  	s0 =	stileid.u32;
	[bflag:$0x2] =	sbarrier.arrive $0xFFFF  }
0x8c: {  	p0 =	sne.s32 s0, $0x0;
	s0 =	rddreg [dreg:$0x1]  }
0x8d: {  	s0 =	sadd.s32 @!p0 $0x100000, s0  }
0x8e: {  	[sflag:s0] =	ssyncadd.tile.s32 @!p0 $0x1;
	_ =	shalt  }
.Lfunc_end2:
_tile_overlayer_lowered:
.L_overlay_start_2:
0x8f: {  	(tag) =	ssettag $0x2  }
0x90: {  	s0 =	rddreg [dreg:$0x0];
	s2 =	stileid.u32  }
0x91: {  	s1 =	rddreg [dreg:$0x1];
	p0 =	sne.s32 s2, $0x0  }
0x92: {  	s3 =	rddreg [dreg:$0x2];
	[bflag:$0x3] =	sbarrier.arrive $0xFFFF;
	s2 =	simm.s32 @!p0 $0x1C07  }
0x93: {  	[timem:s3], [sflag:s2] =	dma.local @!p0 [hbm:s0], s1  }
0x94: {  	s0 =	simm.s32 @!p0 $0x7  }
0x95: {  	_ =	swait.ge @!p0 [sflag:s0], s1  }
0x96: {  	s1 =	ssub.s32 @!p0 $0x0, s1;
	[sflag:s0] =	ssyncset.done @!p0 $0x0  }
0x97: {  	[sflag:s0] =	ssyncadd.s32 @!p0 s1  }
0x98: {  	[bflag:$0x3] =	sbarrier.arrive $0xFFFF  }
0x99: {  	_ =	shalt  }

// kernel: kernel.27.cloned.1.call-start
scs
__scs_entry_jumppad:
0x0: {  	(pc) =	sbr.rel $0x88, $3  }
0x1: {  	(tag) =	ssettag $0x0;
	lr =	simm.s32 $0x1  }
0x2: {  	[smem:$0x3F85] =	sst lr;
	_ =	strace $0xD0000000  }
0x3: {  	_ = 	snop  }
0x4: {  	_ = 	snop  }
0x5: {  	_ = 	snop  }
0x6: {  	_ = 	snop  }
0x7: {  	_ = 	snop  }
__scs_overlays_trampoline_lowered:
0x8: {  	[smem:$0x3F94] =	sst s0  }
0x9: {  	[smem:$0x3F95] =	sst s1  }
0xa: {  	[smem:$0x3F96] =	sst s2  }
0xb: {  	[smem:$0x3F97] =	sst s3  }
0xc: {  	[smem:$0x3F98] =	sst s4  }
0xd: {  	[smem:$0x3F99] =	sst s5  }
0xe: {  	[smem:$0x3F9A] =	sst s6  }
0xf: {  	[smem:$0x3F9B] =	sst s7  }
0x10: {  	[smem:$0x3F9C] =	sst s8  }
0x11: {  	[smem:$0x3F9D] =	sst s9;
	s0 =	simm.s32 @!p0 $0x0  }
0x12: {  	s1 =	sld [smem:$0x3F83];
	s0 =	simm.s32 @p0 $0x1  }
0x13: {  	[smem:$0x3F9E] =	sst s0;
	s0 =	simm.s32 @!p1 $0x0  }
0x14: {  	s2 =	sld [smem:$0x3F82];
	s0 =	simm.s32 @p1 $0x1  }
0x15: {  	[smem:$0x3F9F] =	sst s0;
	s0 =	simm.s32 @!p2 $0x0  }
0x16: {  	s3 =	sld [smem:$0x3FDB];
	s0 =	simm.s32 @p2 $0x1  }
0x17: {  	s4 =	simm.s32 $0x1BF5;
	[smem:$0x3FA1] =	sst s0  }
0x18: {  	s0 =	sld [smem:$0x3F84];
	_ =	swait.ge [sflag:s4], $0x0  }
0x19: {  	s7 =	sld [smem:$0x3F85]  }
0x1a: {  	s8 =	sadd.s32 $0xFFFFE003, lr  }
0x1b: {  	s9 =	sadd.s32 $0xFFFFFEF7, lr;
	s5 =	simm.s32 $0xFFFFFFFF;
	p2 =	slt.u32 s8, $0xFFFFF086  }
0x1c: {  	p1 =	slt.u32 s9, $0xF7A;
	s5 =	simm.s32 @!p2 $0x0  }
0x1d: {  	s5 =	simm.s32 @p1 $0x1;
	p0 =	seq.s32 s7, s2  }
0x1e: {  	s7 =	smul.u32 @!p0 $0xF7A, s2;
	p2 =	seq.s32 @!p0 s5, $0x0  }
0x1f: {  	s9 =	smul.u32 $0xF7A, s1;
	s8 =	simm.s32 @!p0 $0x1BF5;
	p2 =	por !p2, p0  }
0x20: {  	[sflag:s8] =	ssyncset.s32 @!p0 $0xFFFFF086;
	s6 =	sadd.s32 @!p0 s3, s7;
	s7 =	simm.s32 @!p0 $0x108  }
0x21: {  	s3 =	sadd.s32 s3, s9;
	s6 =	sadd.s32 @!p0 $0x88, s6;
	s7 =	simm.s32 @p2 $0x1082  }
0x22: {  	[simem:s7], [sflag:s8] =	dma.local @!p0 [hbm:s6], $0xF7A  }
0x23: {  	s9 =	sor.u32 $0xD0000000, s2;
	s6 =	simm.s32 $0x108;
	_ =	swait.ge @!p0 [sflag:s8], $0x0  }
0x24: {  	s3 =	sadd.s32 $0x88, s3;
	s6 =	simm.s32 @!p1 $0x1082;
	[sflag:s4] =	ssyncset.s32 $0xFFFFF086  }
0x25: {  	[simem:s6], [sflag:s4] =	dma.local [hbm:s3], $0xF7A  }
0x26: {  	[smem:$0x3F85] =	sst s1;
	(tag) =	ssettag s2;
	_ =	strace s9  }
0x27: {  	s1 =	sld [smem:$0x3F95]  }
0x28: {  	s2 =	sld [smem:$0x3F96]  }
0x29: {  	s4 =	sld [smem:$0x3F98]  }
0x2a: {  	p0 =	seq.s32 s5, $0x0;
	s5 =	sld [smem:$0x3F99]  }
0x2b: {  	s6 =	sld [smem:$0x3F9A]  }
0x2c: {  	s7 =	sld [smem:$0x3F9B]  }
0x2d: {  	s3 =	simm.s32 $0x108;
	s8 =	sld [smem:$0x3F9C]  }
0x2e: {  	s3 =	simm.s32 @!p0 $0x1082;
	s9 =	sld [smem:$0x3F9D]  }
0x2f: {  	lr =	sadd.s32 s0, s3;
	s0 =	sld [smem:$0x3F94]  }
0x30: {  	s3 =	sld [smem:$0x3F97]  }
0x31: {  	[smem:$0x3FA0] =	sst s10  }
0x32: {  	s10 =	sld [smem:$0x3F9E];
	_ =	sdelay $0x3  }
0x33: {  	p0 =	seq.s32 s10, $0x1;
	s10 =	sld [smem:$0x3FA0];
	_ =	sdelay $0x3  }
0x34: {  	[smem:$0x3FA0] =	sst s10  }
0x35: {  	s10 =	sld [smem:$0x3F9F];
	_ =	sdelay $0x3  }
0x36: {  	p1 =	seq.s32 s10, $0x1;
	s10 =	sld [smem:$0x3FA0];
	_ =	sdelay $0x3  }
0x37: {  	[smem:$0x3FA0] =	sst s10  }
0x38: {  	s10 =	sld [smem:$0x3FA1]  }
0x39: {  	_ = 	snop;
	(pc) =	sbr.ind lr, $3  }
0x3a: {  	_ = 	snop  }
0x3b: {  	_ = 	snop  }
0x3c: {  	p2 =	seq.s32 s10, $0x1;
	s10 =	sld [smem:$0x3FA0]  }
0x3d: {  	_ =	shalt  }
0x3e: {  	_ =	shalt  }
0x3f: {  	_ =	shalt  }
0x40: {  	_ =	shalt  }
0x41: {  	_ =	shalt  }
0x42: {  	_ =	shalt  }
0x43: {  	_ =	shalt  }
0x44: {  	_ =	shalt  }
0x45: {  	_ =	shalt  }
0x46: {  	_ =	shalt  }
0x47: {  	_ =	shalt  }
0x48: {  	_ =	shalt  }
0x49: {  	_ =	shalt  }
0x4a: {  	_ =	shalt  }
0x4b: {  	_ =	shalt  }
0x4c: {  	_ =	shalt  }
0x4d: {  	_ =	shalt  }
0x4e: {  	_ =	shalt  }
0x4f: {  	_ =	shalt  }
0x50: {  	_ =	shalt  }
0x51: {  	_ =	shalt  }
0x52: {  	_ =	shalt  }
0x53: {  	_ =	shalt  }
0x54: {  	_ =	shalt  }
0x55: {  	_ =	shalt  }
0x56: {  	_ =	shalt  }
0x57: {  	_ =	shalt  }
0x58: {  	_ =	shalt  }
0x59: {  	_ =	shalt  }
0x5a: {  	_ =	shalt  }
0x5b: {  	_ =	shalt  }
0x5c: {  	_ =	shalt  }
0x5d: {  	_ =	shalt  }
0x5e: {  	_ =	shalt  }
0x5f: {  	_ =	shalt  }
0x60: {  	_ =	shalt  }
0x61: {  	_ =	shalt  }
0x62: {  	_ =	shalt  }
0x63: {  	_ =	shalt  }
0x64: {  	_ =	shalt  }
0x65: {  	_ =	shalt  }
0x66: {  	_ =	shalt  }
0x67: {  	_ =	shalt  }
0x68: {  	_ =	shalt  }
0x69: {  	_ =	shalt  }
0x6a: {  	_ =	shalt  }
0x6b: {  	_ =	shalt  }
0x6c: {  	_ =	shalt  }
0x6d: {  	_ =	shalt  }
0x6e: {  	_ =	shalt  }
0x6f: {  	_ =	shalt  }
0x70: {  	_ =	shalt  }
0x71: {  	_ =	shalt  }
0x72: {  	_ =	shalt  }
0x73: {  	_ =	shalt  }
0x74: {  	_ =	shalt  }
0x75: {  	_ =	shalt  }
0x76: {  	_ =	shalt  }
0x77: {  	_ =	shalt  }
0x78: {  	_ =	shalt  }
0x79: {  	_ =	shalt  }
0x7a: {  	_ =	shalt  }
0x7b: {  	_ =	shalt  }
0x7c: {  	_ =	shalt  }
0x7d: {  	_ =	shalt  }
0x7e: {  	_ =	shalt  }
0x7f: {  	_ =	shalt  }
0x80: {  	_ =	shalt  }
0x81: {  	_ =	shalt  }
0x82: {  	_ =	shalt  }
0x83: {  	_ =	shalt  }
0x84: {  	_ =	shalt  }
0x85: {  	_ =	shalt  }
0x86: {  	_ =	shalt  }
0x87: {  	_ =	shalt  }
.Lfunc_end0:
.L_simem_size_0:
called_computation.4_lowered:
.L_overlay_start_0:
0x88: {  	s2 =	sld [smem:$0x3FD9]  }
0x89: {  	s3 =	sld [smem:$0x3FFE];
	_ =	sdelay $0x1  }
0x8a: {  	s1 =	srdreg.scid  }
0x8b: {  	s0 =	sand.u32 $0x1, s1  }
0x8c: {  	s17 =	sshll.u32 s0, $0xA;
	s2 =	sadd.s32 s3, s2  }
0x8d: {  	s2 =	sadd.s32 s2, s17  }
0x8e: {  	[smem:$0x3FAC] =	sst s2  }
0x8f: {  	_ = 	snop  }
0x90: {  	(tm) =	ssettm $0x1  }
0x91: {  	s18 =	sld [smem:$0x3FFB];
	_ =	sdelay $0x3  }
0x92: {  	_ =	strace s18  }
0x93: {  	s2 =	sld [smem:$0x3FFC];
	_ =	sdelay $0x3  }
0x94: {  	_ =	strace s2  }
0x95: {  	s2 =	sld [smem:$0x3FFD];
	_ =	sdelay $0x3  }
0x96: {  	_ =	strace s2  }
0x97: {  	_ =	strace $0x8FFFFFFF  }
0x98: {  	s19 =	sld [smem:$0x3FDB];
	_ =	sdelay $0x1  }
0x99: {  	s20 =	simm.s32 $_scs_section_size  }
0x9a: {  	s4 =	simm.s32 $_size__tile_overlayer_lowered;
	s5 =	simm.s32 $_tile_overlayer_lowered  }
0x9b: {  	s6 =	simm.s32 $0x1BFF;
	s21 =	sshll.u32 s5, $0x1;
	s3 =	sadd.s32 s20, s19  }
0x9c: {  	s22 =	simm.s32 $0x0;
	s4 =	sshll.u32 s4, $0x1;
	s5 =	sadd.s32 s21, s3  }
0x9d: {  	[timem:s22], [sflag:s6] =	dma.local [hbm:s5], s4  }
0x9e: {  	_ =	swait.ge [sflag:s6], s4  }
0x9f: {  	s4 =	ssub.s32 $0x0, s4;
	[sflag:s6] =	ssyncset.done $0x0  }
0xa0: {  	[sflag:s6] =	ssyncadd.s32 s4;
	_ =	sdelay $0x1  }
0xa1: {  	s23 =	simm.s32 $0x1B8B  }
0xa2: {  	_ =	swait.ge [sflag:s23], $0x1  }
0xa3: {  	[sflag:s23] =	ssyncset.done $0x0  }
0xa4: {  	[sflag:s23] =	ssyncadd.s32 $0xFFFFFFFF  }
0xa5: {  	s4 =	sld [smem:$0x0]  }
0xa6: {  	s5 =	sand.u32 $0xFFFFFFFE, s1  }
0xa7: {  	p0 =	sne.s32 s1, s5  }
0xa8: {  	s5 =	sshll.u32 @p0 s5, $0xE  }
0xa9: {  	s5 =	sadd.s32 @p0 $0x11B8D, s5;
	s6 =	sshll.u32 @p0 s4, $0x11  }
0xaa: {  	s5 =	sor.u32 @p0 s6, s5  }
0xab: {  	[sflag:s5] =	ssyncadd.remote.s32 @p0 $0x1;
	_ =	sdelay $0x1  }
0xac: {  	s5 =	simm.s32 @p0 $0x1B8D  }
0xad: {  	_ =	swait.eq @p0 [sflag:s5], $0x1  }
0xae: {  	[sflag:s5] =	ssyncadd.s32 @p0 $0xFFFFFFFF  }
0xaf: {  	s6 =	sshll.u32 @!p0 s1, $0xE  }
0xb0: {  	s6 =	sor.u32 @!p0 $0x4000, s6;
	s5 =	simm.s32 @!p0 $0x1B8D  }
0xb1: {  	s4 =	sshll.u32 @!p0 s4, $0x11;
	s6 =	sadd.s32 @!p0 $0x11B8D, s6;
	_ =	swait.eq @!p0 [sflag:s5], $0x1  }
0xb2: {  	s4 =	sor.u32 @!p0 s4, s6;
	[sflag:s5] =	ssyncadd.s32 @!p0 $0xFFFFFFFF  }
0xb3: {  	s25 =	simm.s32 $0x1B8E;
	s24 =	sld [smem:$0x3FFE];
	[sflag:s4] =	ssyncadd.remote.s32 @!p0 $0x1  }
0xb4: {  	s26 =	simm.s32 $execute0_lowered;
	[smem:$0x3FD2] =	sst s25  }
0xb5: {  	s5 =	sshll.u32 s26, $0x1;
	_ =	strace $0x80000055;
	[dreg:$0x1] =	wrdreg $0xFFFFFFFF  }
0xb6: {  	s28 =	simm.s32 $_size_execute0_lowered;
	s3 =	sadd.s32 s3, s5;
	[dreg:$0x0] =	wrdreg $0x0  }
0xb7: {  	s5 =	sshll.u32 s28, $0x1;
	[dreg:$0x2] =	wrdreg s3  }
0xb8: {  	[dreg:$0x3] =	wrdreg s5  }
0xb9: {  	[dreg:$0x4] =	wrdreg $0xC0  }
0xba: {  	_ =	task [dreg:s22], $0x5FFFF  }
0xbb: {  	[dreg:$0x1] =	wrdreg $0xFFFFFFFF  }
0xbc: {  	[dreg:$0x0] =	wrdreg $0x60  }
0xbd: {  	[dreg:$0x2] =	wrdreg s24  }
0xbe: {  	[dreg:$0x3] =	wrdreg $0x9  }
0xbf: {  	_ =	task.clear_ibuf [dreg:s22], $0x4FFFF;
	_ =	strace $0x90000055  }
0xc0: {  	s29 =	simm.s32 $0x9;
	_ =	strace $0x80000057  }
0xc1: {  	_ =	swait.ge [sflag:s29], $0x1  }
0xc2: {  	[sflag:s29] =	ssyncadd.s32 $0xFFFFFFFF  }
0xc3: {  	_ =	strace $0x90000057  }
0xc4: {  	_ =	sfence  }
0xc5: {  	s30 =	sld [smem:$0x0];
	_ =	sdelay $0x2  }
0xc6: {  	s31 =	sshll.u32 s1, $0xD;
	s1 =	sshrl.u32 s1, $0x2  }
0xc7: {  	s4 =	sand.u32 $0x4000, s31;
	s1 =	sadd.s32 s1, s30  }
0xc8: {  	s0 =	sor.u32 s4, s0;
	s1 =	sshll.u32 s1, $0x11  }
0xc9: {  	s0 =	sor.u32 s1, s0  }
0xca: {  	s0 =	sadd.s32 $0x8F2B, s0  }
0xcb: {  	[sflag:s0] =	ssyncadd.remote.s32 $0x1  }
0xcc: {  	_ =	sfence.sel $0xFFFF  }
0xcd: {  	[dreg:$0x0] =	wrdreg $0xFFFFFFFF;
	(pc) =	sbr.abs _section_cstart, $3  }
0xce: {  	[dreg:$0x1] =	wrdreg $0xFFFFFFFF  }
0xcf: {  	_ =	task.clear_ibuf [dreg:s22], $0x2FFFF;
	_ =	strace $0x9FFFFFFF  }
0xd0: {  	(tm) =	ssettm $0x7FFFFFFF  }
0xd1: {  	_ =	shalt  }
tec
execute0_lowered:
.L_overlay_start_1:
0x0: {  	(tag) =	ssettag $0x1  }
0x1: {  	s0 =	rddreg [dreg:$0x0]  }
0x2: {  	s1 =	simm.s32 $0x0;
	s2 =	srdreg.scid;
	s12 =	stileid.u32  }
0x3: {  	s16 =	simm.s32 $0x200;
	s17 =	simm.s32 $0x7;
	s18 =	simm.s32 $0x280  }
0x4: {  	s28 =	simm.s32 $0x3;
	[smem:$0x7FF] =	sst s1;
	s3 =	sadd.s32 $0xB6F800, s0  }
0x5: {  	s2 =	sand.u32 $0x1, s2;
	s4 =	sshll.u32 s12, $0x8;
	s14 =	sadd.s32 $0x541200, s0  }
0x6: {  	s21 =	sshll.u32 s12, $0x1;
	s10 =	sshll.u32 s12, $0x5;
	s12 =	sshll.u32 s12, $0xC  }
0x7: {  	_ =	strace $0x80000056;
	s5 =	ssub.s32 $0x2, s2;
	s6 =	sshll.u32 s2, $0x7  }
0x8: {  	s22 =	sor.u32 s2, s21;
	s10 =	sadd.s32 s10, s14;
	s11 =	sshll.u32 s2, $0x4  }
0x9: {  	s2 =	sshll.u32 s2, $0xB;
	s21 =	simm.s32 $0x80;
	s7 =	sshrl.u32 s5, $0x1  }
0xa: {  	s6 =	sor.u32 s6, s4;
	s4 =	sadd.s32 $0x2CF200, s0;
	[dreg:$0x3] =	wrdreg s22  }
0xb: {  	s10 =	sadd.s32 s11, s10;
	s2 =	sor.u32 s2, s12;
	s22 =	simm.s32 $0x4400  }
0xc: {  	s19 =	ssub.s32 s5, s7;
	s20 =	sadd.s32 $0x28100, s6;
	s23 =	sadd.s32 $0x4F200, s6  }
0xd: {  	s9 =	sadd.s32 $0x76300, s6;
	s25 =	sadd.s32 s2, s4;
	s26 =	sadd.s32 $0x27100, s6  }
0xe: {  	s29 =	sadd.s32 $0x4E200, s6;
	s6 =	sadd.s32 $0x75300, s6;
	s31 =	sor.u32 $0x1FFF0000, s2  }
0xf: {  	s2 =	simm.s32 $0x0;
	s0 =	smax.u32 s19, $0x1;
	s5 =	sshrl.u32 s20, $0x3  }
0x10: {  	s24 =	sshrl.u32 s9, $0x3;
	[dreg:$0x4] =	wrdreg s25;
	s13 =	sshrl.u32 s29, $0x3  }
0x11: {  	s30 =	sshrl.u32 s6, $0x3;
	[dreg:$0x5] =	wrdreg s31;
	s19 =	simm.s32 $0x300  }
.Ltmp0:
0x12: {  	s20 =	simm.s32 $0x380;
	s25 =	simm.s32 $0x100;
	(pc) =	sbr.rel .LBB2_1-.Ltmp0, $4  }
0x13: {  	[dreg:$0x2] =	wrdreg s0;
	s7 =	sadd.s32 s5, s14;
	s5 =	sshrl.u32 s23, $0x3  }
0x14: {  	s9 =	sadd.s32 s24, s14;
	s13 =	sadd.s32 s13, s14;
	s23 =	simm.s32 $0x1  }
0x15: {  	s24 =	simm.s32 $0x400;
	s8 =	sadd.s32 s5, s14;
	s5 =	sshrl.u32 s26, $0x3  }
0x16: {  	s26 =	simm.s32 $0x180;
	s12 =	sadd.s32 s5, s14;
	s14 =	sadd.s32 s30, s14  }
.LBB2_7:
0x17: {  	s2 =	rddreg [dreg:$0x6]  }
0x18: {  	s0 =	rddreg [dreg:$0x2];
	s2 =	sadd.s32 $0x1, s2  }
0x19: {  	p0 =	sne.s32 s2, s0  }
.Ltmp1:
0x1a: {  	_ = 	snop;
	(pc) =	sbr.rel @!p0 .LBB2_8-.Ltmp1, $1  }
0x1b: {  	_ =	sdelay $0x3  }
.LBB2_1:
.Ltmp2:
0x1c: {  	(pc) =	sbr.rel .LBB2_2-.Ltmp2, $4  }
0x1d: {  	[dreg:$0x6] =	wrdreg s2  }
0x1e: {  	s30 =	rddreg [dreg:$0x5]  }
0x1f: {  	s31 =	rddreg [dreg:$0x4]  }
0x20: {  	s6 =	rddreg [dreg:$0x3];
	s2 =	simm.s32 $0x0  }
.LBB2_3:
0x21: {  	s0 =	sadd.s32 s2, s10  }
0x22: {  	s0 =	sadd.s32 $0x200, s0  }
0x23: {  	[tilespmem:s16], [sflag:$0x7] =	stream.linear.gather [hbm4b:s0+s1], $0x80, $0x38;
	[tilespmem:$0x8400] =	vst v63  }
0x24: {  	_ =	swait.ge [sflag:s17], $0x80  }
0x25: {  	[sflag:s17] =	ssyncset.done $0x0  }
0x26: {  	s11 =	sadd.s32 s2, s7;
	[sflag:s17] =	ssyncadd.s32 $0xFFFFFF80  }
0x27: {  	[tilespmem:s18], [sflag:$0x7] =	stream.linear.gather [hbm4b:s11+s1], $0x80, $0x38;
	[tilespmem:$0x8400] =	vst v63  }
0x28: {  	_ =	swait.ge [sflag:s17], $0x80  }
0x29: {  	[sflag:s17] =	ssyncset.done $0x0  }
0x2a: {  	s15 =	sadd.s32 s2, s8;
	[sflag:s17] =	ssyncadd.s32 $0xFFFFFF80  }
0x2b: {  	[tilespmem:s19], [sflag:$0x7] =	stream.linear.gather [hbm4b:s15+s1], $0x80, $0x38;
	[tilespmem:$0x8400] =	vst v63  }
0x2c: {  	_ =	swait.ge [sflag:s17], $0x80  }
0x2d: {  	[sflag:s17] =	ssyncset.done $0x0  }
0x2e: {  	s29 =	sadd.s32 s2, s9;
	[sflag:s17] =	ssyncadd.s32 $0xFFFFFF80  }
0x2f: {  	[tilespmem:s20], [sflag:$0x7] =	stream.linear.gather [hbm4b:s29+s1], $0x80, $0x38;
	[tilespmem:$0x8400] =	vst v63  }
0x30: {  	_ =	swait.ge [sflag:s17], $0x80  }
0x31: {  	[sflag:s17] =	ssyncset.done $0x0  }
0x32: {  	[sflag:s17] =	ssyncadd.s32 $0xFFFFFF80  }
0x33: {  	[tilespmem:s22], [sflag:$0x2] =	stream.indirect.gather [hbm4b:s3+s21], $0x80, s16, s21, $0xb8;
	[tilespmem:$0x8400] =	vst v63  }
.LBB2_5:
0x34: {  	_ =	swait.ge [sflag:s23], $0x4000  }
0x35: {  	[sflag:s23] =	ssyncset.done $0x0  }
0x36: {  	[sflag:s23] =	ssyncadd.s32 $0xFFFFC000  }
0x37: {  	[tilespmem:s24], [sflag:$0x3] =	stream.indirect.gather.add.f32 [hbm:s3], $0x80, s21, s21, $0xb8;
	[tilespmem:$0x8400] =	vst v63  }
0x38: {  	_ = 	snop  }
0x39: {  	[tilespmem:s24], [sflag:$0x3] =	stream.indirect.gather.add.f32 [hbm:s3], $0x80, s25, s21, $0xb8;
	[tilespmem:$0x8400] =	vst v63  }
0x3a: {  	_ = 	snop  }
0x3b: {  	[tilespmem:s24], [sflag:$0x3] =	stream.indirect.gather.add.f32 [hbm:s3], $0x80, s26, s21, $0xb8;
	[tilespmem:$0x8400] =	vst v63  }
0x3c: {  	_ =	swait.ge [sflag:s28], $0x4000  }
0x3d: {  	[sflag:s28] =	ssyncset.done $0x0  }
0x3e: {  	[sflag:s28] =	ssyncadd.s32 $0xFFFFC000  }
0x3f: {  	_ =	swait.ge [sflag:s28], $0x4000  }
0x40: {  	[sflag:s28] =	ssyncset.done $0x0  }
0x41: {  	[sflag:s28] =	ssyncadd.s32 $0xFFFFC000  }
0x42: {  	_ =	swait.ge [sflag:s28], $0x4000  }
0x43: {  	[sflag:s28] =	ssyncset.done $0x0  }
0x44: {  	[sflag:s28] =	ssyncadd.s32 $0xFFFFC000  }
0x45: {  	[hbm4b:s31+s1] =	stream.linear.scatter [tilespmem:s24], [sflag:$0x5], $0x4000, $0x38;
	[tilespmem:$0x8400] =	vst v63  }
.LBB2_6:
0x46: {  	s2 =	sadd.s32 $0x400, s2  }
0x47: {  	p0 =	sne.s32 s2, $0x3000  }
.Ltmp3:
0x48: {  	_ = 	snop;
	(pc) =	sbr.rel @!p0 .LBB2_7-.Ltmp3, $2  }
0x49: {  	_ =	sdelay $0x2  }
0x4a: {  	s6 =	sadd.s32 $0x40, s6;
	s31 =	sadd.s32 $0x20000, s31;
	s30 =	sadd.s32 $0x20000, s30  }
.LBB2_2:
0x4b: {  	p0 =	seq.s32 s2, $0x0  }
0x4c: {  	p1 =	sgt.u32 @!p0 s6, $0x2B0  }
0x4d: {  	p2 =	por p1, p0  }
0x4e: {  	s5 =	simm.s32 @!p2 $0x5  }
0x4f: {  	_ =	swait.ge @!p2 [sflag:s5], $0x4000  }
0x50: {  	p1 =	sgt.u32 s6, $0x270;
	[sflag:s5] =	ssyncset.done @!p2 $0x0  }
0x51: {  	s0 =	simm.s32 @!p1 $0x0;
	[sflag:s5] =	ssyncadd.s32 @!p2 $0xFFFFC000;
	s5 =	sadd.s32 @!p1 s2, s10  }
0x52: {  	[tilespmem:s0], [sflag:$0x7] =	stream.linear.gather @!p1 [hbm4b:s5+s0], $0x80, $0x38;
	[tilespmem:$0x8400] =	vst v63  }
0x53: {  	s5 =	simm.s32 @!p1 $0x7  }
0x54: {  	_ =	swait.ge @!p1 [sflag:s5], $0x80  }
0x55: {  	[sflag:s5] =	ssyncset.done @!p1 $0x0  }
0x56: {  	s11 =	sadd.s32 @!p1 s2, s12;
	s15 =	simm.s32 @!p1 $0x80;
	[sflag:s5] =	ssyncadd.s32 @!p1 $0xFFFFFF80  }
0x57: {  	[tilespmem:s15], [sflag:$0x7] =	stream.linear.gather @!p1 [hbm4b:s11+s0], $0x80, $0x38;
	[tilespmem:$0x8400] =	vst v63  }
0x58: {  	_ =	swait.ge @!p1 [sflag:s5], $0x80  }
0x59: {  	[sflag:s5] =	ssyncset.done @!p1 $0x0  }
0x5a: {  	s29 =	simm.s32 @!p1 $0x100;
	s11 =	sadd.s32 @!p1 s2, s13;
	[sflag:s5] =	ssyncadd.s32 @!p1 $0xFFFFFF80  }
0x5b: {  	[tilespmem:s29], [sflag:$0x7] =	stream.linear.gather @!p1 [hbm4b:s11+s0], $0x80, $0x38;
	[tilespmem:$0x8400] =	vst v63  }
0x5c: {  	_ =	swait.ge @!p1 [sflag:s5], $0x80  }
0x5d: {  	[sflag:s5] =	ssyncset.done @!p1 $0x0  }
0x5e: {  	s11 =	sadd.s32 @!p1 s2, s14;
	s29 =	simm.s32 @!p1 $0x180;
	[sflag:s5] =	ssyncadd.s32 @!p1 $0xFFFFFF80  }
0x5f: {  	[tilespmem:s29], [sflag:$0x7] =	stream.linear.gather @!p1 [hbm4b:s11+s0], $0x80, $0x38;
	[tilespmem:$0x8400] =	vst v63  }
0x60: {  	_ =	swait.ge @!p1 [sflag:s5], $0x80  }
0x61: {  	[sflag:s5] =	ssyncset.done @!p1 $0x0  }
0x62: {  	[sflag:s5] =	ssyncadd.s32 @!p1 $0xFFFFFF80;
	s5 =	simm.s32 @!p1 $0x400  }
0x63: {  	[tilespmem:s5], [sflag:$0x1] =	stream.indirect.gather @!p1 [hbm4b:s3+s15], $0x80, s0, s15, $0xb8;
	[tilespmem:$0x8400] =	vst v63  }
0x64: {  	p1 =	sgt.u32 @!p0 s6, $0x290  }
0x65: {  	p1 =	por p1, p0  }
0x66: {  	s0 =	simm.s32 @!p1 $0x2  }
0x67: {  	_ =	swait.ge @!p1 [sflag:s0], $0x4000  }
0x68: {  	s5 =	simm.s32 @!p1 $0x280;
	[sflag:s0] =	ssyncset.done @!p1 $0x0  }
0x69: {  	s11 =	simm.s32 @!p1 $0x4400;
	[sflag:s0] =	ssyncadd.s32 @!p1 $0xFFFFC000;
	s0 =	simm.s32 @!p1 $0x80  }
0x6a: {  	[tilespmem:s11], [sflag:$0x4] =	stream.indirect.gather.add.f32 @!p1 [hbm:s3], $0x80, s5, s0, $0xb8;
	[tilespmem:$0x8400] =	vst v63  }
0x6b: {  	s5 =	simm.s32 @!p1 $0x300  }
0x6c: {  	[tilespmem:s11], [sflag:$0x4] =	stream.indirect.gather.add.f32 @!p1 [hbm:s3], $0x80, s5, s0, $0xb8;
	[tilespmem:$0x8400] =	vst v63  }
0x6d: {  	s5 =	simm.s32 @!p1 $0x380  }
0x6e: {  	[tilespmem:s11], [sflag:$0x4] =	stream.indirect.gather.add.f32 @!p1 [hbm:s3], $0x80, s5, s0, $0xb8;
	[tilespmem:$0x8400] =	vst v63  }
0x6f: {  	s0 =	simm.s32 @!p1 $0x4  }
0x70: {  	_ =	swait.ge @!p1 [sflag:s0], $0x4000  }
0x71: {  	[sflag:s0] =	ssyncset.done @!p1 $0x0  }
0x72: {  	[sflag:s0] =	ssyncadd.s32 @!p1 $0xFFFFC000  }
0x73: {  	_ =	swait.ge @!p1 [sflag:s0], $0x4000  }
0x74: {  	[sflag:s0] =	ssyncset.done @!p1 $0x0  }
0x75: {  	[sflag:s0] =	ssyncadd.s32 @!p1 $0xFFFFC000  }
0x76: {  	_ =	swait.ge @!p1 [sflag:s0], $0x4000  }
0x77: {  	s5 =	sand.u32 @!p1 $0x1FFFF800, s30;
	[sflag:s0] =	ssyncset.done @!p1 $0x0  }
0x78: {  	[sflag:s0] =	ssyncadd.s32 @!p1 $0xFFFFC000;
	s0 =	sadd.s32 @!p1 s4, s5;
	s5 =	simm.s32 @!p1 $0x0  }
0x79: {  	[hbm4b:s0+s5] =	stream.linear.scatter @!p1 [tilespmem:s11], [sflag:$0x6], $0x4000, $0x38;
	[tilespmem:$0x8400] =	vst v63  }
0x7a: {  	s5 =	sadd.s32 $0x20, s6  }
0x7b: {  	p1 =	sgt.u32 @!p0 s5, $0x2B0  }
0x7c: {  	p0 =	por p1, p0;
	p1 =	sgt.u32 s5, $0x270  }
.Ltmp4:
0x7d: {  	_ = 	snop;
	(pc) =	sbr.rel @!p1 .LBB2_3-.Ltmp4, $4  }
0x7e: {  	s0 =	simm.s32 @!p0 $0x6  }
0x7f: {  	_ =	swait.ge @!p0 [sflag:s0], $0x4000  }
0x80: {  	[sflag:s0] =	ssyncset.done @!p0 $0x0  }
0x81: {  	[sflag:s0] =	ssyncadd.s32 @!p0 $0xFFFFC000  }
0x82: {  	p0 =	sgt.u32 s5, $0x290  }
.Ltmp5:
0x83: {  	_ = 	snop;
	(pc) =	sbr.rel @p0 .LBB2_6-.Ltmp5, $4  }
.Ltmp6:
0x84: {  	_ = 	snop;
	(pc) =	sbr.rel @!p0 .LBB2_5-.Ltmp6, $4  }
0x85: {  	_ = 	snop  }
0x86: {  	_ = 	snop  }
0x87: {  	_ = 	snop  }
0x88: {  	_ = 	snop  }
.LBB2_8:
0x89: {  	_ =	sfence.sel $0x180000  }
0x8a: {  	[bflag:$0x0] =	sbarrier.arrive $0xFFFF  }
0x8b: {  	_ =	strace $0x90000056  }
0x8c: {  	s0 =	stileid.u32;
	[bflag:$0x2] =	sbarrier.arrive $0xFFFF  }
0x8d: {  	p0 =	sne.s32 s0, $0x0;
	s0 =	rddreg [dreg:$0x1]  }
0x8e: {  	s0 =	sadd.s32 @!p0 $0x100000, s0  }
0x8f: {  	[sflag:s0] =	ssyncadd.tile.s32 @!p0 $0x1;
	_ =	shalt  }
.Lfunc_end2:
_tile_overlayer_lowered:
.L_overlay_start_2:
0x90: {  	(tag) =	ssettag $0x2  }
0x91: {  	s0 =	rddreg [dreg:$0x0];
	s2 =	stileid.u32  }
0x92: {  	s1 =	rddreg [dreg:$0x1];
	p0 =	sne.s32 s2, $0x0  }
0x93: {  	s3 =	rddreg [dreg:$0x2];
	[bflag:$0x3] =	sbarrier.arrive $0xFFFF;
	s2 =	simm.s32 @!p0 $0x1C07  }
0x94: {  	[timem:s3], [sflag:s2] =	dma.local @!p0 [hbm:s0], s1  }
0x95: {  	s0 =	simm.s32 @!p0 $0x7  }
0x96: {  	_ =	swait.ge @!p0 [sflag:s0], s1  }
0x97: {  	s1 =	ssub.s32 @!p0 $0x0, s1;
	[sflag:s0] =	ssyncset.done @!p0 $0x0  }
0x98: {  	[sflag:s0] =	ssyncadd.s32 @!p0 s1  }
0x99: {  	[bflag:$0x3] =	sbarrier.arrive $0xFFFF  }
0x9a: {  	_ =	shalt  }

// kernel: kernel.30.cloned.1.call-start
scs
__scs_entry_jumppad:
0x0: {  	(pc) =	sbr.rel $0x88, $3  }
0x1: {  	(tag) =	ssettag $0x0;
	lr =	simm.s32 $0x1  }
0x2: {  	[smem:$0x3F85] =	sst lr;
	_ =	strace $0xD0000000  }
0x3: {  	_ = 	snop  }
0x4: {  	_ = 	snop  }
0x5: {  	_ = 	snop  }
0x6: {  	_ = 	snop  }
0x7: {  	_ = 	snop  }
__scs_overlays_trampoline_lowered:
0x8: {  	[smem:$0x3F94] =	sst s0  }
0x9: {  	[smem:$0x3F95] =	sst s1  }
0xa: {  	[smem:$0x3F96] =	sst s2  }
0xb: {  	[smem:$0x3F97] =	sst s3  }
0xc: {  	[smem:$0x3F98] =	sst s4  }
0xd: {  	[smem:$0x3F99] =	sst s5  }
0xe: {  	[smem:$0x3F9A] =	sst s6  }
0xf: {  	[smem:$0x3F9B] =	sst s7  }
0x10: {  	[smem:$0x3F9C] =	sst s8  }
0x11: {  	[smem:$0x3F9D] =	sst s9;
	s0 =	simm.s32 @!p0 $0x0  }
0x12: {  	s1 =	sld [smem:$0x3F83];
	s0 =	simm.s32 @p0 $0x1  }
0x13: {  	[smem:$0x3F9E] =	sst s0;
	s0 =	simm.s32 @!p1 $0x0  }
0x14: {  	s2 =	sld [smem:$0x3F82];
	s0 =	simm.s32 @p1 $0x1  }
0x15: {  	[smem:$0x3F9F] =	sst s0;
	s0 =	simm.s32 @!p2 $0x0  }
0x16: {  	s3 =	sld [smem:$0x3FDB];
	s0 =	simm.s32 @p2 $0x1  }
0x17: {  	s4 =	simm.s32 $0x1BF5;
	[smem:$0x3FA1] =	sst s0  }
0x18: {  	s0 =	sld [smem:$0x3F84];
	_ =	swait.ge [sflag:s4], $0x0  }
0x19: {  	s7 =	sld [smem:$0x3F85]  }
0x1a: {  	s8 =	sadd.s32 $0xFFFFE003, lr  }
0x1b: {  	s9 =	sadd.s32 $0xFFFFFEF7, lr;
	s5 =	simm.s32 $0xFFFFFFFF;
	p2 =	slt.u32 s8, $0xFFFFF086  }
0x1c: {  	p1 =	slt.u32 s9, $0xF7A;
	s5 =	simm.s32 @!p2 $0x0  }
0x1d: {  	s5 =	simm.s32 @p1 $0x1;
	p0 =	seq.s32 s7, s2  }
0x1e: {  	s7 =	smul.u32 @!p0 $0xF7A, s2;
	p2 =	seq.s32 @!p0 s5, $0x0  }
0x1f: {  	s9 =	smul.u32 $0xF7A, s1;
	s8 =	simm.s32 @!p0 $0x1BF5;
	p2 =	por !p2, p0  }
0x20: {  	[sflag:s8] =	ssyncset.s32 @!p0 $0xFFFFF086;
	s6 =	sadd.s32 @!p0 s3, s7;
	s7 =	simm.s32 @!p0 $0x108  }
0x21: {  	s3 =	sadd.s32 s3, s9;
	s6 =	sadd.s32 @!p0 $0x88, s6;
	s7 =	simm.s32 @p2 $0x1082  }
0x22: {  	[simem:s7], [sflag:s8] =	dma.local @!p0 [hbm:s6], $0xF7A  }
0x23: {  	s9 =	sor.u32 $0xD0000000, s2;
	s6 =	simm.s32 $0x108;
	_ =	swait.ge @!p0 [sflag:s8], $0x0  }
0x24: {  	s3 =	sadd.s32 $0x88, s3;
	s6 =	simm.s32 @!p1 $0x1082;
	[sflag:s4] =	ssyncset.s32 $0xFFFFF086  }
0x25: {  	[simem:s6], [sflag:s4] =	dma.local [hbm:s3], $0xF7A  }
0x26: {  	[smem:$0x3F85] =	sst s1;
	(tag) =	ssettag s2;
	_ =	strace s9  }
0x27: {  	s1 =	sld [smem:$0x3F95]  }
0x28: {  	s2 =	sld [smem:$0x3F96]  }
0x29: {  	s4 =	sld [smem:$0x3F98]  }
0x2a: {  	p0 =	seq.s32 s5, $0x0;
	s5 =	sld [smem:$0x3F99]  }
0x2b: {  	s6 =	sld [smem:$0x3F9A]  }
0x2c: {  	s7 =	sld [smem:$0x3F9B]  }
0x2d: {  	s3 =	simm.s32 $0x108;
	s8 =	sld [smem:$0x3F9C]  }
0x2e: {  	s3 =	simm.s32 @!p0 $0x1082;
	s9 =	sld [smem:$0x3F9D]  }
0x2f: {  	lr =	sadd.s32 s0, s3;
	s0 =	sld [smem:$0x3F94]  }
0x30: {  	s3 =	sld [smem:$0x3F97]  }
0x31: {  	[smem:$0x3FA0] =	sst s10  }
0x32: {  	s10 =	sld [smem:$0x3F9E];
	_ =	sdelay $0x3  }
0x33: {  	p0 =	seq.s32 s10, $0x1;
	s10 =	sld [smem:$0x3FA0];
	_ =	sdelay $0x3  }
0x34: {  	[smem:$0x3FA0] =	sst s10  }
0x35: {  	s10 =	sld [smem:$0x3F9F];
	_ =	sdelay $0x3  }
0x36: {  	p1 =	seq.s32 s10, $0x1;
	s10 =	sld [smem:$0x3FA0];
	_ =	sdelay $0x3  }
0x37: {  	[smem:$0x3FA0] =	sst s10  }
0x38: {  	s10 =	sld [smem:$0x3FA1]  }
0x39: {  	_ = 	snop;
	(pc) =	sbr.ind lr, $3  }
0x3a: {  	_ = 	snop  }
0x3b: {  	_ = 	snop  }
0x3c: {  	p2 =	seq.s32 s10, $0x1;
	s10 =	sld [smem:$0x3FA0]  }
0x3d: {  	_ =	shalt  }
0x3e: {  	_ =	shalt  }
0x3f: {  	_ =	shalt  }
0x40: {  	_ =	shalt  }
0x41: {  	_ =	shalt  }
0x42: {  	_ =	shalt  }
0x43: {  	_ =	shalt  }
0x44: {  	_ =	shalt  }
0x45: {  	_ =	shalt  }
0x46: {  	_ =	shalt  }
0x47: {  	_ =	shalt  }
0x48: {  	_ =	shalt  }
0x49: {  	_ =	shalt  }
0x4a: {  	_ =	shalt  }
0x4b: {  	_ =	shalt  }
0x4c: {  	_ =	shalt  }
0x4d: {  	_ =	shalt  }
0x4e: {  	_ =	shalt  }
0x4f: {  	_ =	shalt  }
0x50: {  	_ =	shalt  }
0x51: {  	_ =	shalt  }
0x52: {  	_ =	shalt  }
0x53: {  	_ =	shalt  }
0x54: {  	_ =	shalt  }
0x55: {  	_ =	shalt  }
0x56: {  	_ =	shalt  }
0x57: {  	_ =	shalt  }
0x58: {  	_ =	shalt  }
0x59: {  	_ =	shalt  }
0x5a: {  	_ =	shalt  }
0x5b: {  	_ =	shalt  }
0x5c: {  	_ =	shalt  }
0x5d: {  	_ =	shalt  }
0x5e: {  	_ =	shalt  }
0x5f: {  	_ =	shalt  }
0x60: {  	_ =	shalt  }
0x61: {  	_ =	shalt  }
0x62: {  	_ =	shalt  }
0x63: {  	_ =	shalt  }
0x64: {  	_ =	shalt  }
0x65: {  	_ =	shalt  }
0x66: {  	_ =	shalt  }
0x67: {  	_ =	shalt  }
0x68: {  	_ =	shalt  }
0x69: {  	_ =	shalt  }
0x6a: {  	_ =	shalt  }
0x6b: {  	_ =	shalt  }
0x6c: {  	_ =	shalt  }
0x6d: {  	_ =	shalt  }
0x6e: {  	_ =	shalt  }
0x6f: {  	_ =	shalt  }
0x70: {  	_ =	shalt  }
0x71: {  	_ =	shalt  }
0x72: {  	_ =	shalt  }
0x73: {  	_ =	shalt  }
0x74: {  	_ =	shalt  }
0x75: {  	_ =	shalt  }
0x76: {  	_ =	shalt  }
0x77: {  	_ =	shalt  }
0x78: {  	_ =	shalt  }
0x79: {  	_ =	shalt  }
0x7a: {  	_ =	shalt  }
0x7b: {  	_ =	shalt  }
0x7c: {  	_ =	shalt  }
0x7d: {  	_ =	shalt  }
0x7e: {  	_ =	shalt  }
0x7f: {  	_ =	shalt  }
0x80: {  	_ =	shalt  }
0x81: {  	_ =	shalt  }
0x82: {  	_ =	shalt  }
0x83: {  	_ =	shalt  }
0x84: {  	_ =	shalt  }
0x85: {  	_ =	shalt  }
0x86: {  	_ =	shalt  }
0x87: {  	_ =	shalt  }
.Lfunc_end0:
.L_simem_size_0:
called_computation.5_lowered:
.L_overlay_start_0:
0x88: {  	s2 =	sld [smem:$0x3FD9]  }
0x89: {  	s3 =	sld [smem:$0x3FFE];
	_ =	sdelay $0x1  }
0x8a: {  	s1 =	srdreg.scid  }
0x8b: {  	s0 =	sand.u32 $0x1, s1  }
0x8c: {  	s16 =	sshll.u32 s0, $0xA;
	s2 =	sadd.s32 s3, s2  }
0x8d: {  	s2 =	sadd.s32 s2, s16  }
0x8e: {  	[smem:$0x3FAC] =	sst s2  }
0x8f: {  	_ = 	snop  }
0x90: {  	(tm) =	ssettm $0x1  }
0x91: {  	s17 =	sld [smem:$0x3FFB];
	_ =	sdelay $0x3  }
0x92: {  	_ =	strace s17  }
0x93: {  	s2 =	sld [smem:$0x3FFC];
	_ =	sdelay $0x3  }
0x94: {  	_ =	strace s2  }
0x95: {  	s2 =	sld [smem:$0x3FFD];
	_ =	sdelay $0x3  }
0x96: {  	_ =	strace s2  }
0x97: {  	_ =	strace $0x8FFFFFFF  }
0x98: {  	s18 =	sld [smem:$0x3FDB];
	_ =	sdelay $0x1  }
0x99: {  	s19 =	simm.s32 $_scs_section_size  }
0x9a: {  	s4 =	simm.s32 $_size__tile_overlayer_lowered;
	s5 =	simm.s32 $_tile_overlayer_lowered  }
0x9b: {  	s22 =	simm.s32 $0x1BFF;
	s21 =	sshll.u32 s5, $0x1;
	s2 =	sadd.s32 s19, s18  }
0x9c: {  	s6 =	simm.s32 $0x0;
	s20 =	sshll.u32 s4, $0x1;
	s4 =	sadd.s32 s21, s2  }
0x9d: {  	[timem:s6], [sflag:s22] =	dma.local [hbm:s4], s20  }
0x9e: {  	_ =	swait.ge [sflag:s22], s20  }
0x9f: {  	s3 =	ssub.s32 $0x0, s20;
	[sflag:s22] =	ssyncset.done $0x0  }
0xa0: {  	[sflag:s22] =	ssyncadd.s32 s3;
	_ =	sdelay $0x1  }
0xa1: {  	s23 =	simm.s32 $0x1B8B  }
0xa2: {  	_ =	swait.ge [sflag:s23], $0x1  }
0xa3: {  	[sflag:s23] =	ssyncset.done $0x0  }
0xa4: {  	s25 =	simm.s32 $0x1B8E;
	s24 =	sld [smem:$0x3FFE];
	[sflag:s23] =	ssyncadd.s32 $0xFFFFFFFF  }
0xa5: {  	s26 =	simm.s32 $execute0_lowered;
	[smem:$0x3FD2] =	sst s25  }
0xa6: {  	s4 =	sshll.u32 s26, $0x1;
	_ =	strace $0x80000052;
	[dreg:$0x1] =	wrdreg $0xFFFFFFFF  }
0xa7: {  	s28 =	simm.s32 $_size_execute0_lowered;
	s2 =	sadd.s32 s2, s4;
	[dreg:$0x0] =	wrdreg $0x0  }
0xa8: {  	s4 =	sshll.u32 s28, $0x1;
	[dreg:$0x2] =	wrdreg s2  }
0xa9: {  	[dreg:$0x3] =	wrdreg s4  }
0xaa: {  	[dreg:$0x4] =	wrdreg $0xC0  }
0xab: {  	_ =	task [dreg:s6], $0x5FFFF  }
0xac: {  	[dreg:$0x1] =	wrdreg $0xFFFFFFFF  }
0xad: {  	[dreg:$0x0] =	wrdreg $0x60  }
0xae: {  	[dreg:$0x2] =	wrdreg s24  }
0xaf: {  	[dreg:$0x3] =	wrdreg $0xA  }
0xb0: {  	_ =	task.clear_ibuf [dreg:s6], $0x4FFFF;
	_ =	strace $0x90000052  }
0xb1: {  	s29 =	simm.s32 $0xA;
	_ =	strace $0x80000054  }
0xb2: {  	_ =	swait.ge [sflag:s29], $0x1  }
0xb3: {  	[sflag:s29] =	ssyncadd.s32 $0xFFFFFFFF  }
0xb4: {  	_ =	strace $0x90000054  }
0xb5: {  	_ =	sfence  }
0xb6: {  	s30 =	sld [smem:$0x0];
	_ =	sdelay $0x2  }
0xb7: {  	s31 =	sshll.u32 s1, $0xD;
	s1 =	sshrl.u32 s1, $0x2  }
0xb8: {  	s3 =	sand.u32 $0x4000, s31;
	s1 =	sadd.s32 s1, s30  }
0xb9: {  	s0 =	sor.u32 s3, s0;
	s1 =	sshll.u32 s1, $0x11  }
0xba: {  	s0 =	sor.u32 s1, s0  }
0xbb: {  	s0 =	sadd.s32 $0x8F2B, s0  }
0xbc: {  	[sflag:s0] =	ssyncadd.remote.s32 $0x1  }
0xbd: {  	_ =	sfence.sel $0xFFFF  }
0xbe: {  	[dreg:$0x0] =	wrdreg $0xFFFFFFFF;
	(pc) =	sbr.abs _section_cstart, $3  }
0xbf: {  	[dreg:$0x1] =	wrdreg $0xFFFFFFFF  }
0xc0: {  	_ =	task.clear_ibuf [dreg:s6], $0x2FFFF;
	_ =	strace $0x9FFFFFFF  }
0xc1: {  	(tm) =	ssettm $0x7FFFFFFF  }
tec
execute0_lowered:
.L_overlay_start_1:
0x0: {  	(tag) =	ssettag $0x1  }
0x1: {  	s0 =	rddreg [dreg:$0x0];
	s1 =	simm.s32 $0x0  }
0x2: {  	s2 =	srdreg.scid;
	s11 =	stileid.u32;
	s28 =	simm.s32 $0x180  }
0x3: {  	s29 =	simm.s32 $0x3;
	[smem:$0x7FF] =	sst s1;
	s3 =	sadd.s32 $0xB6F800, s0  }
0x4: {  	s2 =	sand.u32 $0x1, s2;
	s6 =	sadd.s32 $0x541200, s0;
	s4 =	sadd.s32 $0xA37000, s0  }
0x5: {  	s18 =	sshll.u32 s11, $0x1;
	s19 =	sshll.u32 s11, $0x8;
	s24 =	sshll.u32 s11, $0xC  }
0x6: {  	_ =	strace $0x80000053;
	s5 =	ssub.s32 $0x2, s2;
	s8 =	sshll.u32 s2, $0x7  }
0x7: {  	s20 =	sor.u32 s2, s18;
	s2 =	sshll.u32 s2, $0xB;
	s18 =	simm.s32 $0x7  }
0x8: {  	s7 =	sshrl.u32 s5, $0x1;
	[dreg:$0x3] =	wrdreg s20;
	s21 =	sor.u32 s8, s19  }
0x9: {  	s2 =	sor.u32 s2, s24;
	s20 =	simm.s32 $0x300;
	s24 =	simm.s32 $0x1  }
0xa: {  	s17 =	ssub.s32 s5, s7;
	s22 =	sadd.s32 $0x14880, s21;
	s7 =	sadd.s32 $0x3B980, s21  }
0xb: {  	s8 =	sadd.s32 $0x62A80, s21;
	s23 =	sadd.s32 $0x89B80, s21;
	s25 =	sadd.s32 $0x13880, s21  }
0xc: {  	s26 =	sadd.s32 s2, s4;
	s30 =	sadd.s32 $0x3A980, s21;
	s13 =	sadd.s32 $0x61A80, s21  }
0xd: {  	s5 =	sadd.s32 $0x88B80, s21;
	s31 =	sor.u32 $0x1FFF0000, s2;
	s21 =	simm.s32 $0x380  }
0xe: {  	s2 =	simm.s32 $0x0;
	s0 =	smax.u32 s17, $0x1;
	s9 =	sshrl.u32 s7, $0x3  }
0xf: {  	s10 =	sshrl.u32 s8, $0x3;
	[dreg:$0x4] =	wrdreg s26;
	s11 =	sshrl.u32 s25, $0x3  }
0x10: {  	s14 =	sshrl.u32 s13, $0x3;
	s5 =	sshrl.u32 s5, $0x3;
	[dreg:$0x5] =	wrdreg s31  }
0x11: {  	s17 =	simm.s32 $0x200;
	s25 =	simm.s32 $0x400;
	s26 =	simm.s32 $0x100  }
.Ltmp0:
0x12: {  	[dreg:$0x2] =	wrdreg s0;
	s0 =	sshrl.u32 s22, $0x3;
	(pc) =	sbr.rel .LBB2_1-.Ltmp0, $4  }
0x13: {  	s8 =	sadd.s32 s9, s6;
	s9 =	sadd.s32 s10, s6;
	s12 =	sadd.s32 s11, s6  }
0x14: {  	s11 =	sshrl.u32 s30, $0x3;
	s14 =	sadd.s32 s14, s6;
	s15 =	sadd.s32 s5, s6  }
0x15: {  	s22 =	simm.s32 $0x80;
	s7 =	sadd.s32 s0, s6;
	s0 =	sshrl.u32 s23, $0x3  }
0x16: {  	s13 =	sadd.s32 s11, s6;
	s23 =	simm.s32 $0x4400;
	s10 =	sadd.s32 s0, s6  }
.LBB2_7:
0x17: {  	s2 =	rddreg [dreg:$0x6]  }
0x18: {  	s0 =	rddreg [dreg:$0x2];
	s2 =	sadd.s32 $0x1, s2  }
0x19: {  	p0 =	sne.s32 s2, s0  }
.Ltmp1:
0x1a: {  	_ = 	snop;
	(pc) =	sbr.rel @!p0 .LBB2_8-.Ltmp1, $1  }
0x1b: {  	_ =	sdelay $0x3  }
.LBB2_1:
.Ltmp2:
0x1c: {  	(pc) =	sbr.rel .LBB2_2-.Ltmp2, $4  }
0x1d: {  	[dreg:$0x6] =	wrdreg s2  }
0x1e: {  	s31 =	rddreg [dreg:$0x5]  }
0x1f: {  	s11 =	rddreg [dreg:$0x4]  }
0x20: {  	s6 =	rddreg [dreg:$0x3];
	s5 =	simm.s32 $0x0  }
.LBB2_3:
0x21: {  	s0 =	sadd.s32 s5, s7  }
0x22: {  	[tilespmem:s17], [sflag:$0x7] =	stream.linear.gather [hbm4b:s0+s1], $0x80, $0x38;
	[tilespmem:$0x8400] =	vst v63  }
0x23: {  	_ =	swait.ge [sflag:s18], $0x80  }
0x24: {  	[sflag:s18] =	ssyncset.done $0x0  }
0x25: {  	s16 =	sadd.s32 s5, s8;
	s2 =	simm.s32 $0x280;
	[sflag:s18] =	ssyncadd.s32 $0xFFFFFF80  }
0x26: {  	[tilespmem:s2], [sflag:$0x7] =	stream.linear.gather [hbm4b:s16+s1], $0x80, $0x38;
	[tilespmem:$0x8400] =	vst v63  }
0x27: {  	_ =	swait.ge [sflag:s18], $0x80  }
0x28: {  	[sflag:s18] =	ssyncset.done $0x0  }
0x29: {  	s19 =	sadd.s32 s5, s9;
	[sflag:s18] =	ssyncadd.s32 $0xFFFFFF80  }
0x2a: {  	[tilespmem:s20], [sflag:$0x7] =	stream.linear.gather [hbm4b:s19+s1], $0x80, $0x38;
	[tilespmem:$0x8400] =	vst v63  }
0x2b: {  	_ =	swait.ge [sflag:s18], $0x80  }
0x2c: {  	[sflag:s18] =	ssyncset.done $0x0  }
0x2d: {  	s30 =	sadd.s32 s5, s10;
	[sflag:s18] =	ssyncadd.s32 $0xFFFFFF80  }
0x2e: {  	[tilespmem:s21], [sflag:$0x7] =	stream.linear.gather [hbm4b:s30+s1], $0x80, $0x38;
	[tilespmem:$0x8400] =	vst v63  }
0x2f: {  	_ =	swait.ge [sflag:s18], $0x80  }
0x30: {  	[sflag:s18] =	ssyncset.done $0x0  }
0x31: {  	[sflag:s18] =	ssyncadd.s32 $0xFFFFFF80  }
0x32: {  	[tilespmem:s23], [sflag:$0x2] =	stream.indirect.gather [hbm4b:s3+s22], $0x80, s17, s22, $0xb8;
	[tilespmem:$0x8400] =	vst v63  }
.LBB2_5:
0x33: {  	_ =	swait.ge [sflag:s24], $0x4000  }
0x34: {  	[sflag:s24] =	ssyncset.done $0x0  }
0x35: {  	[sflag:s24] =	ssyncadd.s32 $0xFFFFC000  }
0x36: {  	[tilespmem:s25], [sflag:$0x3] =	stream.indirect.gather.add.f32 [hbm:s3], $0x80, s22, s22, $0xb8;
	[tilespmem:$0x8400] =	vst v63  }
0x37: {  	_ = 	snop  }
0x38: {  	[tilespmem:s25], [sflag:$0x3] =	stream.indirect.gather.add.f32 [hbm:s3], $0x80, s26, s22, $0xb8;
	[tilespmem:$0x8400] =	vst v63  }
0x39: {  	_ = 	snop  }
0x3a: {  	[tilespmem:s25], [sflag:$0x3] =	stream.indirect.gather.add.f32 [hbm:s3], $0x80, s28, s22, $0xb8;
	[tilespmem:$0x8400] =	vst v63  }
0x3b: {  	_ =	swait.ge [sflag:s29], $0x4000  }
0x3c: {  	[sflag:s29] =	ssyncset.done $0x0  }
0x3d: {  	[sflag:s29] =	ssyncadd.s32 $0xFFFFC000  }
0x3e: {  	_ =	swait.ge [sflag:s29], $0x4000  }
0x3f: {  	[sflag:s29] =	ssyncset.done $0x0  }
0x40: {  	[sflag:s29] =	ssyncadd.s32 $0xFFFFC000  }
0x41: {  	_ =	swait.ge [sflag:s29], $0x4000  }
0x42: {  	[sflag:s29] =	ssyncset.done $0x0  }
0x43: {  	[sflag:s29] =	ssyncadd.s32 $0xFFFFC000  }
0x44: {  	[hbm4b:s11+s1] =	stream.linear.scatter [tilespmem:s25], [sflag:$0x5], $0x4000, $0x38;
	[tilespmem:$0x8400] =	vst v63  }
.LBB2_6:
0x45: {  	s5 =	sadd.s32 $0x400, s5  }
0x46: {  	p0 =	sne.s32 s5, $0x3000  }
.Ltmp3:
0x47: {  	_ = 	snop;
	(pc) =	sbr.rel @!p0 .LBB2_7-.Ltmp3, $2  }
0x48: {  	_ =	sdelay $0x2  }
0x49: {  	s6 =	sadd.s32 $0x40, s6;
	s11 =	sadd.s32 $0x20000, s11;
	s31 =	sadd.s32 $0x20000, s31  }
.LBB2_2:
0x4a: {  	p0 =	seq.s32 s5, $0x0  }
0x4b: {  	p1 =	sgt.u32 @!p0 s6, $0x2B0  }
0x4c: {  	p2 =	por p1, p0  }
0x4d: {  	s2 =	simm.s32 @!p2 $0x5  }
0x4e: {  	_ =	swait.ge @!p2 [sflag:s2], $0x4000  }
0x4f: {  	p1 =	sgt.u32 s6, $0x270;
	[sflag:s2] =	ssyncset.done @!p2 $0x0  }
0x50: {  	s0 =	simm.s32 @!p1 $0x0;
	[sflag:s2] =	ssyncadd.s32 @!p2 $0xFFFFC000;
	s2 =	sadd.s32 @!p1 s5, s12  }
0x51: {  	[tilespmem:s0], [sflag:$0x7] =	stream.linear.gather @!p1 [hbm4b:s2+s0], $0x80, $0x38;
	[tilespmem:$0x8400] =	vst v63  }
0x52: {  	s2 =	simm.s32 @!p1 $0x7  }
0x53: {  	_ =	swait.ge @!p1 [sflag:s2], $0x80  }
0x54: {  	[sflag:s2] =	ssyncset.done @!p1 $0x0  }
0x55: {  	s16 =	sadd.s32 @!p1 s5, s13;
	s30 =	simm.s32 @!p1 $0x80;
	[sflag:s2] =	ssyncadd.s32 @!p1 $0xFFFFFF80  }
0x56: {  	[tilespmem:s30], [sflag:$0x7] =	stream.linear.gather @!p1 [hbm4b:s16+s0], $0x80, $0x38;
	[tilespmem:$0x8400] =	vst v63  }
0x57: {  	_ =	swait.ge @!p1 [sflag:s2], $0x80  }
0x58: {  	[sflag:s2] =	ssyncset.done @!p1 $0x0  }
0x59: {  	s19 =	simm.s32 @!p1 $0x100;
	s16 =	sadd.s32 @!p1 s5, s14;
	[sflag:s2] =	ssyncadd.s32 @!p1 $0xFFFFFF80  }
0x5a: {  	[tilespmem:s19], [sflag:$0x7] =	stream.linear.gather @!p1 [hbm4b:s16+s0], $0x80, $0x38;
	[tilespmem:$0x8400] =	vst v63  }
0x5b: {  	_ =	swait.ge @!p1 [sflag:s2], $0x80  }
0x5c: {  	[sflag:s2] =	ssyncset.done @!p1 $0x0  }
0x5d: {  	s16 =	sadd.s32 @!p1 s5, s15;
	s19 =	simm.s32 @!p1 $0x180;
	[sflag:s2] =	ssyncadd.s32 @!p1 $0xFFFFFF80  }
0x5e: {  	[tilespmem:s19], [sflag:$0x7] =	stream.linear.gather @!p1 [hbm4b:s16+s0], $0x80, $0x38;
	[tilespmem:$0x8400] =	vst v63  }
0x5f: {  	_ =	swait.ge @!p1 [sflag:s2], $0x80  }
0x60: {  	[sflag:s2] =	ssyncset.done @!p1 $0x0  }
0x61: {  	[sflag:s2] =	ssyncadd.s32 @!p1 $0xFFFFFF80;
	s2 =	simm.s32 @!p1 $0x400  }
0x62: {  	[tilespmem:s2], [sflag:$0x1] =	stream.indirect.gather @!p1 [hbm4b:s3+s30], $0x80, s0, s30, $0xb8;
	[tilespmem:$0x8400] =	vst v63  }
0x63: {  	p1 =	sgt.u32 @!p0 s6, $0x290  }
0x64: {  	p1 =	por p1, p0  }
0x65: {  	s0 =	simm.s32 @!p1 $0x2  }
0x66: {  	_ =	swait.ge @!p1 [sflag:s0], $0x4000  }
0x67: {  	s2 =	simm.s32 @!p1 $0x280;
	[sflag:s0] =	ssyncset.done @!p1 $0x0  }
0x68: {  	s16 =	simm.s32 @!p1 $0x4400;
	[sflag:s0] =	ssyncadd.s32 @!p1 $0xFFFFC000;
	s0 =	simm.s32 @!p1 $0x80  }
0x69: {  	[tilespmem:s16], [sflag:$0x4] =	stream.indirect.gather.add.f32 @!p1 [hbm:s3], $0x80, s2, s0, $0xb8;
	[tilespmem:$0x8400] =	vst v63  }
0x6a: {  	s2 =	simm.s32 @!p1 $0x300  }
0x6b: {  	[tilespmem:s16], [sflag:$0x4] =	stream.indirect.gather.add.f32 @!p1 [hbm:s3], $0x80, s2, s0, $0xb8;
	[tilespmem:$0x8400] =	vst v63  }
0x6c: {  	s2 =	simm.s32 @!p1 $0x380  }
0x6d: {  	[tilespmem:s16], [sflag:$0x4] =	stream.indirect.gather.add.f32 @!p1 [hbm:s3], $0x80, s2, s0, $0xb8;
	[tilespmem:$0x8400] =	vst v63  }
0x6e: {  	s0 =	simm.s32 @!p1 $0x4  }
0x6f: {  	_ =	swait.ge @!p1 [sflag:s0], $0x4000  }
0x70: {  	[sflag:s0] =	ssyncset.done @!p1 $0x0  }
0x71: {  	[sflag:s0] =	ssyncadd.s32 @!p1 $0xFFFFC000  }
0x72: {  	_ =	swait.ge @!p1 [sflag:s0], $0x4000  }
0x73: {  	[sflag:s0] =	ssyncset.done @!p1 $0x0  }
0x74: {  	[sflag:s0] =	ssyncadd.s32 @!p1 $0xFFFFC000  }
0x75: {  	_ =	swait.ge @!p1 [sflag:s0], $0x4000  }
0x76: {  	s2 =	sand.u32 @!p1 $0x1FFFF800, s31;
	[sflag:s0] =	ssyncset.done @!p1 $0x0  }
0x77: {  	[sflag:s0] =	ssyncadd.s32 @!p1 $0xFFFFC000;
	s0 =	sadd.s32 @!p1 s4, s2;
	s2 =	simm.s32 @!p1 $0x0  }
0x78: {  	[hbm4b:s0+s2] =	stream.linear.scatter @!p1 [tilespmem:s16], [sflag:$0x6], $0x4000, $0x38;
	[tilespmem:$0x8400] =	vst v63  }
0x79: {  	s2 =	sadd.s32 $0x20, s6  }
0x7a: {  	p1 =	sgt.u32 @!p0 s2, $0x2B0  }
0x7b: {  	p0 =	por p1, p0;
	p1 =	sgt.u32 s2, $0x270  }
.Ltmp4:
0x7c: {  	_ = 	snop;
	(pc) =	sbr.rel @!p1 .LBB2_3-.Ltmp4, $4  }
0x7d: {  	s0 =	simm.s32 @!p0 $0x6  }
0x7e: {  	_ =	swait.ge @!p0 [sflag:s0], $0x4000  }
0x7f: {  	[sflag:s0] =	ssyncset.done @!p0 $0x0  }
0x80: {  	[sflag:s0] =	ssyncadd.s32 @!p0 $0xFFFFC000  }
0x81: {  	p0 =	sgt.u32 s2, $0x290  }
.Ltmp5:
0x82: {  	_ = 	snop;
	(pc) =	sbr.rel @p0 .LBB2_6-.Ltmp5, $4  }
.Ltmp6:
0x83: {  	_ = 	snop;
	(pc) =	sbr.rel @!p0 .LBB2_5-.Ltmp6, $4  }
0x84: {  	_ = 	snop  }
0x85: {  	_ = 	snop  }
0x86: {  	_ = 	snop  }
0x87: {  	_ = 	snop  }
.LBB2_8:
0x88: {  	_ =	sfence.sel $0x180000  }
0x89: {  	[bflag:$0x0] =	sbarrier.arrive $0xFFFF  }
0x8a: {  	_ =	strace $0x90000053  }
0x8b: {  	s0 =	stileid.u32;
	[bflag:$0x2] =	sbarrier.arrive $0xFFFF  }
0x8c: {  	p0 =	sne.s32 s0, $0x0;
	s0 =	rddreg [dreg:$0x1]  }
0x8d: {  	s0 =	sadd.s32 @!p0 $0x100000, s0  }
0x8e: {  	[sflag:s0] =	ssyncadd.tile.s32 @!p0 $0x1;
	_ =	shalt  }
.Lfunc_end2:
_tile_overlayer_lowered:
.L_overlay_start_2:
0x8f: {  	(tag) =	ssettag $0x2  }
0x90: {  	s0 =	rddreg [dreg:$0x0];
	s2 =	stileid.u32  }
0x91: {  	s1 =	rddreg [dreg:$0x1];
	p0 =	sne.s32 s2, $0x0  }
0x92: {  	s3 =	rddreg [dreg:$0x2];
	[bflag:$0x3] =	sbarrier.arrive $0xFFFF;
	s2 =	simm.s32 @!p0 $0x1C07  }
0x93: {  	[timem:s3], [sflag:s2] =	dma.local @!p0 [hbm:s0], s1  }
0x94: {  	s0 =	simm.s32 @!p0 $0x7  }
0x95: {  	_ =	swait.ge @!p0 [sflag:s0], s1  }
0x96: {  	s1 =	ssub.s32 @!p0 $0x0, s1;
	[sflag:s0] =	ssyncset.done @!p0 $0x0  }
0x97: {  	[sflag:s0] =	ssyncadd.s32 @!p0 s1  }
0x98: {  	[bflag:$0x3] =	sbarrier.arrive $0xFFFF  }
0x99: {  	_ =	shalt  }

</sc_bundles>
